<compile_context>
chip_gen: v7x
topology: tpu7x:2x2x1
jax: 0.10.2.dev20260603
libtpu: 0.0.44.dev20260713+nightly
codegen_flags: <defaults>
</compile_context>

<pallas_src>
import dataclasses

import jax
import jax.numpy as jnp
from jax import lax
from jax.experimental import pallas as pl
from jax.experimental.pallas import tpu as pltpu
from jax.experimental.pallas import tpu_sc as plsc

ROWS_IN = 65536
COLS = 1024
ROWS_OUT = ROWS_IN - 1
COLS_OUT = COLS + 1

NUM_WORKERS = 32
L = 16
GR = 128
NCH = GR // L
PC = 128
NPANEL = COLS // PC
ROWS_PER_WORKER = 2048
GROUPS_FULL = ROWS_PER_WORKER // GR
ROWS_SC = 65408
TAIL = ROWS_OUT - ROWS_SC


def _sc_kernel(x_hbm, out_hbm, tot_hbm,
               xb0, xb1, ob0, ob1, tot_buf,
               sem_x0, sem_x1, sem_o0, sem_o1):
    c = lax.axis_index("c")
    s = lax.axis_index("s")
    wid = s * 2 + c
    base = wid * ROWS_PER_WORKER

    iota = jnp.arange(L, dtype=jnp.int32)
    rows_h = [iota + L * h for h in range(NCH)]
    zeros_f = jnp.zeros((L,), jnp.float32)

    ngroups = jnp.where(wid == NUM_WORKERS - 1,
                        GROUPS_FULL - 1, GROUPS_FULL)
    nunits = ngroups * NPANEL
    npairs = nunits // 2

    def unit_slices(u):
        g = u // NPANEL
        p = lax.rem(u, NPANEL)
        return g, p, base + g * GR, p * PC

    def issue_x(u, xb, sem):
        _, _, gr0, c0 = unit_slices(u)
        pltpu.async_copy(x_hbm.at[pl.ds(gr0, GR), pl.ds(c0, PC)], xb, sem)

    def sweep(u, xb, ob):
        g, p, gr0, c0 = unit_slices(u)
        keep = jnp.where(p == 0, 0.0, 1.0)
        accs = [tot_buf[pl.ds(g * GR + L * h, L)] * keep for h in range(NCH)]

        zvec = jnp.zeros((L,), jnp.int32)

        def unpack(carry):
            accs = list(carry[0:NCH])
            gidx = list(carry[NCH:2 * NCH])
            sidx = list(carry[2 * NCH:3 * NCH])
            return accs, gidx, sidx, carry[-1]

        def step_masked(carry):
            accs, gidx, sidx, jv = unpack(carry)
            m = (jv >= 0) & (jv < PC)
            for h in range(NCH):
                plsc.store_scatter(ob, [zvec, sidx[h]], accs[h], mask=m)
                v = plsc.load_gather(xb, [zvec, gidx[h]], mask=m)
                accs[h] = accs[h] + jnp.where(m, v, 0.0)
                gidx[h] = gidx[h] + 1
                sidx[h] = sidx[h] + GR
            return (*accs, *gidx, *sidx, jv + 1)

        def step_full(carry):
            accs, gidx, sidx, jv = unpack(carry)
            for h in range(NCH):
                plsc.store_scatter(ob, [zvec, sidx[h]], accs[h])
                v = plsc.load_gather(xb, [zvec, gidx[h]])
                accs[h] = accs[h] + v
                gidx[h] = gidx[h] + 1
                sidx[h] = sidx[h] + GR
            return (*accs, *gidx, *sidx, jv + 1)

        gidx0 = [PC * rh - iota for rh in rows_h]
        sidx0 = [rh - GR * iota for rh in rows_h]
        carry = (*accs, *gidx0, *sidx0, -iota)
        carry = plsc.parallel_loop(0, L - 1, unroll=5, carry=carry)(
            lambda t, cr: step_masked(cr))
        carry = plsc.parallel_loop(L - 1, PC - 1, unroll=4, carry=carry)(
            lambda t, cr: step_full(cr))
        carry = plsc.parallel_loop(PC - 1, PC + L - 1, unroll=5, carry=carry)(
            lambda t, cr: step_masked(cr))

        for h in range(NCH):
            tot_buf[pl.ds(g * GR + L * h, L)] = carry[h]

    def do_unit(k, u, xb, ob, sem_x, sem_o, other_xb, other_sem_x):
        _, _, gr0, c0 = unit_slices(u)

        @pl.when(u + 1 < nunits)
        def _():
            issue_x(u + 1, other_xb, other_sem_x)

        pltpu.make_async_copy(
            x_hbm.at[pl.ds(gr0, GR), pl.ds(c0, PC)], xb, sem_x).wait()

        @pl.when(k >= 1)
        def _():
            pltpu.make_async_copy(
                ob, out_hbm.at[pl.ds(c0, PC), pl.ds(gr0, GR)], sem_o).wait()

        sweep(u, xb, ob)
        pltpu.async_copy(ob, out_hbm.at[pl.ds(c0, PC), pl.ds(gr0, GR)], sem_o)

    issue_x(0, xb0, sem_x0)

    @pl.loop(0, npairs)
    def _(k):
        do_unit(k, 2 * k, xb0, ob0, sem_x0, sem_o0, xb1, sem_x1)
        do_unit(k, 2 * k + 1, xb1, ob1, sem_x1, sem_o1, xb0, sem_x0)

    pltpu.make_async_copy(ob0, out_hbm.at[pl.ds(0, PC), pl.ds(base, GR)],
                          sem_o0).wait()
    pltpu.make_async_copy(ob1, out_hbm.at[pl.ds(0, PC), pl.ds(base, GR)],
                          sem_o1).wait()

    @pl.when(wid != NUM_WORKERS - 1)
    def _():
        pltpu.sync_copy(tot_buf, tot_hbm.at[pl.ds(base, ROWS_PER_WORKER)])

    @pl.when(wid == NUM_WORKERS - 1)
    def _():
        pltpu.sync_copy(tot_buf.at[pl.ds(0, ROWS_PER_WORKER - GR)],
                        tot_hbm.at[pl.ds(base, ROWS_PER_WORKER - GR)])


def _patch_kernel(tot_ref, tail_ref, out_alias, out_hbm, sem):
    del out_alias
    cp1 = pltpu.make_async_copy(
        tot_ref, out_hbm.at[pl.ds(COLS, 1), pl.ds(0, ROWS_SC)], sem)
    cp1.start()
    cp1.wait()
    cp2 = pltpu.make_async_copy(
        tail_ref, out_hbm.at[:, pl.ds(ROWS_SC, TAIL)], sem)
    cp2.start()
    cp2.wait()


def kernel(x):
    mesh = plsc.VectorSubcoreMesh(core_axis_name="c", subcore_axis_name="s")
    cp = pltpu.CompilerParams()
    if "needs_layout_passes" in pltpu.CompilerParams.__dataclass_fields__:
        cp = dataclasses.replace(cp, needs_layout_passes=False)
    run = pl.kernel(
        _sc_kernel,
        out_type=(
            jax.ShapeDtypeStruct((COLS_OUT, ROWS_OUT), jnp.float32),
            jax.ShapeDtypeStruct((ROWS_OUT,), jnp.float32),
        ),
        mesh=mesh,
        compiler_params=cp,
        scratch_types=[
            pltpu.VMEM((GR, PC), jnp.float32),
            pltpu.VMEM((GR, PC), jnp.float32),
            pltpu.VMEM((PC, GR), jnp.float32),
            pltpu.VMEM((PC, GR), jnp.float32),
            pltpu.VMEM((ROWS_PER_WORKER,), jnp.float32),
            pltpu.SemaphoreType.DMA,
            pltpu.SemaphoreType.DMA,
            pltpu.SemaphoreType.DMA,
            pltpu.SemaphoreType.DMA,
        ],
    )
    out_t, totals = run(x)

    tail_x = lax.slice(x, (ROWS_SC, 0), (ROWS_OUT, COLS))
    tail_t = jnp.concatenate(
        [jnp.zeros((TAIL, 1), jnp.float32), jnp.cumsum(tail_x, axis=1)],
        axis=1).T
    tot_main = lax.slice(totals, (0,), (ROWS_SC,)).reshape(1, ROWS_SC)
    patch = pl.pallas_call(
        _patch_kernel,
        out_shape=jax.ShapeDtypeStruct((COLS_OUT, ROWS_OUT), jnp.float32),
        in_specs=[pl.BlockSpec(memory_space=pltpu.VMEM),
                  pl.BlockSpec(memory_space=pltpu.VMEM),
                  pl.BlockSpec(memory_space=pl.ANY)],
        out_specs=pl.BlockSpec(memory_space=pl.ANY),
        scratch_shapes=[pltpu.SemaphoreType.DMA],
        input_output_aliases={2: 0},
    )
    return patch(tot_main, tail_t, out_t).T

# --- scband reference (transcript-rebuilt; emitter-appended) ---
"""Pipeline reference for scband-model-1735166788238 (READ-ONLY COPY).

The authoritative reference and input builder live on the scoring server;
editing this copy changes nothing except your own understanding.
"""

import jax, jax.numpy as jnp
import numpy as np

def setup_inputs(seed: int = 0) -> dict:
    key = jax.random.key(seed)
    x = jax.random.normal(key, (65536, 1024), dtype=jnp.float32)
    return {"x": x}

def reference(x):
    # Faithful translation of the torch forward with dim=1 (non-zero dim branch):
    #   exclusive_cumsum = torch.cat((zeros_like(x.select(1,0).unsqueeze(1)), x), dim=1)[:-1]
    #   return torch.cumsum(exclusive_cumsum, dim=1)
    # Note: [:-1] slices along dim 0 (a quirk of the original code), so the output
    # shape is [rows-1, cols+1].
    zeros_col = jnp.zeros_like(x[:, 0:1])
    padded = jnp.concatenate([zeros_col, x], axis=1)
    exclusive = padded[:-1]
    return jnp.cumsum(exclusive, axis=1)

if __name__ == "__main__":
    import jax
    _d = setup_inputs()
    print(jax.jit(kernel)(*tuple(_d.values())))

</pallas_src>

<mosaic_0001>
#map = affine_map<(d0, d1) -> (0, 0)>
#map1 = affine_map<(d0, d1) -> (0)>
module attributes {stable_mosaic.version = 14 : i64} {
  func.func @_sc_kernel(%arg0: i32, %arg1: i32, %arg2: memref<65536x1024xf32, #tpu.memory_space<hbm>>, %arg3: memref<1025x65535xf32, #tpu.memory_space<hbm>>, %arg4: memref<65535xf32, #tpu.memory_space<hbm>>, %arg5: memref<128x128xf32, #tpu.memory_space<vmem>>, %arg6: memref<128x128xf32, #tpu.memory_space<vmem>>, %arg7: memref<128x128xf32, #tpu.memory_space<vmem>>, %arg8: memref<128x128xf32, #tpu.memory_space<vmem>>, %arg9: memref<2048xf32, #tpu.memory_space<vmem>>, %arg10: memref<!tpu.dma_semaphore, #tpu.memory_space<semaphore_mem>>, %arg11: memref<!tpu.dma_semaphore, #tpu.memory_space<semaphore_mem>>, %arg12: memref<!tpu.dma_semaphore, #tpu.memory_space<semaphore_mem>>, %arg13: memref<!tpu.dma_semaphore, #tpu.memory_space<semaphore_mem>>) attributes {dimension_semantics = [#tpu.dimension_semantics<core_parallel>, #tpu.dimension_semantics<subcore_parallel>], iteration_bounds = array<i64: 2, 16>, scalar_prefetch = 0 : i64, scratch_operands = 9 : i64, tpu.core_type = #tpu.core_type<sc_vector_subcore>, window_params = [{transform_indices = #map}, {transform_indices = #map}, {transform_indices = #map1}]} {
    %mul3A = arith.constant 2 : i32
    %mul3A_0 = arith.muli %arg1, %mul3A : i32
    %add3A = arith.addi %mul3A_0, %arg0 : i32
    %mul3A_1 = arith.constant 2048 : i32
    %mul3A_2 = arith.muli %add3A, %mul3A_1 : i32
    %iota3A = tpu.iota {dimensions = array<i32: 0>} : vector<16xi32>
    %add3A_3 = arith.constant 0 : i32
    %add3A_4 = vector.broadcast %add3A_3 : i32 to vector<16xi32>
    %add3A_5 = arith.addi %iota3A, %add3A_4 : vector<16xi32>
    %add3A_6 = arith.constant 16 : i32
    %add3A_7 = vector.broadcast %add3A_6 : i32 to vector<16xi32>
    %add3A_8 = arith.addi %iota3A, %add3A_7 : vector<16xi32>
    %add3A_9 = arith.constant 32 : i32
    %add3A_10 = vector.broadcast %add3A_9 : i32 to vector<16xi32>
    %add3A_11 = arith.addi %iota3A, %add3A_10 : vector<16xi32>
    %add3A_12 = arith.constant 48 : i32
    %add3A_13 = vector.broadcast %add3A_12 : i32 to vector<16xi32>
    %add3A_14 = arith.addi %iota3A, %add3A_13 : vector<16xi32>
    %add3A_15 = arith.constant 64 : i32
    %add3A_16 = vector.broadcast %add3A_15 : i32 to vector<16xi32>
    %add3A_17 = arith.addi %iota3A, %add3A_16 : vector<16xi32>
    %add3A_18 = arith.constant 80 : i32
    %add3A_19 = vector.broadcast %add3A_18 : i32 to vector<16xi32>
    %add3A_20 = arith.addi %iota3A, %add3A_19 : vector<16xi32>
    %add3A_21 = arith.constant 96 : i32
    %add3A_22 = vector.broadcast %add3A_21 : i32 to vector<16xi32>
    %add3A_23 = arith.addi %iota3A, %add3A_22 : vector<16xi32>
    %add3A_24 = arith.constant 112 : i32
    %add3A_25 = vector.broadcast %add3A_24 : i32 to vector<16xi32>
    %add3A_26 = arith.addi %iota3A, %add3A_25 : vector<16xi32>
    %broadcast_in_dim3A = arith.constant 0.000000e+00 : f32
    %broadcast_in_dim3A_27 = vector.broadcast %broadcast_in_dim3A : f32 to vector<16xf32>
    %eq3A = arith.constant 31 : i32
    %eq3A_28 = arith.cmpi eq, %add3A, %eq3A : i32
    %jit3A = arith.constant 15 : i32
    %jit3A_29 = arith.constant 16 : i32
    %select_n3A = arith.select %eq3A_28, %jit3A, %jit3A_29 : i32
    %mul3A_30 = arith.constant 8 : i32
    %mul3A_31 = arith.muli %select_n3A, %mul3A_30 : i32
    %jit3A_32 = arith.constant 2 : i32
    %div3A = arith.divsi %mul3A_31, %jit3A_32 : i32
    %sign3A = arith.constant 0 : i32
    %sign3A_33 = arith.cmpi sgt, %mul3A_31, %sign3A : i32
    %sign3A_34 = arith.extui %sign3A_33 : i1 to i32
    %sign3A_35 = arith.constant 0 : i32
    %sign3A_36 = arith.cmpi slt, %mul3A_31, %sign3A_35 : i32
    %sign3A_37 = arith.extui %sign3A_36 : i1 to i32
    %sign3A_38 = arith.subi %sign3A_34, %sign3A_37 : i32
    %sign3A_39 = arith.constant 0 : i32
    %sign3A_40 = arith.cmpi sgt, %jit3A_32, %sign3A_39 : i32
    %sign3A_41 = arith.extui %sign3A_40 : i1 to i32
    %sign3A_42 = arith.constant 0 : i32
    %sign3A_43 = arith.cmpi slt, %jit3A_32, %sign3A_42 : i32
    %sign3A_44 = arith.extui %sign3A_43 : i1 to i32
    %sign3A_45 = arith.subi %sign3A_41, %sign3A_44 : i32
    %ne3A = arith.cmpi ne, %sign3A_38, %sign3A_45 : i32
    %rem3A = arith.remsi %mul3A_31, %jit3A_32 : i32
    %ne3A_46 = arith.constant 0 : i32
    %ne3A_47 = arith.cmpi ne, %rem3A, %ne3A_46 : i32
    %and3A = arith.andi %ne3A, %ne3A_47 : i1
    %sub3A = arith.constant 1 : i32
    %sub3A_48 = arith.subi %div3A, %sub3A : i32
    %select_n3A_49 = arith.select %and3A, %sub3A_48, %div3A : i32
    %rem3A_50 = arith.constant 0 : i32
    %rem3A_51 = arith.constant 8 : i32
    %rem3A_52 = arith.remsi %rem3A_50, %rem3A_51 : i32
    %add3A_53 = arith.constant 0 : i32
    %add3A_54 = arith.addi %mul3A_2, %add3A_53 : i32
    %mul3A_55 = arith.constant 128 : i32
    %mul3A_56 = arith.muli %rem3A_52, %mul3A_55 : i32
    %dma_start3A = tpu.memref_slice %arg2[%add3A_54, %mul3A_56] : memref<65536x1024xf32, #tpu.memory_space<hbm>> -> memref<128x128xf32, #tpu.memory_space<hbm>>
    %dma_start3A_57 = tpu.memref_slice %arg2[%add3A_54, %mul3A_56] : memref<65536x1024xf32, #tpu.memory_space<hbm>> -> memref<128x128xf32, #tpu.memory_space<hbm>>
    tpu.enqueue_dma source(%dma_start3A_57 : memref<128x128xf32, #tpu.memory_space<hbm>>) target(%arg5 : memref<128x128xf32, #tpu.memory_space<vmem>>) target_semaphore(%arg10 : memref<!tpu.dma_semaphore, #tpu.memory_space<semaphore_mem>>)
    %sub3A_58 = arith.constant 0 : i32
    %sub3A_59 = arith.subi %select_n3A_49, %sub3A_58 : i32
    %sub3A_60 = arith.constant 1 : i32
    %sub3A_61 = arith.constant 1 : i32
    %sub3A_62 = arith.subi %sub3A_60, %sub3A_61 : i32
    %add3A_63 = arith.addi %sub3A_59, %sub3A_62 : i32
    %div3A_64 = arith.constant 1 : i32
    %div3A_65 = arith.divsi %add3A_63, %div3A_64 : i32
    %while3A = arith.constant 1 : i32
    %while3A_66 = arith.constant 0 : i32
    %while3A_67 = arith.constant 0 : i32
    %while3A_68 = arith.subi %div3A_65, %while3A_67 : i32
    %while3A_69 = arith.addi %while3A_67, %while3A_68 : i32
    %while3A_70 = arith.constant 1 : i32
    %while3A_71 = arith.divsi %while3A_68, %while3A_70 : i32
    %while3A_72 = arith.muli %while3A_71, %while3A_70 : i32
    %while3A_73 = arith.addi %while3A_67, %while3A_72 : i32
    %while3A_74 = arith.constant 1 : i32
    scf.for %while3A_91 = %while3A_67 to %while3A_73 step %while3A_74  : i32 {
      %mul3A_92 = arith.muli %while3A_91, %while3A : i32
      %add3A_93 = arith.addi %while3A_66, %mul3A_92 : i32
      %mul3A_94 = arith.constant 2 : i32
      %mul3A_95 = arith.muli %mul3A_94, %add3A_93 : i32
      %jit3A_96 = arith.constant 8 : i32
      %div3A_97 = arith.divsi %mul3A_95, %jit3A_96 : i32
      %sign3A_98 = arith.constant 0 : i32
      %sign3A_99 = arith.cmpi sgt, %mul3A_95, %sign3A_98 : i32
      %sign3A_100 = arith.extui %sign3A_99 : i1 to i32
      %sign3A_101 = arith.constant 0 : i32
      %sign3A_102 = arith.cmpi slt, %mul3A_95, %sign3A_101 : i32
      %sign3A_103 = arith.extui %sign3A_102 : i1 to i32
      %sign3A_104 = arith.subi %sign3A_100, %sign3A_103 : i32
      %sign3A_105 = arith.constant 0 : i32
      %sign3A_106 = arith.cmpi sgt, %jit3A_96, %sign3A_105 : i32
      %sign3A_107 = arith.extui %sign3A_106 : i1 to i32
      %sign3A_108 = arith.constant 0 : i32
      %sign3A_109 = arith.cmpi slt, %jit3A_96, %sign3A_108 : i32
      %sign3A_110 = arith.extui %sign3A_109 : i1 to i32
      %sign3A_111 = arith.subi %sign3A_107, %sign3A_110 : i32
      %ne3A_112 = arith.cmpi ne, %sign3A_104, %sign3A_111 : i32
      %rem3A_113 = arith.remsi %mul3A_95, %jit3A_96 : i32
      %ne3A_114 = arith.constant 0 : i32
      %ne3A_115 = arith.cmpi ne, %rem3A_113, %ne3A_114 : i32
      %and3A_116 = arith.andi %ne3A_112, %ne3A_115 : i1
      %sub3A_117 = arith.constant 1 : i32
      %sub3A_118 = arith.subi %div3A_97, %sub3A_117 : i32
      %select_n3A_119 = arith.select %and3A_116, %sub3A_118, %div3A_97 : i32
      %rem3A_120 = arith.constant 8 : i32
      %rem3A_121 = arith.remsi %mul3A_95, %rem3A_120 : i32
      %mul3A_122 = arith.constant 128 : i32
      %mul3A_123 = arith.muli %select_n3A_119, %mul3A_122 : i32
      %add3A_124 = arith.addi %mul3A_2, %mul3A_123 : i32
      %mul3A_125 = arith.constant 128 : i32
      %mul3A_126 = arith.muli %rem3A_121, %mul3A_125 : i32
      %add3A_127 = arith.constant 1 : i32
      %add3A_128 = arith.addi %mul3A_95, %add3A_127 : i32
      %lt3A = arith.cmpi slt, %add3A_128, %mul3A_31 : i32
      %convert_element_type3A_129 = arith.extui %lt3A : i1 to i32
      %cond3A_130 = arith.constant 0 : i32
      %cond3A_131 = arith.cmpi ne, %convert_element_type3A_129, %cond3A_130 : i32
      scf.if %cond3A_131 {
        %add3A_644 = arith.constant 1 : i32
        %add3A_645 = arith.addi %mul3A_95, %add3A_644 : i32
        %jit3A_646 = arith.constant 8 : i32
        %div3A_647 = arith.divsi %add3A_645, %jit3A_646 : i32
        %sign3A_648 = arith.constant 0 : i32
        %sign3A_649 = arith.cmpi sgt, %add3A_645, %sign3A_648 : i32
        %sign3A_650 = arith.extui %sign3A_649 : i1 to i32
        %sign3A_651 = arith.constant 0 : i32
        %sign3A_652 = arith.cmpi slt, %add3A_645, %sign3A_651 : i32
        %sign3A_653 = arith.extui %sign3A_652 : i1 to i32
        %sign3A_654 = arith.subi %sign3A_650, %sign3A_653 : i32
        %sign3A_655 = arith.constant 0 : i32
        %sign3A_656 = arith.cmpi sgt, %jit3A_646, %sign3A_655 : i32
        %sign3A_657 = arith.extui %sign3A_656 : i1 to i32
        %sign3A_658 = arith.constant 0 : i32
        %sign3A_659 = arith.cmpi slt, %jit3A_646, %sign3A_658 : i32
        %sign3A_660 = arith.extui %sign3A_659 : i1 to i32
        %sign3A_661 = arith.subi %sign3A_657, %sign3A_660 : i32
        %ne3A_662 = arith.cmpi ne, %sign3A_654, %sign3A_661 : i32
        %rem3A_663 = arith.remsi %add3A_645, %jit3A_646 : i32
        %ne3A_664 = arith.constant 0 : i32
        %ne3A_665 = arith.cmpi ne, %rem3A_663, %ne3A_664 : i32
        %and3A_666 = arith.andi %ne3A_662, %ne3A_665 : i1
        %sub3A_667 = arith.constant 1 : i32
        %sub3A_668 = arith.subi %div3A_647, %sub3A_667 : i32
        %select_n3A_669 = arith.select %and3A_666, %sub3A_668, %div3A_647 : i32
        %rem3A_670 = arith.constant 8 : i32
        %rem3A_671 = arith.remsi %add3A_645, %rem3A_670 : i32
        %mul3A_672 = arith.constant 128 : i32
        %mul3A_673 = arith.muli %select_n3A_669, %mul3A_672 : i32
        %add3A_674 = arith.addi %mul3A_2, %mul3A_673 : i32
        %mul3A_675 = arith.constant 128 : i32
        %mul3A_676 = arith.muli %rem3A_671, %mul3A_675 : i32
        %dma_start3A_677 = tpu.memref_slice %arg2[%add3A_674, %mul3A_676] : memref<65536x1024xf32, #tpu.memory_space<hbm>> -> memref<128x128xf32, #tpu.memory_space<hbm>>
        %dma_start3A_678 = tpu.memref_slice %arg2[%add3A_674, %mul3A_676] : memref<65536x1024xf32, #tpu.memory_space<hbm>> -> memref<128x128xf32, #tpu.memory_space<hbm>>
        tpu.enqueue_dma source(%dma_start3A_678 : memref<128x128xf32, #tpu.memory_space<hbm>>) target(%arg6 : memref<128x128xf32, #tpu.memory_space<vmem>>) target_semaphore(%arg11 : memref<!tpu.dma_semaphore, #tpu.memory_space<semaphore_mem>>)
      } else {
      }
      %dma_wait3A_132 = tpu.memref_slice %arg2[%add3A_124, %mul3A_126] : memref<65536x1024xf32, #tpu.memory_space<hbm>> -> memref<128x128xf32, #tpu.memory_space<hbm>>
      %dma_wait3A_133 = tpu.memref_slice %arg2[%add3A_124, %mul3A_126] : memref<65536x1024xf32, #tpu.memory_space<hbm>> -> memref<128x128xf32, #tpu.memory_space<hbm>>
      tpu.wait_dma2 semaphore(%arg10 : memref<!tpu.dma_semaphore, #tpu.memory_space<semaphore_mem>>) src(%dma_wait3A_133 : memref<128x128xf32, #tpu.memory_space<hbm>>) dst(%arg5 : memref<128x128xf32, #tpu.memory_space<vmem>>)
      %ge3A = arith.constant 1 : i32
      %ge3A_134 = arith.cmpi sge, %add3A_93, %ge3A : i32
      %convert_element_type3A_135 = arith.extui %ge3A_134 : i1 to i32
      %cond3A_136 = arith.constant 0 : i32
      %cond3A_137 = arith.cmpi ne, %convert_element_type3A_135, %cond3A_136 : i32
      scf.if %cond3A_137 {
        %dma_wait3A_644 = tpu.memref_slice %arg3[%mul3A_126, %add3A_124] : memref<1025x65535xf32, #tpu.memory_space<hbm>> -> memref<128x128xf32, #tpu.memory_space<hbm>>
        %dma_wait3A_645 = tpu.memref_slice %arg3[%mul3A_126, %add3A_124] : memref<1025x65535xf32, #tpu.memory_space<hbm>> -> memref<128x128xf32, #tpu.memory_space<hbm>>
        tpu.wait_dma2 semaphore(%arg12 : memref<!tpu.dma_semaphore, #tpu.memory_space<semaphore_mem>>) src(%arg7 : memref<128x128xf32, #tpu.memory_space<vmem>>) dst(%dma_wait3A_645 : memref<128x128xf32, #tpu.memory_space<hbm>>)
      } else {
      }
      %jit3A_138 = arith.constant 8 : i32
      %div3A_139 = arith.divsi %mul3A_95, %jit3A_138 : i32
      %sign3A_140 = arith.constant 0 : i32
      %sign3A_141 = arith.cmpi sgt, %mul3A_95, %sign3A_140 : i32
      %sign3A_142 = arith.extui %sign3A_141 : i1 to i32
      %sign3A_143 = arith.constant 0 : i32
      %sign3A_144 = arith.cmpi slt, %mul3A_95, %sign3A_143 : i32
      %sign3A_145 = arith.extui %sign3A_144 : i1 to i32
      %sign3A_146 = arith.subi %sign3A_142, %sign3A_145 : i32
      %sign3A_147 = arith.constant 0 : i32
      %sign3A_148 = arith.cmpi sgt, %jit3A_138, %sign3A_147 : i32
      %sign3A_149 = arith.extui %sign3A_148 : i1 to i32
      %sign3A_150 = arith.constant 0 : i32
      %sign3A_151 = arith.cmpi slt, %jit3A_138, %sign3A_150 : i32
      %sign3A_152 = arith.extui %sign3A_151 : i1 to i32
      %sign3A_153 = arith.subi %sign3A_149, %sign3A_152 : i32
      %ne3A_154 = arith.cmpi ne, %sign3A_146, %sign3A_153 : i32
      %rem3A_155 = arith.remsi %mul3A_95, %jit3A_138 : i32
      %ne3A_156 = arith.constant 0 : i32
      %ne3A_157 = arith.cmpi ne, %rem3A_155, %ne3A_156 : i32
      %and3A_158 = arith.andi %ne3A_154, %ne3A_157 : i1
      %sub3A_159 = arith.constant 1 : i32
      %sub3A_160 = arith.subi %div3A_139, %sub3A_159 : i32
      %select_n3A_161 = arith.select %and3A_158, %sub3A_160, %div3A_139 : i32
      %rem3A_162 = arith.constant 8 : i32
      %rem3A_163 = arith.remsi %mul3A_95, %rem3A_162 : i32
      %mul3A_164 = arith.constant 128 : i32
      %mul3A_165 = arith.muli %select_n3A_161, %mul3A_164 : i32
      %add3A_166 = arith.addi %mul3A_2, %mul3A_165 : i32
      %mul3A_167 = arith.constant 128 : i32
      %mul3A_168 = arith.muli %rem3A_163, %mul3A_167 : i32
      %eq3A_169 = arith.constant 0 : i32
      %eq3A_170 = arith.cmpi eq, %rem3A_163, %eq3A_169 : i32
      %jit3A_171 = arith.constant 0.000000e+00 : f32
      %jit3A_172 = arith.constant 1.000000e+00 : f32
      %select_n3A_173 = arith.select %eq3A_170, %jit3A_171, %jit3A_172 : f32
      %mul3A_174 = arith.constant 128 : i32
      %mul3A_175 = arith.muli %select_n3A_161, %mul3A_174 : i32
      %add3A_176 = arith.constant 0 : i32
      %add3A_177 = arith.addi %mul3A_175, %add3A_176 : i32
      %get3A = arith.index_cast %add3A_177 : i32 to index
      %get3A_178 = tpu.vector_load %arg9[%get3A] {strides = array<i32>} : memref<2048xf32, #tpu.memory_space<vmem>>, vector<16xf32>,
      %mul3A_179 = vector.broadcast %select_n3A_173 : f32 to vector<16xf32>
      %mul3A_180 = arith.mulf %get3A_178, %mul3A_179 : vector<16xf32>
      %mul3A_181 = arith.constant 128 : i32
      %mul3A_182 = arith.muli %select_n3A_161, %mul3A_181 : i32
      %add3A_183 = arith.constant 16 : i32
      %add3A_184 = arith.addi %mul3A_182, %add3A_183 : i32
      %get3A_185 = arith.index_cast %add3A_184 : i32 to index
      %get3A_186 = tpu.vector_load %arg9[%get3A_185] {strides = array<i32>} : memref<2048xf32, #tpu.memory_space<vmem>>, vector<16xf32>,
      %mul3A_187 = vector.broadcast %select_n3A_173 : f32 to vector<16xf32>
      %mul3A_188 = arith.mulf %get3A_186, %mul3A_187 : vector<16xf32>
      %mul3A_189 = arith.constant 128 : i32
      %mul3A_190 = arith.muli %select_n3A_161, %mul3A_189 : i32
      %add3A_191 = arith.constant 32 : i32
      %add3A_192 = arith.addi %mul3A_190, %add3A_191 : i32
      %get3A_193 = arith.index_cast %add3A_192 : i32 to index
      %get3A_194 = tpu.vector_load %arg9[%get3A_193] {strides = array<i32>} : memref<2048xf32, #tpu.memory_space<vmem>>, vector<16xf32>,
      %mul3A_195 = vector.broadcast %select_n3A_173 : f32 to vector<16xf32>
      %mul3A_196 = arith.mulf %get3A_194, %mul3A_195 : vector<16xf32>
      %mul3A_197 = arith.constant 128 : i32
      %mul3A_198 = arith.muli %select_n3A_161, %mul3A_197 : i32
      %add3A_199 = arith.constant 48 : i32
      %add3A_200 = arith.addi %mul3A_198, %add3A_199 : i32
      %get3A_201 = arith.index_cast %add3A_200 : i32 to index
      %get3A_202 = tpu.vector_load %arg9[%get3A_201] {strides = array<i32>} : memref<2048xf32, #tpu.memory_space<vmem>>, vector<16xf32>,
      %mul3A_203 = vector.broadcast %select_n3A_173 : f32 to vector<16xf32>
      %mul3A_204 = arith.mulf %get3A_202, %mul3A_203 : vector<16xf32>
      %mul3A_205 = arith.constant 128 : i32
      %mul3A_206 = arith.muli %select_n3A_161, %mul3A_205 : i32
      %add3A_207 = arith.constant 64 : i32
      %add3A_208 = arith.addi %mul3A_206, %add3A_207 : i32
      %get3A_209 = arith.index_cast %add3A_208 : i32 to index
      %get3A_210 = tpu.vector_load %arg9[%get3A_209] {strides = array<i32>} : memref<2048xf32, #tpu.memory_space<vmem>>, vector<16xf32>,
      %mul3A_211 = vector.broadcast %select_n3A_173 : f32 to vector<16xf32>
      %mul3A_212 = arith.mulf %get3A_210, %mul3A_211 : vector<16xf32>
      %mul3A_213 = arith.constant 128 : i32
      %mul3A_214 = arith.muli %select_n3A_161, %mul3A_213 : i32
      %add3A_215 = arith.constant 80 : i32
      %add3A_216 = arith.addi %mul3A_214, %add3A_215 : i32
      %get3A_217 = arith.index_cast %add3A_216 : i32 to index
      %get3A_218 = tpu.vector_load %arg9[%get3A_217] {strides = array<i32>} : memref<2048xf32, #tpu.memory_space<vmem>>, vector<16xf32>,
      %mul3A_219 = vector.broadcast %select_n3A_173 : f32 to vector<16xf32>
      %mul3A_220 = arith.mulf %get3A_218, %mul3A_219 : vector<16xf32>
      %mul3A_221 = arith.constant 128 : i32
      %mul3A_222 = arith.muli %select_n3A_161, %mul3A_221 : i32
      %add3A_223 = arith.constant 96 : i32
      %add3A_224 = arith.addi %mul3A_222, %add3A_223 : i32
      %get3A_225 = arith.index_cast %add3A_224 : i32 to index
      %get3A_226 = tpu.vector_load %arg9[%get3A_225] {strides = array<i32>} : memref<2048xf32, #tpu.memory_space<vmem>>, vector<16xf32>,
      %mul3A_227 = vector.broadcast %select_n3A_173 : f32 to vector<16xf32>
      %mul3A_228 = arith.mulf %get3A_226, %mul3A_227 : vector<16xf32>
      %mul3A_229 = arith.constant 128 : i32
      %mul3A_230 = arith.muli %select_n3A_161, %mul3A_229 : i32
      %add3A_231 = arith.constant 112 : i32
      %add3A_232 = arith.addi %mul3A_230, %add3A_231 : i32
      %get3A_233 = arith.index_cast %add3A_232 : i32 to index
      %get3A_234 = tpu.vector_load %arg9[%get3A_233] {strides = array<i32>} : memref<2048xf32, #tpu.memory_space<vmem>>, vector<16xf32>,
      %mul3A_235 = vector.broadcast %select_n3A_173 : f32 to vector<16xf32>
      %mul3A_236 = arith.mulf %get3A_234, %mul3A_235 : vector<16xf32>
      %broadcast_in_dim3A_237 = arith.constant 0 : i32
      %broadcast_in_dim3A_238 = vector.broadcast %broadcast_in_dim3A_237 : i32 to vector<16xi32>
      %mul3A_239 = arith.constant 128 : i32
      %mul3A_240 = vector.broadcast %mul3A_239 : i32 to vector<16xi32>
      %mul3A_241 = arith.muli %mul3A_240, %add3A_5 : vector<16xi32>
      %sub3A_242 = arith.subi %mul3A_241, %iota3A : vector<16xi32>
      %mul3A_243 = arith.constant 128 : i32
      %mul3A_244 = vector.broadcast %mul3A_243 : i32 to vector<16xi32>
      %mul3A_245 = arith.muli %mul3A_244, %add3A_8 : vector<16xi32>
      %sub3A_246 = arith.subi %mul3A_245, %iota3A : vector<16xi32>
      %mul3A_247 = arith.constant 128 : i32
      %mul3A_248 = vector.broadcast %mul3A_247 : i32 to vector<16xi32>
      %mul3A_249 = arith.muli %mul3A_248, %add3A_11 : vector<16xi32>
      %sub3A_250 = arith.subi %mul3A_249, %iota3A : vector<16xi32>
      %mul3A_251 = arith.constant 128 : i32
      %mul3A_252 = vector.broadcast %mul3A_251 : i32 to vector<16xi32>
      %mul3A_253 = arith.muli %mul3A_252, %add3A_14 : vector<16xi32>
      %sub3A_254 = arith.subi %mul3A_253, %iota3A : vector<16xi32>
      %mul3A_255 = arith.constant 128 : i32
      %mul3A_256 = vector.broadcast %mul3A_255 : i32 to vector<16xi32>
      %mul3A_257 = arith.muli %mul3A_256, %add3A_17 : vector<16xi32>
      %sub3A_258 = arith.subi %mul3A_257, %iota3A : vector<16xi32>
      %mul3A_259 = arith.constant 128 : i32
      %mul3A_260 = vector.broadcast %mul3A_259 : i32 to vector<16xi32>
      %mul3A_261 = arith.muli %mul3A_260, %add3A_20 : vector<16xi32>
      %sub3A_262 = arith.subi %mul3A_261, %iota3A : vector<16xi32>
      %mul3A_263 = arith.constant 128 : i32
      %mul3A_264 = vector.broadcast %mul3A_263 : i32 to vector<16xi32>
      %mul3A_265 = arith.muli %mul3A_264, %add3A_23 : vector<16xi32>
      %sub3A_266 = arith.subi %mul3A_265, %iota3A : vector<16xi32>
      %mul3A_267 = arith.constant 128 : i32
      %mul3A_268 = vector.broadcast %mul3A_267 : i32 to vector<16xi32>
      %mul3A_269 = arith.muli %mul3A_268, %add3A_26 : vector<16xi32>
      %sub3A_270 = arith.subi %mul3A_269, %iota3A : vector<16xi32>
      %mul3A_271 = arith.constant 128 : i32
      %mul3A_272 = vector.broadcast %mul3A_271 : i32 to vector<16xi32>
      %mul3A_273 = arith.muli %mul3A_272, %iota3A : vector<16xi32>
      %sub3A_274 = arith.subi %add3A_5, %mul3A_273 : vector<16xi32>
      %mul3A_275 = arith.constant 128 : i32
      %mul3A_276 = vector.broadcast %mul3A_275 : i32 to vector<16xi32>
      %mul3A_277 = arith.muli %mul3A_276, %iota3A : vector<16xi32>
      %sub3A_278 = arith.subi %add3A_8, %mul3A_277 : vector<16xi32>
      %mul3A_279 = arith.constant 128 : i32
      %mul3A_280 = vector.broadcast %mul3A_279 : i32 to vector<16xi32>
      %mul3A_281 = arith.muli %mul3A_280, %iota3A : vector<16xi32>
      %sub3A_282 = arith.subi %add3A_11, %mul3A_281 : vector<16xi32>
      %mul3A_283 = arith.constant 128 : i32
      %mul3A_284 = vector.broadcast %mul3A_283 : i32 to vector<16xi32>
      %mul3A_285 = arith.muli %mul3A_284, %iota3A : vector<16xi32>
      %sub3A_286 = arith.subi %add3A_14, %mul3A_285 : vector<16xi32>
      %mul3A_287 = arith.constant 128 : i32
      %mul3A_288 = vector.broadcast %mul3A_287 : i32 to vector<16xi32>
      %mul3A_289 = arith.muli %mul3A_288, %iota3A : vector<16xi32>
      %sub3A_290 = arith.subi %add3A_17, %mul3A_289 : vector<16xi32>
      %mul3A_291 = arith.constant 128 : i32
      %mul3A_292 = vector.broadcast %mul3A_291 : i32 to vector<16xi32>
      %mul3A_293 = arith.muli %mul3A_292, %iota3A : vector<16xi32>
      %sub3A_294 = arith.subi %add3A_20, %mul3A_293 : vector<16xi32>
      %mul3A_295 = arith.constant 128 : i32
      %mul3A_296 = vector.broadcast %mul3A_295 : i32 to vector<16xi32>
      %mul3A_297 = arith.muli %mul3A_296, %iota3A : vector<16xi32>
      %sub3A_298 = arith.subi %add3A_23, %mul3A_297 : vector<16xi32>
      %mul3A_299 = arith.constant 128 : i32
      %mul3A_300 = vector.broadcast %mul3A_299 : i32 to vector<16xi32>
      %mul3A_301 = arith.muli %mul3A_300, %iota3A : vector<16xi32>
      %sub3A_302 = arith.subi %add3A_26, %mul3A_301 : vector<16xi32>
      %neg3A = arith.constant 0 : i32
      %neg3A_303 = vector.broadcast %neg3A : i32 to vector<16xi32>
      %neg3A_304 = arith.subi %neg3A_303, %iota3A : vector<16xi32>
      %parallel_loop3A = arith.constant 0 : i32
      %parallel_loop3A_305 = arith.constant 15 : i32
      %parallel_loop3A_306 = arith.constant 1 : i32
      %parallel_loop3A_307:25 = scf.for %parallel_loop3A_644 = %parallel_loop3A to %parallel_loop3A_305 step %parallel_loop3A_306 iter_args(%parallel_loop3A_645 = %mul3A_180, %parallel_loop3A_646 = %mul3A_188, %parallel_loop3A_647 = %mul3A_196, %parallel_loop3A_648 = %mul3A_204, %parallel_loop3A_649 = %mul3A_212, %parallel_loop3A_650 = %mul3A_220, %parallel_loop3A_651 = %mul3A_228, %parallel_loop3A_652 = %mul3A_236, %parallel_loop3A_653 = %sub3A_242, %parallel_loop3A_654 = %sub3A_246, %parallel_loop3A_655 = %sub3A_250, %parallel_loop3A_656 = %sub3A_254, %parallel_loop3A_657 = %sub3A_258, %parallel_loop3A_658 = %sub3A_262, %parallel_loop3A_659 = %sub3A_266, %parallel_loop3A_660 = %sub3A_270, %parallel_loop3A_661 = %sub3A_274, %parallel_loop3A_662 = %sub3A_278, %parallel_loop3A_663 = %sub3A_282, %parallel_loop3A_664 = %sub3A_286, %parallel_loop3A_665 = %sub3A_290, %parallel_loop3A_666 = %sub3A_294, %parallel_loop3A_667 = %sub3A_298, %parallel_loop3A_668 = %sub3A_302, %parallel_loop3A_669 = %neg3A_304) -> (vector<16xf32>, vector<16xf32>, vector<16xf32>, vector<16xf32>, vector<16xf32>, vector<16xf32>, vector<16xf32>, vector<16xf32>, vector<16xi32>, vector<16xi32>, vector<16xi32>, vector<16xi32>, vector<16xi32>, vector<16xi32>, vector<16xi32>, vector<16xi32>, vector<16xi32>, vector<16xi32>, vector<16xi32>, vector<16xi32>, vector<16xi32>, vector<16xi32>, vector<16xi32>, vector<16xi32>, vector<16xi32>)  : i32 {
        %parallel_loop3A_670 = arith.constant 0 : i32
        %parallel_loop3A_671 = vector.broadcast %parallel_loop3A_670 : i32 to vector<16xi32>
        %parallel_loop3A_672 = arith.cmpi sge, %parallel_loop3A_669, %parallel_loop3A_671 : vector<16xi32>
        %parallel_loop3A_673 = arith.constant 128 : i32
        %parallel_loop3A_674 = vector.broadcast %parallel_loop3A_673 : i32 to vector<16xi32>
        %parallel_loop3A_675 = arith.cmpi slt, %parallel_loop3A_669, %parallel_loop3A_674 : vector<16xi32>
        %parallel_loop3A_676 = arith.andi %parallel_loop3A_672, %parallel_loop3A_675 : vector<16xi1>
        tpu.vector_store_idx %arg7[%broadcast_in_dim3A_238, %parallel_loop3A_661], %parallel_loop3A_645 masked %parallel_loop3A_676 : memref<128x128xf32, #tpu.memory_space<vmem>>[vector<16xi32>, vector<16xi32>], vector<16xf32>, vector<16xi1>
        %parallel_loop3A_677 = tpu.vector_load_idx %arg5[%broadcast_in_dim3A_238, %parallel_loop3A_653] masked %parallel_loop3A_676 : memref<128x128xf32, #tpu.memory_space<vmem>>[vector<16xi32>, vector<16xi32>], vector<16xf32>, vector<16xi1>
        %parallel_loop3A_678 = arith.constant 0.000000e+00 : f32
        %parallel_loop3A_679 = vector.broadcast %parallel_loop3A_678 : f32 to vector<16xf32>
        %parallel_loop3A_680 = arith.select %parallel_loop3A_676, %parallel_loop3A_677, %parallel_loop3A_679 : vector<16xi1>, vector<16xf32>
        %parallel_loop3A_681 = arith.addf %parallel_loop3A_645, %parallel_loop3A_680 : vector<16xf32>
        %parallel_loop3A_682 = arith.constant 1 : i32
        %parallel_loop3A_683 = vector.broadcast %parallel_loop3A_682 : i32 to vector<16xi32>
        %parallel_loop3A_684 = arith.addi %parallel_loop3A_653, %parallel_loop3A_683 : vector<16xi32>
        %parallel_loop3A_685 = arith.constant 128 : i32
        %parallel_loop3A_686 = vector.broadcast %parallel_loop3A_685 : i32 to vector<16xi32>
        %parallel_loop3A_687 = arith.addi %parallel_loop3A_661, %parallel_loop3A_686 : vector<16xi32>
        tpu.vector_store_idx %arg7[%broadcast_in_dim3A_238, %parallel_loop3A_662], %parallel_loop3A_646 masked %parallel_loop3A_676 : memref<128x128xf32, #tpu.memory_space<vmem>>[vector<16xi32>, vector<16xi32>], vector<16xf32>, vector<16xi1>
        %parallel_loop3A_688 = tpu.vector_load_idx %arg5[%broadcast_in_dim3A_238, %parallel_loop3A_654] masked %parallel_loop3A_676 : memref<128x128xf32, #tpu.memory_space<vmem>>[vector<16xi32>, vector<16xi32>], vector<16xf32>, vector<16xi1>
        %parallel_loop3A_689 = arith.constant 0.000000e+00 : f32
        %parallel_loop3A_690 = vector.broadcast %parallel_loop3A_689 : f32 to vector<16xf32>
        %parallel_loop3A_691 = arith.select %parallel_loop3A_676, %parallel_loop3A_688, %parallel_loop3A_690 : vector<16xi1>, vector<16xf32>
        %parallel_loop3A_692 = arith.addf %parallel_loop3A_646, %parallel_loop3A_691 : vector<16xf32>
        %parallel_loop3A_693 = arith.constant 1 : i32
        %parallel_loop3A_694 = vector.broadcast %parallel_loop3A_693 : i32 to vector<16xi32>
        %parallel_loop3A_695 = arith.addi %parallel_loop3A_654, %parallel_loop3A_694 : vector<16xi32>
        %parallel_loop3A_696 = arith.constant 128 : i32
        %parallel_loop3A_697 = vector.broadcast %parallel_loop3A_696 : i32 to vector<16xi32>
        %parallel_loop3A_698 = arith.addi %parallel_loop3A_662, %parallel_loop3A_697 : vector<16xi32>
        tpu.vector_store_idx %arg7[%broadcast_in_dim3A_238, %parallel_loop3A_663], %parallel_loop3A_647 masked %parallel_loop3A_676 : memref<128x128xf32, #tpu.memory_space<vmem>>[vector<16xi32>, vector<16xi32>], vector<16xf32>, vector<16xi1>
        %parallel_loop3A_699 = tpu.vector_load_idx %arg5[%broadcast_in_dim3A_238, %parallel_loop3A_655] masked %parallel_loop3A_676 : memref<128x128xf32, #tpu.memory_space<vmem>>[vector<16xi32>, vector<16xi32>], vector<16xf32>, vector<16xi1>
        %parallel_loop3A_700 = arith.constant 0.000000e+00 : f32
        %parallel_loop3A_701 = vector.broadcast %parallel_loop3A_700 : f32 to vector<16xf32>
        %parallel_loop3A_702 = arith.select %parallel_loop3A_676, %parallel_loop3A_699, %parallel_loop3A_701 : vector<16xi1>, vector<16xf32>
        %parallel_loop3A_703 = arith.addf %parallel_loop3A_647, %parallel_loop3A_702 : vector<16xf32>
        %parallel_loop3A_704 = arith.constant 1 : i32
        %parallel_loop3A_705 = vector.broadcast %parallel_loop3A_704 : i32 to vector<16xi32>
        %parallel_loop3A_706 = arith.addi %parallel_loop3A_655, %parallel_loop3A_705 : vector<16xi32>
        %parallel_loop3A_707 = arith.constant 128 : i32
        %parallel_loop3A_708 = vector.broadcast %parallel_loop3A_707 : i32 to vector<16xi32>
        %parallel_loop3A_709 = arith.addi %parallel_loop3A_663, %parallel_loop3A_708 : vector<16xi32>
        tpu.vector_store_idx %arg7[%broadcast_in_dim3A_238, %parallel_loop3A_664], %parallel_loop3A_648 masked %parallel_loop3A_676 : memref<128x128xf32, #tpu.memory_space<vmem>>[vector<16xi32>, vector<16xi32>], vector<16xf32>, vector<16xi1>
        %parallel_loop3A_710 = tpu.vector_load_idx %arg5[%broadcast_in_dim3A_238, %parallel_loop3A_656] masked %parallel_loop3A_676 : memref<128x128xf32, #tpu.memory_space<vmem>>[vector<16xi32>, vector<16xi32>], vector<16xf32>, vector<16xi1>
        %parallel_loop3A_711 = arith.constant 0.000000e+00 : f32
        %parallel_loop3A_712 = vector.broadcast %parallel_loop3A_711 : f32 to vector<16xf32>
        %parallel_loop3A_713 = arith.select %parallel_loop3A_676, %parallel_loop3A_710, %parallel_loop3A_712 : vector<16xi1>, vector<16xf32>
        %parallel_loop3A_714 = arith.addf %parallel_loop3A_648, %parallel_loop3A_713 : vector<16xf32>
        %parallel_loop3A_715 = arith.constant 1 : i32
        %parallel_loop3A_716 = vector.broadcast %parallel_loop3A_715 : i32 to vector<16xi32>
        %parallel_loop3A_717 = arith.addi %parallel_loop3A_656, %parallel_loop3A_716 : vector<16xi32>
        %parallel_loop3A_718 = arith.constant 128 : i32
        %parallel_loop3A_719 = vector.broadcast %parallel_loop3A_718 : i32 to vector<16xi32>
        %parallel_loop3A_720 = arith.addi %parallel_loop3A_664, %parallel_loop3A_719 : vector<16xi32>
        tpu.vector_store_idx %arg7[%broadcast_in_dim3A_238, %parallel_loop3A_665], %parallel_loop3A_649 masked %parallel_loop3A_676 : memref<128x128xf32, #tpu.memory_space<vmem>>[vector<16xi32>, vector<16xi32>], vector<16xf32>, vector<16xi1>
        %parallel_loop3A_721 = tpu.vector_load_idx %arg5[%broadcast_in_dim3A_238, %parallel_loop3A_657] masked %parallel_loop3A_676 : memref<128x128xf32, #tpu.memory_space<vmem>>[vector<16xi32>, vector<16xi32>], vector<16xf32>, vector<16xi1>
        %parallel_loop3A_722 = arith.constant 0.000000e+00 : f32
        %parallel_loop3A_723 = vector.broadcast %parallel_loop3A_722 : f32 to vector<16xf32>
        %parallel_loop3A_724 = arith.select %parallel_loop3A_676, %parallel_loop3A_721, %parallel_loop3A_723 : vector<16xi1>, vector<16xf32>
        %parallel_loop3A_725 = arith.addf %parallel_loop3A_649, %parallel_loop3A_724 : vector<16xf32>
        %parallel_loop3A_726 = arith.constant 1 : i32
        %parallel_loop3A_727 = vector.broadcast %parallel_loop3A_726 : i32 to vector<16xi32>
        %parallel_loop3A_728 = arith.addi %parallel_loop3A_657, %parallel_loop3A_727 : vector<16xi32>
        %parallel_loop3A_729 = arith.constant 128 : i32
        %parallel_loop3A_730 = vector.broadcast %parallel_loop3A_729 : i32 to vector<16xi32>
        %parallel_loop3A_731 = arith.addi %parallel_loop3A_665, %parallel_loop3A_730 : vector<16xi32>
        tpu.vector_store_idx %arg7[%broadcast_in_dim3A_238, %parallel_loop3A_666], %parallel_loop3A_650 masked %parallel_loop3A_676 : memref<128x128xf32, #tpu.memory_space<vmem>>[vector<16xi32>, vector<16xi32>], vector<16xf32>, vector<16xi1>
        %parallel_loop3A_732 = tpu.vector_load_idx %arg5[%broadcast_in_dim3A_238, %parallel_loop3A_658] masked %parallel_loop3A_676 : memref<128x128xf32, #tpu.memory_space<vmem>>[vector<16xi32>, vector<16xi32>], vector<16xf32>, vector<16xi1>
        %parallel_loop3A_733 = arith.constant 0.000000e+00 : f32
        %parallel_loop3A_734 = vector.broadcast %parallel_loop3A_733 : f32 to vector<16xf32>
        %parallel_loop3A_735 = arith.select %parallel_loop3A_676, %parallel_loop3A_732, %parallel_loop3A_734 : vector<16xi1>, vector<16xf32>
        %parallel_loop3A_736 = arith.addf %parallel_loop3A_650, %parallel_loop3A_735 : vector<16xf32>
        %parallel_loop3A_737 = arith.constant 1 : i32
        %parallel_loop3A_738 = vector.broadcast %parallel_loop3A_737 : i32 to vector<16xi32>
        %parallel_loop3A_739 = arith.addi %parallel_loop3A_658, %parallel_loop3A_738 : vector<16xi32>
        %parallel_loop3A_740 = arith.constant 128 : i32
        %parallel_loop3A_741 = vector.broadcast %parallel_loop3A_740 : i32 to vector<16xi32>
        %parallel_loop3A_742 = arith.addi %parallel_loop3A_666, %parallel_loop3A_741 : vector<16xi32>
        tpu.vector_store_idx %arg7[%broadcast_in_dim3A_238, %parallel_loop3A_667], %parallel_loop3A_651 masked %parallel_loop3A_676 : memref<128x128xf32, #tpu.memory_space<vmem>>[vector<16xi32>, vector<16xi32>], vector<16xf32>, vector<16xi1>
        %parallel_loop3A_743 = tpu.vector_load_idx %arg5[%broadcast_in_dim3A_238, %parallel_loop3A_659] masked %parallel_loop3A_676 : memref<128x128xf32, #tpu.memory_space<vmem>>[vector<16xi32>, vector<16xi32>], vector<16xf32>, vector<16xi1>
        %parallel_loop3A_744 = arith.constant 0.000000e+00 : f32
        %parallel_loop3A_745 = vector.broadcast %parallel_loop3A_744 : f32 to vector<16xf32>
        %parallel_loop3A_746 = arith.select %parallel_loop3A_676, %parallel_loop3A_743, %parallel_loop3A_745 : vector<16xi1>, vector<16xf32>
        %parallel_loop3A_747 = arith.addf %parallel_loop3A_651, %parallel_loop3A_746 : vector<16xf32>
        %parallel_loop3A_748 = arith.constant 1 : i32
        %parallel_loop3A_749 = vector.broadcast %parallel_loop3A_748 : i32 to vector<16xi32>
        %parallel_loop3A_750 = arith.addi %parallel_loop3A_659, %parallel_loop3A_749 : vector<16xi32>
        %parallel_loop3A_751 = arith.constant 128 : i32
        %parallel_loop3A_752 = vector.broadcast %parallel_loop3A_751 : i32 to vector<16xi32>
        %parallel_loop3A_753 = arith.addi %parallel_loop3A_667, %parallel_loop3A_752 : vector<16xi32>
        tpu.vector_store_idx %arg7[%broadcast_in_dim3A_238, %parallel_loop3A_668], %parallel_loop3A_652 masked %parallel_loop3A_676 : memref<128x128xf32, #tpu.memory_space<vmem>>[vector<16xi32>, vector<16xi32>], vector<16xf32>, vector<16xi1>
        %parallel_loop3A_754 = tpu.vector_load_idx %arg5[%broadcast_in_dim3A_238, %parallel_loop3A_660] masked %parallel_loop3A_676 : memref<128x128xf32, #tpu.memory_space<vmem>>[vector<16xi32>, vector<16xi32>], vector<16xf32>, vector<16xi1>
        %parallel_loop3A_755 = arith.constant 0.000000e+00 : f32
        %parallel_loop3A_756 = vector.broadcast %parallel_loop3A_755 : f32 to vector<16xf32>
        %parallel_loop3A_757 = arith.select %parallel_loop3A_676, %parallel_loop3A_754, %parallel_loop3A_756 : vector<16xi1>, vector<16xf32>
        %parallel_loop3A_758 = arith.addf %parallel_loop3A_652, %parallel_loop3A_757 : vector<16xf32>
        %parallel_loop3A_759 = arith.constant 1 : i32
        %parallel_loop3A_760 = vector.broadcast %parallel_loop3A_759 : i32 to vector<16xi32>
        %parallel_loop3A_761 = arith.addi %parallel_loop3A_660, %parallel_loop3A_760 : vector<16xi32>
        %parallel_loop3A_762 = arith.constant 128 : i32
        %parallel_loop3A_763 = vector.broadcast %parallel_loop3A_762 : i32 to vector<16xi32>
        %parallel_loop3A_764 = arith.addi %parallel_loop3A_668, %parallel_loop3A_763 : vector<16xi32>
        %parallel_loop3A_765 = arith.constant 1 : i32
        %parallel_loop3A_766 = vector.broadcast %parallel_loop3A_765 : i32 to vector<16xi32>
        %parallel_loop3A_767 = arith.addi %parallel_loop3A_669, %parallel_loop3A_766 : vector<16xi32>
        scf.yield %parallel_loop3A_681, %parallel_loop3A_692, %parallel_loop3A_703, %parallel_loop3A_714, %parallel_loop3A_725, %parallel_loop3A_736, %parallel_loop3A_747, %parallel_loop3A_758, %parallel_loop3A_684, %parallel_loop3A_695, %parallel_loop3A_706, %parallel_loop3A_717, %parallel_loop3A_728, %parallel_loop3A_739, %parallel_loop3A_750, %parallel_loop3A_761, %parallel_loop3A_687, %parallel_loop3A_698, %parallel_loop3A_709, %parallel_loop3A_720, %parallel_loop3A_731, %parallel_loop3A_742, %parallel_loop3A_753, %parallel_loop3A_764, %parallel_loop3A_767 : vector<16xf32>, vector<16xf32>, vector<16xf32>, vector<16xf32>, vector<16xf32>, vector<16xf32>, vector<16xf32>, vector<16xf32>, vector<16xi32>, vector<16xi32>, vector<16xi32>, vector<16xi32>, vector<16xi32>, vector<16xi32>, vector<16xi32>, vector<16xi32>, vector<16xi32>, vector<16xi32>, vector<16xi32>, vector<16xi32>, vector<16xi32>, vector<16xi32>, vector<16xi32>, vector<16xi32>, vector<16xi32>
      } {sc.loop_unroll_factor = 5 : i64, sc.parallel_access}
      %parallel_loop3A_308 = arith.constant 15 : i32
      %parallel_loop3A_309 = arith.constant 127 : i32
      %parallel_loop3A_310 = arith.constant 1 : i32
      %parallel_loop3A_311:25 = scf.for %parallel_loop3A_644 = %parallel_loop3A_308 to %parallel_loop3A_309 step %parallel_loop3A_310 iter_args(%parallel_loop3A_645 = %parallel_loop3A_307#0, %parallel_loop3A_646 = %parallel_loop3A_307#1, %parallel_loop3A_647 = %parallel_loop3A_307#2, %parallel_loop3A_648 = %parallel_loop3A_307#3, %parallel_loop3A_649 = %parallel_loop3A_307#4, %parallel_loop3A_650 = %parallel_loop3A_307#5, %parallel_loop3A_651 = %parallel_loop3A_307#6, %parallel_loop3A_652 = %parallel_loop3A_307#7, %parallel_loop3A_653 = %parallel_loop3A_307#8, %parallel_loop3A_654 = %parallel_loop3A_307#9, %parallel_loop3A_655 = %parallel_loop3A_307#10, %parallel_loop3A_656 = %parallel_loop3A_307#11, %parallel_loop3A_657 = %parallel_loop3A_307#12, %parallel_loop3A_658 = %parallel_loop3A_307#13, %parallel_loop3A_659 = %parallel_loop3A_307#14, %parallel_loop3A_660 = %parallel_loop3A_307#15, %parallel_loop3A_661 = %parallel_loop3A_307#16, %parallel_loop3A_662 = %parallel_loop3A_307#17, %parallel_loop3A_663 = %parallel_loop3A_307#18, %parallel_loop3A_664 = %parallel_loop3A_307#19, %parallel_loop3A_665 = %parallel_loop3A_307#20, %parallel_loop3A_666 = %parallel_loop3A_307#21, %parallel_loop3A_667 = %parallel_loop3A_307#22, %parallel_loop3A_668 = %parallel_loop3A_307#23, %parallel_loop3A_669 = %parallel_loop3A_307#24) -> (vector<16xf32>, vector<16xf32>, vector<16xf32>, vector<16xf32>, vector<16xf32>, vector<16xf32>, vector<16xf32>, vector<16xf32>, vector<16xi32>, vector<16xi32>, vector<16xi32>, vector<16xi32>, vector<16xi32>, vector<16xi32>, vector<16xi32>, vector<16xi32>, vector<16xi32>, vector<16xi32>, vector<16xi32>, vector<16xi32>, vector<16xi32>, vector<16xi32>, vector<16xi32>, vector<16xi32>, vector<16xi32>)  : i32 {
        tpu.vector_store_idx %arg7[%broadcast_in_dim3A_238, %parallel_loop3A_661], %parallel_loop3A_645 : memref<128x128xf32, #tpu.memory_space<vmem>>[vector<16xi32>, vector<16xi32>], vector<16xf32>,
        %parallel_loop3A_670 = tpu.vector_load_idx %arg5[%broadcast_in_dim3A_238, %parallel_loop3A_653] : memref<128x128xf32, #tpu.memory_space<vmem>>[vector<16xi32>, vector<16xi32>], vector<16xf32>,
        %parallel_loop3A_671 = arith.addf %parallel_loop3A_645, %parallel_loop3A_670 : vector<16xf32>
        %parallel_loop3A_672 = arith.constant 1 : i32
        %parallel_loop3A_673 = vector.broadcast %parallel_loop3A_672 : i32 to vector<16xi32>
        %parallel_loop3A_674 = arith.addi %parallel_loop3A_653, %parallel_loop3A_673 : vector<16xi32>
        %parallel_loop3A_675 = arith.constant 128 : i32
        %parallel_loop3A_676 = vector.broadcast %parallel_loop3A_675 : i32 to vector<16xi32>
        %parallel_loop3A_677 = arith.addi %parallel_loop3A_661, %parallel_loop3A_676 : vector<16xi32>
        tpu.vector_store_idx %arg7[%broadcast_in_dim3A_238, %parallel_loop3A_662], %parallel_loop3A_646 : memref<128x128xf32, #tpu.memory_space<vmem>>[vector<16xi32>, vector<16xi32>], vector<16xf32>,
        %parallel_loop3A_678 = tpu.vector_load_idx %arg5[%broadcast_in_dim3A_238, %parallel_loop3A_654] : memref<128x128xf32, #tpu.memory_space<vmem>>[vector<16xi32>, vector<16xi32>], vector<16xf32>,
        %parallel_loop3A_679 = arith.addf %parallel_loop3A_646, %parallel_loop3A_678 : vector<16xf32>
        %parallel_loop3A_680 = arith.constant 1 : i32
        %parallel_loop3A_681 = vector.broadcast %parallel_loop3A_680 : i32 to vector<16xi32>
        %parallel_loop3A_682 = arith.addi %parallel_loop3A_654, %parallel_loop3A_681 : vector<16xi32>
        %parallel_loop3A_683 = arith.constant 128 : i32
        %parallel_loop3A_684 = vector.broadcast %parallel_loop3A_683 : i32 to vector<16xi32>
        %parallel_loop3A_685 = arith.addi %parallel_loop3A_662, %parallel_loop3A_684 : vector<16xi32>
        tpu.vector_store_idx %arg7[%broadcast_in_dim3A_238, %parallel_loop3A_663], %parallel_loop3A_647 : memref<128x128xf32, #tpu.memory_space<vmem>>[vector<16xi32>, vector<16xi32>], vector<16xf32>,
        %parallel_loop3A_686 = tpu.vector_load_idx %arg5[%broadcast_in_dim3A_238, %parallel_loop3A_655] : memref<128x128xf32, #tpu.memory_space<vmem>>[vector<16xi32>, vector<16xi32>], vector<16xf32>,
        %parallel_loop3A_687 = arith.addf %parallel_loop3A_647, %parallel_loop3A_686 : vector<16xf32>
        %parallel_loop3A_688 = arith.constant 1 : i32
        %parallel_loop3A_689 = vector.broadcast %parallel_loop3A_688 : i32 to vector<16xi32>
        %parallel_loop3A_690 = arith.addi %parallel_loop3A_655, %parallel_loop3A_689 : vector<16xi32>
        %parallel_loop3A_691 = arith.constant 128 : i32
        %parallel_loop3A_692 = vector.broadcast %parallel_loop3A_691 : i32 to vector<16xi32>
        %parallel_loop3A_693 = arith.addi %parallel_loop3A_663, %parallel_loop3A_692 : vector<16xi32>
        tpu.vector_store_idx %arg7[%broadcast_in_dim3A_238, %parallel_loop3A_664], %parallel_loop3A_648 : memref<128x128xf32, #tpu.memory_space<vmem>>[vector<16xi32>, vector<16xi32>], vector<16xf32>,
        %parallel_loop3A_694 = tpu.vector_load_idx %arg5[%broadcast_in_dim3A_238, %parallel_loop3A_656] : memref<128x128xf32, #tpu.memory_space<vmem>>[vector<16xi32>, vector<16xi32>], vector<16xf32>,
        %parallel_loop3A_695 = arith.addf %parallel_loop3A_648, %parallel_loop3A_694 : vector<16xf32>
        %parallel_loop3A_696 = arith.constant 1 : i32
        %parallel_loop3A_697 = vector.broadcast %parallel_loop3A_696 : i32 to vector<16xi32>
        %parallel_loop3A_698 = arith.addi %parallel_loop3A_656, %parallel_loop3A_697 : vector<16xi32>
        %parallel_loop3A_699 = arith.constant 128 : i32
        %parallel_loop3A_700 = vector.broadcast %parallel_loop3A_699 : i32 to vector<16xi32>
        %parallel_loop3A_701 = arith.addi %parallel_loop3A_664, %parallel_loop3A_700 : vector<16xi32>
        tpu.vector_store_idx %arg7[%broadcast_in_dim3A_238, %parallel_loop3A_665], %parallel_loop3A_649 : memref<128x128xf32, #tpu.memory_space<vmem>>[vector<16xi32>, vector<16xi32>], vector<16xf32>,
        %parallel_loop3A_702 = tpu.vector_load_idx %arg5[%broadcast_in_dim3A_238, %parallel_loop3A_657] : memref<128x128xf32, #tpu.memory_space<vmem>>[vector<16xi32>, vector<16xi32>], vector<16xf32>,
        %parallel_loop3A_703 = arith.addf %parallel_loop3A_649, %parallel_loop3A_702 : vector<16xf32>
        %parallel_loop3A_704 = arith.constant 1 : i32
        %parallel_loop3A_705 = vector.broadcast %parallel_loop3A_704 : i32 to vector<16xi32>
        %parallel_loop3A_706 = arith.addi %parallel_loop3A_657, %parallel_loop3A_705 : vector<16xi32>
        %parallel_loop3A_707 = arith.constant 128 : i32
        %parallel_loop3A_708 = vector.broadcast %parallel_loop3A_707 : i32 to vector<16xi32>
        %parallel_loop3A_709 = arith.addi %parallel_loop3A_665, %parallel_loop3A_708 : vector<16xi32>
        tpu.vector_store_idx %arg7[%broadcast_in_dim3A_238, %parallel_loop3A_666], %parallel_loop3A_650 : memref<128x128xf32, #tpu.memory_space<vmem>>[vector<16xi32>, vector<16xi32>], vector<16xf32>,
        %parallel_loop3A_710 = tpu.vector_load_idx %arg5[%broadcast_in_dim3A_238, %parallel_loop3A_658] : memref<128x128xf32, #tpu.memory_space<vmem>>[vector<16xi32>, vector<16xi32>], vector<16xf32>,
        %parallel_loop3A_711 = arith.addf %parallel_loop3A_650, %parallel_loop3A_710 : vector<16xf32>
        %parallel_loop3A_712 = arith.constant 1 : i32
        %parallel_loop3A_713 = vector.broadcast %parallel_loop3A_712 : i32 to vector<16xi32>
        %parallel_loop3A_714 = arith.addi %parallel_loop3A_658, %parallel_loop3A_713 : vector<16xi32>
        %parallel_loop3A_715 = arith.constant 128 : i32
        %parallel_loop3A_716 = vector.broadcast %parallel_loop3A_715 : i32 to vector<16xi32>
        %parallel_loop3A_717 = arith.addi %parallel_loop3A_666, %parallel_loop3A_716 : vector<16xi32>
        tpu.vector_store_idx %arg7[%broadcast_in_dim3A_238, %parallel_loop3A_667], %parallel_loop3A_651 : memref<128x128xf32, #tpu.memory_space<vmem>>[vector<16xi32>, vector<16xi32>], vector<16xf32>,
        %parallel_loop3A_718 = tpu.vector_load_idx %arg5[%broadcast_in_dim3A_238, %parallel_loop3A_659] : memref<128x128xf32, #tpu.memory_space<vmem>>[vector<16xi32>, vector<16xi32>], vector<16xf32>,
        %parallel_loop3A_719 = arith.addf %parallel_loop3A_651, %parallel_loop3A_718 : vector<16xf32>
        %parallel_loop3A_720 = arith.constant 1 : i32
        %parallel_loop3A_721 = vector.broadcast %parallel_loop3A_720 : i32 to vector<16xi32>
        %parallel_loop3A_722 = arith.addi %parallel_loop3A_659, %parallel_loop3A_721 : vector<16xi32>
        %parallel_loop3A_723 = arith.constant 128 : i32
        %parallel_loop3A_724 = vector.broadcast %parallel_loop3A_723 : i32 to vector<16xi32>
        %parallel_loop3A_725 = arith.addi %parallel_loop3A_667, %parallel_loop3A_724 : vector<16xi32>
        tpu.vector_store_idx %arg7[%broadcast_in_dim3A_238, %parallel_loop3A_668], %parallel_loop3A_652 : memref<128x128xf32, #tpu.memory_space<vmem>>[vector<16xi32>, vector<16xi32>], vector<16xf32>,
        %parallel_loop3A_726 = tpu.vector_load_idx %arg5[%broadcast_in_dim3A_238, %parallel_loop3A_660] : memref<128x128xf32, #tpu.memory_space<vmem>>[vector<16xi32>, vector<16xi32>], vector<16xf32>,
        %parallel_loop3A_727 = arith.addf %parallel_loop3A_652, %parallel_loop3A_726 : vector<16xf32>
        %parallel_loop3A_728 = arith.constant 1 : i32
        %parallel_loop3A_729 = vector.broadcast %parallel_loop3A_728 : i32 to vector<16xi32>
        %parallel_loop3A_730 = arith.addi %parallel_loop3A_660, %parallel_loop3A_729 : vector<16xi32>
        %parallel_loop3A_731 = arith.constant 128 : i32
        %parallel_loop3A_732 = vector.broadcast %parallel_loop3A_731 : i32 to vector<16xi32>
        %parallel_loop3A_733 = arith.addi %parallel_loop3A_668, %parallel_loop3A_732 : vector<16xi32>
        %parallel_loop3A_734 = arith.constant 1 : i32
        %parallel_loop3A_735 = vector.broadcast %parallel_loop3A_734 : i32 to vector<16xi32>
        %parallel_loop3A_736 = arith.addi %parallel_loop3A_669, %parallel_loop3A_735 : vector<16xi32>
        scf.yield %parallel_loop3A_671, %parallel_loop3A_679, %parallel_loop3A_687, %parallel_loop3A_695, %parallel_loop3A_703, %parallel_loop3A_711, %parallel_loop3A_719, %parallel_loop3A_727, %parallel_loop3A_674, %parallel_loop3A_682, %parallel_loop3A_690, %parallel_loop3A_698, %parallel_loop3A_706, %parallel_loop3A_714, %parallel_loop3A_722, %parallel_loop3A_730, %parallel_loop3A_677, %parallel_loop3A_685, %parallel_loop3A_693, %parallel_loop3A_701, %parallel_loop3A_709, %parallel_loop3A_717, %parallel_loop3A_725, %parallel_loop3A_733, %parallel_loop3A_736 : vector<16xf32>, vector<16xf32>, vector<16xf32>, vector<16xf32>, vector<16xf32>, vector<16xf32>, vector<16xf32>, vector<16xf32>, vector<16xi32>, vector<16xi32>, vector<16xi32>, vector<16xi32>, vector<16xi32>, vector<16xi32>, vector<16xi32>, vector<16xi32>, vector<16xi32>, vector<16xi32>, vector<16xi32>, vector<16xi32>, vector<16xi32>, vector<16xi32>, vector<16xi32>, vector<16xi32>, vector<16xi32>
      } {sc.loop_unroll_factor = 4 : i64, sc.parallel_access}
      %parallel_loop3A_312 = arith.constant 127 : i32
      %parallel_loop3A_313 = arith.constant 143 : i32
      %parallel_loop3A_314 = arith.constant 1 : i32
      %parallel_loop3A_315:25 = scf.for %parallel_loop3A_644 = %parallel_loop3A_312 to %parallel_loop3A_313 step %parallel_loop3A_314 iter_args(%parallel_loop3A_645 = %parallel_loop3A_311#0, %parallel_loop3A_646 = %parallel_loop3A_311#1, %parallel_loop3A_647 = %parallel_loop3A_311#2, %parallel_loop3A_648 = %parallel_loop3A_311#3, %parallel_loop3A_649 = %parallel_loop3A_311#4, %parallel_loop3A_650 = %parallel_loop3A_311#5, %parallel_loop3A_651 = %parallel_loop3A_311#6, %parallel_loop3A_652 = %parallel_loop3A_311#7, %parallel_loop3A_653 = %parallel_loop3A_311#8, %parallel_loop3A_654 = %parallel_loop3A_311#9, %parallel_loop3A_655 = %parallel_loop3A_311#10, %parallel_loop3A_656 = %parallel_loop3A_311#11, %parallel_loop3A_657 = %parallel_loop3A_311#12, %parallel_loop3A_658 = %parallel_loop3A_311#13, %parallel_loop3A_659 = %parallel_loop3A_311#14, %parallel_loop3A_660 = %parallel_loop3A_311#15, %parallel_loop3A_661 = %parallel_loop3A_311#16, %parallel_loop3A_662 = %parallel_loop3A_311#17, %parallel_loop3A_663 = %parallel_loop3A_311#18, %parallel_loop3A_664 = %parallel_loop3A_311#19, %parallel_loop3A_665 = %parallel_loop3A_311#20, %parallel_loop3A_666 = %parallel_loop3A_311#21, %parallel_loop3A_667 = %parallel_loop3A_311#22, %parallel_loop3A_668 = %parallel_loop3A_311#23, %parallel_loop3A_669 = %parallel_loop3A_311#24) -> (vector<16xf32>, vector<16xf32>, vector<16xf32>, vector<16xf32>, vector<16xf32>, vector<16xf32>, vector<16xf32>, vector<16xf32>, vector<16xi32>, vector<16xi32>, vector<16xi32>, vector<16xi32>, vector<16xi32>, vector<16xi32>, vector<16xi32>, vector<16xi32>, vector<16xi32>, vector<16xi32>, vector<16xi32>, vector<16xi32>, vector<16xi32>, vector<16xi32>, vector<16xi32>, vector<16xi32>, vector<16xi32>)  : i32 {
        %parallel_loop3A_670 = arith.constant 0 : i32
        %parallel_loop3A_671 = vector.broadcast %parallel_loop3A_670 : i32 to vector<16xi32>
        %parallel_loop3A_672 = arith.cmpi sge, %parallel_loop3A_669, %parallel_loop3A_671 : vector<16xi32>
        %parallel_loop3A_673 = arith.constant 128 : i32
        %parallel_loop3A_674 = vector.broadcast %parallel_loop3A_673 : i32 to vector<16xi32>
        %parallel_loop3A_675 = arith.cmpi slt, %parallel_loop3A_669, %parallel_loop3A_674 : vector<16xi32>
        %parallel_loop3A_676 = arith.andi %parallel_loop3A_672, %parallel_loop3A_675 : vector<16xi1>
        tpu.vector_store_idx %arg7[%broadcast_in_dim3A_238, %parallel_loop3A_661], %parallel_loop3A_645 masked %parallel_loop3A_676 : memref<128x128xf32, #tpu.memory_space<vmem>>[vector<16xi32>, vector<16xi32>], vector<16xf32>, vector<16xi1>
        %parallel_loop3A_677 = tpu.vector_load_idx %arg5[%broadcast_in_dim3A_238, %parallel_loop3A_653] masked %parallel_loop3A_676 : memref<128x128xf32, #tpu.memory_space<vmem>>[vector<16xi32>, vector<16xi32>], vector<16xf32>, vector<16xi1>
        %parallel_loop3A_678 = arith.constant 0.000000e+00 : f32
        %parallel_loop3A_679 = vector.broadcast %parallel_loop3A_678 : f32 to vector<16xf32>
        %parallel_loop3A_680 = arith.select %parallel_loop3A_676, %parallel_loop3A_677, %parallel_loop3A_679 : vector<16xi1>, vector<16xf32>
        %parallel_loop3A_681 = arith.addf %parallel_loop3A_645, %parallel_loop3A_680 : vector<16xf32>
        %parallel_loop3A_682 = arith.constant 1 : i32
        %parallel_loop3A_683 = vector.broadcast %parallel_loop3A_682 : i32 to vector<16xi32>
        %parallel_loop3A_684 = arith.addi %parallel_loop3A_653, %parallel_loop3A_683 : vector<16xi32>
        %parallel_loop3A_685 = arith.constant 128 : i32
        %parallel_loop3A_686 = vector.broadcast %parallel_loop3A_685 : i32 to vector<16xi32>
        %parallel_loop3A_687 = arith.addi %parallel_loop3A_661, %parallel_loop3A_686 : vector<16xi32>
        tpu.vector_store_idx %arg7[%broadcast_in_dim3A_238, %parallel_loop3A_662], %parallel_loop3A_646 masked %parallel_loop3A_676 : memref<128x128xf32, #tpu.memory_space<vmem>>[vector<16xi32>, vector<16xi32>], vector<16xf32>, vector<16xi1>
        %parallel_loop3A_688 = tpu.vector_load_idx %arg5[%broadcast_in_dim3A_238, %parallel_loop3A_654] masked %parallel_loop3A_676 : memref<128x128xf32, #tpu.memory_space<vmem>>[vector<16xi32>, vector<16xi32>], vector<16xf32>, vector<16xi1>
        %parallel_loop3A_689 = arith.constant 0.000000e+00 : f32
        %parallel_loop3A_690 = vector.broadcast %parallel_loop3A_689 : f32 to vector<16xf32>
        %parallel_loop3A_691 = arith.select %parallel_loop3A_676, %parallel_loop3A_688, %parallel_loop3A_690 : vector<16xi1>, vector<16xf32>
        %parallel_loop3A_692 = arith.addf %parallel_loop3A_646, %parallel_loop3A_691 : vector<16xf32>
        %parallel_loop3A_693 = arith.constant 1 : i32
        %parallel_loop3A_694 = vector.broadcast %parallel_loop3A_693 : i32 to vector<16xi32>
        %parallel_loop3A_695 = arith.addi %parallel_loop3A_654, %parallel_loop3A_694 : vector<16xi32>
        %parallel_loop3A_696 = arith.constant 128 : i32
        %parallel_loop3A_697 = vector.broadcast %parallel_loop3A_696 : i32 to vector<16xi32>
        %parallel_loop3A_698 = arith.addi %parallel_loop3A_662, %parallel_loop3A_697 : vector<16xi32>
        tpu.vector_store_idx %arg7[%broadcast_in_dim3A_238, %parallel_loop3A_663], %parallel_loop3A_647 masked %parallel_loop3A_676 : memref<128x128xf32, #tpu.memory_space<vmem>>[vector<16xi32>, vector<16xi32>], vector<16xf32>, vector<16xi1>
        %parallel_loop3A_699 = tpu.vector_load_idx %arg5[%broadcast_in_dim3A_238, %parallel_loop3A_655] masked %parallel_loop3A_676 : memref<128x128xf32, #tpu.memory_space<vmem>>[vector<16xi32>, vector<16xi32>], vector<16xf32>, vector<16xi1>
        %parallel_loop3A_700 = arith.constant 0.000000e+00 : f32
        %parallel_loop3A_701 = vector.broadcast %parallel_loop3A_700 : f32 to vector<16xf32>
        %parallel_loop3A_702 = arith.select %parallel_loop3A_676, %parallel_loop3A_699, %parallel_loop3A_701 : vector<16xi1>, vector<16xf32>
        %parallel_loop3A_703 = arith.addf %parallel_loop3A_647, %parallel_loop3A_702 : vector<16xf32>
        %parallel_loop3A_704 = arith.constant 1 : i32
        %parallel_loop3A_705 = vector.broadcast %parallel_loop3A_704 : i32 to vector<16xi32>
        %parallel_loop3A_706 = arith.addi %parallel_loop3A_655, %parallel_loop3A_705 : vector<16xi32>
        %parallel_loop3A_707 = arith.constant 128 : i32
        %parallel_loop3A_708 = vector.broadcast %parallel_loop3A_707 : i32 to vector<16xi32>
        %parallel_loop3A_709 = arith.addi %parallel_loop3A_663, %parallel_loop3A_708 : vector<16xi32>
        tpu.vector_store_idx %arg7[%broadcast_in_dim3A_238, %parallel_loop3A_664], %parallel_loop3A_648 masked %parallel_loop3A_676 : memref<128x128xf32, #tpu.memory_space<vmem>>[vector<16xi32>, vector<16xi32>], vector<16xf32>, vector<16xi1>
        %parallel_loop3A_710 = tpu.vector_load_idx %arg5[%broadcast_in_dim3A_238, %parallel_loop3A_656] masked %parallel_loop3A_676 : memref<128x128xf32, #tpu.memory_space<vmem>>[vector<16xi32>, vector<16xi32>], vector<16xf32>, vector<16xi1>
        %parallel_loop3A_711 = arith.constant 0.000000e+00 : f32
        %parallel_loop3A_712 = vector.broadcast %parallel_loop3A_711 : f32 to vector<16xf32>
        %parallel_loop3A_713 = arith.select %parallel_loop3A_676, %parallel_loop3A_710, %parallel_loop3A_712 : vector<16xi1>, vector<16xf32>
        %parallel_loop3A_714 = arith.addf %parallel_loop3A_648, %parallel_loop3A_713 : vector<16xf32>
        %parallel_loop3A_715 = arith.constant 1 : i32
        %parallel_loop3A_716 = vector.broadcast %parallel_loop3A_715 : i32 to vector<16xi32>
        %parallel_loop3A_717 = arith.addi %parallel_loop3A_656, %parallel_loop3A_716 : vector<16xi32>
        %parallel_loop3A_718 = arith.constant 128 : i32
        %parallel_loop3A_719 = vector.broadcast %parallel_loop3A_718 : i32 to vector<16xi32>
        %parallel_loop3A_720 = arith.addi %parallel_loop3A_664, %parallel_loop3A_719 : vector<16xi32>
        tpu.vector_store_idx %arg7[%broadcast_in_dim3A_238, %parallel_loop3A_665], %parallel_loop3A_649 masked %parallel_loop3A_676 : memref<128x128xf32, #tpu.memory_space<vmem>>[vector<16xi32>, vector<16xi32>], vector<16xf32>, vector<16xi1>
        %parallel_loop3A_721 = tpu.vector_load_idx %arg5[%broadcast_in_dim3A_238, %parallel_loop3A_657] masked %parallel_loop3A_676 : memref<128x128xf32, #tpu.memory_space<vmem>>[vector<16xi32>, vector<16xi32>], vector<16xf32>, vector<16xi1>
        %parallel_loop3A_722 = arith.constant 0.000000e+00 : f32
        %parallel_loop3A_723 = vector.broadcast %parallel_loop3A_722 : f32 to vector<16xf32>
        %parallel_loop3A_724 = arith.select %parallel_loop3A_676, %parallel_loop3A_721, %parallel_loop3A_723 : vector<16xi1>, vector<16xf32>
        %parallel_loop3A_725 = arith.addf %parallel_loop3A_649, %parallel_loop3A_724 : vector<16xf32>
        %parallel_loop3A_726 = arith.constant 1 : i32
        %parallel_loop3A_727 = vector.broadcast %parallel_loop3A_726 : i32 to vector<16xi32>
        %parallel_loop3A_728 = arith.addi %parallel_loop3A_657, %parallel_loop3A_727 : vector<16xi32>
        %parallel_loop3A_729 = arith.constant 128 : i32
        %parallel_loop3A_730 = vector.broadcast %parallel_loop3A_729 : i32 to vector<16xi32>
        %parallel_loop3A_731 = arith.addi %parallel_loop3A_665, %parallel_loop3A_730 : vector<16xi32>
        tpu.vector_store_idx %arg7[%broadcast_in_dim3A_238, %parallel_loop3A_666], %parallel_loop3A_650 masked %parallel_loop3A_676 : memref<128x128xf32, #tpu.memory_space<vmem>>[vector<16xi32>, vector<16xi32>], vector<16xf32>, vector<16xi1>
        %parallel_loop3A_732 = tpu.vector_load_idx %arg5[%broadcast_in_dim3A_238, %parallel_loop3A_658] masked %parallel_loop3A_676 : memref<128x128xf32, #tpu.memory_space<vmem>>[vector<16xi32>, vector<16xi32>], vector<16xf32>, vector<16xi1>
        %parallel_loop3A_733 = arith.constant 0.000000e+00 : f32
        %parallel_loop3A_734 = vector.broadcast %parallel_loop3A_733 : f32 to vector<16xf32>
        %parallel_loop3A_735 = arith.select %parallel_loop3A_676, %parallel_loop3A_732, %parallel_loop3A_734 : vector<16xi1>, vector<16xf32>
        %parallel_loop3A_736 = arith.addf %parallel_loop3A_650, %parallel_loop3A_735 : vector<16xf32>
        %parallel_loop3A_737 = arith.constant 1 : i32
        %parallel_loop3A_738 = vector.broadcast %parallel_loop3A_737 : i32 to vector<16xi32>
        %parallel_loop3A_739 = arith.addi %parallel_loop3A_658, %parallel_loop3A_738 : vector<16xi32>
        %parallel_loop3A_740 = arith.constant 128 : i32
        %parallel_loop3A_741 = vector.broadcast %parallel_loop3A_740 : i32 to vector<16xi32>
        %parallel_loop3A_742 = arith.addi %parallel_loop3A_666, %parallel_loop3A_741 : vector<16xi32>
        tpu.vector_store_idx %arg7[%broadcast_in_dim3A_238, %parallel_loop3A_667], %parallel_loop3A_651 masked %parallel_loop3A_676 : memref<128x128xf32, #tpu.memory_space<vmem>>[vector<16xi32>, vector<16xi32>], vector<16xf32>, vector<16xi1>
        %parallel_loop3A_743 = tpu.vector_load_idx %arg5[%broadcast_in_dim3A_238, %parallel_loop3A_659] masked %parallel_loop3A_676 : memref<128x128xf32, #tpu.memory_space<vmem>>[vector<16xi32>, vector<16xi32>], vector<16xf32>, vector<16xi1>
        %parallel_loop3A_744 = arith.constant 0.000000e+00 : f32
        %parallel_loop3A_745 = vector.broadcast %parallel_loop3A_744 : f32 to vector<16xf32>
        %parallel_loop3A_746 = arith.select %parallel_loop3A_676, %parallel_loop3A_743, %parallel_loop3A_745 : vector<16xi1>, vector<16xf32>
        %parallel_loop3A_747 = arith.addf %parallel_loop3A_651, %parallel_loop3A_746 : vector<16xf32>
        %parallel_loop3A_748 = arith.constant 1 : i32
        %parallel_loop3A_749 = vector.broadcast %parallel_loop3A_748 : i32 to vector<16xi32>
        %parallel_loop3A_750 = arith.addi %parallel_loop3A_659, %parallel_loop3A_749 : vector<16xi32>
        %parallel_loop3A_751 = arith.constant 128 : i32
        %parallel_loop3A_752 = vector.broadcast %parallel_loop3A_751 : i32 to vector<16xi32>
        %parallel_loop3A_753 = arith.addi %parallel_loop3A_667, %parallel_loop3A_752 : vector<16xi32>
        tpu.vector_store_idx %arg7[%broadcast_in_dim3A_238, %parallel_loop3A_668], %parallel_loop3A_652 masked %parallel_loop3A_676 : memref<128x128xf32, #tpu.memory_space<vmem>>[vector<16xi32>, vector<16xi32>], vector<16xf32>, vector<16xi1>
        %parallel_loop3A_754 = tpu.vector_load_idx %arg5[%broadcast_in_dim3A_238, %parallel_loop3A_660] masked %parallel_loop3A_676 : memref<128x128xf32, #tpu.memory_space<vmem>>[vector<16xi32>, vector<16xi32>], vector<16xf32>, vector<16xi1>
        %parallel_loop3A_755 = arith.constant 0.000000e+00 : f32
        %parallel_loop3A_756 = vector.broadcast %parallel_loop3A_755 : f32 to vector<16xf32>
        %parallel_loop3A_757 = arith.select %parallel_loop3A_676, %parallel_loop3A_754, %parallel_loop3A_756 : vector<16xi1>, vector<16xf32>
        %parallel_loop3A_758 = arith.addf %parallel_loop3A_652, %parallel_loop3A_757 : vector<16xf32>
        %parallel_loop3A_759 = arith.constant 1 : i32
        %parallel_loop3A_760 = vector.broadcast %parallel_loop3A_759 : i32 to vector<16xi32>
        %parallel_loop3A_761 = arith.addi %parallel_loop3A_660, %parallel_loop3A_760 : vector<16xi32>
        %parallel_loop3A_762 = arith.constant 128 : i32
        %parallel_loop3A_763 = vector.broadcast %parallel_loop3A_762 : i32 to vector<16xi32>
        %parallel_loop3A_764 = arith.addi %parallel_loop3A_668, %parallel_loop3A_763 : vector<16xi32>
        %parallel_loop3A_765 = arith.constant 1 : i32
        %parallel_loop3A_766 = vector.broadcast %parallel_loop3A_765 : i32 to vector<16xi32>
        %parallel_loop3A_767 = arith.addi %parallel_loop3A_669, %parallel_loop3A_766 : vector<16xi32>
        scf.yield %parallel_loop3A_681, %parallel_loop3A_692, %parallel_loop3A_703, %parallel_loop3A_714, %parallel_loop3A_725, %parallel_loop3A_736, %parallel_loop3A_747, %parallel_loop3A_758, %parallel_loop3A_684, %parallel_loop3A_695, %parallel_loop3A_706, %parallel_loop3A_717, %parallel_loop3A_728, %parallel_loop3A_739, %parallel_loop3A_750, %parallel_loop3A_761, %parallel_loop3A_687, %parallel_loop3A_698, %parallel_loop3A_709, %parallel_loop3A_720, %parallel_loop3A_731, %parallel_loop3A_742, %parallel_loop3A_753, %parallel_loop3A_764, %parallel_loop3A_767 : vector<16xf32>, vector<16xf32>, vector<16xf32>, vector<16xf32>, vector<16xf32>, vector<16xf32>, vector<16xf32>, vector<16xf32>, vector<16xi32>, vector<16xi32>, vector<16xi32>, vector<16xi32>, vector<16xi32>, vector<16xi32>, vector<16xi32>, vector<16xi32>, vector<16xi32>, vector<16xi32>, vector<16xi32>, vector<16xi32>, vector<16xi32>, vector<16xi32>, vector<16xi32>, vector<16xi32>, vector<16xi32>
      } {sc.loop_unroll_factor = 5 : i64, sc.parallel_access}
      %mul3A_316 = arith.constant 128 : i32
      %mul3A_317 = arith.muli %select_n3A_161, %mul3A_316 : i32
      %add3A_318 = arith.constant 0 : i32
      %add3A_319 = arith.addi %mul3A_317, %add3A_318 : i32
      %swap3A = arith.index_cast %add3A_319 : i32 to index
      %swap3A_320 = tpu.vector_load %arg9[%swap3A] {strides = array<i32>} : memref<2048xf32, #tpu.memory_space<vmem>>, vector<16xf32>,
      tpu.vector_store %arg9[%swap3A], %parallel_loop3A_315#0 {strides = array<i32>} : memref<2048xf32, #tpu.memory_space<vmem>>, vector<16xf32>,
      %mul3A_321 = arith.constant 128 : i32
      %mul3A_322 = arith.muli %select_n3A_161, %mul3A_321 : i32
      %add3A_323 = arith.constant 16 : i32
      %add3A_324 = arith.addi %mul3A_322, %add3A_323 : i32
      %swap3A_325 = arith.index_cast %add3A_324 : i32 to index
      %swap3A_326 = tpu.vector_load %arg9[%swap3A_325] {strides = array<i32>} : memref<2048xf32, #tpu.memory_space<vmem>>, vector<16xf32>,
      tpu.vector_store %arg9[%swap3A_325], %parallel_loop3A_315#1 {strides = array<i32>} : memref<2048xf32, #tpu.memory_space<vmem>>, vector<16xf32>,
      %mul3A_327 = arith.constant 128 : i32
      %mul3A_328 = arith.muli %select_n3A_161, %mul3A_327 : i32
      %add3A_329 = arith.constant 32 : i32
      %add3A_330 = arith.addi %mul3A_328, %add3A_329 : i32
      %swap3A_331 = arith.index_cast %add3A_330 : i32 to index
      %swap3A_332 = tpu.vector_load %arg9[%swap3A_331] {strides = array<i32>} : memref<2048xf32, #tpu.memory_space<vmem>>, vector<16xf32>,
      tpu.vector_store %arg9[%swap3A_331], %parallel_loop3A_315#2 {strides = array<i32>} : memref<2048xf32, #tpu.memory_space<vmem>>, vector<16xf32>,
      %mul3A_333 = arith.constant 128 : i32
      %mul3A_334 = arith.muli %select_n3A_161, %mul3A_333 : i32
      %add3A_335 = arith.constant 48 : i32
      %add3A_336 = arith.addi %mul3A_334, %add3A_335 : i32
      %swap3A_337 = arith.index_cast %add3A_336 : i32 to index
      %swap3A_338 = tpu.vector_load %arg9[%swap3A_337] {strides = array<i32>} : memref<2048xf32, #tpu.memory_space<vmem>>, vector<16xf32>,
      tpu.vector_store %arg9[%swap3A_337], %parallel_loop3A_315#3 {strides = array<i32>} : memref<2048xf32, #tpu.memory_space<vmem>>, vector<16xf32>,
      %mul3A_339 = arith.constant 128 : i32
      %mul3A_340 = arith.muli %select_n3A_161, %mul3A_339 : i32
      %add3A_341 = arith.constant 64 : i32
      %add3A_342 = arith.addi %mul3A_340, %add3A_341 : i32
      %swap3A_343 = arith.index_cast %add3A_342 : i32 to index
      %swap3A_344 = tpu.vector_load %arg9[%swap3A_343] {strides = array<i32>} : memref<2048xf32, #tpu.memory_space<vmem>>, vector<16xf32>,
      tpu.vector_store %arg9[%swap3A_343], %parallel_loop3A_315#4 {strides = array<i32>} : memref<2048xf32, #tpu.memory_space<vmem>>, vector<16xf32>,
      %mul3A_345 = arith.constant 128 : i32
      %mul3A_346 = arith.muli %select_n3A_161, %mul3A_345 : i32
      %add3A_347 = arith.constant 80 : i32
      %add3A_348 = arith.addi %mul3A_346, %add3A_347 : i32
      %swap3A_349 = arith.index_cast %add3A_348 : i32 to index
      %swap3A_350 = tpu.vector_load %arg9[%swap3A_349] {strides = array<i32>} : memref<2048xf32, #tpu.memory_space<vmem>>, vector<16xf32>,
      tpu.vector_store %arg9[%swap3A_349], %parallel_loop3A_315#5 {strides = array<i32>} : memref<2048xf32, #tpu.memory_space<vmem>>, vector<16xf32>,
      %mul3A_351 = arith.constant 128 : i32
      %mul3A_352 = arith.muli %select_n3A_161, %mul3A_351 : i32
      %add3A_353 = arith.constant 96 : i32
      %add3A_354 = arith.addi %mul3A_352, %add3A_353 : i32
      %swap3A_355 = arith.index_cast %add3A_354 : i32 to index
      %swap3A_356 = tpu.vector_load %arg9[%swap3A_355] {strides = array<i32>} : memref<2048xf32, #tpu.memory_space<vmem>>, vector<16xf32>,
      tpu.vector_store %arg9[%swap3A_355], %parallel_loop3A_315#6 {strides = array<i32>} : memref<2048xf32, #tpu.memory_space<vmem>>, vector<16xf32>,
      %mul3A_357 = arith.constant 128 : i32
      %mul3A_358 = arith.muli %select_n3A_161, %mul3A_357 : i32
      %add3A_359 = arith.constant 112 : i32
      %add3A_360 = arith.addi %mul3A_358, %add3A_359 : i32
      %swap3A_361 = arith.index_cast %add3A_360 : i32 to index
      %swap3A_362 = tpu.vector_load %arg9[%swap3A_361] {strides = array<i32>} : memref<2048xf32, #tpu.memory_space<vmem>>, vector<16xf32>,
      tpu.vector_store %arg9[%swap3A_361], %parallel_loop3A_315#7 {strides = array<i32>} : memref<2048xf32, #tpu.memory_space<vmem>>, vector<16xf32>,
      %dma_start3A_363 = tpu.memref_slice %arg3[%mul3A_126, %add3A_124] : memref<1025x65535xf32, #tpu.memory_space<hbm>> -> memref<128x128xf32, #tpu.memory_space<hbm>>
      %dma_start3A_364 = tpu.memref_slice %arg3[%mul3A_126, %add3A_124] : memref<1025x65535xf32, #tpu.memory_space<hbm>> -> memref<128x128xf32, #tpu.memory_space<hbm>>
      tpu.enqueue_dma source(%arg7 : memref<128x128xf32, #tpu.memory_space<vmem>>) target(%dma_start3A_364 : memref<128x128xf32, #tpu.memory_space<hbm>>) target_semaphore(%arg12 : memref<!tpu.dma_semaphore, #tpu.memory_space<semaphore_mem>>)
      %mul3A_365 = arith.constant 2 : i32
      %mul3A_366 = arith.muli %mul3A_365, %add3A_93 : i32
      %add3A_367 = arith.constant 1 : i32
      %add3A_368 = arith.addi %mul3A_366, %add3A_367 : i32
      %jit3A_369 = arith.constant 8 : i32
      %div3A_370 = arith.divsi %add3A_368, %jit3A_369 : i32
      %sign3A_371 = arith.constant 0 : i32
      %sign3A_372 = arith.cmpi sgt, %add3A_368, %sign3A_371 : i32
      %sign3A_373 = arith.extui %sign3A_372 : i1 to i32
      %sign3A_374 = arith.constant 0 : i32
      %sign3A_375 = arith.cmpi slt, %add3A_368, %sign3A_374 : i32
      %sign3A_376 = arith.extui %sign3A_375 : i1 to i32
      %sign3A_377 = arith.subi %sign3A_373, %sign3A_376 : i32
      %sign3A_378 = arith.constant 0 : i32
      %sign3A_379 = arith.cmpi sgt, %jit3A_369, %sign3A_378 : i32
      %sign3A_380 = arith.extui %sign3A_379 : i1 to i32
      %sign3A_381 = arith.constant 0 : i32
      %sign3A_382 = arith.cmpi slt, %jit3A_369, %sign3A_381 : i32
      %sign3A_383 = arith.extui %sign3A_382 : i1 to i32
      %sign3A_384 = arith.subi %sign3A_380, %sign3A_383 : i32
      %ne3A_385 = arith.cmpi ne, %sign3A_377, %sign3A_384 : i32
      %rem3A_386 = arith.remsi %add3A_368, %jit3A_369 : i32
      %ne3A_387 = arith.constant 0 : i32
      %ne3A_388 = arith.cmpi ne, %rem3A_386, %ne3A_387 : i32
      %and3A_389 = arith.andi %ne3A_385, %ne3A_388 : i1
      %sub3A_390 = arith.constant 1 : i32
      %sub3A_391 = arith.subi %div3A_370, %sub3A_390 : i32
      %select_n3A_392 = arith.select %and3A_389, %sub3A_391, %div3A_370 : i32
      %rem3A_393 = arith.constant 8 : i32
      %rem3A_394 = arith.remsi %add3A_368, %rem3A_393 : i32
      %mul3A_395 = arith.constant 128 : i32
      %mul3A_396 = arith.muli %select_n3A_392, %mul3A_395 : i32
      %add3A_397 = arith.addi %mul3A_2, %mul3A_396 : i32
      %mul3A_398 = arith.constant 128 : i32
      %mul3A_399 = arith.muli %rem3A_394, %mul3A_398 : i32
      %add3A_400 = arith.constant 1 : i32
      %add3A_401 = arith.addi %add3A_368, %add3A_400 : i32
      %lt3A_402 = arith.cmpi slt, %add3A_401, %mul3A_31 : i32
      %convert_element_type3A_403 = arith.extui %lt3A_402 : i1 to i32
      %cond3A_404 = arith.constant 0 : i32
      %cond3A_405 = arith.cmpi ne, %convert_element_type3A_403, %cond3A_404 : i32
      scf.if %cond3A_405 {
        %add3A_644 = arith.constant 1 : i32
        %add3A_645 = arith.addi %add3A_368, %add3A_644 : i32
        %jit3A_646 = arith.constant 8 : i32
        %div3A_647 = arith.divsi %add3A_645, %jit3A_646 : i32
        %sign3A_648 = arith.constant 0 : i32
        %sign3A_649 = arith.cmpi sgt, %add3A_645, %sign3A_648 : i32
        %sign3A_650 = arith.extui %sign3A_649 : i1 to i32
        %sign3A_651 = arith.constant 0 : i32
        %sign3A_652 = arith.cmpi slt, %add3A_645, %sign3A_651 : i32
        %sign3A_653 = arith.extui %sign3A_652 : i1 to i32
        %sign3A_654 = arith.subi %sign3A_650, %sign3A_653 : i32
        %sign3A_655 = arith.constant 0 : i32
        %sign3A_656 = arith.cmpi sgt, %jit3A_646, %sign3A_655 : i32
        %sign3A_657 = arith.extui %sign3A_656 : i1 to i32
        %sign3A_658 = arith.constant 0 : i32
        %sign3A_659 = arith.cmpi slt, %jit3A_646, %sign3A_658 : i32
        %sign3A_660 = arith.extui %sign3A_659 : i1 to i32
        %sign3A_661 = arith.subi %sign3A_657, %sign3A_660 : i32
        %ne3A_662 = arith.cmpi ne, %sign3A_654, %sign3A_661 : i32
        %rem3A_663 = arith.remsi %add3A_645, %jit3A_646 : i32
        %ne3A_664 = arith.constant 0 : i32
        %ne3A_665 = arith.cmpi ne, %rem3A_663, %ne3A_664 : i32
        %and3A_666 = arith.andi %ne3A_662, %ne3A_665 : i1
        %sub3A_667 = arith.constant 1 : i32
        %sub3A_668 = arith.subi %div3A_647, %sub3A_667 : i32
        %select_n3A_669 = arith.select %and3A_666, %sub3A_668, %div3A_647 : i32
        %rem3A_670 = arith.constant 8 : i32
        %rem3A_671 = arith.remsi %add3A_645, %rem3A_670 : i32
        %mul3A_672 = arith.constant 128 : i32
        %mul3A_673 = arith.muli %select_n3A_669, %mul3A_672 : i32
        %add3A_674 = arith.addi %mul3A_2, %mul3A_673 : i32
        %mul3A_675 = arith.constant 128 : i32
        %mul3A_676 = arith.muli %rem3A_671, %mul3A_675 : i32
        %dma_start3A_677 = tpu.memref_slice %arg2[%add3A_674, %mul3A_676] : memref<65536x1024xf32, #tpu.memory_space<hbm>> -> memref<128x128xf32, #tpu.memory_space<hbm>>
        %dma_start3A_678 = tpu.memref_slice %arg2[%add3A_674, %mul3A_676] : memref<65536x1024xf32, #tpu.memory_space<hbm>> -> memref<128x128xf32, #tpu.memory_space<hbm>>
        tpu.enqueue_dma source(%dma_start3A_678 : memref<128x128xf32, #tpu.memory_space<hbm>>) target(%arg5 : memref<128x128xf32, #tpu.memory_space<vmem>>) target_semaphore(%arg10 : memref<!tpu.dma_semaphore, #tpu.memory_space<semaphore_mem>>)
      } else {
      }
      %dma_wait3A_406 = tpu.memref_slice %arg2[%add3A_397, %mul3A_399] : memref<65536x1024xf32, #tpu.memory_space<hbm>> -> memref<128x128xf32, #tpu.memory_space<hbm>>
      %dma_wait3A_407 = tpu.memref_slice %arg2[%add3A_397, %mul3A_399] : memref<65536x1024xf32, #tpu.memory_space<hbm>> -> memref<128x128xf32, #tpu.memory_space<hbm>>
      tpu.wait_dma2 semaphore(%arg11 : memref<!tpu.dma_semaphore, #tpu.memory_space<semaphore_mem>>) src(%dma_wait3A_407 : memref<128x128xf32, #tpu.memory_space<hbm>>) dst(%arg6 : memref<128x128xf32, #tpu.memory_space<vmem>>)
      %ge3A_408 = arith.constant 1 : i32
      %ge3A_409 = arith.cmpi sge, %add3A_93, %ge3A_408 : i32
      %convert_element_type3A_410 = arith.extui %ge3A_409 : i1 to i32
      %cond3A_411 = arith.constant 0 : i32
      %cond3A_412 = arith.cmpi ne, %convert_element_type3A_410, %cond3A_411 : i32
      scf.if %cond3A_412 {
        %dma_wait3A_644 = tpu.memref_slice %arg3[%mul3A_399, %add3A_397] : memref<1025x65535xf32, #tpu.memory_space<hbm>> -> memref<128x128xf32, #tpu.memory_space<hbm>>
        %dma_wait3A_645 = tpu.memref_slice %arg3[%mul3A_399, %add3A_397] : memref<1025x65535xf32, #tpu.memory_space<hbm>> -> memref<128x128xf32, #tpu.memory_space<hbm>>
        tpu.wait_dma2 semaphore(%arg13 : memref<!tpu.dma_semaphore, #tpu.memory_space<semaphore_mem>>) src(%arg8 : memref<128x128xf32, #tpu.memory_space<vmem>>) dst(%dma_wait3A_645 : memref<128x128xf32, #tpu.memory_space<hbm>>)
      } else {
      }
      %jit3A_413 = arith.constant 8 : i32
      %div3A_414 = arith.divsi %add3A_368, %jit3A_413 : i32
      %sign3A_415 = arith.constant 0 : i32
      %sign3A_416 = arith.cmpi sgt, %add3A_368, %sign3A_415 : i32
      %sign3A_417 = arith.extui %sign3A_416 : i1 to i32
      %sign3A_418 = arith.constant 0 : i32
      %sign3A_419 = arith.cmpi slt, %add3A_368, %sign3A_418 : i32
      %sign3A_420 = arith.extui %sign3A_419 : i1 to i32
      %sign3A_421 = arith.subi %sign3A_417, %sign3A_420 : i32
      %sign3A_422 = arith.constant 0 : i32
      %sign3A_423 = arith.cmpi sgt, %jit3A_413, %sign3A_422 : i32
      %sign3A_424 = arith.extui %sign3A_423 : i1 to i32
      %sign3A_425 = arith.constant 0 : i32
      %sign3A_426 = arith.cmpi slt, %jit3A_413, %sign3A_425 : i32
      %sign3A_427 = arith.extui %sign3A_426 : i1 to i32
      %sign3A_428 = arith.subi %sign3A_424, %sign3A_427 : i32
      %ne3A_429 = arith.cmpi ne, %sign3A_421, %sign3A_428 : i32
      %rem3A_430 = arith.remsi %add3A_368, %jit3A_413 : i32
      %ne3A_431 = arith.constant 0 : i32
      %ne3A_432 = arith.cmpi ne, %rem3A_430, %ne3A_431 : i32
      %and3A_433 = arith.andi %ne3A_429, %ne3A_432 : i1
      %sub3A_434 = arith.constant 1 : i32
      %sub3A_435 = arith.subi %div3A_414, %sub3A_434 : i32
      %select_n3A_436 = arith.select %and3A_433, %sub3A_435, %div3A_414 : i32
      %rem3A_437 = arith.constant 8 : i32
      %rem3A_438 = arith.remsi %add3A_368, %rem3A_437 : i32
      %mul3A_439 = arith.constant 128 : i32
      %mul3A_440 = arith.muli %select_n3A_436, %mul3A_439 : i32
      %add3A_441 = arith.addi %mul3A_2, %mul3A_440 : i32
      %mul3A_442 = arith.constant 128 : i32
      %mul3A_443 = arith.muli %rem3A_438, %mul3A_442 : i32
      %eq3A_444 = arith.constant 0 : i32
      %eq3A_445 = arith.cmpi eq, %rem3A_438, %eq3A_444 : i32
      %jit3A_446 = arith.constant 0.000000e+00 : f32
      %jit3A_447 = arith.constant 1.000000e+00 : f32
      %select_n3A_448 = arith.select %eq3A_445, %jit3A_446, %jit3A_447 : f32
      %mul3A_449 = arith.constant 128 : i32
      %mul3A_450 = arith.muli %select_n3A_436, %mul3A_449 : i32
      %add3A_451 = arith.constant 0 : i32
      %add3A_452 = arith.addi %mul3A_450, %add3A_451 : i32
      %get3A_453 = arith.index_cast %add3A_452 : i32 to index
      %get3A_454 = tpu.vector_load %arg9[%get3A_453] {strides = array<i32>} : memref<2048xf32, #tpu.memory_space<vmem>>, vector<16xf32>,
      %mul3A_455 = vector.broadcast %select_n3A_448 : f32 to vector<16xf32>
      %mul3A_456 = arith.mulf %get3A_454, %mul3A_455 : vector<16xf32>
      %mul3A_457 = arith.constant 128 : i32
      %mul3A_458 = arith.muli %select_n3A_436, %mul3A_457 : i32
      %add3A_459 = arith.constant 16 : i32
      %add3A_460 = arith.addi %mul3A_458, %add3A_459 : i32
      %get3A_461 = arith.index_cast %add3A_460 : i32 to index
      %get3A_462 = tpu.vector_load %arg9[%get3A_461] {strides = array<i32>} : memref<2048xf32, #tpu.memory_space<vmem>>, vector<16xf32>,
      %mul3A_463 = vector.broadcast %select_n3A_448 : f32 to vector<16xf32>
      %mul3A_464 = arith.mulf %get3A_462, %mul3A_463 : vector<16xf32>
      %mul3A_465 = arith.constant 128 : i32
      %mul3A_466 = arith.muli %select_n3A_436, %mul3A_465 : i32
      %add3A_467 = arith.constant 32 : i32
      %add3A_468 = arith.addi %mul3A_466, %add3A_467 : i32
      %get3A_469 = arith.index_cast %add3A_468 : i32 to index
      %get3A_470 = tpu.vector_load %arg9[%get3A_469] {strides = array<i32>} : memref<2048xf32, #tpu.memory_space<vmem>>, vector<16xf32>,
      %mul3A_471 = vector.broadcast %select_n3A_448 : f32 to vector<16xf32>
      %mul3A_472 = arith.mulf %get3A_470, %mul3A_471 : vector<16xf32>
      %mul3A_473 = arith.constant 128 : i32
      %mul3A_474 = arith.muli %select_n3A_436, %mul3A_473 : i32
      %add3A_475 = arith.constant 48 : i32
      %add3A_476 = arith.addi %mul3A_474, %add3A_475 : i32
      %get3A_477 = arith.index_cast %add3A_476 : i32 to index
      %get3A_478 = tpu.vector_load %arg9[%get3A_477] {strides = array<i32>} : memref<2048xf32, #tpu.memory_space<vmem>>, vector<16xf32>,
      %mul3A_479 = vector.broadcast %select_n3A_448 : f32 to vector<16xf32>
      %mul3A_480 = arith.mulf %get3A_478, %mul3A_479 : vector<16xf32>
      %mul3A_481 = arith.constant 128 : i32
      %mul3A_482 = arith.muli %select_n3A_436, %mul3A_481 : i32
      %add3A_483 = arith.constant 64 : i32
      %add3A_484 = arith.addi %mul3A_482, %add3A_483 : i32
      %get3A_485 = arith.index_cast %add3A_484 : i32 to index
      %get3A_486 = tpu.vector_load %arg9[%get3A_485] {strides = array<i32>} : memref<2048xf32, #tpu.memory_space<vmem>>, vector<16xf32>,
      %mul3A_487 = vector.broadcast %select_n3A_448 : f32 to vector<16xf32>
      %mul3A_488 = arith.mulf %get3A_486, %mul3A_487 : vector<16xf32>
      %mul3A_489 = arith.constant 128 : i32
      %mul3A_490 = arith.muli %select_n3A_436, %mul3A_489 : i32
      %add3A_491 = arith.constant 80 : i32
      %add3A_492 = arith.addi %mul3A_490, %add3A_491 : i32
      %get3A_493 = arith.index_cast %add3A_492 : i32 to index
      %get3A_494 = tpu.vector_load %arg9[%get3A_493] {strides = array<i32>} : memref<2048xf32, #tpu.memory_space<vmem>>, vector<16xf32>,
      %mul3A_495 = vector.broadcast %select_n3A_448 : f32 to vector<16xf32>
      %mul3A_496 = arith.mulf %get3A_494, %mul3A_495 : vector<16xf32>
      %mul3A_497 = arith.constant 128 : i32
      %mul3A_498 = arith.muli %select_n3A_436, %mul3A_497 : i32
      %add3A_499 = arith.constant 96 : i32
      %add3A_500 = arith.addi %mul3A_498, %add3A_499 : i32
      %get3A_501 = arith.index_cast %add3A_500 : i32 to index
      %get3A_502 = tpu.vector_load %arg9[%get3A_501] {strides = array<i32>} : memref<2048xf32, #tpu.memory_space<vmem>>, vector<16xf32>,
      %mul3A_503 = vector.broadcast %select_n3A_448 : f32 to vector<16xf32>
      %mul3A_504 = arith.mulf %get3A_502, %mul3A_503 : vector<16xf32>
      %mul3A_505 = arith.constant 128 : i32
      %mul3A_506 = arith.muli %select_n3A_436, %mul3A_505 : i32
      %add3A_507 = arith.constant 112 : i32
      %add3A_508 = arith.addi %mul3A_506, %add3A_507 : i32
      %get3A_509 = arith.index_cast %add3A_508 : i32 to index
      %get3A_510 = tpu.vector_load %arg9[%get3A_509] {strides = array<i32>} : memref<2048xf32, #tpu.memory_space<vmem>>, vector<16xf32>,
      %mul3A_511 = vector.broadcast %select_n3A_448 : f32 to vector<16xf32>
      %mul3A_512 = arith.mulf %get3A_510, %mul3A_511 : vector<16xf32>
      %broadcast_in_dim3A_513 = arith.constant 0 : i32
      %broadcast_in_dim3A_514 = vector.broadcast %broadcast_in_dim3A_513 : i32 to vector<16xi32>
      %mul3A_515 = arith.constant 128 : i32
      %mul3A_516 = vector.broadcast %mul3A_515 : i32 to vector<16xi32>
      %mul3A_517 = arith.muli %mul3A_516, %add3A_5 : vector<16xi32>
      %sub3A_518 = arith.subi %mul3A_517, %iota3A : vector<16xi32>
      %mul3A_519 = arith.constant 128 : i32
      %mul3A_520 = vector.broadcast %mul3A_519 : i32 to vector<16xi32>
      %mul3A_521 = arith.muli %mul3A_520, %add3A_8 : vector<16xi32>
      %sub3A_522 = arith.subi %mul3A_521, %iota3A : vector<16xi32>
      %mul3A_523 = arith.constant 128 : i32
      %mul3A_524 = vector.broadcast %mul3A_523 : i32 to vector<16xi32>
      %mul3A_525 = arith.muli %mul3A_524, %add3A_11 : vector<16xi32>
      %sub3A_526 = arith.subi %mul3A_525, %iota3A : vector<16xi32>
      %mul3A_527 = arith.constant 128 : i32
      %mul3A_528 = vector.broadcast %mul3A_527 : i32 to vector<16xi32>
      %mul3A_529 = arith.muli %mul3A_528, %add3A_14 : vector<16xi32>
      %sub3A_530 = arith.subi %mul3A_529, %iota3A : vector<16xi32>
      %mul3A_531 = arith.constant 128 : i32
      %mul3A_532 = vector.broadcast %mul3A_531 : i32 to vector<16xi32>
      %mul3A_533 = arith.muli %mul3A_532, %add3A_17 : vector<16xi32>
      %sub3A_534 = arith.subi %mul3A_533, %iota3A : vector<16xi32>
      %mul3A_535 = arith.constant 128 : i32
      %mul3A_536 = vector.broadcast %mul3A_535 : i32 to vector<16xi32>
      %mul3A_537 = arith.muli %mul3A_536, %add3A_20 : vector<16xi32>
      %sub3A_538 = arith.subi %mul3A_537, %iota3A : vector<16xi32>
      %mul3A_539 = arith.constant 128 : i32
      %mul3A_540 = vector.broadcast %mul3A_539 : i32 to vector<16xi32>
      %mul3A_541 = arith.muli %mul3A_540, %add3A_23 : vector<16xi32>
      %sub3A_542 = arith.subi %mul3A_541, %iota3A : vector<16xi32>
      %mul3A_543 = arith.constant 128 : i32
      %mul3A_544 = vector.broadcast %mul3A_543 : i32 to vector<16xi32>
      %mul3A_545 = arith.muli %mul3A_544, %add3A_26 : vector<16xi32>
      %sub3A_546 = arith.subi %mul3A_545, %iota3A : vector<16xi32>
      %mul3A_547 = arith.constant 128 : i32
      %mul3A_548 = vector.broadcast %mul3A_547 : i32 to vector<16xi32>
      %mul3A_549 = arith.muli %mul3A_548, %iota3A : vector<16xi32>
      %sub3A_550 = arith.subi %add3A_5, %mul3A_549 : vector<16xi32>
      %mul3A_551 = arith.constant 128 : i32
      %mul3A_552 = vector.broadcast %mul3A_551 : i32 to vector<16xi32>
      %mul3A_553 = arith.muli %mul3A_552, %iota3A : vector<16xi32>
      %sub3A_554 = arith.subi %add3A_8, %mul3A_553 : vector<16xi32>
      %mul3A_555 = arith.constant 128 : i32
      %mul3A_556 = vector.broadcast %mul3A_555 : i32 to vector<16xi32>
      %mul3A_557 = arith.muli %mul3A_556, %iota3A : vector<16xi32>
      %sub3A_558 = arith.subi %add3A_11, %mul3A_557 : vector<16xi32>
      %mul3A_559 = arith.constant 128 : i32
      %mul3A_560 = vector.broadcast %mul3A_559 : i32 to vector<16xi32>
      %mul3A_561 = arith.muli %mul3A_560, %iota3A : vector<16xi32>
      %sub3A_562 = arith.subi %add3A_14, %mul3A_561 : vector<16xi32>
      %mul3A_563 = arith.constant 128 : i32
      %mul3A_564 = vector.broadcast %mul3A_563 : i32 to vector<16xi32>
      %mul3A_565 = arith.muli %mul3A_564, %iota3A : vector<16xi32>
      %sub3A_566 = arith.subi %add3A_17, %mul3A_565 : vector<16xi32>
      %mul3A_567 = arith.constant 128 : i32
      %mul3A_568 = vector.broadcast %mul3A_567 : i32 to vector<16xi32>
      %mul3A_569 = arith.muli %mul3A_568, %iota3A : vector<16xi32>
      %sub3A_570 = arith.subi %add3A_20, %mul3A_569 : vector<16xi32>
      %mul3A_571 = arith.constant 128 : i32
      %mul3A_572 = vector.broadcast %mul3A_571 : i32 to vector<16xi32>
      %mul3A_573 = arith.muli %mul3A_572, %iota3A : vector<16xi32>
      %sub3A_574 = arith.subi %add3A_23, %mul3A_573 : vector<16xi32>
      %mul3A_575 = arith.constant 128 : i32
      %mul3A_576 = vector.broadcast %mul3A_575 : i32 to vector<16xi32>
      %mul3A_577 = arith.muli %mul3A_576, %iota3A : vector<16xi32>
      %sub3A_578 = arith.subi %add3A_26, %mul3A_577 : vector<16xi32>
      %neg3A_579 = arith.constant 0 : i32
      %neg3A_580 = vector.broadcast %neg3A_579 : i32 to vector<16xi32>
      %neg3A_581 = arith.subi %neg3A_580, %iota3A : vector<16xi32>
      %parallel_loop3A_582 = arith.constant 0 : i32
      %parallel_loop3A_583 = arith.constant 15 : i32
      %parallel_loop3A_584 = arith.constant 1 : i32
      %parallel_loop3A_585:25 = scf.for %parallel_loop3A_644 = %parallel_loop3A_582 to %parallel_loop3A_583 step %parallel_loop3A_584 iter_args(%parallel_loop3A_645 = %mul3A_456, %parallel_loop3A_646 = %mul3A_464, %parallel_loop3A_647 = %mul3A_472, %parallel_loop3A_648 = %mul3A_480, %parallel_loop3A_649 = %mul3A_488, %parallel_loop3A_650 = %mul3A_496, %parallel_loop3A_651 = %mul3A_504, %parallel_loop3A_652 = %mul3A_512, %parallel_loop3A_653 = %sub3A_518, %parallel_loop3A_654 = %sub3A_522, %parallel_loop3A_655 = %sub3A_526, %parallel_loop3A_656 = %sub3A_530, %parallel_loop3A_657 = %sub3A_534, %parallel_loop3A_658 = %sub3A_538, %parallel_loop3A_659 = %sub3A_542, %parallel_loop3A_660 = %sub3A_546, %parallel_loop3A_661 = %sub3A_550, %parallel_loop3A_662 = %sub3A_554, %parallel_loop3A_663 = %sub3A_558, %parallel_loop3A_664 = %sub3A_562, %parallel_loop3A_665 = %sub3A_566, %parallel_loop3A_666 = %sub3A_570, %parallel_loop3A_667 = %sub3A_574, %parallel_loop3A_668 = %sub3A_578, %parallel_loop3A_669 = %neg3A_581) -> (vector<16xf32>, vector<16xf32>, vector<16xf32>, vector<16xf32>, vector<16xf32>, vector<16xf32>, vector<16xf32>, vector<16xf32>, vector<16xi32>, vector<16xi32>, vector<16xi32>, vector<16xi32>, vector<16xi32>, vector<16xi32>, vector<16xi32>, vector<16xi32>, vector<16xi32>, vector<16xi32>, vector<16xi32>, vector<16xi32>, vector<16xi32>, vector<16xi32>, vector<16xi32>, vector<16xi32>, vector<16xi32>)  : i32 {
        %parallel_loop3A_670 = arith.constant 0 : i32
        %parallel_loop3A_671 = vector.broadcast %parallel_loop3A_670 : i32 to vector<16xi32>
        %parallel_loop3A_672 = arith.cmpi sge, %parallel_loop3A_669, %parallel_loop3A_671 : vector<16xi32>
        %parallel_loop3A_673 = arith.constant 128 : i32
        %parallel_loop3A_674 = vector.broadcast %parallel_loop3A_673 : i32 to vector<16xi32>
        %parallel_loop3A_675 = arith.cmpi slt, %parallel_loop3A_669, %parallel_loop3A_674 : vector<16xi32>
        %parallel_loop3A_676 = arith.andi %parallel_loop3A_672, %parallel_loop3A_675 : vector<16xi1>
        tpu.vector_store_idx %arg8[%broadcast_in_dim3A_514, %parallel_loop3A_661], %parallel_loop3A_645 masked %parallel_loop3A_676 : memref<128x128xf32, #tpu.memory_space<vmem>>[vector<16xi32>, vector<16xi32>], vector<16xf32>, vector<16xi1>
        %parallel_loop3A_677 = tpu.vector_load_idx %arg6[%broadcast_in_dim3A_514, %parallel_loop3A_653] masked %parallel_loop3A_676 : memref<128x128xf32, #tpu.memory_space<vmem>>[vector<16xi32>, vector<16xi32>], vector<16xf32>, vector<16xi1>
        %parallel_loop3A_678 = arith.constant 0.000000e+00 : f32
        %parallel_loop3A_679 = vector.broadcast %parallel_loop3A_678 : f32 to vector<16xf32>
        %parallel_loop3A_680 = arith.select %parallel_loop3A_676, %parallel_loop3A_677, %parallel_loop3A_679 : vector<16xi1>, vector<16xf32>
        %parallel_loop3A_681 = arith.addf %parallel_loop3A_645, %parallel_loop3A_680 : vector<16xf32>
        %parallel_loop3A_682 = arith.constant 1 : i32
        %parallel_loop3A_683 = vector.broadcast %parallel_loop3A_682 : i32 to vector<16xi32>
        %parallel_loop3A_684 = arith.addi %parallel_loop3A_653, %parallel_loop3A_683 : vector<16xi32>
        %parallel_loop3A_685 = arith.constant 128 : i32
        %parallel_loop3A_686 = vector.broadcast %parallel_loop3A_685 : i32 to vector<16xi32>
        %parallel_loop3A_687 = arith.addi %parallel_loop3A_661, %parallel_loop3A_686 : vector<16xi32>
        tpu.vector_store_idx %arg8[%broadcast_in_dim3A_514, %parallel_loop3A_662], %parallel_loop3A_646 masked %parallel_loop3A_676 : memref<128x128xf32, #tpu.memory_space<vmem>>[vector<16xi32>, vector<16xi32>], vector<16xf32>, vector<16xi1>
        %parallel_loop3A_688 = tpu.vector_load_idx %arg6[%broadcast_in_dim3A_514, %parallel_loop3A_654] masked %parallel_loop3A_676 : memref<128x128xf32, #tpu.memory_space<vmem>>[vector<16xi32>, vector<16xi32>], vector<16xf32>, vector<16xi1>
        %parallel_loop3A_689 = arith.constant 0.000000e+00 : f32
        %parallel_loop3A_690 = vector.broadcast %parallel_loop3A_689 : f32 to vector<16xf32>
        %parallel_loop3A_691 = arith.select %parallel_loop3A_676, %parallel_loop3A_688, %parallel_loop3A_690 : vector<16xi1>, vector<16xf32>
        %parallel_loop3A_692 = arith.addf %parallel_loop3A_646, %parallel_loop3A_691 : vector<16xf32>
        %parallel_loop3A_693 = arith.constant 1 : i32
        %parallel_loop3A_694 = vector.broadcast %parallel_loop3A_693 : i32 to vector<16xi32>
        %parallel_loop3A_695 = arith.addi %parallel_loop3A_654, %parallel_loop3A_694 : vector<16xi32>
        %parallel_loop3A_696 = arith.constant 128 : i32
        %parallel_loop3A_697 = vector.broadcast %parallel_loop3A_696 : i32 to vector<16xi32>
        %parallel_loop3A_698 = arith.addi %parallel_loop3A_662, %parallel_loop3A_697 : vector<16xi32>
        tpu.vector_store_idx %arg8[%broadcast_in_dim3A_514, %parallel_loop3A_663], %parallel_loop3A_647 masked %parallel_loop3A_676 : memref<128x128xf32, #tpu.memory_space<vmem>>[vector<16xi32>, vector<16xi32>], vector<16xf32>, vector<16xi1>
        %parallel_loop3A_699 = tpu.vector_load_idx %arg6[%broadcast_in_dim3A_514, %parallel_loop3A_655] masked %parallel_loop3A_676 : memref<128x128xf32, #tpu.memory_space<vmem>>[vector<16xi32>, vector<16xi32>], vector<16xf32>, vector<16xi1>
        %parallel_loop3A_700 = arith.constant 0.000000e+00 : f32
        %parallel_loop3A_701 = vector.broadcast %parallel_loop3A_700 : f32 to vector<16xf32>
        %parallel_loop3A_702 = arith.select %parallel_loop3A_676, %parallel_loop3A_699, %parallel_loop3A_701 : vector<16xi1>, vector<16xf32>
        %parallel_loop3A_703 = arith.addf %parallel_loop3A_647, %parallel_loop3A_702 : vector<16xf32>
        %parallel_loop3A_704 = arith.constant 1 : i32
        %parallel_loop3A_705 = vector.broadcast %parallel_loop3A_704 : i32 to vector<16xi32>
        %parallel_loop3A_706 = arith.addi %parallel_loop3A_655, %parallel_loop3A_705 : vector<16xi32>
        %parallel_loop3A_707 = arith.constant 128 : i32
        %parallel_loop3A_708 = vector.broadcast %parallel_loop3A_707 : i32 to vector<16xi32>
        %parallel_loop3A_709 = arith.addi %parallel_loop3A_663, %parallel_loop3A_708 : vector<16xi32>
        tpu.vector_store_idx %arg8[%broadcast_in_dim3A_514, %parallel_loop3A_664], %parallel_loop3A_648 masked %parallel_loop3A_676 : memref<128x128xf32, #tpu.memory_space<vmem>>[vector<16xi32>, vector<16xi32>], vector<16xf32>, vector<16xi1>
        %parallel_loop3A_710 = tpu.vector_load_idx %arg6[%broadcast_in_dim3A_514, %parallel_loop3A_656] masked %parallel_loop3A_676 : memref<128x128xf32, #tpu.memory_space<vmem>>[vector<16xi32>, vector<16xi32>], vector<16xf32>, vector<16xi1>
        %parallel_loop3A_711 = arith.constant 0.000000e+00 : f32
        %parallel_loop3A_712 = vector.broadcast %parallel_loop3A_711 : f32 to vector<16xf32>
        %parallel_loop3A_713 = arith.select %parallel_loop3A_676, %parallel_loop3A_710, %parallel_loop3A_712 : vector<16xi1>, vector<16xf32>
        %parallel_loop3A_714 = arith.addf %parallel_loop3A_648, %parallel_loop3A_713 : vector<16xf32>
        %parallel_loop3A_715 = arith.constant 1 : i32
        %parallel_loop3A_716 = vector.broadcast %parallel_loop3A_715 : i32 to vector<16xi32>
        %parallel_loop3A_717 = arith.addi %parallel_loop3A_656, %parallel_loop3A_716 : vector<16xi32>
        %parallel_loop3A_718 = arith.constant 128 : i32
        %parallel_loop3A_719 = vector.broadcast %parallel_loop3A_718 : i32 to vector<16xi32>
        %parallel_loop3A_720 = arith.addi %parallel_loop3A_664, %parallel_loop3A_719 : vector<16xi32>
        tpu.vector_store_idx %arg8[%broadcast_in_dim3A_514, %parallel_loop3A_665], %parallel_loop3A_649 masked %parallel_loop3A_676 : memref<128x128xf32, #tpu.memory_space<vmem>>[vector<16xi32>, vector<16xi32>], vector<16xf32>, vector<16xi1>
        %parallel_loop3A_721 = tpu.vector_load_idx %arg6[%broadcast_in_dim3A_514, %parallel_loop3A_657] masked %parallel_loop3A_676 : memref<128x128xf32, #tpu.memory_space<vmem>>[vector<16xi32>, vector<16xi32>], vector<16xf32>, vector<16xi1>
        %parallel_loop3A_722 = arith.constant 0.000000e+00 : f32
        %parallel_loop3A_723 = vector.broadcast %parallel_loop3A_722 : f32 to vector<16xf32>
        %parallel_loop3A_724 = arith.select %parallel_loop3A_676, %parallel_loop3A_721, %parallel_loop3A_723 : vector<16xi1>, vector<16xf32>
        %parallel_loop3A_725 = arith.addf %parallel_loop3A_649, %parallel_loop3A_724 : vector<16xf32>
        %parallel_loop3A_726 = arith.constant 1 : i32
        %parallel_loop3A_727 = vector.broadcast %parallel_loop3A_726 : i32 to vector<16xi32>
        %parallel_loop3A_728 = arith.addi %parallel_loop3A_657, %parallel_loop3A_727 : vector<16xi32>
        %parallel_loop3A_729 = arith.constant 128 : i32
        %parallel_loop3A_730 = vector.broadcast %parallel_loop3A_729 : i32 to vector<16xi32>
        %parallel_loop3A_731 = arith.addi %parallel_loop3A_665, %parallel_loop3A_730 : vector<16xi32>
        tpu.vector_store_idx %arg8[%broadcast_in_dim3A_514, %parallel_loop3A_666], %parallel_loop3A_650 masked %parallel_loop3A_676 : memref<128x128xf32, #tpu.memory_space<vmem>>[vector<16xi32>, vector<16xi32>], vector<16xf32>, vector<16xi1>
        %parallel_loop3A_732 = tpu.vector_load_idx %arg6[%broadcast_in_dim3A_514, %parallel_loop3A_658] masked %parallel_loop3A_676 : memref<128x128xf32, #tpu.memory_space<vmem>>[vector<16xi32>, vector<16xi32>], vector<16xf32>, vector<16xi1>
        %parallel_loop3A_733 = arith.constant 0.000000e+00 : f32
        %parallel_loop3A_734 = vector.broadcast %parallel_loop3A_733 : f32 to vector<16xf32>
        %parallel_loop3A_735 = arith.select %parallel_loop3A_676, %parallel_loop3A_732, %parallel_loop3A_734 : vector<16xi1>, vector<16xf32>
        %parallel_loop3A_736 = arith.addf %parallel_loop3A_650, %parallel_loop3A_735 : vector<16xf32>
        %parallel_loop3A_737 = arith.constant 1 : i32
        %parallel_loop3A_738 = vector.broadcast %parallel_loop3A_737 : i32 to vector<16xi32>
        %parallel_loop3A_739 = arith.addi %parallel_loop3A_658, %parallel_loop3A_738 : vector<16xi32>
        %parallel_loop3A_740 = arith.constant 128 : i32
        %parallel_loop3A_741 = vector.broadcast %parallel_loop3A_740 : i32 to vector<16xi32>
        %parallel_loop3A_742 = arith.addi %parallel_loop3A_666, %parallel_loop3A_741 : vector<16xi32>
        tpu.vector_store_idx %arg8[%broadcast_in_dim3A_514, %parallel_loop3A_667], %parallel_loop3A_651 masked %parallel_loop3A_676 : memref<128x128xf32, #tpu.memory_space<vmem>>[vector<16xi32>, vector<16xi32>], vector<16xf32>, vector<16xi1>
        %parallel_loop3A_743 = tpu.vector_load_idx %arg6[%broadcast_in_dim3A_514, %parallel_loop3A_659] masked %parallel_loop3A_676 : memref<128x128xf32, #tpu.memory_space<vmem>>[vector<16xi32>, vector<16xi32>], vector<16xf32>, vector<16xi1>
        %parallel_loop3A_744 = arith.constant 0.000000e+00 : f32
        %parallel_loop3A_745 = vector.broadcast %parallel_loop3A_744 : f32 to vector<16xf32>
        %parallel_loop3A_746 = arith.select %parallel_loop3A_676, %parallel_loop3A_743, %parallel_loop3A_745 : vector<16xi1>, vector<16xf32>
        %parallel_loop3A_747 = arith.addf %parallel_loop3A_651, %parallel_loop3A_746 : vector<16xf32>
        %parallel_loop3A_748 = arith.constant 1 : i32
        %parallel_loop3A_749 = vector.broadcast %parallel_loop3A_748 : i32 to vector<16xi32>
        %parallel_loop3A_750 = arith.addi %parallel_loop3A_659, %parallel_loop3A_749 : vector<16xi32>
        %parallel_loop3A_751 = arith.constant 128 : i32
        %parallel_loop3A_752 = vector.broadcast %parallel_loop3A_751 : i32 to vector<16xi32>
        %parallel_loop3A_753 = arith.addi %parallel_loop3A_667, %parallel_loop3A_752 : vector<16xi32>
        tpu.vector_store_idx %arg8[%broadcast_in_dim3A_514, %parallel_loop3A_668], %parallel_loop3A_652 masked %parallel_loop3A_676 : memref<128x128xf32, #tpu.memory_space<vmem>>[vector<16xi32>, vector<16xi32>], vector<16xf32>, vector<16xi1>
        %parallel_loop3A_754 = tpu.vector_load_idx %arg6[%broadcast_in_dim3A_514, %parallel_loop3A_660] masked %parallel_loop3A_676 : memref<128x128xf32, #tpu.memory_space<vmem>>[vector<16xi32>, vector<16xi32>], vector<16xf32>, vector<16xi1>
        %parallel_loop3A_755 = arith.constant 0.000000e+00 : f32
        %parallel_loop3A_756 = vector.broadcast %parallel_loop3A_755 : f32 to vector<16xf32>
        %parallel_loop3A_757 = arith.select %parallel_loop3A_676, %parallel_loop3A_754, %parallel_loop3A_756 : vector<16xi1>, vector<16xf32>
        %parallel_loop3A_758 = arith.addf %parallel_loop3A_652, %parallel_loop3A_757 : vector<16xf32>
        %parallel_loop3A_759 = arith.constant 1 : i32
        %parallel_loop3A_760 = vector.broadcast %parallel_loop3A_759 : i32 to vector<16xi32>
        %parallel_loop3A_761 = arith.addi %parallel_loop3A_660, %parallel_loop3A_760 : vector<16xi32>
        %parallel_loop3A_762 = arith.constant 128 : i32
        %parallel_loop3A_763 = vector.broadcast %parallel_loop3A_762 : i32 to vector<16xi32>
        %parallel_loop3A_764 = arith.addi %parallel_loop3A_668, %parallel_loop3A_763 : vector<16xi32>
        %parallel_loop3A_765 = arith.constant 1 : i32
        %parallel_loop3A_766 = vector.broadcast %parallel_loop3A_765 : i32 to vector<16xi32>
        %parallel_loop3A_767 = arith.addi %parallel_loop3A_669, %parallel_loop3A_766 : vector<16xi32>
        scf.yield %parallel_loop3A_681, %parallel_loop3A_692, %parallel_loop3A_703, %parallel_loop3A_714, %parallel_loop3A_725, %parallel_loop3A_736, %parallel_loop3A_747, %parallel_loop3A_758, %parallel_loop3A_684, %parallel_loop3A_695, %parallel_loop3A_706, %parallel_loop3A_717, %parallel_loop3A_728, %parallel_loop3A_739, %parallel_loop3A_750, %parallel_loop3A_761, %parallel_loop3A_687, %parallel_loop3A_698, %parallel_loop3A_709, %parallel_loop3A_720, %parallel_loop3A_731, %parallel_loop3A_742, %parallel_loop3A_753, %parallel_loop3A_764, %parallel_loop3A_767 : vector<16xf32>, vector<16xf32>, vector<16xf32>, vector<16xf32>, vector<16xf32>, vector<16xf32>, vector<16xf32>, vector<16xf32>, vector<16xi32>, vector<16xi32>, vector<16xi32>, vector<16xi32>, vector<16xi32>, vector<16xi32>, vector<16xi32>, vector<16xi32>, vector<16xi32>, vector<16xi32>, vector<16xi32>, vector<16xi32>, vector<16xi32>, vector<16xi32>, vector<16xi32>, vector<16xi32>, vector<16xi32>
      } {sc.loop_unroll_factor = 5 : i64, sc.parallel_access}
      %parallel_loop3A_586 = arith.constant 15 : i32
      %parallel_loop3A_587 = arith.constant 127 : i32
      %parallel_loop3A_588 = arith.constant 1 : i32
      %parallel_loop3A_589:25 = scf.for %parallel_loop3A_644 = %parallel_loop3A_586 to %parallel_loop3A_587 step %parallel_loop3A_588 iter_args(%parallel_loop3A_645 = %parallel_loop3A_585#0, %parallel_loop3A_646 = %parallel_loop3A_585#1, %parallel_loop3A_647 = %parallel_loop3A_585#2, %parallel_loop3A_648 = %parallel_loop3A_585#3, %parallel_loop3A_649 = %parallel_loop3A_585#4, %parallel_loop3A_650 = %parallel_loop3A_585#5, %parallel_loop3A_651 = %parallel_loop3A_585#6, %parallel_loop3A_652 = %parallel_loop3A_585#7, %parallel_loop3A_653 = %parallel_loop3A_585#8, %parallel_loop3A_654 = %parallel_loop3A_585#9, %parallel_loop3A_655 = %parallel_loop3A_585#10, %parallel_loop3A_656 = %parallel_loop3A_585#11, %parallel_loop3A_657 = %parallel_loop3A_585#12, %parallel_loop3A_658 = %parallel_loop3A_585#13, %parallel_loop3A_659 = %parallel_loop3A_585#14, %parallel_loop3A_660 = %parallel_loop3A_585#15, %parallel_loop3A_661 = %parallel_loop3A_585#16, %parallel_loop3A_662 = %parallel_loop3A_585#17, %parallel_loop3A_663 = %parallel_loop3A_585#18, %parallel_loop3A_664 = %parallel_loop3A_585#19, %parallel_loop3A_665 = %parallel_loop3A_585#20, %parallel_loop3A_666 = %parallel_loop3A_585#21, %parallel_loop3A_667 = %parallel_loop3A_585#22, %parallel_loop3A_668 = %parallel_loop3A_585#23, %parallel_loop3A_669 = %parallel_loop3A_585#24) -> (vector<16xf32>, vector<16xf32>, vector<16xf32>, vector<16xf32>, vector<16xf32>, vector<16xf32>, vector<16xf32>, vector<16xf32>, vector<16xi32>, vector<16xi32>, vector<16xi32>, vector<16xi32>, vector<16xi32>, vector<16xi32>, vector<16xi32>, vector<16xi32>, vector<16xi32>, vector<16xi32>, vector<16xi32>, vector<16xi32>, vector<16xi32>, vector<16xi32>, vector<16xi32>, vector<16xi32>, vector<16xi32>)  : i32 {
        tpu.vector_store_idx %arg8[%broadcast_in_dim3A_514, %parallel_loop3A_661], %parallel_loop3A_645 : memref<128x128xf32, #tpu.memory_space<vmem>>[vector<16xi32>, vector<16xi32>], vector<16xf32>,
        %parallel_loop3A_670 = tpu.vector_load_idx %arg6[%broadcast_in_dim3A_514, %parallel_loop3A_653] : memref<128x128xf32, #tpu.memory_space<vmem>>[vector<16xi32>, vector<16xi32>], vector<16xf32>,
        %parallel_loop3A_671 = arith.addf %parallel_loop3A_645, %parallel_loop3A_670 : vector<16xf32>
        %parallel_loop3A_672 = arith.constant 1 : i32
        %parallel_loop3A_673 = vector.broadcast %parallel_loop3A_672 : i32 to vector<16xi32>
        %parallel_loop3A_674 = arith.addi %parallel_loop3A_653, %parallel_loop3A_673 : vector<16xi32>
        %parallel_loop3A_675 = arith.constant 128 : i32
        %parallel_loop3A_676 = vector.broadcast %parallel_loop3A_675 : i32 to vector<16xi32>
        %parallel_loop3A_677 = arith.addi %parallel_loop3A_661, %parallel_loop3A_676 : vector<16xi32>
        tpu.vector_store_idx %arg8[%broadcast_in_dim3A_514, %parallel_loop3A_662], %parallel_loop3A_646 : memref<128x128xf32, #tpu.memory_space<vmem>>[vector<16xi32>, vector<16xi32>], vector<16xf32>,
        %parallel_loop3A_678 = tpu.vector_load_idx %arg6[%broadcast_in_dim3A_514, %parallel_loop3A_654] : memref<128x128xf32, #tpu.memory_space<vmem>>[vector<16xi32>, vector<16xi32>], vector<16xf32>,
        %parallel_loop3A_679 = arith.addf %parallel_loop3A_646, %parallel_loop3A_678 : vector<16xf32>
        %parallel_loop3A_680 = arith.constant 1 : i32
        %parallel_loop3A_681 = vector.broadcast %parallel_loop3A_680 : i32 to vector<16xi32>
        %parallel_loop3A_682 = arith.addi %parallel_loop3A_654, %parallel_loop3A_681 : vector<16xi32>
        %parallel_loop3A_683 = arith.constant 128 : i32
        %parallel_loop3A_684 = vector.broadcast %parallel_loop3A_683 : i32 to vector<16xi32>
        %parallel_loop3A_685 = arith.addi %parallel_loop3A_662, %parallel_loop3A_684 : vector<16xi32>
        tpu.vector_store_idx %arg8[%broadcast_in_dim3A_514, %parallel_loop3A_663], %parallel_loop3A_647 : memref<128x128xf32, #tpu.memory_space<vmem>>[vector<16xi32>, vector<16xi32>], vector<16xf32>,
        %parallel_loop3A_686 = tpu.vector_load_idx %arg6[%broadcast_in_dim3A_514, %parallel_loop3A_655] : memref<128x128xf32, #tpu.memory_space<vmem>>[vector<16xi32>, vector<16xi32>], vector<16xf32>,
        %parallel_loop3A_687 = arith.addf %parallel_loop3A_647, %parallel_loop3A_686 : vector<16xf32>
        %parallel_loop3A_688 = arith.constant 1 : i32
        %parallel_loop3A_689 = vector.broadcast %parallel_loop3A_688 : i32 to vector<16xi32>
        %parallel_loop3A_690 = arith.addi %parallel_loop3A_655, %parallel_loop3A_689 : vector<16xi32>
        %parallel_loop3A_691 = arith.constant 128 : i32
        %parallel_loop3A_692 = vector.broadcast %parallel_loop3A_691 : i32 to vector<16xi32>
        %parallel_loop3A_693 = arith.addi %parallel_loop3A_663, %parallel_loop3A_692 : vector<16xi32>
        tpu.vector_store_idx %arg8[%broadcast_in_dim3A_514, %parallel_loop3A_664], %parallel_loop3A_648 : memref<128x128xf32, #tpu.memory_space<vmem>>[vector<16xi32>, vector<16xi32>], vector<16xf32>,
        %parallel_loop3A_694 = tpu.vector_load_idx %arg6[%broadcast_in_dim3A_514, %parallel_loop3A_656] : memref<128x128xf32, #tpu.memory_space<vmem>>[vector<16xi32>, vector<16xi32>], vector<16xf32>,
        %parallel_loop3A_695 = arith.addf %parallel_loop3A_648, %parallel_loop3A_694 : vector<16xf32>
        %parallel_loop3A_696 = arith.constant 1 : i32
        %parallel_loop3A_697 = vector.broadcast %parallel_loop3A_696 : i32 to vector<16xi32>
        %parallel_loop3A_698 = arith.addi %parallel_loop3A_656, %parallel_loop3A_697 : vector<16xi32>
        %parallel_loop3A_699 = arith.constant 128 : i32
        %parallel_loop3A_700 = vector.broadcast %parallel_loop3A_699 : i32 to vector<16xi32>
        %parallel_loop3A_701 = arith.addi %parallel_loop3A_664, %parallel_loop3A_700 : vector<16xi32>
        tpu.vector_store_idx %arg8[%broadcast_in_dim3A_514, %parallel_loop3A_665], %parallel_loop3A_649 : memref<128x128xf32, #tpu.memory_space<vmem>>[vector<16xi32>, vector<16xi32>], vector<16xf32>,
        %parallel_loop3A_702 = tpu.vector_load_idx %arg6[%broadcast_in_dim3A_514, %parallel_loop3A_657] : memref<128x128xf32, #tpu.memory_space<vmem>>[vector<16xi32>, vector<16xi32>], vector<16xf32>,
        %parallel_loop3A_703 = arith.addf %parallel_loop3A_649, %parallel_loop3A_702 : vector<16xf32>
        %parallel_loop3A_704 = arith.constant 1 : i32
        %parallel_loop3A_705 = vector.broadcast %parallel_loop3A_704 : i32 to vector<16xi32>
        %parallel_loop3A_706 = arith.addi %parallel_loop3A_657, %parallel_loop3A_705 : vector<16xi32>
        %parallel_loop3A_707 = arith.constant 128 : i32
        %parallel_loop3A_708 = vector.broadcast %parallel_loop3A_707 : i32 to vector<16xi32>
        %parallel_loop3A_709 = arith.addi %parallel_loop3A_665, %parallel_loop3A_708 : vector<16xi32>
        tpu.vector_store_idx %arg8[%broadcast_in_dim3A_514, %parallel_loop3A_666], %parallel_loop3A_650 : memref<128x128xf32, #tpu.memory_space<vmem>>[vector<16xi32>, vector<16xi32>], vector<16xf32>,
        %parallel_loop3A_710 = tpu.vector_load_idx %arg6[%broadcast_in_dim3A_514, %parallel_loop3A_658] : memref<128x128xf32, #tpu.memory_space<vmem>>[vector<16xi32>, vector<16xi32>], vector<16xf32>,
        %parallel_loop3A_711 = arith.addf %parallel_loop3A_650, %parallel_loop3A_710 : vector<16xf32>
        %parallel_loop3A_712 = arith.constant 1 : i32
        %parallel_loop3A_713 = vector.broadcast %parallel_loop3A_712 : i32 to vector<16xi32>
        %parallel_loop3A_714 = arith.addi %parallel_loop3A_658, %parallel_loop3A_713 : vector<16xi32>
        %parallel_loop3A_715 = arith.constant 128 : i32
        %parallel_loop3A_716 = vector.broadcast %parallel_loop3A_715 : i32 to vector<16xi32>
        %parallel_loop3A_717 = arith.addi %parallel_loop3A_666, %parallel_loop3A_716 : vector<16xi32>
        tpu.vector_store_idx %arg8[%broadcast_in_dim3A_514, %parallel_loop3A_667], %parallel_loop3A_651 : memref<128x128xf32, #tpu.memory_space<vmem>>[vector<16xi32>, vector<16xi32>], vector<16xf32>,
        %parallel_loop3A_718 = tpu.vector_load_idx %arg6[%broadcast_in_dim3A_514, %parallel_loop3A_659] : memref<128x128xf32, #tpu.memory_space<vmem>>[vector<16xi32>, vector<16xi32>], vector<16xf32>,
        %parallel_loop3A_719 = arith.addf %parallel_loop3A_651, %parallel_loop3A_718 : vector<16xf32>
        %parallel_loop3A_720 = arith.constant 1 : i32
        %parallel_loop3A_721 = vector.broadcast %parallel_loop3A_720 : i32 to vector<16xi32>
        %parallel_loop3A_722 = arith.addi %parallel_loop3A_659, %parallel_loop3A_721 : vector<16xi32>
        %parallel_loop3A_723 = arith.constant 128 : i32
        %parallel_loop3A_724 = vector.broadcast %parallel_loop3A_723 : i32 to vector<16xi32>
        %parallel_loop3A_725 = arith.addi %parallel_loop3A_667, %parallel_loop3A_724 : vector<16xi32>
        tpu.vector_store_idx %arg8[%broadcast_in_dim3A_514, %parallel_loop3A_668], %parallel_loop3A_652 : memref<128x128xf32, #tpu.memory_space<vmem>>[vector<16xi32>, vector<16xi32>], vector<16xf32>,
        %parallel_loop3A_726 = tpu.vector_load_idx %arg6[%broadcast_in_dim3A_514, %parallel_loop3A_660] : memref<128x128xf32, #tpu.memory_space<vmem>>[vector<16xi32>, vector<16xi32>], vector<16xf32>,
        %parallel_loop3A_727 = arith.addf %parallel_loop3A_652, %parallel_loop3A_726 : vector<16xf32>
        %parallel_loop3A_728 = arith.constant 1 : i32
        %parallel_loop3A_729 = vector.broadcast %parallel_loop3A_728 : i32 to vector<16xi32>
        %parallel_loop3A_730 = arith.addi %parallel_loop3A_660, %parallel_loop3A_729 : vector<16xi32>
        %parallel_loop3A_731 = arith.constant 128 : i32
        %parallel_loop3A_732 = vector.broadcast %parallel_loop3A_731 : i32 to vector<16xi32>
        %parallel_loop3A_733 = arith.addi %parallel_loop3A_668, %parallel_loop3A_732 : vector<16xi32>
        %parallel_loop3A_734 = arith.constant 1 : i32
        %parallel_loop3A_735 = vector.broadcast %parallel_loop3A_734 : i32 to vector<16xi32>
        %parallel_loop3A_736 = arith.addi %parallel_loop3A_669, %parallel_loop3A_735 : vector<16xi32>
        scf.yield %parallel_loop3A_671, %parallel_loop3A_679, %parallel_loop3A_687, %parallel_loop3A_695, %parallel_loop3A_703, %parallel_loop3A_711, %parallel_loop3A_719, %parallel_loop3A_727, %parallel_loop3A_674, %parallel_loop3A_682, %parallel_loop3A_690, %parallel_loop3A_698, %parallel_loop3A_706, %parallel_loop3A_714, %parallel_loop3A_722, %parallel_loop3A_730, %parallel_loop3A_677, %parallel_loop3A_685, %parallel_loop3A_693, %parallel_loop3A_701, %parallel_loop3A_709, %parallel_loop3A_717, %parallel_loop3A_725, %parallel_loop3A_733, %parallel_loop3A_736 : vector<16xf32>, vector<16xf32>, vector<16xf32>, vector<16xf32>, vector<16xf32>, vector<16xf32>, vector<16xf32>, vector<16xf32>, vector<16xi32>, vector<16xi32>, vector<16xi32>, vector<16xi32>, vector<16xi32>, vector<16xi32>, vector<16xi32>, vector<16xi32>, vector<16xi32>, vector<16xi32>, vector<16xi32>, vector<16xi32>, vector<16xi32>, vector<16xi32>, vector<16xi32>, vector<16xi32>, vector<16xi32>
      } {sc.loop_unroll_factor = 4 : i64, sc.parallel_access}
      %parallel_loop3A_590 = arith.constant 127 : i32
      %parallel_loop3A_591 = arith.constant 143 : i32
      %parallel_loop3A_592 = arith.constant 1 : i32
      %parallel_loop3A_593:25 = scf.for %parallel_loop3A_644 = %parallel_loop3A_590 to %parallel_loop3A_591 step %parallel_loop3A_592 iter_args(%parallel_loop3A_645 = %parallel_loop3A_589#0, %parallel_loop3A_646 = %parallel_loop3A_589#1, %parallel_loop3A_647 = %parallel_loop3A_589#2, %parallel_loop3A_648 = %parallel_loop3A_589#3, %parallel_loop3A_649 = %parallel_loop3A_589#4, %parallel_loop3A_650 = %parallel_loop3A_589#5, %parallel_loop3A_651 = %parallel_loop3A_589#6, %parallel_loop3A_652 = %parallel_loop3A_589#7, %parallel_loop3A_653 = %parallel_loop3A_589#8, %parallel_loop3A_654 = %parallel_loop3A_589#9, %parallel_loop3A_655 = %parallel_loop3A_589#10, %parallel_loop3A_656 = %parallel_loop3A_589#11, %parallel_loop3A_657 = %parallel_loop3A_589#12, %parallel_loop3A_658 = %parallel_loop3A_589#13, %parallel_loop3A_659 = %parallel_loop3A_589#14, %parallel_loop3A_660 = %parallel_loop3A_589#15, %parallel_loop3A_661 = %parallel_loop3A_589#16, %parallel_loop3A_662 = %parallel_loop3A_589#17, %parallel_loop3A_663 = %parallel_loop3A_589#18, %parallel_loop3A_664 = %parallel_loop3A_589#19, %parallel_loop3A_665 = %parallel_loop3A_589#20, %parallel_loop3A_666 = %parallel_loop3A_589#21, %parallel_loop3A_667 = %parallel_loop3A_589#22, %parallel_loop3A_668 = %parallel_loop3A_589#23, %parallel_loop3A_669 = %parallel_loop3A_589#24) -> (vector<16xf32>, vector<16xf32>, vector<16xf32>, vector<16xf32>, vector<16xf32>, vector<16xf32>, vector<16xf32>, vector<16xf32>, vector<16xi32>, vector<16xi32>, vector<16xi32>, vector<16xi32>, vector<16xi32>, vector<16xi32>, vector<16xi32>, vector<16xi32>, vector<16xi32>, vector<16xi32>, vector<16xi32>, vector<16xi32>, vector<16xi32>, vector<16xi32>, vector<16xi32>, vector<16xi32>, vector<16xi32>)  : i32 {
        %parallel_loop3A_670 = arith.constant 0 : i32
        %parallel_loop3A_671 = vector.broadcast %parallel_loop3A_670 : i32 to vector<16xi32>
        %parallel_loop3A_672 = arith.cmpi sge, %parallel_loop3A_669, %parallel_loop3A_671 : vector<16xi32>
        %parallel_loop3A_673 = arith.constant 128 : i32
        %parallel_loop3A_674 = vector.broadcast %parallel_loop3A_673 : i32 to vector<16xi32>
        %parallel_loop3A_675 = arith.cmpi slt, %parallel_loop3A_669, %parallel_loop3A_674 : vector<16xi32>
        %parallel_loop3A_676 = arith.andi %parallel_loop3A_672, %parallel_loop3A_675 : vector<16xi1>
        tpu.vector_store_idx %arg8[%broadcast_in_dim3A_514, %parallel_loop3A_661], %parallel_loop3A_645 masked %parallel_loop3A_676 : memref<128x128xf32, #tpu.memory_space<vmem>>[vector<16xi32>, vector<16xi32>], vector<16xf32>, vector<16xi1>
        %parallel_loop3A_677 = tpu.vector_load_idx %arg6[%broadcast_in_dim3A_514, %parallel_loop3A_653] masked %parallel_loop3A_676 : memref<128x128xf32, #tpu.memory_space<vmem>>[vector<16xi32>, vector<16xi32>], vector<16xf32>, vector<16xi1>
        %parallel_loop3A_678 = arith.constant 0.000000e+00 : f32
        %parallel_loop3A_679 = vector.broadcast %parallel_loop3A_678 : f32 to vector<16xf32>
        %parallel_loop3A_680 = arith.select %parallel_loop3A_676, %parallel_loop3A_677, %parallel_loop3A_679 : vector<16xi1>, vector<16xf32>
        %parallel_loop3A_681 = arith.addf %parallel_loop3A_645, %parallel_loop3A_680 : vector<16xf32>
        %parallel_loop3A_682 = arith.constant 1 : i32
        %parallel_loop3A_683 = vector.broadcast %parallel_loop3A_682 : i32 to vector<16xi32>
        %parallel_loop3A_684 = arith.addi %parallel_loop3A_653, %parallel_loop3A_683 : vector<16xi32>
        %parallel_loop3A_685 = arith.constant 128 : i32
        %parallel_loop3A_686 = vector.broadcast %parallel_loop3A_685 : i32 to vector<16xi32>
        %parallel_loop3A_687 = arith.addi %parallel_loop3A_661, %parallel_loop3A_686 : vector<16xi32>
        tpu.vector_store_idx %arg8[%broadcast_in_dim3A_514, %parallel_loop3A_662], %parallel_loop3A_646 masked %parallel_loop3A_676 : memref<128x128xf32, #tpu.memory_space<vmem>>[vector<16xi32>, vector<16xi32>], vector<16xf32>, vector<16xi1>
        %parallel_loop3A_688 = tpu.vector_load_idx %arg6[%broadcast_in_dim3A_514, %parallel_loop3A_654] masked %parallel_loop3A_676 : memref<128x128xf32, #tpu.memory_space<vmem>>[vector<16xi32>, vector<16xi32>], vector<16xf32>, vector<16xi1>
        %parallel_loop3A_689 = arith.constant 0.000000e+00 : f32
        %parallel_loop3A_690 = vector.broadcast %parallel_loop3A_689 : f32 to vector<16xf32>
        %parallel_loop3A_691 = arith.select %parallel_loop3A_676, %parallel_loop3A_688, %parallel_loop3A_690 : vector<16xi1>, vector<16xf32>
        %parallel_loop3A_692 = arith.addf %parallel_loop3A_646, %parallel_loop3A_691 : vector<16xf32>
        %parallel_loop3A_693 = arith.constant 1 : i32
        %parallel_loop3A_694 = vector.broadcast %parallel_loop3A_693 : i32 to vector<16xi32>
        %parallel_loop3A_695 = arith.addi %parallel_loop3A_654, %parallel_loop3A_694 : vector<16xi32>
        %parallel_loop3A_696 = arith.constant 128 : i32
        %parallel_loop3A_697 = vector.broadcast %parallel_loop3A_696 : i32 to vector<16xi32>
        %parallel_loop3A_698 = arith.addi %parallel_loop3A_662, %parallel_loop3A_697 : vector<16xi32>
        tpu.vector_store_idx %arg8[%broadcast_in_dim3A_514, %parallel_loop3A_663], %parallel_loop3A_647 masked %parallel_loop3A_676 : memref<128x128xf32, #tpu.memory_space<vmem>>[vector<16xi32>, vector<16xi32>], vector<16xf32>, vector<16xi1>
        %parallel_loop3A_699 = tpu.vector_load_idx %arg6[%broadcast_in_dim3A_514, %parallel_loop3A_655] masked %parallel_loop3A_676 : memref<128x128xf32, #tpu.memory_space<vmem>>[vector<16xi32>, vector<16xi32>], vector<16xf32>, vector<16xi1>
        %parallel_loop3A_700 = arith.constant 0.000000e+00 : f32
        %parallel_loop3A_701 = vector.broadcast %parallel_loop3A_700 : f32 to vector<16xf32>
        %parallel_loop3A_702 = arith.select %parallel_loop3A_676, %parallel_loop3A_699, %parallel_loop3A_701 : vector<16xi1>, vector<16xf32>
        %parallel_loop3A_703 = arith.addf %parallel_loop3A_647, %parallel_loop3A_702 : vector<16xf32>
        %parallel_loop3A_704 = arith.constant 1 : i32
        %parallel_loop3A_705 = vector.broadcast %parallel_loop3A_704 : i32 to vector<16xi32>
        %parallel_loop3A_706 = arith.addi %parallel_loop3A_655, %parallel_loop3A_705 : vector<16xi32>
        %parallel_loop3A_707 = arith.constant 128 : i32
        %parallel_loop3A_708 = vector.broadcast %parallel_loop3A_707 : i32 to vector<16xi32>
        %parallel_loop3A_709 = arith.addi %parallel_loop3A_663, %parallel_loop3A_708 : vector<16xi32>
        tpu.vector_store_idx %arg8[%broadcast_in_dim3A_514, %parallel_loop3A_664], %parallel_loop3A_648 masked %parallel_loop3A_676 : memref<128x128xf32, #tpu.memory_space<vmem>>[vector<16xi32>, vector<16xi32>], vector<16xf32>, vector<16xi1>
        %parallel_loop3A_710 = tpu.vector_load_idx %arg6[%broadcast_in_dim3A_514, %parallel_loop3A_656] masked %parallel_loop3A_676 : memref<128x128xf32, #tpu.memory_space<vmem>>[vector<16xi32>, vector<16xi32>], vector<16xf32>, vector<16xi1>
        %parallel_loop3A_711 = arith.constant 0.000000e+00 : f32
        %parallel_loop3A_712 = vector.broadcast %parallel_loop3A_711 : f32 to vector<16xf32>
        %parallel_loop3A_713 = arith.select %parallel_loop3A_676, %parallel_loop3A_710, %parallel_loop3A_712 : vector<16xi1>, vector<16xf32>
        %parallel_loop3A_714 = arith.addf %parallel_loop3A_648, %parallel_loop3A_713 : vector<16xf32>
        %parallel_loop3A_715 = arith.constant 1 : i32
        %parallel_loop3A_716 = vector.broadcast %parallel_loop3A_715 : i32 to vector<16xi32>
        %parallel_loop3A_717 = arith.addi %parallel_loop3A_656, %parallel_loop3A_716 : vector<16xi32>
        %parallel_loop3A_718 = arith.constant 128 : i32
        %parallel_loop3A_719 = vector.broadcast %parallel_loop3A_718 : i32 to vector<16xi32>
        %parallel_loop3A_720 = arith.addi %parallel_loop3A_664, %parallel_loop3A_719 : vector<16xi32>
        tpu.vector_store_idx %arg8[%broadcast_in_dim3A_514, %parallel_loop3A_665], %parallel_loop3A_649 masked %parallel_loop3A_676 : memref<128x128xf32, #tpu.memory_space<vmem>>[vector<16xi32>, vector<16xi32>], vector<16xf32>, vector<16xi1>
        %parallel_loop3A_721 = tpu.vector_load_idx %arg6[%broadcast_in_dim3A_514, %parallel_loop3A_657] masked %parallel_loop3A_676 : memref<128x128xf32, #tpu.memory_space<vmem>>[vector<16xi32>, vector<16xi32>], vector<16xf32>, vector<16xi1>
        %parallel_loop3A_722 = arith.constant 0.000000e+00 : f32
        %parallel_loop3A_723 = vector.broadcast %parallel_loop3A_722 : f32 to vector<16xf32>
        %parallel_loop3A_724 = arith.select %parallel_loop3A_676, %parallel_loop3A_721, %parallel_loop3A_723 : vector<16xi1>, vector<16xf32>
        %parallel_loop3A_725 = arith.addf %parallel_loop3A_649, %parallel_loop3A_724 : vector<16xf32>
        %parallel_loop3A_726 = arith.constant 1 : i32
        %parallel_loop3A_727 = vector.broadcast %parallel_loop3A_726 : i32 to vector<16xi32>
        %parallel_loop3A_728 = arith.addi %parallel_loop3A_657, %parallel_loop3A_727 : vector<16xi32>
        %parallel_loop3A_729 = arith.constant 128 : i32
        %parallel_loop3A_730 = vector.broadcast %parallel_loop3A_729 : i32 to vector<16xi32>
        %parallel_loop3A_731 = arith.addi %parallel_loop3A_665, %parallel_loop3A_730 : vector<16xi32>
        tpu.vector_store_idx %arg8[%broadcast_in_dim3A_514, %parallel_loop3A_666], %parallel_loop3A_650 masked %parallel_loop3A_676 : memref<128x128xf32, #tpu.memory_space<vmem>>[vector<16xi32>, vector<16xi32>], vector<16xf32>, vector<16xi1>
        %parallel_loop3A_732 = tpu.vector_load_idx %arg6[%broadcast_in_dim3A_514, %parallel_loop3A_658] masked %parallel_loop3A_676 : memref<128x128xf32, #tpu.memory_space<vmem>>[vector<16xi32>, vector<16xi32>], vector<16xf32>, vector<16xi1>
        %parallel_loop3A_733 = arith.constant 0.000000e+00 : f32
        %parallel_loop3A_734 = vector.broadcast %parallel_loop3A_733 : f32 to vector<16xf32>
        %parallel_loop3A_735 = arith.select %parallel_loop3A_676, %parallel_loop3A_732, %parallel_loop3A_734 : vector<16xi1>, vector<16xf32>
        %parallel_loop3A_736 = arith.addf %parallel_loop3A_650, %parallel_loop3A_735 : vector<16xf32>
        %parallel_loop3A_737 = arith.constant 1 : i32
        %parallel_loop3A_738 = vector.broadcast %parallel_loop3A_737 : i32 to vector<16xi32>
        %parallel_loop3A_739 = arith.addi %parallel_loop3A_658, %parallel_loop3A_738 : vector<16xi32>
        %parallel_loop3A_740 = arith.constant 128 : i32
        %parallel_loop3A_741 = vector.broadcast %parallel_loop3A_740 : i32 to vector<16xi32>
        %parallel_loop3A_742 = arith.addi %parallel_loop3A_666, %parallel_loop3A_741 : vector<16xi32>
        tpu.vector_store_idx %arg8[%broadcast_in_dim3A_514, %parallel_loop3A_667], %parallel_loop3A_651 masked %parallel_loop3A_676 : memref<128x128xf32, #tpu.memory_space<vmem>>[vector<16xi32>, vector<16xi32>], vector<16xf32>, vector<16xi1>
        %parallel_loop3A_743 = tpu.vector_load_idx %arg6[%broadcast_in_dim3A_514, %parallel_loop3A_659] masked %parallel_loop3A_676 : memref<128x128xf32, #tpu.memory_space<vmem>>[vector<16xi32>, vector<16xi32>], vector<16xf32>, vector<16xi1>
        %parallel_loop3A_744 = arith.constant 0.000000e+00 : f32
        %parallel_loop3A_745 = vector.broadcast %parallel_loop3A_744 : f32 to vector<16xf32>
        %parallel_loop3A_746 = arith.select %parallel_loop3A_676, %parallel_loop3A_743, %parallel_loop3A_745 : vector<16xi1>, vector<16xf32>
        %parallel_loop3A_747 = arith.addf %parallel_loop3A_651, %parallel_loop3A_746 : vector<16xf32>
        %parallel_loop3A_748 = arith.constant 1 : i32
        %parallel_loop3A_749 = vector.broadcast %parallel_loop3A_748 : i32 to vector<16xi32>
        %parallel_loop3A_750 = arith.addi %parallel_loop3A_659, %parallel_loop3A_749 : vector<16xi32>
        %parallel_loop3A_751 = arith.constant 128 : i32
        %parallel_loop3A_752 = vector.broadcast %parallel_loop3A_751 : i32 to vector<16xi32>
        %parallel_loop3A_753 = arith.addi %parallel_loop3A_667, %parallel_loop3A_752 : vector<16xi32>
        tpu.vector_store_idx %arg8[%broadcast_in_dim3A_514, %parallel_loop3A_668], %parallel_loop3A_652 masked %parallel_loop3A_676 : memref<128x128xf32, #tpu.memory_space<vmem>>[vector<16xi32>, vector<16xi32>], vector<16xf32>, vector<16xi1>
        %parallel_loop3A_754 = tpu.vector_load_idx %arg6[%broadcast_in_dim3A_514, %parallel_loop3A_660] masked %parallel_loop3A_676 : memref<128x128xf32, #tpu.memory_space<vmem>>[vector<16xi32>, vector<16xi32>], vector<16xf32>, vector<16xi1>
        %parallel_loop3A_755 = arith.constant 0.000000e+00 : f32
        %parallel_loop3A_756 = vector.broadcast %parallel_loop3A_755 : f32 to vector<16xf32>
        %parallel_loop3A_757 = arith.select %parallel_loop3A_676, %parallel_loop3A_754, %parallel_loop3A_756 : vector<16xi1>, vector<16xf32>
        %parallel_loop3A_758 = arith.addf %parallel_loop3A_652, %parallel_loop3A_757 : vector<16xf32>
        %parallel_loop3A_759 = arith.constant 1 : i32
        %parallel_loop3A_760 = vector.broadcast %parallel_loop3A_759 : i32 to vector<16xi32>
        %parallel_loop3A_761 = arith.addi %parallel_loop3A_660, %parallel_loop3A_760 : vector<16xi32>
        %parallel_loop3A_762 = arith.constant 128 : i32
        %parallel_loop3A_763 = vector.broadcast %parallel_loop3A_762 : i32 to vector<16xi32>
        %parallel_loop3A_764 = arith.addi %parallel_loop3A_668, %parallel_loop3A_763 : vector<16xi32>
        %parallel_loop3A_765 = arith.constant 1 : i32
        %parallel_loop3A_766 = vector.broadcast %parallel_loop3A_765 : i32 to vector<16xi32>
        %parallel_loop3A_767 = arith.addi %parallel_loop3A_669, %parallel_loop3A_766 : vector<16xi32>
        scf.yield %parallel_loop3A_681, %parallel_loop3A_692, %parallel_loop3A_703, %parallel_loop3A_714, %parallel_loop3A_725, %parallel_loop3A_736, %parallel_loop3A_747, %parallel_loop3A_758, %parallel_loop3A_684, %parallel_loop3A_695, %parallel_loop3A_706, %parallel_loop3A_717, %parallel_loop3A_728, %parallel_loop3A_739, %parallel_loop3A_750, %parallel_loop3A_761, %parallel_loop3A_687, %parallel_loop3A_698, %parallel_loop3A_709, %parallel_loop3A_720, %parallel_loop3A_731, %parallel_loop3A_742, %parallel_loop3A_753, %parallel_loop3A_764, %parallel_loop3A_767 : vector<16xf32>, vector<16xf32>, vector<16xf32>, vector<16xf32>, vector<16xf32>, vector<16xf32>, vector<16xf32>, vector<16xf32>, vector<16xi32>, vector<16xi32>, vector<16xi32>, vector<16xi32>, vector<16xi32>, vector<16xi32>, vector<16xi32>, vector<16xi32>, vector<16xi32>, vector<16xi32>, vector<16xi32>, vector<16xi32>, vector<16xi32>, vector<16xi32>, vector<16xi32>, vector<16xi32>, vector<16xi32>
      } {sc.loop_unroll_factor = 5 : i64, sc.parallel_access}
      %mul3A_594 = arith.constant 128 : i32
      %mul3A_595 = arith.muli %select_n3A_436, %mul3A_594 : i32
      %add3A_596 = arith.constant 0 : i32
      %add3A_597 = arith.addi %mul3A_595, %add3A_596 : i32
      %swap3A_598 = arith.index_cast %add3A_597 : i32 to index
      %swap3A_599 = tpu.vector_load %arg9[%swap3A_598] {strides = array<i32>} : memref<2048xf32, #tpu.memory_space<vmem>>, vector<16xf32>,
      tpu.vector_store %arg9[%swap3A_598], %parallel_loop3A_593#0 {strides = array<i32>} : memref<2048xf32, #tpu.memory_space<vmem>>, vector<16xf32>,
      %mul3A_600 = arith.constant 128 : i32
      %mul3A_601 = arith.muli %select_n3A_436, %mul3A_600 : i32
      %add3A_602 = arith.constant 16 : i32
      %add3A_603 = arith.addi %mul3A_601, %add3A_602 : i32
      %swap3A_604 = arith.index_cast %add3A_603 : i32 to index
      %swap3A_605 = tpu.vector_load %arg9[%swap3A_604] {strides = array<i32>} : memref<2048xf32, #tpu.memory_space<vmem>>, vector<16xf32>,
      tpu.vector_store %arg9[%swap3A_604], %parallel_loop3A_593#1 {strides = array<i32>} : memref<2048xf32, #tpu.memory_space<vmem>>, vector<16xf32>,
      %mul3A_606 = arith.constant 128 : i32
      %mul3A_607 = arith.muli %select_n3A_436, %mul3A_606 : i32
      %add3A_608 = arith.constant 32 : i32
      %add3A_609 = arith.addi %mul3A_607, %add3A_608 : i32
      %swap3A_610 = arith.index_cast %add3A_609 : i32 to index
      %swap3A_611 = tpu.vector_load %arg9[%swap3A_610] {strides = array<i32>} : memref<2048xf32, #tpu.memory_space<vmem>>, vector<16xf32>,
      tpu.vector_store %arg9[%swap3A_610], %parallel_loop3A_593#2 {strides = array<i32>} : memref<2048xf32, #tpu.memory_space<vmem>>, vector<16xf32>,
      %mul3A_612 = arith.constant 128 : i32
      %mul3A_613 = arith.muli %select_n3A_436, %mul3A_612 : i32
      %add3A_614 = arith.constant 48 : i32
      %add3A_615 = arith.addi %mul3A_613, %add3A_614 : i32
      %swap3A_616 = arith.index_cast %add3A_615 : i32 to index
      %swap3A_617 = tpu.vector_load %arg9[%swap3A_616] {strides = array<i32>} : memref<2048xf32, #tpu.memory_space<vmem>>, vector<16xf32>,
      tpu.vector_store %arg9[%swap3A_616], %parallel_loop3A_593#3 {strides = array<i32>} : memref<2048xf32, #tpu.memory_space<vmem>>, vector<16xf32>,
      %mul3A_618 = arith.constant 128 : i32
      %mul3A_619 = arith.muli %select_n3A_436, %mul3A_618 : i32
      %add3A_620 = arith.constant 64 : i32
      %add3A_621 = arith.addi %mul3A_619, %add3A_620 : i32
      %swap3A_622 = arith.index_cast %add3A_621 : i32 to index
      %swap3A_623 = tpu.vector_load %arg9[%swap3A_622] {strides = array<i32>} : memref<2048xf32, #tpu.memory_space<vmem>>, vector<16xf32>,
      tpu.vector_store %arg9[%swap3A_622], %parallel_loop3A_593#4 {strides = array<i32>} : memref<2048xf32, #tpu.memory_space<vmem>>, vector<16xf32>,
      %mul3A_624 = arith.constant 128 : i32
      %mul3A_625 = arith.muli %select_n3A_436, %mul3A_624 : i32
      %add3A_626 = arith.constant 80 : i32
      %add3A_627 = arith.addi %mul3A_625, %add3A_626 : i32
      %swap3A_628 = arith.index_cast %add3A_627 : i32 to index
      %swap3A_629 = tpu.vector_load %arg9[%swap3A_628] {strides = array<i32>} : memref<2048xf32, #tpu.memory_space<vmem>>, vector<16xf32>,
      tpu.vector_store %arg9[%swap3A_628], %parallel_loop3A_593#5 {strides = array<i32>} : memref<2048xf32, #tpu.memory_space<vmem>>, vector<16xf32>,
      %mul3A_630 = arith.constant 128 : i32
      %mul3A_631 = arith.muli %select_n3A_436, %mul3A_630 : i32
      %add3A_632 = arith.constant 96 : i32
      %add3A_633 = arith.addi %mul3A_631, %add3A_632 : i32
      %swap3A_634 = arith.index_cast %add3A_633 : i32 to index
      %swap3A_635 = tpu.vector_load %arg9[%swap3A_634] {strides = array<i32>} : memref<2048xf32, #tpu.memory_space<vmem>>, vector<16xf32>,
      tpu.vector_store %arg9[%swap3A_634], %parallel_loop3A_593#6 {strides = array<i32>} : memref<2048xf32, #tpu.memory_space<vmem>>, vector<16xf32>,
      %mul3A_636 = arith.constant 128 : i32
      %mul3A_637 = arith.muli %select_n3A_436, %mul3A_636 : i32
      %add3A_638 = arith.constant 112 : i32
      %add3A_639 = arith.addi %mul3A_637, %add3A_638 : i32
      %swap3A_640 = arith.index_cast %add3A_639 : i32 to index
      %swap3A_641 = tpu.vector_load %arg9[%swap3A_640] {strides = array<i32>} : memref<2048xf32, #tpu.memory_space<vmem>>, vector<16xf32>,
      tpu.vector_store %arg9[%swap3A_640], %parallel_loop3A_593#7 {strides = array<i32>} : memref<2048xf32, #tpu.memory_space<vmem>>, vector<16xf32>,
      %dma_start3A_642 = tpu.memref_slice %arg3[%mul3A_399, %add3A_397] : memref<1025x65535xf32, #tpu.memory_space<hbm>> -> memref<128x128xf32, #tpu.memory_space<hbm>>
      %dma_start3A_643 = tpu.memref_slice %arg3[%mul3A_399, %add3A_397] : memref<1025x65535xf32, #tpu.memory_space<hbm>> -> memref<128x128xf32, #tpu.memory_space<hbm>>
      tpu.enqueue_dma source(%arg8 : memref<128x128xf32, #tpu.memory_space<vmem>>) target(%dma_start3A_643 : memref<128x128xf32, #tpu.memory_space<hbm>>) target_semaphore(%arg13 : memref<!tpu.dma_semaphore, #tpu.memory_space<semaphore_mem>>)
    }
    %while3A_75 = arith.constant 1 : i32
    scf.for %while3A_91 = %while3A_73 to %while3A_69 step %while3A_75  : i32 {
      %mul3A_92 = arith.muli %while3A_91, %while3A : i32
      %add3A_93 = arith.addi %while3A_66, %mul3A_92 : i32
      %mul3A_94 = arith.constant 2 : i32
      %mul3A_95 = arith.muli %mul3A_94, %add3A_93 : i32
      %jit3A_96 = arith.constant 8 : i32
      %div3A_97 = arith.divsi %mul3A_95, %jit3A_96 : i32
      %sign3A_98 = arith.constant 0 : i32
      %sign3A_99 = arith.cmpi sgt, %mul3A_95, %sign3A_98 : i32
      %sign3A_100 = arith.extui %sign3A_99 : i1 to i32
      %sign3A_101 = arith.constant 0 : i32
      %sign3A_102 = arith.cmpi slt, %mul3A_95, %sign3A_101 : i32
      %sign3A_103 = arith.extui %sign3A_102 : i1 to i32
      %sign3A_104 = arith.subi %sign3A_100, %sign3A_103 : i32
      %sign3A_105 = arith.constant 0 : i32
      %sign3A_106 = arith.cmpi sgt, %jit3A_96, %sign3A_105 : i32
      %sign3A_107 = arith.extui %sign3A_106 : i1 to i32
      %sign3A_108 = arith.constant 0 : i32
      %sign3A_109 = arith.cmpi slt, %jit3A_96, %sign3A_108 : i32
      %sign3A_110 = arith.extui %sign3A_109 : i1 to i32
      %sign3A_111 = arith.subi %sign3A_107, %sign3A_110 : i32
      %ne3A_112 = arith.cmpi ne, %sign3A_104, %sign3A_111 : i32
      %rem3A_113 = arith.remsi %mul3A_95, %jit3A_96 : i32
      %ne3A_114 = arith.constant 0 : i32
      %ne3A_115 = arith.cmpi ne, %rem3A_113, %ne3A_114 : i32
      %and3A_116 = arith.andi %ne3A_112, %ne3A_115 : i1
      %sub3A_117 = arith.constant 1 : i32
      %sub3A_118 = arith.subi %div3A_97, %sub3A_117 : i32
      %select_n3A_119 = arith.select %and3A_116, %sub3A_118, %div3A_97 : i32
      %rem3A_120 = arith.constant 8 : i32
      %rem3A_121 = arith.remsi %mul3A_95, %rem3A_120 : i32
      %mul3A_122 = arith.constant 128 : i32
      %mul3A_123 = arith.muli %select_n3A_119, %mul3A_122 : i32
      %add3A_124 = arith.addi %mul3A_2, %mul3A_123 : i32
      %mul3A_125 = arith.constant 128 : i32
      %mul3A_126 = arith.muli %rem3A_121, %mul3A_125 : i32
      %add3A_127 = arith.constant 1 : i32
      %add3A_128 = arith.addi %mul3A_95, %add3A_127 : i32
      %lt3A = arith.cmpi slt, %add3A_128, %mul3A_31 : i32
      %convert_element_type3A_129 = arith.extui %lt3A : i1 to i32
      %cond3A_130 = arith.constant 0 : i32
      %cond3A_131 = arith.cmpi ne, %convert_element_type3A_129, %cond3A_130 : i32
      scf.if %cond3A_131 {
        %add3A_644 = arith.constant 1 : i32
        %add3A_645 = arith.addi %mul3A_95, %add3A_644 : i32
        %jit3A_646 = arith.constant 8 : i32
        %div3A_647 = arith.divsi %add3A_645, %jit3A_646 : i32
        %sign3A_648 = arith.constant 0 : i32
        %sign3A_649 = arith.cmpi sgt, %add3A_645, %sign3A_648 : i32
        %sign3A_650 = arith.extui %sign3A_649 : i1 to i32
        %sign3A_651 = arith.constant 0 : i32
        %sign3A_652 = arith.cmpi slt, %add3A_645, %sign3A_651 : i32
        %sign3A_653 = arith.extui %sign3A_652 : i1 to i32
        %sign3A_654 = arith.subi %sign3A_650, %sign3A_653 : i32
        %sign3A_655 = arith.constant 0 : i32
        %sign3A_656 = arith.cmpi sgt, %jit3A_646, %sign3A_655 : i32
        %sign3A_657 = arith.extui %sign3A_656 : i1 to i32
        %sign3A_658 = arith.constant 0 : i32
        %sign3A_659 = arith.cmpi slt, %jit3A_646, %sign3A_658 : i32
        %sign3A_660 = arith.extui %sign3A_659 : i1 to i32
        %sign3A_661 = arith.subi %sign3A_657, %sign3A_660 : i32
        %ne3A_662 = arith.cmpi ne, %sign3A_654, %sign3A_661 : i32
        %rem3A_663 = arith.remsi %add3A_645, %jit3A_646 : i32
        %ne3A_664 = arith.constant 0 : i32
        %ne3A_665 = arith.cmpi ne, %rem3A_663, %ne3A_664 : i32
        %and3A_666 = arith.andi %ne3A_662, %ne3A_665 : i1
        %sub3A_667 = arith.constant 1 : i32
        %sub3A_668 = arith.subi %div3A_647, %sub3A_667 : i32
        %select_n3A_669 = arith.select %and3A_666, %sub3A_668, %div3A_647 : i32
        %rem3A_670 = arith.constant 8 : i32
        %rem3A_671 = arith.remsi %add3A_645, %rem3A_670 : i32
        %mul3A_672 = arith.constant 128 : i32
        %mul3A_673 = arith.muli %select_n3A_669, %mul3A_672 : i32
        %add3A_674 = arith.addi %mul3A_2, %mul3A_673 : i32
        %mul3A_675 = arith.constant 128 : i32
        %mul3A_676 = arith.muli %rem3A_671, %mul3A_675 : i32
        %dma_start3A_677 = tpu.memref_slice %arg2[%add3A_674, %mul3A_676] : memref<65536x1024xf32, #tpu.memory_space<hbm>> -> memref<128x128xf32, #tpu.memory_space<hbm>>
        %dma_start3A_678 = tpu.memref_slice %arg2[%add3A_674, %mul3A_676] : memref<65536x1024xf32, #tpu.memory_space<hbm>> -> memref<128x128xf32, #tpu.memory_space<hbm>>
        tpu.enqueue_dma source(%dma_start3A_678 : memref<128x128xf32, #tpu.memory_space<hbm>>) target(%arg6 : memref<128x128xf32, #tpu.memory_space<vmem>>) target_semaphore(%arg11 : memref<!tpu.dma_semaphore, #tpu.memory_space<semaphore_mem>>)
      } else {
      }
      %dma_wait3A_132 = tpu.memref_slice %arg2[%add3A_124, %mul3A_126] : memref<65536x1024xf32, #tpu.memory_space<hbm>> -> memref<128x128xf32, #tpu.memory_space<hbm>>
      %dma_wait3A_133 = tpu.memref_slice %arg2[%add3A_124, %mul3A_126] : memref<65536x1024xf32, #tpu.memory_space<hbm>> -> memref<128x128xf32, #tpu.memory_space<hbm>>
      tpu.wait_dma2 semaphore(%arg10 : memref<!tpu.dma_semaphore, #tpu.memory_space<semaphore_mem>>) src(%dma_wait3A_133 : memref<128x128xf32, #tpu.memory_space<hbm>>) dst(%arg5 : memref<128x128xf32, #tpu.memory_space<vmem>>)
      %ge3A = arith.constant 1 : i32
      %ge3A_134 = arith.cmpi sge, %add3A_93, %ge3A : i32
      %convert_element_type3A_135 = arith.extui %ge3A_134 : i1 to i32
      %cond3A_136 = arith.constant 0 : i32
      %cond3A_137 = arith.cmpi ne, %convert_element_type3A_135, %cond3A_136 : i32
      scf.if %cond3A_137 {
        %dma_wait3A_644 = tpu.memref_slice %arg3[%mul3A_126, %add3A_124] : memref<1025x65535xf32, #tpu.memory_space<hbm>> -> memref<128x128xf32, #tpu.memory_space<hbm>>
        %dma_wait3A_645 = tpu.memref_slice %arg3[%mul3A_126, %add3A_124] : memref<1025x65535xf32, #tpu.memory_space<hbm>> -> memref<128x128xf32, #tpu.memory_space<hbm>>
        tpu.wait_dma2 semaphore(%arg12 : memref<!tpu.dma_semaphore, #tpu.memory_space<semaphore_mem>>) src(%arg7 : memref<128x128xf32, #tpu.memory_space<vmem>>) dst(%dma_wait3A_645 : memref<128x128xf32, #tpu.memory_space<hbm>>)
      } else {
      }
      %jit3A_138 = arith.constant 8 : i32
      %div3A_139 = arith.divsi %mul3A_95, %jit3A_138 : i32
      %sign3A_140 = arith.constant 0 : i32
      %sign3A_141 = arith.cmpi sgt, %mul3A_95, %sign3A_140 : i32
      %sign3A_142 = arith.extui %sign3A_141 : i1 to i32
      %sign3A_143 = arith.constant 0 : i32
      %sign3A_144 = arith.cmpi slt, %mul3A_95, %sign3A_143 : i32
      %sign3A_145 = arith.extui %sign3A_144 : i1 to i32
      %sign3A_146 = arith.subi %sign3A_142, %sign3A_145 : i32
      %sign3A_147 = arith.constant 0 : i32
      %sign3A_148 = arith.cmpi sgt, %jit3A_138, %sign3A_147 : i32
      %sign3A_149 = arith.extui %sign3A_148 : i1 to i32
      %sign3A_150 = arith.constant 0 : i32
      %sign3A_151 = arith.cmpi slt, %jit3A_138, %sign3A_150 : i32
      %sign3A_152 = arith.extui %sign3A_151 : i1 to i32
      %sign3A_153 = arith.subi %sign3A_149, %sign3A_152 : i32
      %ne3A_154 = arith.cmpi ne, %sign3A_146, %sign3A_153 : i32
      %rem3A_155 = arith.remsi %mul3A_95, %jit3A_138 : i32
      %ne3A_156 = arith.constant 0 : i32
      %ne3A_157 = arith.cmpi ne, %rem3A_155, %ne3A_156 : i32
      %and3A_158 = arith.andi %ne3A_154, %ne3A_157 : i1
      %sub3A_159 = arith.constant 1 : i32
      %sub3A_160 = arith.subi %div3A_139, %sub3A_159 : i32
      %select_n3A_161 = arith.select %and3A_158, %sub3A_160, %div3A_139 : i32
      %rem3A_162 = arith.constant 8 : i32
      %rem3A_163 = arith.remsi %mul3A_95, %rem3A_162 : i32
      %mul3A_164 = arith.constant 128 : i32
      %mul3A_165 = arith.muli %select_n3A_161, %mul3A_164 : i32
      %add3A_166 = arith.addi %mul3A_2, %mul3A_165 : i32
      %mul3A_167 = arith.constant 128 : i32
      %mul3A_168 = arith.muli %rem3A_163, %mul3A_167 : i32
      %eq3A_169 = arith.constant 0 : i32
      %eq3A_170 = arith.cmpi eq, %rem3A_163, %eq3A_169 : i32
      %jit3A_171 = arith.constant 0.000000e+00 : f32
      %jit3A_172 = arith.constant 1.000000e+00 : f32
      %select_n3A_173 = arith.select %eq3A_170, %jit3A_171, %jit3A_172 : f32
      %mul3A_174 = arith.constant 128 : i32
      %mul3A_175 = arith.muli %select_n3A_161, %mul3A_174 : i32
      %add3A_176 = arith.constant 0 : i32
      %add3A_177 = arith.addi %mul3A_175, %add3A_176 : i32
      %get3A = arith.index_cast %add3A_177 : i32 to index
      %get3A_178 = tpu.vector_load %arg9[%get3A] {strides = array<i32>} : memref<2048xf32, #tpu.memory_space<vmem>>, vector<16xf32>,
      %mul3A_179 = vector.broadcast %select_n3A_173 : f32 to vector<16xf32>
      %mul3A_180 = arith.mulf %get3A_178, %mul3A_179 : vector<16xf32>
      %mul3A_181 = arith.constant 128 : i32
      %mul3A_182 = arith.muli %select_n3A_161, %mul3A_181 : i32
      %add3A_183 = arith.constant 16 : i32
      %add3A_184 = arith.addi %mul3A_182, %add3A_183 : i32
      %get3A_185 = arith.index_cast %add3A_184 : i32 to index
      %get3A_186 = tpu.vector_load %arg9[%get3A_185] {strides = array<i32>} : memref<2048xf32, #tpu.memory_space<vmem>>, vector<16xf32>,
      %mul3A_187 = vector.broadcast %select_n3A_173 : f32 to vector<16xf32>
      %mul3A_188 = arith.mulf %get3A_186, %mul3A_187 : vector<16xf32>
      %mul3A_189 = arith.constant 128 : i32
      %mul3A_190 = arith.muli %select_n3A_161, %mul3A_189 : i32
      %add3A_191 = arith.constant 32 : i32
      %add3A_192 = arith.addi %mul3A_190, %add3A_191 : i32
      %get3A_193 = arith.index_cast %add3A_192 : i32 to index
      %get3A_194 = tpu.vector_load %arg9[%get3A_193] {strides = array<i32>} : memref<2048xf32, #tpu.memory_space<vmem>>, vector<16xf32>,
      %mul3A_195 = vector.broadcast %select_n3A_173 : f32 to vector<16xf32>
      %mul3A_196 = arith.mulf %get3A_194, %mul3A_195 : vector<16xf32>
      %mul3A_197 = arith.constant 128 : i32
      %mul3A_198 = arith.muli %select_n3A_161, %mul3A_197 : i32
      %add3A_199 = arith.constant 48 : i32
      %add3A_200 = arith.addi %mul3A_198, %add3A_199 : i32
      %get3A_201 = arith.index_cast %add3A_200 : i32 to index
      %get3A_202 = tpu.vector_load %arg9[%get3A_201] {strides = array<i32>} : memref<2048xf32, #tpu.memory_space<vmem>>, vector<16xf32>,
      %mul3A_203 = vector.broadcast %select_n3A_173 : f32 to vector<16xf32>
      %mul3A_204 = arith.mulf %get3A_202, %mul3A_203 : vector<16xf32>
      %mul3A_205 = arith.constant 128 : i32
      %mul3A_206 = arith.muli %select_n3A_161, %mul3A_205 : i32
      %add3A_207 = arith.constant 64 : i32
      %add3A_208 = arith.addi %mul3A_206, %add3A_207 : i32
      %get3A_209 = arith.index_cast %add3A_208 : i32 to index
      %get3A_210 = tpu.vector_load %arg9[%get3A_209] {strides = array<i32>} : memref<2048xf32, #tpu.memory_space<vmem>>, vector<16xf32>,
      %mul3A_211 = vector.broadcast %select_n3A_173 : f32 to vector<16xf32>
      %mul3A_212 = arith.mulf %get3A_210, %mul3A_211 : vector<16xf32>
      %mul3A_213 = arith.constant 128 : i32
      %mul3A_214 = arith.muli %select_n3A_161, %mul3A_213 : i32
      %add3A_215 = arith.constant 80 : i32
      %add3A_216 = arith.addi %mul3A_214, %add3A_215 : i32
      %get3A_217 = arith.index_cast %add3A_216 : i32 to index
      %get3A_218 = tpu.vector_load %arg9[%get3A_217] {strides = array<i32>} : memref<2048xf32, #tpu.memory_space<vmem>>, vector<16xf32>,
      %mul3A_219 = vector.broadcast %select_n3A_173 : f32 to vector<16xf32>
      %mul3A_220 = arith.mulf %get3A_218, %mul3A_219 : vector<16xf32>
      %mul3A_221 = arith.constant 128 : i32
      %mul3A_222 = arith.muli %select_n3A_161, %mul3A_221 : i32
      %add3A_223 = arith.constant 96 : i32
      %add3A_224 = arith.addi %mul3A_222, %add3A_223 : i32
      %get3A_225 = arith.index_cast %add3A_224 : i32 to index
      %get3A_226 = tpu.vector_load %arg9[%get3A_225] {strides = array<i32>} : memref<2048xf32, #tpu.memory_space<vmem>>, vector<16xf32>,
      %mul3A_227 = vector.broadcast %select_n3A_173 : f32 to vector<16xf32>
      %mul3A_228 = arith.mulf %get3A_226, %mul3A_227 : vector<16xf32>
      %mul3A_229 = arith.constant 128 : i32
      %mul3A_230 = arith.muli %select_n3A_161, %mul3A_229 : i32
      %add3A_231 = arith.constant 112 : i32
      %add3A_232 = arith.addi %mul3A_230, %add3A_231 : i32
      %get3A_233 = arith.index_cast %add3A_232 : i32 to index
      %get3A_234 = tpu.vector_load %arg9[%get3A_233] {strides = array<i32>} : memref<2048xf32, #tpu.memory_space<vmem>>, vector<16xf32>,
      %mul3A_235 = vector.broadcast %select_n3A_173 : f32 to vector<16xf32>
      %mul3A_236 = arith.mulf %get3A_234, %mul3A_235 : vector<16xf32>
      %broadcast_in_dim3A_237 = arith.constant 0 : i32
      %broadcast_in_dim3A_238 = vector.broadcast %broadcast_in_dim3A_237 : i32 to vector<16xi32>
      %mul3A_239 = arith.constant 128 : i32
      %mul3A_240 = vector.broadcast %mul3A_239 : i32 to vector<16xi32>
      %mul3A_241 = arith.muli %mul3A_240, %add3A_5 : vector<16xi32>
      %sub3A_242 = arith.subi %mul3A_241, %iota3A : vector<16xi32>
      %mul3A_243 = arith.constant 128 : i32
      %mul3A_244 = vector.broadcast %mul3A_243 : i32 to vector<16xi32>
      %mul3A_245 = arith.muli %mul3A_244, %add3A_8 : vector<16xi32>
      %sub3A_246 = arith.subi %mul3A_245, %iota3A : vector<16xi32>
      %mul3A_247 = arith.constant 128 : i32
      %mul3A_248 = vector.broadcast %mul3A_247 : i32 to vector<16xi32>
      %mul3A_249 = arith.muli %mul3A_248, %add3A_11 : vector<16xi32>
      %sub3A_250 = arith.subi %mul3A_249, %iota3A : vector<16xi32>
      %mul3A_251 = arith.constant 128 : i32
      %mul3A_252 = vector.broadcast %mul3A_251 : i32 to vector<16xi32>
      %mul3A_253 = arith.muli %mul3A_252, %add3A_14 : vector<16xi32>
      %sub3A_254 = arith.subi %mul3A_253, %iota3A : vector<16xi32>
      %mul3A_255 = arith.constant 128 : i32
      %mul3A_256 = vector.broadcast %mul3A_255 : i32 to vector<16xi32>
      %mul3A_257 = arith.muli %mul3A_256, %add3A_17 : vector<16xi32>
      %sub3A_258 = arith.subi %mul3A_257, %iota3A : vector<16xi32>
      %mul3A_259 = arith.constant 128 : i32
      %mul3A_260 = vector.broadcast %mul3A_259 : i32 to vector<16xi32>
      %mul3A_261 = arith.muli %mul3A_260, %add3A_20 : vector<16xi32>
      %sub3A_262 = arith.subi %mul3A_261, %iota3A : vector<16xi32>
      %mul3A_263 = arith.constant 128 : i32
      %mul3A_264 = vector.broadcast %mul3A_263 : i32 to vector<16xi32>
      %mul3A_265 = arith.muli %mul3A_264, %add3A_23 : vector<16xi32>
      %sub3A_266 = arith.subi %mul3A_265, %iota3A : vector<16xi32>
      %mul3A_267 = arith.constant 128 : i32
      %mul3A_268 = vector.broadcast %mul3A_267 : i32 to vector<16xi32>
      %mul3A_269 = arith.muli %mul3A_268, %add3A_26 : vector<16xi32>
      %sub3A_270 = arith.subi %mul3A_269, %iota3A : vector<16xi32>
      %mul3A_271 = arith.constant 128 : i32
      %mul3A_272 = vector.broadcast %mul3A_271 : i32 to vector<16xi32>
      %mul3A_273 = arith.muli %mul3A_272, %iota3A : vector<16xi32>
      %sub3A_274 = arith.subi %add3A_5, %mul3A_273 : vector<16xi32>
      %mul3A_275 = arith.constant 128 : i32
      %mul3A_276 = vector.broadcast %mul3A_275 : i32 to vector<16xi32>
      %mul3A_277 = arith.muli %mul3A_276, %iota3A : vector<16xi32>
      %sub3A_278 = arith.subi %add3A_8, %mul3A_277 : vector<16xi32>
      %mul3A_279 = arith.constant 128 : i32
      %mul3A_280 = vector.broadcast %mul3A_279 : i32 to vector<16xi32>
      %mul3A_281 = arith.muli %mul3A_280, %iota3A : vector<16xi32>
      %sub3A_282 = arith.subi %add3A_11, %mul3A_281 : vector<16xi32>
      %mul3A_283 = arith.constant 128 : i32
      %mul3A_284 = vector.broadcast %mul3A_283 : i32 to vector<16xi32>
      %mul3A_285 = arith.muli %mul3A_284, %iota3A : vector<16xi32>
      %sub3A_286 = arith.subi %add3A_14, %mul3A_285 : vector<16xi32>
      %mul3A_287 = arith.constant 128 : i32
      %mul3A_288 = vector.broadcast %mul3A_287 : i32 to vector<16xi32>
      %mul3A_289 = arith.muli %mul3A_288, %iota3A : vector<16xi32>
      %sub3A_290 = arith.subi %add3A_17, %mul3A_289 : vector<16xi32>
      %mul3A_291 = arith.constant 128 : i32
      %mul3A_292 = vector.broadcast %mul3A_291 : i32 to vector<16xi32>
      %mul3A_293 = arith.muli %mul3A_292, %iota3A : vector<16xi32>
      %sub3A_294 = arith.subi %add3A_20, %mul3A_293 : vector<16xi32>
      %mul3A_295 = arith.constant 128 : i32
      %mul3A_296 = vector.broadcast %mul3A_295 : i32 to vector<16xi32>
      %mul3A_297 = arith.muli %mul3A_296, %iota3A : vector<16xi32>
      %sub3A_298 = arith.subi %add3A_23, %mul3A_297 : vector<16xi32>
      %mul3A_299 = arith.constant 128 : i32
      %mul3A_300 = vector.broadcast %mul3A_299 : i32 to vector<16xi32>
      %mul3A_301 = arith.muli %mul3A_300, %iota3A : vector<16xi32>
      %sub3A_302 = arith.subi %add3A_26, %mul3A_301 : vector<16xi32>
      %neg3A = arith.constant 0 : i32
      %neg3A_303 = vector.broadcast %neg3A : i32 to vector<16xi32>
      %neg3A_304 = arith.subi %neg3A_303, %iota3A : vector<16xi32>
      %parallel_loop3A = arith.constant 0 : i32
      %parallel_loop3A_305 = arith.constant 15 : i32
      %parallel_loop3A_306 = arith.constant 1 : i32
      %parallel_loop3A_307:25 = scf.for %parallel_loop3A_644 = %parallel_loop3A to %parallel_loop3A_305 step %parallel_loop3A_306 iter_args(%parallel_loop3A_645 = %mul3A_180, %parallel_loop3A_646 = %mul3A_188, %parallel_loop3A_647 = %mul3A_196, %parallel_loop3A_648 = %mul3A_204, %parallel_loop3A_649 = %mul3A_212, %parallel_loop3A_650 = %mul3A_220, %parallel_loop3A_651 = %mul3A_228, %parallel_loop3A_652 = %mul3A_236, %parallel_loop3A_653 = %sub3A_242, %parallel_loop3A_654 = %sub3A_246, %parallel_loop3A_655 = %sub3A_250, %parallel_loop3A_656 = %sub3A_254, %parallel_loop3A_657 = %sub3A_258, %parallel_loop3A_658 = %sub3A_262, %parallel_loop3A_659 = %sub3A_266, %parallel_loop3A_660 = %sub3A_270, %parallel_loop3A_661 = %sub3A_274, %parallel_loop3A_662 = %sub3A_278, %parallel_loop3A_663 = %sub3A_282, %parallel_loop3A_664 = %sub3A_286, %parallel_loop3A_665 = %sub3A_290, %parallel_loop3A_666 = %sub3A_294, %parallel_loop3A_667 = %sub3A_298, %parallel_loop3A_668 = %sub3A_302, %parallel_loop3A_669 = %neg3A_304) -> (vector<16xf32>, vector<16xf32>, vector<16xf32>, vector<16xf32>, vector<16xf32>, vector<16xf32>, vector<16xf32>, vector<16xf32>, vector<16xi32>, vector<16xi32>, vector<16xi32>, vector<16xi32>, vector<16xi32>, vector<16xi32>, vector<16xi32>, vector<16xi32>, vector<16xi32>, vector<16xi32>, vector<16xi32>, vector<16xi32>, vector<16xi32>, vector<16xi32>, vector<16xi32>, vector<16xi32>, vector<16xi32>)  : i32 {
        %parallel_loop3A_670 = arith.constant 0 : i32
        %parallel_loop3A_671 = vector.broadcast %parallel_loop3A_670 : i32 to vector<16xi32>
        %parallel_loop3A_672 = arith.cmpi sge, %parallel_loop3A_669, %parallel_loop3A_671 : vector<16xi32>
        %parallel_loop3A_673 = arith.constant 128 : i32
        %parallel_loop3A_674 = vector.broadcast %parallel_loop3A_673 : i32 to vector<16xi32>
        %parallel_loop3A_675 = arith.cmpi slt, %parallel_loop3A_669, %parallel_loop3A_674 : vector<16xi32>
        %parallel_loop3A_676 = arith.andi %parallel_loop3A_672, %parallel_loop3A_675 : vector<16xi1>
        tpu.vector_store_idx %arg7[%broadcast_in_dim3A_238, %parallel_loop3A_661], %parallel_loop3A_645 masked %parallel_loop3A_676 : memref<128x128xf32, #tpu.memory_space<vmem>>[vector<16xi32>, vector<16xi32>], vector<16xf32>, vector<16xi1>
        %parallel_loop3A_677 = tpu.vector_load_idx %arg5[%broadcast_in_dim3A_238, %parallel_loop3A_653] masked %parallel_loop3A_676 : memref<128x128xf32, #tpu.memory_space<vmem>>[vector<16xi32>, vector<16xi32>], vector<16xf32>, vector<16xi1>
        %parallel_loop3A_678 = arith.constant 0.000000e+00 : f32
        %parallel_loop3A_679 = vector.broadcast %parallel_loop3A_678 : f32 to vector<16xf32>
        %parallel_loop3A_680 = arith.select %parallel_loop3A_676, %parallel_loop3A_677, %parallel_loop3A_679 : vector<16xi1>, vector<16xf32>
        %parallel_loop3A_681 = arith.addf %parallel_loop3A_645, %parallel_loop3A_680 : vector<16xf32>
        %parallel_loop3A_682 = arith.constant 1 : i32
        %parallel_loop3A_683 = vector.broadcast %parallel_loop3A_682 : i32 to vector<16xi32>
        %parallel_loop3A_684 = arith.addi %parallel_loop3A_653, %parallel_loop3A_683 : vector<16xi32>
        %parallel_loop3A_685 = arith.constant 128 : i32
        %parallel_loop3A_686 = vector.broadcast %parallel_loop3A_685 : i32 to vector<16xi32>
        %parallel_loop3A_687 = arith.addi %parallel_loop3A_661, %parallel_loop3A_686 : vector<16xi32>
        tpu.vector_store_idx %arg7[%broadcast_in_dim3A_238, %parallel_loop3A_662], %parallel_loop3A_646 masked %parallel_loop3A_676 : memref<128x128xf32, #tpu.memory_space<vmem>>[vector<16xi32>, vector<16xi32>], vector<16xf32>, vector<16xi1>
        %parallel_loop3A_688 = tpu.vector_load_idx %arg5[%broadcast_in_dim3A_238, %parallel_loop3A_654] masked %parallel_loop3A_676 : memref<128x128xf32, #tpu.memory_space<vmem>>[vector<16xi32>, vector<16xi32>], vector<16xf32>, vector<16xi1>
        %parallel_loop3A_689 = arith.constant 0.000000e+00 : f32
        %parallel_loop3A_690 = vector.broadcast %parallel_loop3A_689 : f32 to vector<16xf32>
        %parallel_loop3A_691 = arith.select %parallel_loop3A_676, %parallel_loop3A_688, %parallel_loop3A_690 : vector<16xi1>, vector<16xf32>
        %parallel_loop3A_692 = arith.addf %parallel_loop3A_646, %parallel_loop3A_691 : vector<16xf32>
        %parallel_loop3A_693 = arith.constant 1 : i32
        %parallel_loop3A_694 = vector.broadcast %parallel_loop3A_693 : i32 to vector<16xi32>
        %parallel_loop3A_695 = arith.addi %parallel_loop3A_654, %parallel_loop3A_694 : vector<16xi32>
        %parallel_loop3A_696 = arith.constant 128 : i32
        %parallel_loop3A_697 = vector.broadcast %parallel_loop3A_696 : i32 to vector<16xi32>
        %parallel_loop3A_698 = arith.addi %parallel_loop3A_662, %parallel_loop3A_697 : vector<16xi32>
        tpu.vector_store_idx %arg7[%broadcast_in_dim3A_238, %parallel_loop3A_663], %parallel_loop3A_647 masked %parallel_loop3A_676 : memref<128x128xf32, #tpu.memory_space<vmem>>[vector<16xi32>, vector<16xi32>], vector<16xf32>, vector<16xi1>
        %parallel_loop3A_699 = tpu.vector_load_idx %arg5[%broadcast_in_dim3A_238, %parallel_loop3A_655] masked %parallel_loop3A_676 : memref<128x128xf32, #tpu.memory_space<vmem>>[vector<16xi32>, vector<16xi32>], vector<16xf32>, vector<16xi1>
        %parallel_loop3A_700 = arith.constant 0.000000e+00 : f32
        %parallel_loop3A_701 = vector.broadcast %parallel_loop3A_700 : f32 to vector<16xf32>
        %parallel_loop3A_702 = arith.select %parallel_loop3A_676, %parallel_loop3A_699, %parallel_loop3A_701 : vector<16xi1>, vector<16xf32>
        %parallel_loop3A_703 = arith.addf %parallel_loop3A_647, %parallel_loop3A_702 : vector<16xf32>
        %parallel_loop3A_704 = arith.constant 1 : i32
        %parallel_loop3A_705 = vector.broadcast %parallel_loop3A_704 : i32 to vector<16xi32>
        %parallel_loop3A_706 = arith.addi %parallel_loop3A_655, %parallel_loop3A_705 : vector<16xi32>
        %parallel_loop3A_707 = arith.constant 128 : i32
        %parallel_loop3A_708 = vector.broadcast %parallel_loop3A_707 : i32 to vector<16xi32>
        %parallel_loop3A_709 = arith.addi %parallel_loop3A_663, %parallel_loop3A_708 : vector<16xi32>
        tpu.vector_store_idx %arg7[%broadcast_in_dim3A_238, %parallel_loop3A_664], %parallel_loop3A_648 masked %parallel_loop3A_676 : memref<128x128xf32, #tpu.memory_space<vmem>>[vector<16xi32>, vector<16xi32>], vector<16xf32>, vector<16xi1>
        %parallel_loop3A_710 = tpu.vector_load_idx %arg5[%broadcast_in_dim3A_238, %parallel_loop3A_656] masked %parallel_loop3A_676 : memref<128x128xf32, #tpu.memory_space<vmem>>[vector<16xi32>, vector<16xi32>], vector<16xf32>, vector<16xi1>
        %parallel_loop3A_711 = arith.constant 0.000000e+00 : f32
        %parallel_loop3A_712 = vector.broadcast %parallel_loop3A_711 : f32 to vector<16xf32>
        %parallel_loop3A_713 = arith.select %parallel_loop3A_676, %parallel_loop3A_710, %parallel_loop3A_712 : vector<16xi1>, vector<16xf32>
        %parallel_loop3A_714 = arith.addf %parallel_loop3A_648, %parallel_loop3A_713 : vector<16xf32>
        %parallel_loop3A_715 = arith.constant 1 : i32
        %parallel_loop3A_716 = vector.broadcast %parallel_loop3A_715 : i32 to vector<16xi32>
        %parallel_loop3A_717 = arith.addi %parallel_loop3A_656, %parallel_loop3A_716 : vector<16xi32>
        %parallel_loop3A_718 = arith.constant 128 : i32
        %parallel_loop3A_719 = vector.broadcast %parallel_loop3A_718 : i32 to vector<16xi32>
        %parallel_loop3A_720 = arith.addi %parallel_loop3A_664, %parallel_loop3A_719 : vector<16xi32>
        tpu.vector_store_idx %arg7[%broadcast_in_dim3A_238, %parallel_loop3A_665], %parallel_loop3A_649 masked %parallel_loop3A_676 : memref<128x128xf32, #tpu.memory_space<vmem>>[vector<16xi32>, vector<16xi32>], vector<16xf32>, vector<16xi1>
        %parallel_loop3A_721 = tpu.vector_load_idx %arg5[%broadcast_in_dim3A_238, %parallel_loop3A_657] masked %parallel_loop3A_676 : memref<128x128xf32, #tpu.memory_space<vmem>>[vector<16xi32>, vector<16xi32>], vector<16xf32>, vector<16xi1>
        %parallel_loop3A_722 = arith.constant 0.000000e+00 : f32
        %parallel_loop3A_723 = vector.broadcast %parallel_loop3A_722 : f32 to vector<16xf32>
        %parallel_loop3A_724 = arith.select %parallel_loop3A_676, %parallel_loop3A_721, %parallel_loop3A_723 : vector<16xi1>, vector<16xf32>
        %parallel_loop3A_725 = arith.addf %parallel_loop3A_649, %parallel_loop3A_724 : vector<16xf32>
        %parallel_loop3A_726 = arith.constant 1 : i32
        %parallel_loop3A_727 = vector.broadcast %parallel_loop3A_726 : i32 to vector<16xi32>
        %parallel_loop3A_728 = arith.addi %parallel_loop3A_657, %parallel_loop3A_727 : vector<16xi32>
        %parallel_loop3A_729 = arith.constant 128 : i32
        %parallel_loop3A_730 = vector.broadcast %parallel_loop3A_729 : i32 to vector<16xi32>
        %parallel_loop3A_731 = arith.addi %parallel_loop3A_665, %parallel_loop3A_730 : vector<16xi32>
        tpu.vector_store_idx %arg7[%broadcast_in_dim3A_238, %parallel_loop3A_666], %parallel_loop3A_650 masked %parallel_loop3A_676 : memref<128x128xf32, #tpu.memory_space<vmem>>[vector<16xi32>, vector<16xi32>], vector<16xf32>, vector<16xi1>
        %parallel_loop3A_732 = tpu.vector_load_idx %arg5[%broadcast_in_dim3A_238, %parallel_loop3A_658] masked %parallel_loop3A_676 : memref<128x128xf32, #tpu.memory_space<vmem>>[vector<16xi32>, vector<16xi32>], vector<16xf32>, vector<16xi1>
        %parallel_loop3A_733 = arith.constant 0.000000e+00 : f32
        %parallel_loop3A_734 = vector.broadcast %parallel_loop3A_733 : f32 to vector<16xf32>
        %parallel_loop3A_735 = arith.select %parallel_loop3A_676, %parallel_loop3A_732, %parallel_loop3A_734 : vector<16xi1>, vector<16xf32>
        %parallel_loop3A_736 = arith.addf %parallel_loop3A_650, %parallel_loop3A_735 : vector<16xf32>
        %parallel_loop3A_737 = arith.constant 1 : i32
        %parallel_loop3A_738 = vector.broadcast %parallel_loop3A_737 : i32 to vector<16xi32>
        %parallel_loop3A_739 = arith.addi %parallel_loop3A_658, %parallel_loop3A_738 : vector<16xi32>
        %parallel_loop3A_740 = arith.constant 128 : i32
        %parallel_loop3A_741 = vector.broadcast %parallel_loop3A_740 : i32 to vector<16xi32>
        %parallel_loop3A_742 = arith.addi %parallel_loop3A_666, %parallel_loop3A_741 : vector<16xi32>
        tpu.vector_store_idx %arg7[%broadcast_in_dim3A_238, %parallel_loop3A_667], %parallel_loop3A_651 masked %parallel_loop3A_676 : memref<128x128xf32, #tpu.memory_space<vmem>>[vector<16xi32>, vector<16xi32>], vector<16xf32>, vector<16xi1>
        %parallel_loop3A_743 = tpu.vector_load_idx %arg5[%broadcast_in_dim3A_238, %parallel_loop3A_659] masked %parallel_loop3A_676 : memref<128x128xf32, #tpu.memory_space<vmem>>[vector<16xi32>, vector<16xi32>], vector<16xf32>, vector<16xi1>
        %parallel_loop3A_744 = arith.constant 0.000000e+00 : f32
        %parallel_loop3A_745 = vector.broadcast %parallel_loop3A_744 : f32 to vector<16xf32>
        %parallel_loop3A_746 = arith.select %parallel_loop3A_676, %parallel_loop3A_743, %parallel_loop3A_745 : vector<16xi1>, vector<16xf32>
        %parallel_loop3A_747 = arith.addf %parallel_loop3A_651, %parallel_loop3A_746 : vector<16xf32>
        %parallel_loop3A_748 = arith.constant 1 : i32
        %parallel_loop3A_749 = vector.broadcast %parallel_loop3A_748 : i32 to vector<16xi32>
        %parallel_loop3A_750 = arith.addi %parallel_loop3A_659, %parallel_loop3A_749 : vector<16xi32>
        %parallel_loop3A_751 = arith.constant 128 : i32
        %parallel_loop3A_752 = vector.broadcast %parallel_loop3A_751 : i32 to vector<16xi32>
        %parallel_loop3A_753 = arith.addi %parallel_loop3A_667, %parallel_loop3A_752 : vector<16xi32>
        tpu.vector_store_idx %arg7[%broadcast_in_dim3A_238, %parallel_loop3A_668], %parallel_loop3A_652 masked %parallel_loop3A_676 : memref<128x128xf32, #tpu.memory_space<vmem>>[vector<16xi32>, vector<16xi32>], vector<16xf32>, vector<16xi1>
        %parallel_loop3A_754 = tpu.vector_load_idx %arg5[%broadcast_in_dim3A_238, %parallel_loop3A_660] masked %parallel_loop3A_676 : memref<128x128xf32, #tpu.memory_space<vmem>>[vector<16xi32>, vector<16xi32>], vector<16xf32>, vector<16xi1>
        %parallel_loop3A_755 = arith.constant 0.000000e+00 : f32
        %parallel_loop3A_756 = vector.broadcast %parallel_loop3A_755 : f32 to vector<16xf32>
        %parallel_loop3A_757 = arith.select %parallel_loop3A_676, %parallel_loop3A_754, %parallel_loop3A_756 : vector<16xi1>, vector<16xf32>
        %parallel_loop3A_758 = arith.addf %parallel_loop3A_652, %parallel_loop3A_757 : vector<16xf32>
        %parallel_loop3A_759 = arith.constant 1 : i32
        %parallel_loop3A_760 = vector.broadcast %parallel_loop3A_759 : i32 to vector<16xi32>
        %parallel_loop3A_761 = arith.addi %parallel_loop3A_660, %parallel_loop3A_760 : vector<16xi32>
        %parallel_loop3A_762 = arith.constant 128 : i32
        %parallel_loop3A_763 = vector.broadcast %parallel_loop3A_762 : i32 to vector<16xi32>
        %parallel_loop3A_764 = arith.addi %parallel_loop3A_668, %parallel_loop3A_763 : vector<16xi32>
        %parallel_loop3A_765 = arith.constant 1 : i32
        %parallel_loop3A_766 = vector.broadcast %parallel_loop3A_765 : i32 to vector<16xi32>
        %parallel_loop3A_767 = arith.addi %parallel_loop3A_669, %parallel_loop3A_766 : vector<16xi32>
        scf.yield %parallel_loop3A_681, %parallel_loop3A_692, %parallel_loop3A_703, %parallel_loop3A_714, %parallel_loop3A_725, %parallel_loop3A_736, %parallel_loop3A_747, %parallel_loop3A_758, %parallel_loop3A_684, %parallel_loop3A_695, %parallel_loop3A_706, %parallel_loop3A_717, %parallel_loop3A_728, %parallel_loop3A_739, %parallel_loop3A_750, %parallel_loop3A_761, %parallel_loop3A_687, %parallel_loop3A_698, %parallel_loop3A_709, %parallel_loop3A_720, %parallel_loop3A_731, %parallel_loop3A_742, %parallel_loop3A_753, %parallel_loop3A_764, %parallel_loop3A_767 : vector<16xf32>, vector<16xf32>, vector<16xf32>, vector<16xf32>, vector<16xf32>, vector<16xf32>, vector<16xf32>, vector<16xf32>, vector<16xi32>, vector<16xi32>, vector<16xi32>, vector<16xi32>, vector<16xi32>, vector<16xi32>, vector<16xi32>, vector<16xi32>, vector<16xi32>, vector<16xi32>, vector<16xi32>, vector<16xi32>, vector<16xi32>, vector<16xi32>, vector<16xi32>, vector<16xi32>, vector<16xi32>
      } {sc.loop_unroll_factor = 5 : i64, sc.parallel_access}
      %parallel_loop3A_308 = arith.constant 15 : i32
      %parallel_loop3A_309 = arith.constant 127 : i32
      %parallel_loop3A_310 = arith.constant 1 : i32
      %parallel_loop3A_311:25 = scf.for %parallel_loop3A_644 = %parallel_loop3A_308 to %parallel_loop3A_309 step %parallel_loop3A_310 iter_args(%parallel_loop3A_645 = %parallel_loop3A_307#0, %parallel_loop3A_646 = %parallel_loop3A_307#1, %parallel_loop3A_647 = %parallel_loop3A_307#2, %parallel_loop3A_648 = %parallel_loop3A_307#3, %parallel_loop3A_649 = %parallel_loop3A_307#4, %parallel_loop3A_650 = %parallel_loop3A_307#5, %parallel_loop3A_651 = %parallel_loop3A_307#6, %parallel_loop3A_652 = %parallel_loop3A_307#7, %parallel_loop3A_653 = %parallel_loop3A_307#8, %parallel_loop3A_654 = %parallel_loop3A_307#9, %parallel_loop3A_655 = %parallel_loop3A_307#10, %parallel_loop3A_656 = %parallel_loop3A_307#11, %parallel_loop3A_657 = %parallel_loop3A_307#12, %parallel_loop3A_658 = %parallel_loop3A_307#13, %parallel_loop3A_659 = %parallel_loop3A_307#14, %parallel_loop3A_660 = %parallel_loop3A_307#15, %parallel_loop3A_661 = %parallel_loop3A_307#16, %parallel_loop3A_662 = %parallel_loop3A_307#17, %parallel_loop3A_663 = %parallel_loop3A_307#18, %parallel_loop3A_664 = %parallel_loop3A_307#19, %parallel_loop3A_665 = %parallel_loop3A_307#20, %parallel_loop3A_666 = %parallel_loop3A_307#21, %parallel_loop3A_667 = %parallel_loop3A_307#22, %parallel_loop3A_668 = %parallel_loop3A_307#23, %parallel_loop3A_669 = %parallel_loop3A_307#24) -> (vector<16xf32>, vector<16xf32>, vector<16xf32>, vector<16xf32>, vector<16xf32>, vector<16xf32>, vector<16xf32>, vector<16xf32>, vector<16xi32>, vector<16xi32>, vector<16xi32>, vector<16xi32>, vector<16xi32>, vector<16xi32>, vector<16xi32>, vector<16xi32>, vector<16xi32>, vector<16xi32>, vector<16xi32>, vector<16xi32>, vector<16xi32>, vector<16xi32>, vector<16xi32>, vector<16xi32>, vector<16xi32>)  : i32 {
        tpu.vector_store_idx %arg7[%broadcast_in_dim3A_238, %parallel_loop3A_661], %parallel_loop3A_645 : memref<128x128xf32, #tpu.memory_space<vmem>>[vector<16xi32>, vector<16xi32>], vector<16xf32>,
        %parallel_loop3A_670 = tpu.vector_load_idx %arg5[%broadcast_in_dim3A_238, %parallel_loop3A_653] : memref<128x128xf32, #tpu.memory_space<vmem>>[vector<16xi32>, vector<16xi32>], vector<16xf32>,
        %parallel_loop3A_671 = arith.addf %parallel_loop3A_645, %parallel_loop3A_670 : vector<16xf32>
        %parallel_loop3A_672 = arith.constant 1 : i32
        %parallel_loop3A_673 = vector.broadcast %parallel_loop3A_672 : i32 to vector<16xi32>
        %parallel_loop3A_674 = arith.addi %parallel_loop3A_653, %parallel_loop3A_673 : vector<16xi32>
        %parallel_loop3A_675 = arith.constant 128 : i32
        %parallel_loop3A_676 = vector.broadcast %parallel_loop3A_675 : i32 to vector<16xi32>
        %parallel_loop3A_677 = arith.addi %parallel_loop3A_661, %parallel_loop3A_676 : vector<16xi32>
        tpu.vector_store_idx %arg7[%broadcast_in_dim3A_238, %parallel_loop3A_662], %parallel_loop3A_646 : memref<128x128xf32, #tpu.memory_space<vmem>>[vector<16xi32>, vector<16xi32>], vector<16xf32>,
        %parallel_loop3A_678 = tpu.vector_load_idx %arg5[%broadcast_in_dim3A_238, %parallel_loop3A_654] : memref<128x128xf32, #tpu.memory_space<vmem>>[vector<16xi32>, vector<16xi32>], vector<16xf32>,
        %parallel_loop3A_679 = arith.addf %parallel_loop3A_646, %parallel_loop3A_678 : vector<16xf32>
        %parallel_loop3A_680 = arith.constant 1 : i32
        %parallel_loop3A_681 = vector.broadcast %parallel_loop3A_680 : i32 to vector<16xi32>
        %parallel_loop3A_682 = arith.addi %parallel_loop3A_654, %parallel_loop3A_681 : vector<16xi32>
        %parallel_loop3A_683 = arith.constant 128 : i32
        %parallel_loop3A_684 = vector.broadcast %parallel_loop3A_683 : i32 to vector<16xi32>
        %parallel_loop3A_685 = arith.addi %parallel_loop3A_662, %parallel_loop3A_684 : vector<16xi32>
        tpu.vector_store_idx %arg7[%broadcast_in_dim3A_238, %parallel_loop3A_663], %parallel_loop3A_647 : memref<128x128xf32, #tpu.memory_space<vmem>>[vector<16xi32>, vector<16xi32>], vector<16xf32>,
        %parallel_loop3A_686 = tpu.vector_load_idx %arg5[%broadcast_in_dim3A_238, %parallel_loop3A_655] : memref<128x128xf32, #tpu.memory_space<vmem>>[vector<16xi32>, vector<16xi32>], vector<16xf32>,
        %parallel_loop3A_687 = arith.addf %parallel_loop3A_647, %parallel_loop3A_686 : vector<16xf32>
        %parallel_loop3A_688 = arith.constant 1 : i32
        %parallel_loop3A_689 = vector.broadcast %parallel_loop3A_688 : i32 to vector<16xi32>
        %parallel_loop3A_690 = arith.addi %parallel_loop3A_655, %parallel_loop3A_689 : vector<16xi32>
        %parallel_loop3A_691 = arith.constant 128 : i32
        %parallel_loop3A_692 = vector.broadcast %parallel_loop3A_691 : i32 to vector<16xi32>
        %parallel_loop3A_693 = arith.addi %parallel_loop3A_663, %parallel_loop3A_692 : vector<16xi32>
        tpu.vector_store_idx %arg7[%broadcast_in_dim3A_238, %parallel_loop3A_664], %parallel_loop3A_648 : memref<128x128xf32, #tpu.memory_space<vmem>>[vector<16xi32>, vector<16xi32>], vector<16xf32>,
        %parallel_loop3A_694 = tpu.vector_load_idx %arg5[%broadcast_in_dim3A_238, %parallel_loop3A_656] : memref<128x128xf32, #tpu.memory_space<vmem>>[vector<16xi32>, vector<16xi32>], vector<16xf32>,
        %parallel_loop3A_695 = arith.addf %parallel_loop3A_648, %parallel_loop3A_694 : vector<16xf32>
        %parallel_loop3A_696 = arith.constant 1 : i32
        %parallel_loop3A_697 = vector.broadcast %parallel_loop3A_696 : i32 to vector<16xi32>
        %parallel_loop3A_698 = arith.addi %parallel_loop3A_656, %parallel_loop3A_697 : vector<16xi32>
        %parallel_loop3A_699 = arith.constant 128 : i32
        %parallel_loop3A_700 = vector.broadcast %parallel_loop3A_699 : i32 to vector<16xi32>
        %parallel_loop3A_701 = arith.addi %parallel_loop3A_664, %parallel_loop3A_700 : vector<16xi32>
        tpu.vector_store_idx %arg7[%broadcast_in_dim3A_238, %parallel_loop3A_665], %parallel_loop3A_649 : memref<128x128xf32, #tpu.memory_space<vmem>>[vector<16xi32>, vector<16xi32>], vector<16xf32>,
        %parallel_loop3A_702 = tpu.vector_load_idx %arg5[%broadcast_in_dim3A_238, %parallel_loop3A_657] : memref<128x128xf32, #tpu.memory_space<vmem>>[vector<16xi32>, vector<16xi32>], vector<16xf32>,
        %parallel_loop3A_703 = arith.addf %parallel_loop3A_649, %parallel_loop3A_702 : vector<16xf32>
        %parallel_loop3A_704 = arith.constant 1 : i32
        %parallel_loop3A_705 = vector.broadcast %parallel_loop3A_704 : i32 to vector<16xi32>
        %parallel_loop3A_706 = arith.addi %parallel_loop3A_657, %parallel_loop3A_705 : vector<16xi32>
        %parallel_loop3A_707 = arith.constant 128 : i32
        %parallel_loop3A_708 = vector.broadcast %parallel_loop3A_707 : i32 to vector<16xi32>
        %parallel_loop3A_709 = arith.addi %parallel_loop3A_665, %parallel_loop3A_708 : vector<16xi32>
        tpu.vector_store_idx %arg7[%broadcast_in_dim3A_238, %parallel_loop3A_666], %parallel_loop3A_650 : memref<128x128xf32, #tpu.memory_space<vmem>>[vector<16xi32>, vector<16xi32>], vector<16xf32>,
        %parallel_loop3A_710 = tpu.vector_load_idx %arg5[%broadcast_in_dim3A_238, %parallel_loop3A_658] : memref<128x128xf32, #tpu.memory_space<vmem>>[vector<16xi32>, vector<16xi32>], vector<16xf32>,
        %parallel_loop3A_711 = arith.addf %parallel_loop3A_650, %parallel_loop3A_710 : vector<16xf32>
        %parallel_loop3A_712 = arith.constant 1 : i32
        %parallel_loop3A_713 = vector.broadcast %parallel_loop3A_712 : i32 to vector<16xi32>
        %parallel_loop3A_714 = arith.addi %parallel_loop3A_658, %parallel_loop3A_713 : vector<16xi32>
        %parallel_loop3A_715 = arith.constant 128 : i32
        %parallel_loop3A_716 = vector.broadcast %parallel_loop3A_715 : i32 to vector<16xi32>
        %parallel_loop3A_717 = arith.addi %parallel_loop3A_666, %parallel_loop3A_716 : vector<16xi32>
        tpu.vector_store_idx %arg7[%broadcast_in_dim3A_238, %parallel_loop3A_667], %parallel_loop3A_651 : memref<128x128xf32, #tpu.memory_space<vmem>>[vector<16xi32>, vector<16xi32>], vector<16xf32>,
        %parallel_loop3A_718 = tpu.vector_load_idx %arg5[%broadcast_in_dim3A_238, %parallel_loop3A_659] : memref<128x128xf32, #tpu.memory_space<vmem>>[vector<16xi32>, vector<16xi32>], vector<16xf32>,
        %parallel_loop3A_719 = arith.addf %parallel_loop3A_651, %parallel_loop3A_718 : vector<16xf32>
        %parallel_loop3A_720 = arith.constant 1 : i32
        %parallel_loop3A_721 = vector.broadcast %parallel_loop3A_720 : i32 to vector<16xi32>
        %parallel_loop3A_722 = arith.addi %parallel_loop3A_659, %parallel_loop3A_721 : vector<16xi32>
        %parallel_loop3A_723 = arith.constant 128 : i32
        %parallel_loop3A_724 = vector.broadcast %parallel_loop3A_723 : i32 to vector<16xi32>
        %parallel_loop3A_725 = arith.addi %parallel_loop3A_667, %parallel_loop3A_724 : vector<16xi32>
        tpu.vector_store_idx %arg7[%broadcast_in_dim3A_238, %parallel_loop3A_668], %parallel_loop3A_652 : memref<128x128xf32, #tpu.memory_space<vmem>>[vector<16xi32>, vector<16xi32>], vector<16xf32>,
        %parallel_loop3A_726 = tpu.vector_load_idx %arg5[%broadcast_in_dim3A_238, %parallel_loop3A_660] : memref<128x128xf32, #tpu.memory_space<vmem>>[vector<16xi32>, vector<16xi32>], vector<16xf32>,
        %parallel_loop3A_727 = arith.addf %parallel_loop3A_652, %parallel_loop3A_726 : vector<16xf32>
        %parallel_loop3A_728 = arith.constant 1 : i32
        %parallel_loop3A_729 = vector.broadcast %parallel_loop3A_728 : i32 to vector<16xi32>
        %parallel_loop3A_730 = arith.addi %parallel_loop3A_660, %parallel_loop3A_729 : vector<16xi32>
        %parallel_loop3A_731 = arith.constant 128 : i32
        %parallel_loop3A_732 = vector.broadcast %parallel_loop3A_731 : i32 to vector<16xi32>
        %parallel_loop3A_733 = arith.addi %parallel_loop3A_668, %parallel_loop3A_732 : vector<16xi32>
        %parallel_loop3A_734 = arith.constant 1 : i32
        %parallel_loop3A_735 = vector.broadcast %parallel_loop3A_734 : i32 to vector<16xi32>
        %parallel_loop3A_736 = arith.addi %parallel_loop3A_669, %parallel_loop3A_735 : vector<16xi32>
        scf.yield %parallel_loop3A_671, %parallel_loop3A_679, %parallel_loop3A_687, %parallel_loop3A_695, %parallel_loop3A_703, %parallel_loop3A_711, %parallel_loop3A_719, %parallel_loop3A_727, %parallel_loop3A_674, %parallel_loop3A_682, %parallel_loop3A_690, %parallel_loop3A_698, %parallel_loop3A_706, %parallel_loop3A_714, %parallel_loop3A_722, %parallel_loop3A_730, %parallel_loop3A_677, %parallel_loop3A_685, %parallel_loop3A_693, %parallel_loop3A_701, %parallel_loop3A_709, %parallel_loop3A_717, %parallel_loop3A_725, %parallel_loop3A_733, %parallel_loop3A_736 : vector<16xf32>, vector<16xf32>, vector<16xf32>, vector<16xf32>, vector<16xf32>, vector<16xf32>, vector<16xf32>, vector<16xf32>, vector<16xi32>, vector<16xi32>, vector<16xi32>, vector<16xi32>, vector<16xi32>, vector<16xi32>, vector<16xi32>, vector<16xi32>, vector<16xi32>, vector<16xi32>, vector<16xi32>, vector<16xi32>, vector<16xi32>, vector<16xi32>, vector<16xi32>, vector<16xi32>, vector<16xi32>
      } {sc.loop_unroll_factor = 4 : i64, sc.parallel_access}
      %parallel_loop3A_312 = arith.constant 127 : i32
      %parallel_loop3A_313 = arith.constant 143 : i32
      %parallel_loop3A_314 = arith.constant 1 : i32
      %parallel_loop3A_315:25 = scf.for %parallel_loop3A_644 = %parallel_loop3A_312 to %parallel_loop3A_313 step %parallel_loop3A_314 iter_args(%parallel_loop3A_645 = %parallel_loop3A_311#0, %parallel_loop3A_646 = %parallel_loop3A_311#1, %parallel_loop3A_647 = %parallel_loop3A_311#2, %parallel_loop3A_648 = %parallel_loop3A_311#3, %parallel_loop3A_649 = %parallel_loop3A_311#4, %parallel_loop3A_650 = %parallel_loop3A_311#5, %parallel_loop3A_651 = %parallel_loop3A_311#6, %parallel_loop3A_652 = %parallel_loop3A_311#7, %parallel_loop3A_653 = %parallel_loop3A_311#8, %parallel_loop3A_654 = %parallel_loop3A_311#9, %parallel_loop3A_655 = %parallel_loop3A_311#10, %parallel_loop3A_656 = %parallel_loop3A_311#11, %parallel_loop3A_657 = %parallel_loop3A_311#12, %parallel_loop3A_658 = %parallel_loop3A_311#13, %parallel_loop3A_659 = %parallel_loop3A_311#14, %parallel_loop3A_660 = %parallel_loop3A_311#15, %parallel_loop3A_661 = %parallel_loop3A_311#16, %parallel_loop3A_662 = %parallel_loop3A_311#17, %parallel_loop3A_663 = %parallel_loop3A_311#18, %parallel_loop3A_664 = %parallel_loop3A_311#19, %parallel_loop3A_665 = %parallel_loop3A_311#20, %parallel_loop3A_666 = %parallel_loop3A_311#21, %parallel_loop3A_667 = %parallel_loop3A_311#22, %parallel_loop3A_668 = %parallel_loop3A_311#23, %parallel_loop3A_669 = %parallel_loop3A_311#24) -> (vector<16xf32>, vector<16xf32>, vector<16xf32>, vector<16xf32>, vector<16xf32>, vector<16xf32>, vector<16xf32>, vector<16xf32>, vector<16xi32>, vector<16xi32>, vector<16xi32>, vector<16xi32>, vector<16xi32>, vector<16xi32>, vector<16xi32>, vector<16xi32>, vector<16xi32>, vector<16xi32>, vector<16xi32>, vector<16xi32>, vector<16xi32>, vector<16xi32>, vector<16xi32>, vector<16xi32>, vector<16xi32>)  : i32 {
        %parallel_loop3A_670 = arith.constant 0 : i32
        %parallel_loop3A_671 = vector.broadcast %parallel_loop3A_670 : i32 to vector<16xi32>
        %parallel_loop3A_672 = arith.cmpi sge, %parallel_loop3A_669, %parallel_loop3A_671 : vector<16xi32>
        %parallel_loop3A_673 = arith.constant 128 : i32
        %parallel_loop3A_674 = vector.broadcast %parallel_loop3A_673 : i32 to vector<16xi32>
        %parallel_loop3A_675 = arith.cmpi slt, %parallel_loop3A_669, %parallel_loop3A_674 : vector<16xi32>
        %parallel_loop3A_676 = arith.andi %parallel_loop3A_672, %parallel_loop3A_675 : vector<16xi1>
        tpu.vector_store_idx %arg7[%broadcast_in_dim3A_238, %parallel_loop3A_661], %parallel_loop3A_645 masked %parallel_loop3A_676 : memref<128x128xf32, #tpu.memory_space<vmem>>[vector<16xi32>, vector<16xi32>], vector<16xf32>, vector<16xi1>
        %parallel_loop3A_677 = tpu.vector_load_idx %arg5[%broadcast_in_dim3A_238, %parallel_loop3A_653] masked %parallel_loop3A_676 : memref<128x128xf32, #tpu.memory_space<vmem>>[vector<16xi32>, vector<16xi32>], vector<16xf32>, vector<16xi1>
        %parallel_loop3A_678 = arith.constant 0.000000e+00 : f32
        %parallel_loop3A_679 = vector.broadcast %parallel_loop3A_678 : f32 to vector<16xf32>
        %parallel_loop3A_680 = arith.select %parallel_loop3A_676, %parallel_loop3A_677, %parallel_loop3A_679 : vector<16xi1>, vector<16xf32>
        %parallel_loop3A_681 = arith.addf %parallel_loop3A_645, %parallel_loop3A_680 : vector<16xf32>
        %parallel_loop3A_682 = arith.constant 1 : i32
        %parallel_loop3A_683 = vector.broadcast %parallel_loop3A_682 : i32 to vector<16xi32>
        %parallel_loop3A_684 = arith.addi %parallel_loop3A_653, %parallel_loop3A_683 : vector<16xi32>
        %parallel_loop3A_685 = arith.constant 128 : i32
        %parallel_loop3A_686 = vector.broadcast %parallel_loop3A_685 : i32 to vector<16xi32>
        %parallel_loop3A_687 = arith.addi %parallel_loop3A_661, %parallel_loop3A_686 : vector<16xi32>
        tpu.vector_store_idx %arg7[%broadcast_in_dim3A_238, %parallel_loop3A_662], %parallel_loop3A_646 masked %parallel_loop3A_676 : memref<128x128xf32, #tpu.memory_space<vmem>>[vector<16xi32>, vector<16xi32>], vector<16xf32>, vector<16xi1>
        %parallel_loop3A_688 = tpu.vector_load_idx %arg5[%broadcast_in_dim3A_238, %parallel_loop3A_654] masked %parallel_loop3A_676 : memref<128x128xf32, #tpu.memory_space<vmem>>[vector<16xi32>, vector<16xi32>], vector<16xf32>, vector<16xi1>
        %parallel_loop3A_689 = arith.constant 0.000000e+00 : f32
        %parallel_loop3A_690 = vector.broadcast %parallel_loop3A_689 : f32 to vector<16xf32>
        %parallel_loop3A_691 = arith.select %parallel_loop3A_676, %parallel_loop3A_688, %parallel_loop3A_690 : vector<16xi1>, vector<16xf32>
        %parallel_loop3A_692 = arith.addf %parallel_loop3A_646, %parallel_loop3A_691 : vector<16xf32>
        %parallel_loop3A_693 = arith.constant 1 : i32
        %parallel_loop3A_694 = vector.broadcast %parallel_loop3A_693 : i32 to vector<16xi32>
        %parallel_loop3A_695 = arith.addi %parallel_loop3A_654, %parallel_loop3A_694 : vector<16xi32>
        %parallel_loop3A_696 = arith.constant 128 : i32
        %parallel_loop3A_697 = vector.broadcast %parallel_loop3A_696 : i32 to vector<16xi32>
        %parallel_loop3A_698 = arith.addi %parallel_loop3A_662, %parallel_loop3A_697 : vector<16xi32>
        tpu.vector_store_idx %arg7[%broadcast_in_dim3A_238, %parallel_loop3A_663], %parallel_loop3A_647 masked %parallel_loop3A_676 : memref<128x128xf32, #tpu.memory_space<vmem>>[vector<16xi32>, vector<16xi32>], vector<16xf32>, vector<16xi1>
        %parallel_loop3A_699 = tpu.vector_load_idx %arg5[%broadcast_in_dim3A_238, %parallel_loop3A_655] masked %parallel_loop3A_676 : memref<128x128xf32, #tpu.memory_space<vmem>>[vector<16xi32>, vector<16xi32>], vector<16xf32>, vector<16xi1>
        %parallel_loop3A_700 = arith.constant 0.000000e+00 : f32
        %parallel_loop3A_701 = vector.broadcast %parallel_loop3A_700 : f32 to vector<16xf32>
        %parallel_loop3A_702 = arith.select %parallel_loop3A_676, %parallel_loop3A_699, %parallel_loop3A_701 : vector<16xi1>, vector<16xf32>
        %parallel_loop3A_703 = arith.addf %parallel_loop3A_647, %parallel_loop3A_702 : vector<16xf32>
        %parallel_loop3A_704 = arith.constant 1 : i32
        %parallel_loop3A_705 = vector.broadcast %parallel_loop3A_704 : i32 to vector<16xi32>
        %parallel_loop3A_706 = arith.addi %parallel_loop3A_655, %parallel_loop3A_705 : vector<16xi32>
        %parallel_loop3A_707 = arith.constant 128 : i32
        %parallel_loop3A_708 = vector.broadcast %parallel_loop3A_707 : i32 to vector<16xi32>
        %parallel_loop3A_709 = arith.addi %parallel_loop3A_663, %parallel_loop3A_708 : vector<16xi32>
        tpu.vector_store_idx %arg7[%broadcast_in_dim3A_238, %parallel_loop3A_664], %parallel_loop3A_648 masked %parallel_loop3A_676 : memref<128x128xf32, #tpu.memory_space<vmem>>[vector<16xi32>, vector<16xi32>], vector<16xf32>, vector<16xi1>
        %parallel_loop3A_710 = tpu.vector_load_idx %arg5[%broadcast_in_dim3A_238, %parallel_loop3A_656] masked %parallel_loop3A_676 : memref<128x128xf32, #tpu.memory_space<vmem>>[vector<16xi32>, vector<16xi32>], vector<16xf32>, vector<16xi1>
        %parallel_loop3A_711 = arith.constant 0.000000e+00 : f32
        %parallel_loop3A_712 = vector.broadcast %parallel_loop3A_711 : f32 to vector<16xf32>
        %parallel_loop3A_713 = arith.select %parallel_loop3A_676, %parallel_loop3A_710, %parallel_loop3A_712 : vector<16xi1>, vector<16xf32>
        %parallel_loop3A_714 = arith.addf %parallel_loop3A_648, %parallel_loop3A_713 : vector<16xf32>
        %parallel_loop3A_715 = arith.constant 1 : i32
        %parallel_loop3A_716 = vector.broadcast %parallel_loop3A_715 : i32 to vector<16xi32>
        %parallel_loop3A_717 = arith.addi %parallel_loop3A_656, %parallel_loop3A_716 : vector<16xi32>
        %parallel_loop3A_718 = arith.constant 128 : i32
        %parallel_loop3A_719 = vector.broadcast %parallel_loop3A_718 : i32 to vector<16xi32>
        %parallel_loop3A_720 = arith.addi %parallel_loop3A_664, %parallel_loop3A_719 : vector<16xi32>
        tpu.vector_store_idx %arg7[%broadcast_in_dim3A_238, %parallel_loop3A_665], %parallel_loop3A_649 masked %parallel_loop3A_676 : memref<128x128xf32, #tpu.memory_space<vmem>>[vector<16xi32>, vector<16xi32>], vector<16xf32>, vector<16xi1>
        %parallel_loop3A_721 = tpu.vector_load_idx %arg5[%broadcast_in_dim3A_238, %parallel_loop3A_657] masked %parallel_loop3A_676 : memref<128x128xf32, #tpu.memory_space<vmem>>[vector<16xi32>, vector<16xi32>], vector<16xf32>, vector<16xi1>
        %parallel_loop3A_722 = arith.constant 0.000000e+00 : f32
        %parallel_loop3A_723 = vector.broadcast %parallel_loop3A_722 : f32 to vector<16xf32>
        %parallel_loop3A_724 = arith.select %parallel_loop3A_676, %parallel_loop3A_721, %parallel_loop3A_723 : vector<16xi1>, vector<16xf32>
        %parallel_loop3A_725 = arith.addf %parallel_loop3A_649, %parallel_loop3A_724 : vector<16xf32>
        %parallel_loop3A_726 = arith.constant 1 : i32
        %parallel_loop3A_727 = vector.broadcast %parallel_loop3A_726 : i32 to vector<16xi32>
        %parallel_loop3A_728 = arith.addi %parallel_loop3A_657, %parallel_loop3A_727 : vector<16xi32>
        %parallel_loop3A_729 = arith.constant 128 : i32
        %parallel_loop3A_730 = vector.broadcast %parallel_loop3A_729 : i32 to vector<16xi32>
        %parallel_loop3A_731 = arith.addi %parallel_loop3A_665, %parallel_loop3A_730 : vector<16xi32>
        tpu.vector_store_idx %arg7[%broadcast_in_dim3A_238, %parallel_loop3A_666], %parallel_loop3A_650 masked %parallel_loop3A_676 : memref<128x128xf32, #tpu.memory_space<vmem>>[vector<16xi32>, vector<16xi32>], vector<16xf32>, vector<16xi1>
        %parallel_loop3A_732 = tpu.vector_load_idx %arg5[%broadcast_in_dim3A_238, %parallel_loop3A_658] masked %parallel_loop3A_676 : memref<128x128xf32, #tpu.memory_space<vmem>>[vector<16xi32>, vector<16xi32>], vector<16xf32>, vector<16xi1>
        %parallel_loop3A_733 = arith.constant 0.000000e+00 : f32
        %parallel_loop3A_734 = vector.broadcast %parallel_loop3A_733 : f32 to vector<16xf32>
        %parallel_loop3A_735 = arith.select %parallel_loop3A_676, %parallel_loop3A_732, %parallel_loop3A_734 : vector<16xi1>, vector<16xf32>
        %parallel_loop3A_736 = arith.addf %parallel_loop3A_650, %parallel_loop3A_735 : vector<16xf32>
        %parallel_loop3A_737 = arith.constant 1 : i32
        %parallel_loop3A_738 = vector.broadcast %parallel_loop3A_737 : i32 to vector<16xi32>
        %parallel_loop3A_739 = arith.addi %parallel_loop3A_658, %parallel_loop3A_738 : vector<16xi32>
        %parallel_loop3A_740 = arith.constant 128 : i32
        %parallel_loop3A_741 = vector.broadcast %parallel_loop3A_740 : i32 to vector<16xi32>
        %parallel_loop3A_742 = arith.addi %parallel_loop3A_666, %parallel_loop3A_741 : vector<16xi32>
        tpu.vector_store_idx %arg7[%broadcast_in_dim3A_238, %parallel_loop3A_667], %parallel_loop3A_651 masked %parallel_loop3A_676 : memref<128x128xf32, #tpu.memory_space<vmem>>[vector<16xi32>, vector<16xi32>], vector<16xf32>, vector<16xi1>
        %parallel_loop3A_743 = tpu.vector_load_idx %arg5[%broadcast_in_dim3A_238, %parallel_loop3A_659] masked %parallel_loop3A_676 : memref<128x128xf32, #tpu.memory_space<vmem>>[vector<16xi32>, vector<16xi32>], vector<16xf32>, vector<16xi1>
        %parallel_loop3A_744 = arith.constant 0.000000e+00 : f32
        %parallel_loop3A_745 = vector.broadcast %parallel_loop3A_744 : f32 to vector<16xf32>
        %parallel_loop3A_746 = arith.select %parallel_loop3A_676, %parallel_loop3A_743, %parallel_loop3A_745 : vector<16xi1>, vector<16xf32>
        %parallel_loop3A_747 = arith.addf %parallel_loop3A_651, %parallel_loop3A_746 : vector<16xf32>
        %parallel_loop3A_748 = arith.constant 1 : i32
        %parallel_loop3A_749 = vector.broadcast %parallel_loop3A_748 : i32 to vector<16xi32>
        %parallel_loop3A_750 = arith.addi %parallel_loop3A_659, %parallel_loop3A_749 : vector<16xi32>
        %parallel_loop3A_751 = arith.constant 128 : i32
        %parallel_loop3A_752 = vector.broadcast %parallel_loop3A_751 : i32 to vector<16xi32>
        %parallel_loop3A_753 = arith.addi %parallel_loop3A_667, %parallel_loop3A_752 : vector<16xi32>
        tpu.vector_store_idx %arg7[%broadcast_in_dim3A_238, %parallel_loop3A_668], %parallel_loop3A_652 masked %parallel_loop3A_676 : memref<128x128xf32, #tpu.memory_space<vmem>>[vector<16xi32>, vector<16xi32>], vector<16xf32>, vector<16xi1>
        %parallel_loop3A_754 = tpu.vector_load_idx %arg5[%broadcast_in_dim3A_238, %parallel_loop3A_660] masked %parallel_loop3A_676 : memref<128x128xf32, #tpu.memory_space<vmem>>[vector<16xi32>, vector<16xi32>], vector<16xf32>, vector<16xi1>
        %parallel_loop3A_755 = arith.constant 0.000000e+00 : f32
        %parallel_loop3A_756 = vector.broadcast %parallel_loop3A_755 : f32 to vector<16xf32>
        %parallel_loop3A_757 = arith.select %parallel_loop3A_676, %parallel_loop3A_754, %parallel_loop3A_756 : vector<16xi1>, vector<16xf32>
        %parallel_loop3A_758 = arith.addf %parallel_loop3A_652, %parallel_loop3A_757 : vector<16xf32>
        %parallel_loop3A_759 = arith.constant 1 : i32
        %parallel_loop3A_760 = vector.broadcast %parallel_loop3A_759 : i32 to vector<16xi32>
        %parallel_loop3A_761 = arith.addi %parallel_loop3A_660, %parallel_loop3A_760 : vector<16xi32>
        %parallel_loop3A_762 = arith.constant 128 : i32
        %parallel_loop3A_763 = vector.broadcast %parallel_loop3A_762 : i32 to vector<16xi32>
        %parallel_loop3A_764 = arith.addi %parallel_loop3A_668, %parallel_loop3A_763 : vector<16xi32>
        %parallel_loop3A_765 = arith.constant 1 : i32
        %parallel_loop3A_766 = vector.broadcast %parallel_loop3A_765 : i32 to vector<16xi32>
        %parallel_loop3A_767 = arith.addi %parallel_loop3A_669, %parallel_loop3A_766 : vector<16xi32>
        scf.yield %parallel_loop3A_681, %parallel_loop3A_692, %parallel_loop3A_703, %parallel_loop3A_714, %parallel_loop3A_725, %parallel_loop3A_736, %parallel_loop3A_747, %parallel_loop3A_758, %parallel_loop3A_684, %parallel_loop3A_695, %parallel_loop3A_706, %parallel_loop3A_717, %parallel_loop3A_728, %parallel_loop3A_739, %parallel_loop3A_750, %parallel_loop3A_761, %parallel_loop3A_687, %parallel_loop3A_698, %parallel_loop3A_709, %parallel_loop3A_720, %parallel_loop3A_731, %parallel_loop3A_742, %parallel_loop3A_753, %parallel_loop3A_764, %parallel_loop3A_767 : vector<16xf32>, vector<16xf32>, vector<16xf32>, vector<16xf32>, vector<16xf32>, vector<16xf32>, vector<16xf32>, vector<16xf32>, vector<16xi32>, vector<16xi32>, vector<16xi32>, vector<16xi32>, vector<16xi32>, vector<16xi32>, vector<16xi32>, vector<16xi32>, vector<16xi32>, vector<16xi32>, vector<16xi32>, vector<16xi32>, vector<16xi32>, vector<16xi32>, vector<16xi32>, vector<16xi32>, vector<16xi32>
      } {sc.loop_unroll_factor = 5 : i64, sc.parallel_access}
      %mul3A_316 = arith.constant 128 : i32
      %mul3A_317 = arith.muli %select_n3A_161, %mul3A_316 : i32
      %add3A_318 = arith.constant 0 : i32
      %add3A_319 = arith.addi %mul3A_317, %add3A_318 : i32
      %swap3A = arith.index_cast %add3A_319 : i32 to index
      %swap3A_320 = tpu.vector_load %arg9[%swap3A] {strides = array<i32>} : memref<2048xf32, #tpu.memory_space<vmem>>, vector<16xf32>,
      tpu.vector_store %arg9[%swap3A], %parallel_loop3A_315#0 {strides = array<i32>} : memref<2048xf32, #tpu.memory_space<vmem>>, vector<16xf32>,
      %mul3A_321 = arith.constant 128 : i32
      %mul3A_322 = arith.muli %select_n3A_161, %mul3A_321 : i32
      %add3A_323 = arith.constant 16 : i32
      %add3A_324 = arith.addi %mul3A_322, %add3A_323 : i32
      %swap3A_325 = arith.index_cast %add3A_324 : i32 to index
      %swap3A_326 = tpu.vector_load %arg9[%swap3A_325] {strides = array<i32>} : memref<2048xf32, #tpu.memory_space<vmem>>, vector<16xf32>,
      tpu.vector_store %arg9[%swap3A_325], %parallel_loop3A_315#1 {strides = array<i32>} : memref<2048xf32, #tpu.memory_space<vmem>>, vector<16xf32>,
      %mul3A_327 = arith.constant 128 : i32
      %mul3A_328 = arith.muli %select_n3A_161, %mul3A_327 : i32
      %add3A_329 = arith.constant 32 : i32
      %add3A_330 = arith.addi %mul3A_328, %add3A_329 : i32
      %swap3A_331 = arith.index_cast %add3A_330 : i32 to index
      %swap3A_332 = tpu.vector_load %arg9[%swap3A_331] {strides = array<i32>} : memref<2048xf32, #tpu.memory_space<vmem>>, vector<16xf32>,
      tpu.vector_store %arg9[%swap3A_331], %parallel_loop3A_315#2 {strides = array<i32>} : memref<2048xf32, #tpu.memory_space<vmem>>, vector<16xf32>,
      %mul3A_333 = arith.constant 128 : i32
      %mul3A_334 = arith.muli %select_n3A_161, %mul3A_333 : i32
      %add3A_335 = arith.constant 48 : i32
      %add3A_336 = arith.addi %mul3A_334, %add3A_335 : i32
      %swap3A_337 = arith.index_cast %add3A_336 : i32 to index
      %swap3A_338 = tpu.vector_load %arg9[%swap3A_337] {strides = array<i32>} : memref<2048xf32, #tpu.memory_space<vmem>>, vector<16xf32>,
      tpu.vector_store %arg9[%swap3A_337], %parallel_loop3A_315#3 {strides = array<i32>} : memref<2048xf32, #tpu.memory_space<vmem>>, vector<16xf32>,
      %mul3A_339 = arith.constant 128 : i32
      %mul3A_340 = arith.muli %select_n3A_161, %mul3A_339 : i32
      %add3A_341 = arith.constant 64 : i32
      %add3A_342 = arith.addi %mul3A_340, %add3A_341 : i32
      %swap3A_343 = arith.index_cast %add3A_342 : i32 to index
      %swap3A_344 = tpu.vector_load %arg9[%swap3A_343] {strides = array<i32>} : memref<2048xf32, #tpu.memory_space<vmem>>, vector<16xf32>,
      tpu.vector_store %arg9[%swap3A_343], %parallel_loop3A_315#4 {strides = array<i32>} : memref<2048xf32, #tpu.memory_space<vmem>>, vector<16xf32>,
      %mul3A_345 = arith.constant 128 : i32
      %mul3A_346 = arith.muli %select_n3A_161, %mul3A_345 : i32
      %add3A_347 = arith.constant 80 : i32
      %add3A_348 = arith.addi %mul3A_346, %add3A_347 : i32
      %swap3A_349 = arith.index_cast %add3A_348 : i32 to index
      %swap3A_350 = tpu.vector_load %arg9[%swap3A_349] {strides = array<i32>} : memref<2048xf32, #tpu.memory_space<vmem>>, vector<16xf32>,
      tpu.vector_store %arg9[%swap3A_349], %parallel_loop3A_315#5 {strides = array<i32>} : memref<2048xf32, #tpu.memory_space<vmem>>, vector<16xf32>,
      %mul3A_351 = arith.constant 128 : i32
      %mul3A_352 = arith.muli %select_n3A_161, %mul3A_351 : i32
      %add3A_353 = arith.constant 96 : i32
      %add3A_354 = arith.addi %mul3A_352, %add3A_353 : i32
      %swap3A_355 = arith.index_cast %add3A_354 : i32 to index
      %swap3A_356 = tpu.vector_load %arg9[%swap3A_355] {strides = array<i32>} : memref<2048xf32, #tpu.memory_space<vmem>>, vector<16xf32>,
      tpu.vector_store %arg9[%swap3A_355], %parallel_loop3A_315#6 {strides = array<i32>} : memref<2048xf32, #tpu.memory_space<vmem>>, vector<16xf32>,
      %mul3A_357 = arith.constant 128 : i32
      %mul3A_358 = arith.muli %select_n3A_161, %mul3A_357 : i32
      %add3A_359 = arith.constant 112 : i32
      %add3A_360 = arith.addi %mul3A_358, %add3A_359 : i32
      %swap3A_361 = arith.index_cast %add3A_360 : i32 to index
      %swap3A_362 = tpu.vector_load %arg9[%swap3A_361] {strides = array<i32>} : memref<2048xf32, #tpu.memory_space<vmem>>, vector<16xf32>,
      tpu.vector_store %arg9[%swap3A_361], %parallel_loop3A_315#7 {strides = array<i32>} : memref<2048xf32, #tpu.memory_space<vmem>>, vector<16xf32>,
      %dma_start3A_363 = tpu.memref_slice %arg3[%mul3A_126, %add3A_124] : memref<1025x65535xf32, #tpu.memory_space<hbm>> -> memref<128x128xf32, #tpu.memory_space<hbm>>
      %dma_start3A_364 = tpu.memref_slice %arg3[%mul3A_126, %add3A_124] : memref<1025x65535xf32, #tpu.memory_space<hbm>> -> memref<128x128xf32, #tpu.memory_space<hbm>>
      tpu.enqueue_dma source(%arg7 : memref<128x128xf32, #tpu.memory_space<vmem>>) target(%dma_start3A_364 : memref<128x128xf32, #tpu.memory_space<hbm>>) target_semaphore(%arg12 : memref<!tpu.dma_semaphore, #tpu.memory_space<semaphore_mem>>)
      %mul3A_365 = arith.constant 2 : i32
      %mul3A_366 = arith.muli %mul3A_365, %add3A_93 : i32
      %add3A_367 = arith.constant 1 : i32
      %add3A_368 = arith.addi %mul3A_366, %add3A_367 : i32
      %jit3A_369 = arith.constant 8 : i32
      %div3A_370 = arith.divsi %add3A_368, %jit3A_369 : i32
      %sign3A_371 = arith.constant 0 : i32
      %sign3A_372 = arith.cmpi sgt, %add3A_368, %sign3A_371 : i32
      %sign3A_373 = arith.extui %sign3A_372 : i1 to i32
      %sign3A_374 = arith.constant 0 : i32
      %sign3A_375 = arith.cmpi slt, %add3A_368, %sign3A_374 : i32
      %sign3A_376 = arith.extui %sign3A_375 : i1 to i32
      %sign3A_377 = arith.subi %sign3A_373, %sign3A_376 : i32
      %sign3A_378 = arith.constant 0 : i32
      %sign3A_379 = arith.cmpi sgt, %jit3A_369, %sign3A_378 : i32
      %sign3A_380 = arith.extui %sign3A_379 : i1 to i32
      %sign3A_381 = arith.constant 0 : i32
      %sign3A_382 = arith.cmpi slt, %jit3A_369, %sign3A_381 : i32
      %sign3A_383 = arith.extui %sign3A_382 : i1 to i32
      %sign3A_384 = arith.subi %sign3A_380, %sign3A_383 : i32
      %ne3A_385 = arith.cmpi ne, %sign3A_377, %sign3A_384 : i32
      %rem3A_386 = arith.remsi %add3A_368, %jit3A_369 : i32
      %ne3A_387 = arith.constant 0 : i32
      %ne3A_388 = arith.cmpi ne, %rem3A_386, %ne3A_387 : i32
      %and3A_389 = arith.andi %ne3A_385, %ne3A_388 : i1
      %sub3A_390 = arith.constant 1 : i32
      %sub3A_391 = arith.subi %div3A_370, %sub3A_390 : i32
      %select_n3A_392 = arith.select %and3A_389, %sub3A_391, %div3A_370 : i32
      %rem3A_393 = arith.constant 8 : i32
      %rem3A_394 = arith.remsi %add3A_368, %rem3A_393 : i32
      %mul3A_395 = arith.constant 128 : i32
      %mul3A_396 = arith.muli %select_n3A_392, %mul3A_395 : i32
      %add3A_397 = arith.addi %mul3A_2, %mul3A_396 : i32
      %mul3A_398 = arith.constant 128 : i32
      %mul3A_399 = arith.muli %rem3A_394, %mul3A_398 : i32
      %add3A_400 = arith.constant 1 : i32
      %add3A_401 = arith.addi %add3A_368, %add3A_400 : i32
      %lt3A_402 = arith.cmpi slt, %add3A_401, %mul3A_31 : i32
      %convert_element_type3A_403 = arith.extui %lt3A_402 : i1 to i32
      %cond3A_404 = arith.constant 0 : i32
      %cond3A_405 = arith.cmpi ne, %convert_element_type3A_403, %cond3A_404 : i32
      scf.if %cond3A_405 {
        %add3A_644 = arith.constant 1 : i32
        %add3A_645 = arith.addi %add3A_368, %add3A_644 : i32
        %jit3A_646 = arith.constant 8 : i32
        %div3A_647 = arith.divsi %add3A_645, %jit3A_646 : i32
        %sign3A_648 = arith.constant 0 : i32
        %sign3A_649 = arith.cmpi sgt, %add3A_645, %sign3A_648 : i32
        %sign3A_650 = arith.extui %sign3A_649 : i1 to i32
        %sign3A_651 = arith.constant 0 : i32
        %sign3A_652 = arith.cmpi slt, %add3A_645, %sign3A_651 : i32
        %sign3A_653 = arith.extui %sign3A_652 : i1 to i32
        %sign3A_654 = arith.subi %sign3A_650, %sign3A_653 : i32
        %sign3A_655 = arith.constant 0 : i32
        %sign3A_656 = arith.cmpi sgt, %jit3A_646, %sign3A_655 : i32
        %sign3A_657 = arith.extui %sign3A_656 : i1 to i32
        %sign3A_658 = arith.constant 0 : i32
        %sign3A_659 = arith.cmpi slt, %jit3A_646, %sign3A_658 : i32
        %sign3A_660 = arith.extui %sign3A_659 : i1 to i32
        %sign3A_661 = arith.subi %sign3A_657, %sign3A_660 : i32
        %ne3A_662 = arith.cmpi ne, %sign3A_654, %sign3A_661 : i32
        %rem3A_663 = arith.remsi %add3A_645, %jit3A_646 : i32
        %ne3A_664 = arith.constant 0 : i32
        %ne3A_665 = arith.cmpi ne, %rem3A_663, %ne3A_664 : i32
        %and3A_666 = arith.andi %ne3A_662, %ne3A_665 : i1
        %sub3A_667 = arith.constant 1 : i32
        %sub3A_668 = arith.subi %div3A_647, %sub3A_667 : i32
        %select_n3A_669 = arith.select %and3A_666, %sub3A_668, %div3A_647 : i32
        %rem3A_670 = arith.constant 8 : i32
        %rem3A_671 = arith.remsi %add3A_645, %rem3A_670 : i32
        %mul3A_672 = arith.constant 128 : i32
        %mul3A_673 = arith.muli %select_n3A_669, %mul3A_672 : i32
        %add3A_674 = arith.addi %mul3A_2, %mul3A_673 : i32
        %mul3A_675 = arith.constant 128 : i32
        %mul3A_676 = arith.muli %rem3A_671, %mul3A_675 : i32
        %dma_start3A_677 = tpu.memref_slice %arg2[%add3A_674, %mul3A_676] : memref<65536x1024xf32, #tpu.memory_space<hbm>> -> memref<128x128xf32, #tpu.memory_space<hbm>>
        %dma_start3A_678 = tpu.memref_slice %arg2[%add3A_674, %mul3A_676] : memref<65536x1024xf32, #tpu.memory_space<hbm>> -> memref<128x128xf32, #tpu.memory_space<hbm>>
        tpu.enqueue_dma source(%dma_start3A_678 : memref<128x128xf32, #tpu.memory_space<hbm>>) target(%arg5 : memref<128x128xf32, #tpu.memory_space<vmem>>) target_semaphore(%arg10 : memref<!tpu.dma_semaphore, #tpu.memory_space<semaphore_mem>>)
      } else {
      }
      %dma_wait3A_406 = tpu.memref_slice %arg2[%add3A_397, %mul3A_399] : memref<65536x1024xf32, #tpu.memory_space<hbm>> -> memref<128x128xf32, #tpu.memory_space<hbm>>
      %dma_wait3A_407 = tpu.memref_slice %arg2[%add3A_397, %mul3A_399] : memref<65536x1024xf32, #tpu.memory_space<hbm>> -> memref<128x128xf32, #tpu.memory_space<hbm>>
      tpu.wait_dma2 semaphore(%arg11 : memref<!tpu.dma_semaphore, #tpu.memory_space<semaphore_mem>>) src(%dma_wait3A_407 : memref<128x128xf32, #tpu.memory_space<hbm>>) dst(%arg6 : memref<128x128xf32, #tpu.memory_space<vmem>>)
      %ge3A_408 = arith.constant 1 : i32
      %ge3A_409 = arith.cmpi sge, %add3A_93, %ge3A_408 : i32
      %convert_element_type3A_410 = arith.extui %ge3A_409 : i1 to i32
      %cond3A_411 = arith.constant 0 : i32
      %cond3A_412 = arith.cmpi ne, %convert_element_type3A_410, %cond3A_411 : i32
      scf.if %cond3A_412 {
        %dma_wait3A_644 = tpu.memref_slice %arg3[%mul3A_399, %add3A_397] : memref<1025x65535xf32, #tpu.memory_space<hbm>> -> memref<128x128xf32, #tpu.memory_space<hbm>>
        %dma_wait3A_645 = tpu.memref_slice %arg3[%mul3A_399, %add3A_397] : memref<1025x65535xf32, #tpu.memory_space<hbm>> -> memref<128x128xf32, #tpu.memory_space<hbm>>
        tpu.wait_dma2 semaphore(%arg13 : memref<!tpu.dma_semaphore, #tpu.memory_space<semaphore_mem>>) src(%arg8 : memref<128x128xf32, #tpu.memory_space<vmem>>) dst(%dma_wait3A_645 : memref<128x128xf32, #tpu.memory_space<hbm>>)
      } else {
      }
      %jit3A_413 = arith.constant 8 : i32
      %div3A_414 = arith.divsi %add3A_368, %jit3A_413 : i32
      %sign3A_415 = arith.constant 0 : i32
      %sign3A_416 = arith.cmpi sgt, %add3A_368, %sign3A_415 : i32
      %sign3A_417 = arith.extui %sign3A_416 : i1 to i32
      %sign3A_418 = arith.constant 0 : i32
      %sign3A_419 = arith.cmpi slt, %add3A_368, %sign3A_418 : i32
      %sign3A_420 = arith.extui %sign3A_419 : i1 to i32
      %sign3A_421 = arith.subi %sign3A_417, %sign3A_420 : i32
      %sign3A_422 = arith.constant 0 : i32
      %sign3A_423 = arith.cmpi sgt, %jit3A_413, %sign3A_422 : i32
      %sign3A_424 = arith.extui %sign3A_423 : i1 to i32
      %sign3A_425 = arith.constant 0 : i32
      %sign3A_426 = arith.cmpi slt, %jit3A_413, %sign3A_425 : i32
      %sign3A_427 = arith.extui %sign3A_426 : i1 to i32
      %sign3A_428 = arith.subi %sign3A_424, %sign3A_427 : i32
      %ne3A_429 = arith.cmpi ne, %sign3A_421, %sign3A_428 : i32
      %rem3A_430 = arith.remsi %add3A_368, %jit3A_413 : i32
      %ne3A_431 = arith.constant 0 : i32
      %ne3A_432 = arith.cmpi ne, %rem3A_430, %ne3A_431 : i32
      %and3A_433 = arith.andi %ne3A_429, %ne3A_432 : i1
      %sub3A_434 = arith.constant 1 : i32
      %sub3A_435 = arith.subi %div3A_414, %sub3A_434 : i32
      %select_n3A_436 = arith.select %and3A_433, %sub3A_435, %div3A_414 : i32
      %rem3A_437 = arith.constant 8 : i32
      %rem3A_438 = arith.remsi %add3A_368, %rem3A_437 : i32
      %mul3A_439 = arith.constant 128 : i32
      %mul3A_440 = arith.muli %select_n3A_436, %mul3A_439 : i32
      %add3A_441 = arith.addi %mul3A_2, %mul3A_440 : i32
      %mul3A_442 = arith.constant 128 : i32
      %mul3A_443 = arith.muli %rem3A_438, %mul3A_442 : i32
      %eq3A_444 = arith.constant 0 : i32
      %eq3A_445 = arith.cmpi eq, %rem3A_438, %eq3A_444 : i32
      %jit3A_446 = arith.constant 0.000000e+00 : f32
      %jit3A_447 = arith.constant 1.000000e+00 : f32
      %select_n3A_448 = arith.select %eq3A_445, %jit3A_446, %jit3A_447 : f32
      %mul3A_449 = arith.constant 128 : i32
      %mul3A_450 = arith.muli %select_n3A_436, %mul3A_449 : i32
      %add3A_451 = arith.constant 0 : i32
      %add3A_452 = arith.addi %mul3A_450, %add3A_451 : i32
      %get3A_453 = arith.index_cast %add3A_452 : i32 to index
      %get3A_454 = tpu.vector_load %arg9[%get3A_453] {strides = array<i32>} : memref<2048xf32, #tpu.memory_space<vmem>>, vector<16xf32>,
      %mul3A_455 = vector.broadcast %select_n3A_448 : f32 to vector<16xf32>
      %mul3A_456 = arith.mulf %get3A_454, %mul3A_455 : vector<16xf32>
      %mul3A_457 = arith.constant 128 : i32
      %mul3A_458 = arith.muli %select_n3A_436, %mul3A_457 : i32
      %add3A_459 = arith.constant 16 : i32
      %add3A_460 = arith.addi %mul3A_458, %add3A_459 : i32
      %get3A_461 = arith.index_cast %add3A_460 : i32 to index
      %get3A_462 = tpu.vector_load %arg9[%get3A_461] {strides = array<i32>} : memref<2048xf32, #tpu.memory_space<vmem>>, vector<16xf32>,
      %mul3A_463 = vector.broadcast %select_n3A_448 : f32 to vector<16xf32>
      %mul3A_464 = arith.mulf %get3A_462, %mul3A_463 : vector<16xf32>
      %mul3A_465 = arith.constant 128 : i32
      %mul3A_466 = arith.muli %select_n3A_436, %mul3A_465 : i32
      %add3A_467 = arith.constant 32 : i32
      %add3A_468 = arith.addi %mul3A_466, %add3A_467 : i32
      %get3A_469 = arith.index_cast %add3A_468 : i32 to index
      %get3A_470 = tpu.vector_load %arg9[%get3A_469] {strides = array<i32>} : memref<2048xf32, #tpu.memory_space<vmem>>, vector<16xf32>,
      %mul3A_471 = vector.broadcast %select_n3A_448 : f32 to vector<16xf32>
      %mul3A_472 = arith.mulf %get3A_470, %mul3A_471 : vector<16xf32>
      %mul3A_473 = arith.constant 128 : i32
      %mul3A_474 = arith.muli %select_n3A_436, %mul3A_473 : i32
      %add3A_475 = arith.constant 48 : i32
      %add3A_476 = arith.addi %mul3A_474, %add3A_475 : i32
      %get3A_477 = arith.index_cast %add3A_476 : i32 to index
      %get3A_478 = tpu.vector_load %arg9[%get3A_477] {strides = array<i32>} : memref<2048xf32, #tpu.memory_space<vmem>>, vector<16xf32>,
      %mul3A_479 = vector.broadcast %select_n3A_448 : f32 to vector<16xf32>
      %mul3A_480 = arith.mulf %get3A_478, %mul3A_479 : vector<16xf32>
      %mul3A_481 = arith.constant 128 : i32
      %mul3A_482 = arith.muli %select_n3A_436, %mul3A_481 : i32
      %add3A_483 = arith.constant 64 : i32
      %add3A_484 = arith.addi %mul3A_482, %add3A_483 : i32
      %get3A_485 = arith.index_cast %add3A_484 : i32 to index
      %get3A_486 = tpu.vector_load %arg9[%get3A_485] {strides = array<i32>} : memref<2048xf32, #tpu.memory_space<vmem>>, vector<16xf32>,
      %mul3A_487 = vector.broadcast %select_n3A_448 : f32 to vector<16xf32>
      %mul3A_488 = arith.mulf %get3A_486, %mul3A_487 : vector<16xf32>
      %mul3A_489 = arith.constant 128 : i32
      %mul3A_490 = arith.muli %select_n3A_436, %mul3A_489 : i32
      %add3A_491 = arith.constant 80 : i32
      %add3A_492 = arith.addi %mul3A_490, %add3A_491 : i32
      %get3A_493 = arith.index_cast %add3A_492 : i32 to index
      %get3A_494 = tpu.vector_load %arg9[%get3A_493] {strides = array<i32>} : memref<2048xf32, #tpu.memory_space<vmem>>, vector<16xf32>,
      %mul3A_495 = vector.broadcast %select_n3A_448 : f32 to vector<16xf32>
      %mul3A_496 = arith.mulf %get3A_494, %mul3A_495 : vector<16xf32>
      %mul3A_497 = arith.constant 128 : i32
      %mul3A_498 = arith.muli %select_n3A_436, %mul3A_497 : i32
      %add3A_499 = arith.constant 96 : i32
      %add3A_500 = arith.addi %mul3A_498, %add3A_499 : i32
      %get3A_501 = arith.index_cast %add3A_500 : i32 to index
      %get3A_502 = tpu.vector_load %arg9[%get3A_501] {strides = array<i32>} : memref<2048xf32, #tpu.memory_space<vmem>>, vector<16xf32>,
      %mul3A_503 = vector.broadcast %select_n3A_448 : f32 to vector<16xf32>
      %mul3A_504 = arith.mulf %get3A_502, %mul3A_503 : vector<16xf32>
      %mul3A_505 = arith.constant 128 : i32
      %mul3A_506 = arith.muli %select_n3A_436, %mul3A_505 : i32
      %add3A_507 = arith.constant 112 : i32
      %add3A_508 = arith.addi %mul3A_506, %add3A_507 : i32
      %get3A_509 = arith.index_cast %add3A_508 : i32 to index
      %get3A_510 = tpu.vector_load %arg9[%get3A_509] {strides = array<i32>} : memref<2048xf32, #tpu.memory_space<vmem>>, vector<16xf32>,
      %mul3A_511 = vector.broadcast %select_n3A_448 : f32 to vector<16xf32>
      %mul3A_512 = arith.mulf %get3A_510, %mul3A_511 : vector<16xf32>
      %broadcast_in_dim3A_513 = arith.constant 0 : i32
      %broadcast_in_dim3A_514 = vector.broadcast %broadcast_in_dim3A_513 : i32 to vector<16xi32>
      %mul3A_515 = arith.constant 128 : i32
      %mul3A_516 = vector.broadcast %mul3A_515 : i32 to vector<16xi32>
      %mul3A_517 = arith.muli %mul3A_516, %add3A_5 : vector<16xi32>
      %sub3A_518 = arith.subi %mul3A_517, %iota3A : vector<16xi32>
      %mul3A_519 = arith.constant 128 : i32
      %mul3A_520 = vector.broadcast %mul3A_519 : i32 to vector<16xi32>
      %mul3A_521 = arith.muli %mul3A_520, %add3A_8 : vector<16xi32>
      %sub3A_522 = arith.subi %mul3A_521, %iota3A : vector<16xi32>
      %mul3A_523 = arith.constant 128 : i32
      %mul3A_524 = vector.broadcast %mul3A_523 : i32 to vector<16xi32>
      %mul3A_525 = arith.muli %mul3A_524, %add3A_11 : vector<16xi32>
      %sub3A_526 = arith.subi %mul3A_525, %iota3A : vector<16xi32>
      %mul3A_527 = arith.constant 128 : i32
      %mul3A_528 = vector.broadcast %mul3A_527 : i32 to vector<16xi32>
      %mul3A_529 = arith.muli %mul3A_528, %add3A_14 : vector<16xi32>
      %sub3A_530 = arith.subi %mul3A_529, %iota3A : vector<16xi32>
      %mul3A_531 = arith.constant 128 : i32
      %mul3A_532 = vector.broadcast %mul3A_531 : i32 to vector<16xi32>
      %mul3A_533 = arith.muli %mul3A_532, %add3A_17 : vector<16xi32>
      %sub3A_534 = arith.subi %mul3A_533, %iota3A : vector<16xi32>
      %mul3A_535 = arith.constant 128 : i32
      %mul3A_536 = vector.broadcast %mul3A_535 : i32 to vector<16xi32>
      %mul3A_537 = arith.muli %mul3A_536, %add3A_20 : vector<16xi32>
      %sub3A_538 = arith.subi %mul3A_537, %iota3A : vector<16xi32>
      %mul3A_539 = arith.constant 128 : i32
      %mul3A_540 = vector.broadcast %mul3A_539 : i32 to vector<16xi32>
      %mul3A_541 = arith.muli %mul3A_540, %add3A_23 : vector<16xi32>
      %sub3A_542 = arith.subi %mul3A_541, %iota3A : vector<16xi32>
      %mul3A_543 = arith.constant 128 : i32
      %mul3A_544 = vector.broadcast %mul3A_543 : i32 to vector<16xi32>
      %mul3A_545 = arith.muli %mul3A_544, %add3A_26 : vector<16xi32>
      %sub3A_546 = arith.subi %mul3A_545, %iota3A : vector<16xi32>
      %mul3A_547 = arith.constant 128 : i32
      %mul3A_548 = vector.broadcast %mul3A_547 : i32 to vector<16xi32>
      %mul3A_549 = arith.muli %mul3A_548, %iota3A : vector<16xi32>
      %sub3A_550 = arith.subi %add3A_5, %mul3A_549 : vector<16xi32>
      %mul3A_551 = arith.constant 128 : i32
      %mul3A_552 = vector.broadcast %mul3A_551 : i32 to vector<16xi32>
      %mul3A_553 = arith.muli %mul3A_552, %iota3A : vector<16xi32>
      %sub3A_554 = arith.subi %add3A_8, %mul3A_553 : vector<16xi32>
      %mul3A_555 = arith.constant 128 : i32
      %mul3A_556 = vector.broadcast %mul3A_555 : i32 to vector<16xi32>
      %mul3A_557 = arith.muli %mul3A_556, %iota3A : vector<16xi32>
      %sub3A_558 = arith.subi %add3A_11, %mul3A_557 : vector<16xi32>
      %mul3A_559 = arith.constant 128 : i32
      %mul3A_560 = vector.broadcast %mul3A_559 : i32 to vector<16xi32>
      %mul3A_561 = arith.muli %mul3A_560, %iota3A : vector<16xi32>
      %sub3A_562 = arith.subi %add3A_14, %mul3A_561 : vector<16xi32>
      %mul3A_563 = arith.constant 128 : i32
      %mul3A_564 = vector.broadcast %mul3A_563 : i32 to vector<16xi32>
      %mul3A_565 = arith.muli %mul3A_564, %iota3A : vector<16xi32>
      %sub3A_566 = arith.subi %add3A_17, %mul3A_565 : vector<16xi32>
      %mul3A_567 = arith.constant 128 : i32
      %mul3A_568 = vector.broadcast %mul3A_567 : i32 to vector<16xi32>
      %mul3A_569 = arith.muli %mul3A_568, %iota3A : vector<16xi32>
      %sub3A_570 = arith.subi %add3A_20, %mul3A_569 : vector<16xi32>
      %mul3A_571 = arith.constant 128 : i32
      %mul3A_572 = vector.broadcast %mul3A_571 : i32 to vector<16xi32>
      %mul3A_573 = arith.muli %mul3A_572, %iota3A : vector<16xi32>
      %sub3A_574 = arith.subi %add3A_23, %mul3A_573 : vector<16xi32>
      %mul3A_575 = arith.constant 128 : i32
      %mul3A_576 = vector.broadcast %mul3A_575 : i32 to vector<16xi32>
      %mul3A_577 = arith.muli %mul3A_576, %iota3A : vector<16xi32>
      %sub3A_578 = arith.subi %add3A_26, %mul3A_577 : vector<16xi32>
      %neg3A_579 = arith.constant 0 : i32
      %neg3A_580 = vector.broadcast %neg3A_579 : i32 to vector<16xi32>
      %neg3A_581 = arith.subi %neg3A_580, %iota3A : vector<16xi32>
      %parallel_loop3A_582 = arith.constant 0 : i32
      %parallel_loop3A_583 = arith.constant 15 : i32
      %parallel_loop3A_584 = arith.constant 1 : i32
      %parallel_loop3A_585:25 = scf.for %parallel_loop3A_644 = %parallel_loop3A_582 to %parallel_loop3A_583 step %parallel_loop3A_584 iter_args(%parallel_loop3A_645 = %mul3A_456, %parallel_loop3A_646 = %mul3A_464, %parallel_loop3A_647 = %mul3A_472, %parallel_loop3A_648 = %mul3A_480, %parallel_loop3A_649 = %mul3A_488, %parallel_loop3A_650 = %mul3A_496, %parallel_loop3A_651 = %mul3A_504, %parallel_loop3A_652 = %mul3A_512, %parallel_loop3A_653 = %sub3A_518, %parallel_loop3A_654 = %sub3A_522, %parallel_loop3A_655 = %sub3A_526, %parallel_loop3A_656 = %sub3A_530, %parallel_loop3A_657 = %sub3A_534, %parallel_loop3A_658 = %sub3A_538, %parallel_loop3A_659 = %sub3A_542, %parallel_loop3A_660 = %sub3A_546, %parallel_loop3A_661 = %sub3A_550, %parallel_loop3A_662 = %sub3A_554, %parallel_loop3A_663 = %sub3A_558, %parallel_loop3A_664 = %sub3A_562, %parallel_loop3A_665 = %sub3A_566, %parallel_loop3A_666 = %sub3A_570, %parallel_loop3A_667 = %sub3A_574, %parallel_loop3A_668 = %sub3A_578, %parallel_loop3A_669 = %neg3A_581) -> (vector<16xf32>, vector<16xf32>, vector<16xf32>, vector<16xf32>, vector<16xf32>, vector<16xf32>, vector<16xf32>, vector<16xf32>, vector<16xi32>, vector<16xi32>, vector<16xi32>, vector<16xi32>, vector<16xi32>, vector<16xi32>, vector<16xi32>, vector<16xi32>, vector<16xi32>, vector<16xi32>, vector<16xi32>, vector<16xi32>, vector<16xi32>, vector<16xi32>, vector<16xi32>, vector<16xi32>, vector<16xi32>)  : i32 {
        %parallel_loop3A_670 = arith.constant 0 : i32
        %parallel_loop3A_671 = vector.broadcast %parallel_loop3A_670 : i32 to vector<16xi32>
        %parallel_loop3A_672 = arith.cmpi sge, %parallel_loop3A_669, %parallel_loop3A_671 : vector<16xi32>
        %parallel_loop3A_673 = arith.constant 128 : i32
        %parallel_loop3A_674 = vector.broadcast %parallel_loop3A_673 : i32 to vector<16xi32>
        %parallel_loop3A_675 = arith.cmpi slt, %parallel_loop3A_669, %parallel_loop3A_674 : vector<16xi32>
        %parallel_loop3A_676 = arith.andi %parallel_loop3A_672, %parallel_loop3A_675 : vector<16xi1>
        tpu.vector_store_idx %arg8[%broadcast_in_dim3A_514, %parallel_loop3A_661], %parallel_loop3A_645 masked %parallel_loop3A_676 : memref<128x128xf32, #tpu.memory_space<vmem>>[vector<16xi32>, vector<16xi32>], vector<16xf32>, vector<16xi1>
        %parallel_loop3A_677 = tpu.vector_load_idx %arg6[%broadcast_in_dim3A_514, %parallel_loop3A_653] masked %parallel_loop3A_676 : memref<128x128xf32, #tpu.memory_space<vmem>>[vector<16xi32>, vector<16xi32>], vector<16xf32>, vector<16xi1>
        %parallel_loop3A_678 = arith.constant 0.000000e+00 : f32
        %parallel_loop3A_679 = vector.broadcast %parallel_loop3A_678 : f32 to vector<16xf32>
        %parallel_loop3A_680 = arith.select %parallel_loop3A_676, %parallel_loop3A_677, %parallel_loop3A_679 : vector<16xi1>, vector<16xf32>
        %parallel_loop3A_681 = arith.addf %parallel_loop3A_645, %parallel_loop3A_680 : vector<16xf32>
        %parallel_loop3A_682 = arith.constant 1 : i32
        %parallel_loop3A_683 = vector.broadcast %parallel_loop3A_682 : i32 to vector<16xi32>
        %parallel_loop3A_684 = arith.addi %parallel_loop3A_653, %parallel_loop3A_683 : vector<16xi32>
        %parallel_loop3A_685 = arith.constant 128 : i32
        %parallel_loop3A_686 = vector.broadcast %parallel_loop3A_685 : i32 to vector<16xi32>
        %parallel_loop3A_687 = arith.addi %parallel_loop3A_661, %parallel_loop3A_686 : vector<16xi32>
        tpu.vector_store_idx %arg8[%broadcast_in_dim3A_514, %parallel_loop3A_662], %parallel_loop3A_646 masked %parallel_loop3A_676 : memref<128x128xf32, #tpu.memory_space<vmem>>[vector<16xi32>, vector<16xi32>], vector<16xf32>, vector<16xi1>
        %parallel_loop3A_688 = tpu.vector_load_idx %arg6[%broadcast_in_dim3A_514, %parallel_loop3A_654] masked %parallel_loop3A_676 : memref<128x128xf32, #tpu.memory_space<vmem>>[vector<16xi32>, vector<16xi32>], vector<16xf32>, vector<16xi1>
        %parallel_loop3A_689 = arith.constant 0.000000e+00 : f32
        %parallel_loop3A_690 = vector.broadcast %parallel_loop3A_689 : f32 to vector<16xf32>
        %parallel_loop3A_691 = arith.select %parallel_loop3A_676, %parallel_loop3A_688, %parallel_loop3A_690 : vector<16xi1>, vector<16xf32>
        %parallel_loop3A_692 = arith.addf %parallel_loop3A_646, %parallel_loop3A_691 : vector<16xf32>
        %parallel_loop3A_693 = arith.constant 1 : i32
        %parallel_loop3A_694 = vector.broadcast %parallel_loop3A_693 : i32 to vector<16xi32>
        %parallel_loop3A_695 = arith.addi %parallel_loop3A_654, %parallel_loop3A_694 : vector<16xi32>
        %parallel_loop3A_696 = arith.constant 128 : i32
        %parallel_loop3A_697 = vector.broadcast %parallel_loop3A_696 : i32 to vector<16xi32>
        %parallel_loop3A_698 = arith.addi %parallel_loop3A_662, %parallel_loop3A_697 : vector<16xi32>
        tpu.vector_store_idx %arg8[%broadcast_in_dim3A_514, %parallel_loop3A_663], %parallel_loop3A_647 masked %parallel_loop3A_676 : memref<128x128xf32, #tpu.memory_space<vmem>>[vector<16xi32>, vector<16xi32>], vector<16xf32>, vector<16xi1>
        %parallel_loop3A_699 = tpu.vector_load_idx %arg6[%broadcast_in_dim3A_514, %parallel_loop3A_655] masked %parallel_loop3A_676 : memref<128x128xf32, #tpu.memory_space<vmem>>[vector<16xi32>, vector<16xi32>], vector<16xf32>, vector<16xi1>
        %parallel_loop3A_700 = arith.constant 0.000000e+00 : f32
        %parallel_loop3A_701 = vector.broadcast %parallel_loop3A_700 : f32 to vector<16xf32>
        %parallel_loop3A_702 = arith.select %parallel_loop3A_676, %parallel_loop3A_699, %parallel_loop3A_701 : vector<16xi1>, vector<16xf32>
        %parallel_loop3A_703 = arith.addf %parallel_loop3A_647, %parallel_loop3A_702 : vector<16xf32>
        %parallel_loop3A_704 = arith.constant 1 : i32
        %parallel_loop3A_705 = vector.broadcast %parallel_loop3A_704 : i32 to vector<16xi32>
        %parallel_loop3A_706 = arith.addi %parallel_loop3A_655, %parallel_loop3A_705 : vector<16xi32>
        %parallel_loop3A_707 = arith.constant 128 : i32
        %parallel_loop3A_708 = vector.broadcast %parallel_loop3A_707 : i32 to vector<16xi32>
        %parallel_loop3A_709 = arith.addi %parallel_loop3A_663, %parallel_loop3A_708 : vector<16xi32>
        tpu.vector_store_idx %arg8[%broadcast_in_dim3A_514, %parallel_loop3A_664], %parallel_loop3A_648 masked %parallel_loop3A_676 : memref<128x128xf32, #tpu.memory_space<vmem>>[vector<16xi32>, vector<16xi32>], vector<16xf32>, vector<16xi1>
        %parallel_loop3A_710 = tpu.vector_load_idx %arg6[%broadcast_in_dim3A_514, %parallel_loop3A_656] masked %parallel_loop3A_676 : memref<128x128xf32, #tpu.memory_space<vmem>>[vector<16xi32>, vector<16xi32>], vector<16xf32>, vector<16xi1>
        %parallel_loop3A_711 = arith.constant 0.000000e+00 : f32
        %parallel_loop3A_712 = vector.broadcast %parallel_loop3A_711 : f32 to vector<16xf32>
        %parallel_loop3A_713 = arith.select %parallel_loop3A_676, %parallel_loop3A_710, %parallel_loop3A_712 : vector<16xi1>, vector<16xf32>
        %parallel_loop3A_714 = arith.addf %parallel_loop3A_648, %parallel_loop3A_713 : vector<16xf32>
        %parallel_loop3A_715 = arith.constant 1 : i32
        %parallel_loop3A_716 = vector.broadcast %parallel_loop3A_715 : i32 to vector<16xi32>
        %parallel_loop3A_717 = arith.addi %parallel_loop3A_656, %parallel_loop3A_716 : vector<16xi32>
        %parallel_loop3A_718 = arith.constant 128 : i32
        %parallel_loop3A_719 = vector.broadcast %parallel_loop3A_718 : i32 to vector<16xi32>
        %parallel_loop3A_720 = arith.addi %parallel_loop3A_664, %parallel_loop3A_719 : vector<16xi32>
        tpu.vector_store_idx %arg8[%broadcast_in_dim3A_514, %parallel_loop3A_665], %parallel_loop3A_649 masked %parallel_loop3A_676 : memref<128x128xf32, #tpu.memory_space<vmem>>[vector<16xi32>, vector<16xi32>], vector<16xf32>, vector<16xi1>
        %parallel_loop3A_721 = tpu.vector_load_idx %arg6[%broadcast_in_dim3A_514, %parallel_loop3A_657] masked %parallel_loop3A_676 : memref<128x128xf32, #tpu.memory_space<vmem>>[vector<16xi32>, vector<16xi32>], vector<16xf32>, vector<16xi1>
        %parallel_loop3A_722 = arith.constant 0.000000e+00 : f32
        %parallel_loop3A_723 = vector.broadcast %parallel_loop3A_722 : f32 to vector<16xf32>
        %parallel_loop3A_724 = arith.select %parallel_loop3A_676, %parallel_loop3A_721, %parallel_loop3A_723 : vector<16xi1>, vector<16xf32>
        %parallel_loop3A_725 = arith.addf %parallel_loop3A_649, %parallel_loop3A_724 : vector<16xf32>
        %parallel_loop3A_726 = arith.constant 1 : i32
        %parallel_loop3A_727 = vector.broadcast %parallel_loop3A_726 : i32 to vector<16xi32>
        %parallel_loop3A_728 = arith.addi %parallel_loop3A_657, %parallel_loop3A_727 : vector<16xi32>
        %parallel_loop3A_729 = arith.constant 128 : i32
        %parallel_loop3A_730 = vector.broadcast %parallel_loop3A_729 : i32 to vector<16xi32>
        %parallel_loop3A_731 = arith.addi %parallel_loop3A_665, %parallel_loop3A_730 : vector<16xi32>
        tpu.vector_store_idx %arg8[%broadcast_in_dim3A_514, %parallel_loop3A_666], %parallel_loop3A_650 masked %parallel_loop3A_676 : memref<128x128xf32, #tpu.memory_space<vmem>>[vector<16xi32>, vector<16xi32>], vector<16xf32>, vector<16xi1>
        %parallel_loop3A_732 = tpu.vector_load_idx %arg6[%broadcast_in_dim3A_514, %parallel_loop3A_658] masked %parallel_loop3A_676 : memref<128x128xf32, #tpu.memory_space<vmem>>[vector<16xi32>, vector<16xi32>], vector<16xf32>, vector<16xi1>
        %parallel_loop3A_733 = arith.constant 0.000000e+00 : f32
        %parallel_loop3A_734 = vector.broadcast %parallel_loop3A_733 : f32 to vector<16xf32>
        %parallel_loop3A_735 = arith.select %parallel_loop3A_676, %parallel_loop3A_732, %parallel_loop3A_734 : vector<16xi1>, vector<16xf32>
        %parallel_loop3A_736 = arith.addf %parallel_loop3A_650, %parallel_loop3A_735 : vector<16xf32>
        %parallel_loop3A_737 = arith.constant 1 : i32
        %parallel_loop3A_738 = vector.broadcast %parallel_loop3A_737 : i32 to vector<16xi32>
        %parallel_loop3A_739 = arith.addi %parallel_loop3A_658, %parallel_loop3A_738 : vector<16xi32>
        %parallel_loop3A_740 = arith.constant 128 : i32
        %parallel_loop3A_741 = vector.broadcast %parallel_loop3A_740 : i32 to vector<16xi32>
        %parallel_loop3A_742 = arith.addi %parallel_loop3A_666, %parallel_loop3A_741 : vector<16xi32>
        tpu.vector_store_idx %arg8[%broadcast_in_dim3A_514, %parallel_loop3A_667], %parallel_loop3A_651 masked %parallel_loop3A_676 : memref<128x128xf32, #tpu.memory_space<vmem>>[vector<16xi32>, vector<16xi32>], vector<16xf32>, vector<16xi1>
        %parallel_loop3A_743 = tpu.vector_load_idx %arg6[%broadcast_in_dim3A_514, %parallel_loop3A_659] masked %parallel_loop3A_676 : memref<128x128xf32, #tpu.memory_space<vmem>>[vector<16xi32>, vector<16xi32>], vector<16xf32>, vector<16xi1>
        %parallel_loop3A_744 = arith.constant 0.000000e+00 : f32
        %parallel_loop3A_745 = vector.broadcast %parallel_loop3A_744 : f32 to vector<16xf32>
        %parallel_loop3A_746 = arith.select %parallel_loop3A_676, %parallel_loop3A_743, %parallel_loop3A_745 : vector<16xi1>, vector<16xf32>
        %parallel_loop3A_747 = arith.addf %parallel_loop3A_651, %parallel_loop3A_746 : vector<16xf32>
        %parallel_loop3A_748 = arith.constant 1 : i32
        %parallel_loop3A_749 = vector.broadcast %parallel_loop3A_748 : i32 to vector<16xi32>
        %parallel_loop3A_750 = arith.addi %parallel_loop3A_659, %parallel_loop3A_749 : vector<16xi32>
        %parallel_loop3A_751 = arith.constant 128 : i32
        %parallel_loop3A_752 = vector.broadcast %parallel_loop3A_751 : i32 to vector<16xi32>
        %parallel_loop3A_753 = arith.addi %parallel_loop3A_667, %parallel_loop3A_752 : vector<16xi32>
        tpu.vector_store_idx %arg8[%broadcast_in_dim3A_514, %parallel_loop3A_668], %parallel_loop3A_652 masked %parallel_loop3A_676 : memref<128x128xf32, #tpu.memory_space<vmem>>[vector<16xi32>, vector<16xi32>], vector<16xf32>, vector<16xi1>
        %parallel_loop3A_754 = tpu.vector_load_idx %arg6[%broadcast_in_dim3A_514, %parallel_loop3A_660] masked %parallel_loop3A_676 : memref<128x128xf32, #tpu.memory_space<vmem>>[vector<16xi32>, vector<16xi32>], vector<16xf32>, vector<16xi1>
        %parallel_loop3A_755 = arith.constant 0.000000e+00 : f32
        %parallel_loop3A_756 = vector.broadcast %parallel_loop3A_755 : f32 to vector<16xf32>
        %parallel_loop3A_757 = arith.select %parallel_loop3A_676, %parallel_loop3A_754, %parallel_loop3A_756 : vector<16xi1>, vector<16xf32>
        %parallel_loop3A_758 = arith.addf %parallel_loop3A_652, %parallel_loop3A_757 : vector<16xf32>
        %parallel_loop3A_759 = arith.constant 1 : i32
        %parallel_loop3A_760 = vector.broadcast %parallel_loop3A_759 : i32 to vector<16xi32>
        %parallel_loop3A_761 = arith.addi %parallel_loop3A_660, %parallel_loop3A_760 : vector<16xi32>
        %parallel_loop3A_762 = arith.constant 128 : i32
        %parallel_loop3A_763 = vector.broadcast %parallel_loop3A_762 : i32 to vector<16xi32>
        %parallel_loop3A_764 = arith.addi %parallel_loop3A_668, %parallel_loop3A_763 : vector<16xi32>
        %parallel_loop3A_765 = arith.constant 1 : i32
        %parallel_loop3A_766 = vector.broadcast %parallel_loop3A_765 : i32 to vector<16xi32>
        %parallel_loop3A_767 = arith.addi %parallel_loop3A_669, %parallel_loop3A_766 : vector<16xi32>
        scf.yield %parallel_loop3A_681, %parallel_loop3A_692, %parallel_loop3A_703, %parallel_loop3A_714, %parallel_loop3A_725, %parallel_loop3A_736, %parallel_loop3A_747, %parallel_loop3A_758, %parallel_loop3A_684, %parallel_loop3A_695, %parallel_loop3A_706, %parallel_loop3A_717, %parallel_loop3A_728, %parallel_loop3A_739, %parallel_loop3A_750, %parallel_loop3A_761, %parallel_loop3A_687, %parallel_loop3A_698, %parallel_loop3A_709, %parallel_loop3A_720, %parallel_loop3A_731, %parallel_loop3A_742, %parallel_loop3A_753, %parallel_loop3A_764, %parallel_loop3A_767 : vector<16xf32>, vector<16xf32>, vector<16xf32>, vector<16xf32>, vector<16xf32>, vector<16xf32>, vector<16xf32>, vector<16xf32>, vector<16xi32>, vector<16xi32>, vector<16xi32>, vector<16xi32>, vector<16xi32>, vector<16xi32>, vector<16xi32>, vector<16xi32>, vector<16xi32>, vector<16xi32>, vector<16xi32>, vector<16xi32>, vector<16xi32>, vector<16xi32>, vector<16xi32>, vector<16xi32>, vector<16xi32>
      } {sc.loop_unroll_factor = 5 : i64, sc.parallel_access}
      %parallel_loop3A_586 = arith.constant 15 : i32
      %parallel_loop3A_587 = arith.constant 127 : i32
      %parallel_loop3A_588 = arith.constant 1 : i32
      %parallel_loop3A_589:25 = scf.for %parallel_loop3A_644 = %parallel_loop3A_586 to %parallel_loop3A_587 step %parallel_loop3A_588 iter_args(%parallel_loop3A_645 = %parallel_loop3A_585#0, %parallel_loop3A_646 = %parallel_loop3A_585#1, %parallel_loop3A_647 = %parallel_loop3A_585#2, %parallel_loop3A_648 = %parallel_loop3A_585#3, %parallel_loop3A_649 = %parallel_loop3A_585#4, %parallel_loop3A_650 = %parallel_loop3A_585#5, %parallel_loop3A_651 = %parallel_loop3A_585#6, %parallel_loop3A_652 = %parallel_loop3A_585#7, %parallel_loop3A_653 = %parallel_loop3A_585#8, %parallel_loop3A_654 = %parallel_loop3A_585#9, %parallel_loop3A_655 = %parallel_loop3A_585#10, %parallel_loop3A_656 = %parallel_loop3A_585#11, %parallel_loop3A_657 = %parallel_loop3A_585#12, %parallel_loop3A_658 = %parallel_loop3A_585#13, %parallel_loop3A_659 = %parallel_loop3A_585#14, %parallel_loop3A_660 = %parallel_loop3A_585#15, %parallel_loop3A_661 = %parallel_loop3A_585#16, %parallel_loop3A_662 = %parallel_loop3A_585#17, %parallel_loop3A_663 = %parallel_loop3A_585#18, %parallel_loop3A_664 = %parallel_loop3A_585#19, %parallel_loop3A_665 = %parallel_loop3A_585#20, %parallel_loop3A_666 = %parallel_loop3A_585#21, %parallel_loop3A_667 = %parallel_loop3A_585#22, %parallel_loop3A_668 = %parallel_loop3A_585#23, %parallel_loop3A_669 = %parallel_loop3A_585#24) -> (vector<16xf32>, vector<16xf32>, vector<16xf32>, vector<16xf32>, vector<16xf32>, vector<16xf32>, vector<16xf32>, vector<16xf32>, vector<16xi32>, vector<16xi32>, vector<16xi32>, vector<16xi32>, vector<16xi32>, vector<16xi32>, vector<16xi32>, vector<16xi32>, vector<16xi32>, vector<16xi32>, vector<16xi32>, vector<16xi32>, vector<16xi32>, vector<16xi32>, vector<16xi32>, vector<16xi32>, vector<16xi32>)  : i32 {
        tpu.vector_store_idx %arg8[%broadcast_in_dim3A_514, %parallel_loop3A_661], %parallel_loop3A_645 : memref<128x128xf32, #tpu.memory_space<vmem>>[vector<16xi32>, vector<16xi32>], vector<16xf32>,
        %parallel_loop3A_670 = tpu.vector_load_idx %arg6[%broadcast_in_dim3A_514, %parallel_loop3A_653] : memref<128x128xf32, #tpu.memory_space<vmem>>[vector<16xi32>, vector<16xi32>], vector<16xf32>,
        %parallel_loop3A_671 = arith.addf %parallel_loop3A_645, %parallel_loop3A_670 : vector<16xf32>
        %parallel_loop3A_672 = arith.constant 1 : i32
        %parallel_loop3A_673 = vector.broadcast %parallel_loop3A_672 : i32 to vector<16xi32>
        %parallel_loop3A_674 = arith.addi %parallel_loop3A_653, %parallel_loop3A_673 : vector<16xi32>
        %parallel_loop3A_675 = arith.constant 128 : i32
        %parallel_loop3A_676 = vector.broadcast %parallel_loop3A_675 : i32 to vector<16xi32>
        %parallel_loop3A_677 = arith.addi %parallel_loop3A_661, %parallel_loop3A_676 : vector<16xi32>
        tpu.vector_store_idx %arg8[%broadcast_in_dim3A_514, %parallel_loop3A_662], %parallel_loop3A_646 : memref<128x128xf32, #tpu.memory_space<vmem>>[vector<16xi32>, vector<16xi32>], vector<16xf32>,
        %parallel_loop3A_678 = tpu.vector_load_idx %arg6[%broadcast_in_dim3A_514, %parallel_loop3A_654] : memref<128x128xf32, #tpu.memory_space<vmem>>[vector<16xi32>, vector<16xi32>], vector<16xf32>,
        %parallel_loop3A_679 = arith.addf %parallel_loop3A_646, %parallel_loop3A_678 : vector<16xf32>
        %parallel_loop3A_680 = arith.constant 1 : i32
        %parallel_loop3A_681 = vector.broadcast %parallel_loop3A_680 : i32 to vector<16xi32>
        %parallel_loop3A_682 = arith.addi %parallel_loop3A_654, %parallel_loop3A_681 : vector<16xi32>
        %parallel_loop3A_683 = arith.constant 128 : i32
        %parallel_loop3A_684 = vector.broadcast %parallel_loop3A_683 : i32 to vector<16xi32>
        %parallel_loop3A_685 = arith.addi %parallel_loop3A_662, %parallel_loop3A_684 : vector<16xi32>
        tpu.vector_store_idx %arg8[%broadcast_in_dim3A_514, %parallel_loop3A_663], %parallel_loop3A_647 : memref<128x128xf32, #tpu.memory_space<vmem>>[vector<16xi32>, vector<16xi32>], vector<16xf32>,
        %parallel_loop3A_686 = tpu.vector_load_idx %arg6[%broadcast_in_dim3A_514, %parallel_loop3A_655] : memref<128x128xf32, #tpu.memory_space<vmem>>[vector<16xi32>, vector<16xi32>], vector<16xf32>,
        %parallel_loop3A_687 = arith.addf %parallel_loop3A_647, %parallel_loop3A_686 : vector<16xf32>
        %parallel_loop3A_688 = arith.constant 1 : i32
        %parallel_loop3A_689 = vector.broadcast %parallel_loop3A_688 : i32 to vector<16xi32>
        %parallel_loop3A_690 = arith.addi %parallel_loop3A_655, %parallel_loop3A_689 : vector<16xi32>
        %parallel_loop3A_691 = arith.constant 128 : i32
        %parallel_loop3A_692 = vector.broadcast %parallel_loop3A_691 : i32 to vector<16xi32>
        %parallel_loop3A_693 = arith.addi %parallel_loop3A_663, %parallel_loop3A_692 : vector<16xi32>
        tpu.vector_store_idx %arg8[%broadcast_in_dim3A_514, %parallel_loop3A_664], %parallel_loop3A_648 : memref<128x128xf32, #tpu.memory_space<vmem>>[vector<16xi32>, vector<16xi32>], vector<16xf32>,
        %parallel_loop3A_694 = tpu.vector_load_idx %arg6[%broadcast_in_dim3A_514, %parallel_loop3A_656] : memref<128x128xf32, #tpu.memory_space<vmem>>[vector<16xi32>, vector<16xi32>], vector<16xf32>,
        %parallel_loop3A_695 = arith.addf %parallel_loop3A_648, %parallel_loop3A_694 : vector<16xf32>
        %parallel_loop3A_696 = arith.constant 1 : i32
        %parallel_loop3A_697 = vector.broadcast %parallel_loop3A_696 : i32 to vector<16xi32>
        %parallel_loop3A_698 = arith.addi %parallel_loop3A_656, %parallel_loop3A_697 : vector<16xi32>
        %parallel_loop3A_699 = arith.constant 128 : i32
        %parallel_loop3A_700 = vector.broadcast %parallel_loop3A_699 : i32 to vector<16xi32>
        %parallel_loop3A_701 = arith.addi %parallel_loop3A_664, %parallel_loop3A_700 : vector<16xi32>
        tpu.vector_store_idx %arg8[%broadcast_in_dim3A_514, %parallel_loop3A_665], %parallel_loop3A_649 : memref<128x128xf32, #tpu.memory_space<vmem>>[vector<16xi32>, vector<16xi32>], vector<16xf32>,
        %parallel_loop3A_702 = tpu.vector_load_idx %arg6[%broadcast_in_dim3A_514, %parallel_loop3A_657] : memref<128x128xf32, #tpu.memory_space<vmem>>[vector<16xi32>, vector<16xi32>], vector<16xf32>,
        %parallel_loop3A_703 = arith.addf %parallel_loop3A_649, %parallel_loop3A_702 : vector<16xf32>
        %parallel_loop3A_704 = arith.constant 1 : i32
        %parallel_loop3A_705 = vector.broadcast %parallel_loop3A_704 : i32 to vector<16xi32>
        %parallel_loop3A_706 = arith.addi %parallel_loop3A_657, %parallel_loop3A_705 : vector<16xi32>
        %parallel_loop3A_707 = arith.constant 128 : i32
        %parallel_loop3A_708 = vector.broadcast %parallel_loop3A_707 : i32 to vector<16xi32>
        %parallel_loop3A_709 = arith.addi %parallel_loop3A_665, %parallel_loop3A_708 : vector<16xi32>
        tpu.vector_store_idx %arg8[%broadcast_in_dim3A_514, %parallel_loop3A_666], %parallel_loop3A_650 : memref<128x128xf32, #tpu.memory_space<vmem>>[vector<16xi32>, vector<16xi32>], vector<16xf32>,
        %parallel_loop3A_710 = tpu.vector_load_idx %arg6[%broadcast_in_dim3A_514, %parallel_loop3A_658] : memref<128x128xf32, #tpu.memory_space<vmem>>[vector<16xi32>, vector<16xi32>], vector<16xf32>,
        %parallel_loop3A_711 = arith.addf %parallel_loop3A_650, %parallel_loop3A_710 : vector<16xf32>
        %parallel_loop3A_712 = arith.constant 1 : i32
        %parallel_loop3A_713 = vector.broadcast %parallel_loop3A_712 : i32 to vector<16xi32>
        %parallel_loop3A_714 = arith.addi %parallel_loop3A_658, %parallel_loop3A_713 : vector<16xi32>
        %parallel_loop3A_715 = arith.constant 128 : i32
        %parallel_loop3A_716 = vector.broadcast %parallel_loop3A_715 : i32 to vector<16xi32>
        %parallel_loop3A_717 = arith.addi %parallel_loop3A_666, %parallel_loop3A_716 : vector<16xi32>
        tpu.vector_store_idx %arg8[%broadcast_in_dim3A_514, %parallel_loop3A_667], %parallel_loop3A_651 : memref<128x128xf32, #tpu.memory_space<vmem>>[vector<16xi32>, vector<16xi32>], vector<16xf32>,
        %parallel_loop3A_718 = tpu.vector_load_idx %arg6[%broadcast_in_dim3A_514, %parallel_loop3A_659] : memref<128x128xf32, #tpu.memory_space<vmem>>[vector<16xi32>, vector<16xi32>], vector<16xf32>,
        %parallel_loop3A_719 = arith.addf %parallel_loop3A_651, %parallel_loop3A_718 : vector<16xf32>
        %parallel_loop3A_720 = arith.constant 1 : i32
        %parallel_loop3A_721 = vector.broadcast %parallel_loop3A_720 : i32 to vector<16xi32>
        %parallel_loop3A_722 = arith.addi %parallel_loop3A_659, %parallel_loop3A_721 : vector<16xi32>
        %parallel_loop3A_723 = arith.constant 128 : i32
        %parallel_loop3A_724 = vector.broadcast %parallel_loop3A_723 : i32 to vector<16xi32>
        %parallel_loop3A_725 = arith.addi %parallel_loop3A_667, %parallel_loop3A_724 : vector<16xi32>
        tpu.vector_store_idx %arg8[%broadcast_in_dim3A_514, %parallel_loop3A_668], %parallel_loop3A_652 : memref<128x128xf32, #tpu.memory_space<vmem>>[vector<16xi32>, vector<16xi32>], vector<16xf32>,
        %parallel_loop3A_726 = tpu.vector_load_idx %arg6[%broadcast_in_dim3A_514, %parallel_loop3A_660] : memref<128x128xf32, #tpu.memory_space<vmem>>[vector<16xi32>, vector<16xi32>], vector<16xf32>,
        %parallel_loop3A_727 = arith.addf %parallel_loop3A_652, %parallel_loop3A_726 : vector<16xf32>
        %parallel_loop3A_728 = arith.constant 1 : i32
        %parallel_loop3A_729 = vector.broadcast %parallel_loop3A_728 : i32 to vector<16xi32>
        %parallel_loop3A_730 = arith.addi %parallel_loop3A_660, %parallel_loop3A_729 : vector<16xi32>
        %parallel_loop3A_731 = arith.constant 128 : i32
        %parallel_loop3A_732 = vector.broadcast %parallel_loop3A_731 : i32 to vector<16xi32>
        %parallel_loop3A_733 = arith.addi %parallel_loop3A_668, %parallel_loop3A_732 : vector<16xi32>
        %parallel_loop3A_734 = arith.constant 1 : i32
        %parallel_loop3A_735 = vector.broadcast %parallel_loop3A_734 : i32 to vector<16xi32>
        %parallel_loop3A_736 = arith.addi %parallel_loop3A_669, %parallel_loop3A_735 : vector<16xi32>
        scf.yield %parallel_loop3A_671, %parallel_loop3A_679, %parallel_loop3A_687, %parallel_loop3A_695, %parallel_loop3A_703, %parallel_loop3A_711, %parallel_loop3A_719, %parallel_loop3A_727, %parallel_loop3A_674, %parallel_loop3A_682, %parallel_loop3A_690, %parallel_loop3A_698, %parallel_loop3A_706, %parallel_loop3A_714, %parallel_loop3A_722, %parallel_loop3A_730, %parallel_loop3A_677, %parallel_loop3A_685, %parallel_loop3A_693, %parallel_loop3A_701, %parallel_loop3A_709, %parallel_loop3A_717, %parallel_loop3A_725, %parallel_loop3A_733, %parallel_loop3A_736 : vector<16xf32>, vector<16xf32>, vector<16xf32>, vector<16xf32>, vector<16xf32>, vector<16xf32>, vector<16xf32>, vector<16xf32>, vector<16xi32>, vector<16xi32>, vector<16xi32>, vector<16xi32>, vector<16xi32>, vector<16xi32>, vector<16xi32>, vector<16xi32>, vector<16xi32>, vector<16xi32>, vector<16xi32>, vector<16xi32>, vector<16xi32>, vector<16xi32>, vector<16xi32>, vector<16xi32>, vector<16xi32>
      } {sc.loop_unroll_factor = 4 : i64, sc.parallel_access}
      %parallel_loop3A_590 = arith.constant 127 : i32
      %parallel_loop3A_591 = arith.constant 143 : i32
      %parallel_loop3A_592 = arith.constant 1 : i32
      %parallel_loop3A_593:25 = scf.for %parallel_loop3A_644 = %parallel_loop3A_590 to %parallel_loop3A_591 step %parallel_loop3A_592 iter_args(%parallel_loop3A_645 = %parallel_loop3A_589#0, %parallel_loop3A_646 = %parallel_loop3A_589#1, %parallel_loop3A_647 = %parallel_loop3A_589#2, %parallel_loop3A_648 = %parallel_loop3A_589#3, %parallel_loop3A_649 = %parallel_loop3A_589#4, %parallel_loop3A_650 = %parallel_loop3A_589#5, %parallel_loop3A_651 = %parallel_loop3A_589#6, %parallel_loop3A_652 = %parallel_loop3A_589#7, %parallel_loop3A_653 = %parallel_loop3A_589#8, %parallel_loop3A_654 = %parallel_loop3A_589#9, %parallel_loop3A_655 = %parallel_loop3A_589#10, %parallel_loop3A_656 = %parallel_loop3A_589#11, %parallel_loop3A_657 = %parallel_loop3A_589#12, %parallel_loop3A_658 = %parallel_loop3A_589#13, %parallel_loop3A_659 = %parallel_loop3A_589#14, %parallel_loop3A_660 = %parallel_loop3A_589#15, %parallel_loop3A_661 = %parallel_loop3A_589#16, %parallel_loop3A_662 = %parallel_loop3A_589#17, %parallel_loop3A_663 = %parallel_loop3A_589#18, %parallel_loop3A_664 = %parallel_loop3A_589#19, %parallel_loop3A_665 = %parallel_loop3A_589#20, %parallel_loop3A_666 = %parallel_loop3A_589#21, %parallel_loop3A_667 = %parallel_loop3A_589#22, %parallel_loop3A_668 = %parallel_loop3A_589#23, %parallel_loop3A_669 = %parallel_loop3A_589#24) -> (vector<16xf32>, vector<16xf32>, vector<16xf32>, vector<16xf32>, vector<16xf32>, vector<16xf32>, vector<16xf32>, vector<16xf32>, vector<16xi32>, vector<16xi32>, vector<16xi32>, vector<16xi32>, vector<16xi32>, vector<16xi32>, vector<16xi32>, vector<16xi32>, vector<16xi32>, vector<16xi32>, vector<16xi32>, vector<16xi32>, vector<16xi32>, vector<16xi32>, vector<16xi32>, vector<16xi32>, vector<16xi32>)  : i32 {
        %parallel_loop3A_670 = arith.constant 0 : i32
        %parallel_loop3A_671 = vector.broadcast %parallel_loop3A_670 : i32 to vector<16xi32>
        %parallel_loop3A_672 = arith.cmpi sge, %parallel_loop3A_669, %parallel_loop3A_671 : vector<16xi32>
        %parallel_loop3A_673 = arith.constant 128 : i32
        %parallel_loop3A_674 = vector.broadcast %parallel_loop3A_673 : i32 to vector<16xi32>
        %parallel_loop3A_675 = arith.cmpi slt, %parallel_loop3A_669, %parallel_loop3A_674 : vector<16xi32>
        %parallel_loop3A_676 = arith.andi %parallel_loop3A_672, %parallel_loop3A_675 : vector<16xi1>
        tpu.vector_store_idx %arg8[%broadcast_in_dim3A_514, %parallel_loop3A_661], %parallel_loop3A_645 masked %parallel_loop3A_676 : memref<128x128xf32, #tpu.memory_space<vmem>>[vector<16xi32>, vector<16xi32>], vector<16xf32>, vector<16xi1>
        %parallel_loop3A_677 = tpu.vector_load_idx %arg6[%broadcast_in_dim3A_514, %parallel_loop3A_653] masked %parallel_loop3A_676 : memref<128x128xf32, #tpu.memory_space<vmem>>[vector<16xi32>, vector<16xi32>], vector<16xf32>, vector<16xi1>
        %parallel_loop3A_678 = arith.constant 0.000000e+00 : f32
        %parallel_loop3A_679 = vector.broadcast %parallel_loop3A_678 : f32 to vector<16xf32>
        %parallel_loop3A_680 = arith.select %parallel_loop3A_676, %parallel_loop3A_677, %parallel_loop3A_679 : vector<16xi1>, vector<16xf32>
        %parallel_loop3A_681 = arith.addf %parallel_loop3A_645, %parallel_loop3A_680 : vector<16xf32>
        %parallel_loop3A_682 = arith.constant 1 : i32
        %parallel_loop3A_683 = vector.broadcast %parallel_loop3A_682 : i32 to vector<16xi32>
        %parallel_loop3A_684 = arith.addi %parallel_loop3A_653, %parallel_loop3A_683 : vector<16xi32>
        %parallel_loop3A_685 = arith.constant 128 : i32
        %parallel_loop3A_686 = vector.broadcast %parallel_loop3A_685 : i32 to vector<16xi32>
        %parallel_loop3A_687 = arith.addi %parallel_loop3A_661, %parallel_loop3A_686 : vector<16xi32>
        tpu.vector_store_idx %arg8[%broadcast_in_dim3A_514, %parallel_loop3A_662], %parallel_loop3A_646 masked %parallel_loop3A_676 : memref<128x128xf32, #tpu.memory_space<vmem>>[vector<16xi32>, vector<16xi32>], vector<16xf32>, vector<16xi1>
        %parallel_loop3A_688 = tpu.vector_load_idx %arg6[%broadcast_in_dim3A_514, %parallel_loop3A_654] masked %parallel_loop3A_676 : memref<128x128xf32, #tpu.memory_space<vmem>>[vector<16xi32>, vector<16xi32>], vector<16xf32>, vector<16xi1>
        %parallel_loop3A_689 = arith.constant 0.000000e+00 : f32
        %parallel_loop3A_690 = vector.broadcast %parallel_loop3A_689 : f32 to vector<16xf32>
        %parallel_loop3A_691 = arith.select %parallel_loop3A_676, %parallel_loop3A_688, %parallel_loop3A_690 : vector<16xi1>, vector<16xf32>
        %parallel_loop3A_692 = arith.addf %parallel_loop3A_646, %parallel_loop3A_691 : vector<16xf32>
        %parallel_loop3A_693 = arith.constant 1 : i32
        %parallel_loop3A_694 = vector.broadcast %parallel_loop3A_693 : i32 to vector<16xi32>
        %parallel_loop3A_695 = arith.addi %parallel_loop3A_654, %parallel_loop3A_694 : vector<16xi32>
        %parallel_loop3A_696 = arith.constant 128 : i32
        %parallel_loop3A_697 = vector.broadcast %parallel_loop3A_696 : i32 to vector<16xi32>
        %parallel_loop3A_698 = arith.addi %parallel_loop3A_662, %parallel_loop3A_697 : vector<16xi32>
        tpu.vector_store_idx %arg8[%broadcast_in_dim3A_514, %parallel_loop3A_663], %parallel_loop3A_647 masked %parallel_loop3A_676 : memref<128x128xf32, #tpu.memory_space<vmem>>[vector<16xi32>, vector<16xi32>], vector<16xf32>, vector<16xi1>
        %parallel_loop3A_699 = tpu.vector_load_idx %arg6[%broadcast_in_dim3A_514, %parallel_loop3A_655] masked %parallel_loop3A_676 : memref<128x128xf32, #tpu.memory_space<vmem>>[vector<16xi32>, vector<16xi32>], vector<16xf32>, vector<16xi1>
        %parallel_loop3A_700 = arith.constant 0.000000e+00 : f32
        %parallel_loop3A_701 = vector.broadcast %parallel_loop3A_700 : f32 to vector<16xf32>
        %parallel_loop3A_702 = arith.select %parallel_loop3A_676, %parallel_loop3A_699, %parallel_loop3A_701 : vector<16xi1>, vector<16xf32>
        %parallel_loop3A_703 = arith.addf %parallel_loop3A_647, %parallel_loop3A_702 : vector<16xf32>
        %parallel_loop3A_704 = arith.constant 1 : i32
        %parallel_loop3A_705 = vector.broadcast %parallel_loop3A_704 : i32 to vector<16xi32>
        %parallel_loop3A_706 = arith.addi %parallel_loop3A_655, %parallel_loop3A_705 : vector<16xi32>
        %parallel_loop3A_707 = arith.constant 128 : i32
        %parallel_loop3A_708 = vector.broadcast %parallel_loop3A_707 : i32 to vector<16xi32>
        %parallel_loop3A_709 = arith.addi %parallel_loop3A_663, %parallel_loop3A_708 : vector<16xi32>
        tpu.vector_store_idx %arg8[%broadcast_in_dim3A_514, %parallel_loop3A_664], %parallel_loop3A_648 masked %parallel_loop3A_676 : memref<128x128xf32, #tpu.memory_space<vmem>>[vector<16xi32>, vector<16xi32>], vector<16xf32>, vector<16xi1>
        %parallel_loop3A_710 = tpu.vector_load_idx %arg6[%broadcast_in_dim3A_514, %parallel_loop3A_656] masked %parallel_loop3A_676 : memref<128x128xf32, #tpu.memory_space<vmem>>[vector<16xi32>, vector<16xi32>], vector<16xf32>, vector<16xi1>
        %parallel_loop3A_711 = arith.constant 0.000000e+00 : f32
        %parallel_loop3A_712 = vector.broadcast %parallel_loop3A_711 : f32 to vector<16xf32>
        %parallel_loop3A_713 = arith.select %parallel_loop3A_676, %parallel_loop3A_710, %parallel_loop3A_712 : vector<16xi1>, vector<16xf32>
        %parallel_loop3A_714 = arith.addf %parallel_loop3A_648, %parallel_loop3A_713 : vector<16xf32>
        %parallel_loop3A_715 = arith.constant 1 : i32
        %parallel_loop3A_716 = vector.broadcast %parallel_loop3A_715 : i32 to vector<16xi32>
        %parallel_loop3A_717 = arith.addi %parallel_loop3A_656, %parallel_loop3A_716 : vector<16xi32>
        %parallel_loop3A_718 = arith.constant 128 : i32
        %parallel_loop3A_719 = vector.broadcast %parallel_loop3A_718 : i32 to vector<16xi32>
        %parallel_loop3A_720 = arith.addi %parallel_loop3A_664, %parallel_loop3A_719 : vector<16xi32>
        tpu.vector_store_idx %arg8[%broadcast_in_dim3A_514, %parallel_loop3A_665], %parallel_loop3A_649 masked %parallel_loop3A_676 : memref<128x128xf32, #tpu.memory_space<vmem>>[vector<16xi32>, vector<16xi32>], vector<16xf32>, vector<16xi1>
        %parallel_loop3A_721 = tpu.vector_load_idx %arg6[%broadcast_in_dim3A_514, %parallel_loop3A_657] masked %parallel_loop3A_676 : memref<128x128xf32, #tpu.memory_space<vmem>>[vector<16xi32>, vector<16xi32>], vector<16xf32>, vector<16xi1>
        %parallel_loop3A_722 = arith.constant 0.000000e+00 : f32
        %parallel_loop3A_723 = vector.broadcast %parallel_loop3A_722 : f32 to vector<16xf32>
        %parallel_loop3A_724 = arith.select %parallel_loop3A_676, %parallel_loop3A_721, %parallel_loop3A_723 : vector<16xi1>, vector<16xf32>
        %parallel_loop3A_725 = arith.addf %parallel_loop3A_649, %parallel_loop3A_724 : vector<16xf32>
        %parallel_loop3A_726 = arith.constant 1 : i32
        %parallel_loop3A_727 = vector.broadcast %parallel_loop3A_726 : i32 to vector<16xi32>
        %parallel_loop3A_728 = arith.addi %parallel_loop3A_657, %parallel_loop3A_727 : vector<16xi32>
        %parallel_loop3A_729 = arith.constant 128 : i32
        %parallel_loop3A_730 = vector.broadcast %parallel_loop3A_729 : i32 to vector<16xi32>
        %parallel_loop3A_731 = arith.addi %parallel_loop3A_665, %parallel_loop3A_730 : vector<16xi32>
        tpu.vector_store_idx %arg8[%broadcast_in_dim3A_514, %parallel_loop3A_666], %parallel_loop3A_650 masked %parallel_loop3A_676 : memref<128x128xf32, #tpu.memory_space<vmem>>[vector<16xi32>, vector<16xi32>], vector<16xf32>, vector<16xi1>
        %parallel_loop3A_732 = tpu.vector_load_idx %arg6[%broadcast_in_dim3A_514, %parallel_loop3A_658] masked %parallel_loop3A_676 : memref<128x128xf32, #tpu.memory_space<vmem>>[vector<16xi32>, vector<16xi32>], vector<16xf32>, vector<16xi1>
        %parallel_loop3A_733 = arith.constant 0.000000e+00 : f32
        %parallel_loop3A_734 = vector.broadcast %parallel_loop3A_733 : f32 to vector<16xf32>
        %parallel_loop3A_735 = arith.select %parallel_loop3A_676, %parallel_loop3A_732, %parallel_loop3A_734 : vector<16xi1>, vector<16xf32>
        %parallel_loop3A_736 = arith.addf %parallel_loop3A_650, %parallel_loop3A_735 : vector<16xf32>
        %parallel_loop3A_737 = arith.constant 1 : i32
        %parallel_loop3A_738 = vector.broadcast %parallel_loop3A_737 : i32 to vector<16xi32>
        %parallel_loop3A_739 = arith.addi %parallel_loop3A_658, %parallel_loop3A_738 : vector<16xi32>
        %parallel_loop3A_740 = arith.constant 128 : i32
        %parallel_loop3A_741 = vector.broadcast %parallel_loop3A_740 : i32 to vector<16xi32>
        %parallel_loop3A_742 = arith.addi %parallel_loop3A_666, %parallel_loop3A_741 : vector<16xi32>
        tpu.vector_store_idx %arg8[%broadcast_in_dim3A_514, %parallel_loop3A_667], %parallel_loop3A_651 masked %parallel_loop3A_676 : memref<128x128xf32, #tpu.memory_space<vmem>>[vector<16xi32>, vector<16xi32>], vector<16xf32>, vector<16xi1>
        %parallel_loop3A_743 = tpu.vector_load_idx %arg6[%broadcast_in_dim3A_514, %parallel_loop3A_659] masked %parallel_loop3A_676 : memref<128x128xf32, #tpu.memory_space<vmem>>[vector<16xi32>, vector<16xi32>], vector<16xf32>, vector<16xi1>
        %parallel_loop3A_744 = arith.constant 0.000000e+00 : f32
        %parallel_loop3A_745 = vector.broadcast %parallel_loop3A_744 : f32 to vector<16xf32>
        %parallel_loop3A_746 = arith.select %parallel_loop3A_676, %parallel_loop3A_743, %parallel_loop3A_745 : vector<16xi1>, vector<16xf32>
        %parallel_loop3A_747 = arith.addf %parallel_loop3A_651, %parallel_loop3A_746 : vector<16xf32>
        %parallel_loop3A_748 = arith.constant 1 : i32
        %parallel_loop3A_749 = vector.broadcast %parallel_loop3A_748 : i32 to vector<16xi32>
        %parallel_loop3A_750 = arith.addi %parallel_loop3A_659, %parallel_loop3A_749 : vector<16xi32>
        %parallel_loop3A_751 = arith.constant 128 : i32
        %parallel_loop3A_752 = vector.broadcast %parallel_loop3A_751 : i32 to vector<16xi32>
        %parallel_loop3A_753 = arith.addi %parallel_loop3A_667, %parallel_loop3A_752 : vector<16xi32>
        tpu.vector_store_idx %arg8[%broadcast_in_dim3A_514, %parallel_loop3A_668], %parallel_loop3A_652 masked %parallel_loop3A_676 : memref<128x128xf32, #tpu.memory_space<vmem>>[vector<16xi32>, vector<16xi32>], vector<16xf32>, vector<16xi1>
        %parallel_loop3A_754 = tpu.vector_load_idx %arg6[%broadcast_in_dim3A_514, %parallel_loop3A_660] masked %parallel_loop3A_676 : memref<128x128xf32, #tpu.memory_space<vmem>>[vector<16xi32>, vector<16xi32>], vector<16xf32>, vector<16xi1>
        %parallel_loop3A_755 = arith.constant 0.000000e+00 : f32
        %parallel_loop3A_756 = vector.broadcast %parallel_loop3A_755 : f32 to vector<16xf32>
        %parallel_loop3A_757 = arith.select %parallel_loop3A_676, %parallel_loop3A_754, %parallel_loop3A_756 : vector<16xi1>, vector<16xf32>
        %parallel_loop3A_758 = arith.addf %parallel_loop3A_652, %parallel_loop3A_757 : vector<16xf32>
        %parallel_loop3A_759 = arith.constant 1 : i32
        %parallel_loop3A_760 = vector.broadcast %parallel_loop3A_759 : i32 to vector<16xi32>
        %parallel_loop3A_761 = arith.addi %parallel_loop3A_660, %parallel_loop3A_760 : vector<16xi32>
        %parallel_loop3A_762 = arith.constant 128 : i32
        %parallel_loop3A_763 = vector.broadcast %parallel_loop3A_762 : i32 to vector<16xi32>
        %parallel_loop3A_764 = arith.addi %parallel_loop3A_668, %parallel_loop3A_763 : vector<16xi32>
        %parallel_loop3A_765 = arith.constant 1 : i32
        %parallel_loop3A_766 = vector.broadcast %parallel_loop3A_765 : i32 to vector<16xi32>
        %parallel_loop3A_767 = arith.addi %parallel_loop3A_669, %parallel_loop3A_766 : vector<16xi32>
        scf.yield %parallel_loop3A_681, %parallel_loop3A_692, %parallel_loop3A_703, %parallel_loop3A_714, %parallel_loop3A_725, %parallel_loop3A_736, %parallel_loop3A_747, %parallel_loop3A_758, %parallel_loop3A_684, %parallel_loop3A_695, %parallel_loop3A_706, %parallel_loop3A_717, %parallel_loop3A_728, %parallel_loop3A_739, %parallel_loop3A_750, %parallel_loop3A_761, %parallel_loop3A_687, %parallel_loop3A_698, %parallel_loop3A_709, %parallel_loop3A_720, %parallel_loop3A_731, %parallel_loop3A_742, %parallel_loop3A_753, %parallel_loop3A_764, %parallel_loop3A_767 : vector<16xf32>, vector<16xf32>, vector<16xf32>, vector<16xf32>, vector<16xf32>, vector<16xf32>, vector<16xf32>, vector<16xf32>, vector<16xi32>, vector<16xi32>, vector<16xi32>, vector<16xi32>, vector<16xi32>, vector<16xi32>, vector<16xi32>, vector<16xi32>, vector<16xi32>, vector<16xi32>, vector<16xi32>, vector<16xi32>, vector<16xi32>, vector<16xi32>, vector<16xi32>, vector<16xi32>, vector<16xi32>
      } {sc.loop_unroll_factor = 5 : i64, sc.parallel_access}
      %mul3A_594 = arith.constant 128 : i32
      %mul3A_595 = arith.muli %select_n3A_436, %mul3A_594 : i32
      %add3A_596 = arith.constant 0 : i32
      %add3A_597 = arith.addi %mul3A_595, %add3A_596 : i32
      %swap3A_598 = arith.index_cast %add3A_597 : i32 to index
      %swap3A_599 = tpu.vector_load %arg9[%swap3A_598] {strides = array<i32>} : memref<2048xf32, #tpu.memory_space<vmem>>, vector<16xf32>,
      tpu.vector_store %arg9[%swap3A_598], %parallel_loop3A_593#0 {strides = array<i32>} : memref<2048xf32, #tpu.memory_space<vmem>>, vector<16xf32>,
      %mul3A_600 = arith.constant 128 : i32
      %mul3A_601 = arith.muli %select_n3A_436, %mul3A_600 : i32
      %add3A_602 = arith.constant 16 : i32
      %add3A_603 = arith.addi %mul3A_601, %add3A_602 : i32
      %swap3A_604 = arith.index_cast %add3A_603 : i32 to index
      %swap3A_605 = tpu.vector_load %arg9[%swap3A_604] {strides = array<i32>} : memref<2048xf32, #tpu.memory_space<vmem>>, vector<16xf32>,
      tpu.vector_store %arg9[%swap3A_604], %parallel_loop3A_593#1 {strides = array<i32>} : memref<2048xf32, #tpu.memory_space<vmem>>, vector<16xf32>,
      %mul3A_606 = arith.constant 128 : i32
      %mul3A_607 = arith.muli %select_n3A_436, %mul3A_606 : i32
      %add3A_608 = arith.constant 32 : i32
      %add3A_609 = arith.addi %mul3A_607, %add3A_608 : i32
      %swap3A_610 = arith.index_cast %add3A_609 : i32 to index
      %swap3A_611 = tpu.vector_load %arg9[%swap3A_610] {strides = array<i32>} : memref<2048xf32, #tpu.memory_space<vmem>>, vector<16xf32>,
      tpu.vector_store %arg9[%swap3A_610], %parallel_loop3A_593#2 {strides = array<i32>} : memref<2048xf32, #tpu.memory_space<vmem>>, vector<16xf32>,
      %mul3A_612 = arith.constant 128 : i32
      %mul3A_613 = arith.muli %select_n3A_436, %mul3A_612 : i32
      %add3A_614 = arith.constant 48 : i32
      %add3A_615 = arith.addi %mul3A_613, %add3A_614 : i32
      %swap3A_616 = arith.index_cast %add3A_615 : i32 to index
      %swap3A_617 = tpu.vector_load %arg9[%swap3A_616] {strides = array<i32>} : memref<2048xf32, #tpu.memory_space<vmem>>, vector<16xf32>,
      tpu.vector_store %arg9[%swap3A_616], %parallel_loop3A_593#3 {strides = array<i32>} : memref<2048xf32, #tpu.memory_space<vmem>>, vector<16xf32>,
      %mul3A_618 = arith.constant 128 : i32
      %mul3A_619 = arith.muli %select_n3A_436, %mul3A_618 : i32
      %add3A_620 = arith.constant 64 : i32
      %add3A_621 = arith.addi %mul3A_619, %add3A_620 : i32
      %swap3A_622 = arith.index_cast %add3A_621 : i32 to index
      %swap3A_623 = tpu.vector_load %arg9[%swap3A_622] {strides = array<i32>} : memref<2048xf32, #tpu.memory_space<vmem>>, vector<16xf32>,
      tpu.vector_store %arg9[%swap3A_622], %parallel_loop3A_593#4 {strides = array<i32>} : memref<2048xf32, #tpu.memory_space<vmem>>, vector<16xf32>,
      %mul3A_624 = arith.constant 128 : i32
      %mul3A_625 = arith.muli %select_n3A_436, %mul3A_624 : i32
      %add3A_626 = arith.constant 80 : i32
      %add3A_627 = arith.addi %mul3A_625, %add3A_626 : i32
      %swap3A_628 = arith.index_cast %add3A_627 : i32 to index
      %swap3A_629 = tpu.vector_load %arg9[%swap3A_628] {strides = array<i32>} : memref<2048xf32, #tpu.memory_space<vmem>>, vector<16xf32>,
      tpu.vector_store %arg9[%swap3A_628], %parallel_loop3A_593#5 {strides = array<i32>} : memref<2048xf32, #tpu.memory_space<vmem>>, vector<16xf32>,
      %mul3A_630 = arith.constant 128 : i32
      %mul3A_631 = arith.muli %select_n3A_436, %mul3A_630 : i32
      %add3A_632 = arith.constant 96 : i32
      %add3A_633 = arith.addi %mul3A_631, %add3A_632 : i32
      %swap3A_634 = arith.index_cast %add3A_633 : i32 to index
      %swap3A_635 = tpu.vector_load %arg9[%swap3A_634] {strides = array<i32>} : memref<2048xf32, #tpu.memory_space<vmem>>, vector<16xf32>,
      tpu.vector_store %arg9[%swap3A_634], %parallel_loop3A_593#6 {strides = array<i32>} : memref<2048xf32, #tpu.memory_space<vmem>>, vector<16xf32>,
      %mul3A_636 = arith.constant 128 : i32
      %mul3A_637 = arith.muli %select_n3A_436, %mul3A_636 : i32
      %add3A_638 = arith.constant 112 : i32
      %add3A_639 = arith.addi %mul3A_637, %add3A_638 : i32
      %swap3A_640 = arith.index_cast %add3A_639 : i32 to index
      %swap3A_641 = tpu.vector_load %arg9[%swap3A_640] {strides = array<i32>} : memref<2048xf32, #tpu.memory_space<vmem>>, vector<16xf32>,
      tpu.vector_store %arg9[%swap3A_640], %parallel_loop3A_593#7 {strides = array<i32>} : memref<2048xf32, #tpu.memory_space<vmem>>, vector<16xf32>,
      %dma_start3A_642 = tpu.memref_slice %arg3[%mul3A_399, %add3A_397] : memref<1025x65535xf32, #tpu.memory_space<hbm>> -> memref<128x128xf32, #tpu.memory_space<hbm>>
      %dma_start3A_643 = tpu.memref_slice %arg3[%mul3A_399, %add3A_397] : memref<1025x65535xf32, #tpu.memory_space<hbm>> -> memref<128x128xf32, #tpu.memory_space<hbm>>
      tpu.enqueue_dma source(%arg8 : memref<128x128xf32, #tpu.memory_space<vmem>>) target(%dma_start3A_643 : memref<128x128xf32, #tpu.memory_space<hbm>>) target_semaphore(%arg13 : memref<!tpu.dma_semaphore, #tpu.memory_space<semaphore_mem>>)
    }
    %dma_wait3A = arith.constant 0 : i32
    %dma_wait3A_76 = tpu.memref_slice %arg3[%dma_wait3A, %mul3A_2] : memref<1025x65535xf32, #tpu.memory_space<hbm>> -> memref<128x128xf32, #tpu.memory_space<hbm>>
    %dma_wait3A_77 = arith.constant 0 : i32
    %dma_wait3A_78 = tpu.memref_slice %arg3[%dma_wait3A_77, %mul3A_2] : memref<1025x65535xf32, #tpu.memory_space<hbm>> -> memref<128x128xf32, #tpu.memory_space<hbm>>
    tpu.wait_dma2 semaphore(%arg12 : memref<!tpu.dma_semaphore, #tpu.memory_space<semaphore_mem>>) src(%arg7 : memref<128x128xf32, #tpu.memory_space<vmem>>) dst(%dma_wait3A_78 : memref<128x128xf32, #tpu.memory_space<hbm>>)
    %dma_wait3A_79 = arith.constant 0 : i32
    %dma_wait3A_80 = tpu.memref_slice %arg3[%dma_wait3A_79, %mul3A_2] : memref<1025x65535xf32, #tpu.memory_space<hbm>> -> memref<128x128xf32, #tpu.memory_space<hbm>>
    %dma_wait3A_81 = arith.constant 0 : i32
    %dma_wait3A_82 = tpu.memref_slice %arg3[%dma_wait3A_81, %mul3A_2] : memref<1025x65535xf32, #tpu.memory_space<hbm>> -> memref<128x128xf32, #tpu.memory_space<hbm>>
    tpu.wait_dma2 semaphore(%arg13 : memref<!tpu.dma_semaphore, #tpu.memory_space<semaphore_mem>>) src(%arg8 : memref<128x128xf32, #tpu.memory_space<vmem>>) dst(%dma_wait3A_82 : memref<128x128xf32, #tpu.memory_space<hbm>>)
    %ne3A_83 = arith.constant 31 : i32
    %ne3A_84 = arith.cmpi ne, %add3A, %ne3A_83 : i32
    %convert_element_type3A = arith.extui %ne3A_84 : i1 to i32
    %cond3A = arith.constant 0 : i32
    %cond3A_85 = arith.cmpi ne, %convert_element_type3A, %cond3A : i32
    scf.if %cond3A_85 {
      "tpu.region"() ({
        %run_scoped3A = tpu.sem_alloc : memref<!tpu.dma_semaphore, #tpu.memory_space<semaphore_mem>>
        %dma_start3A_91 = tpu.memref_slice %arg4[%mul3A_2] : memref<65535xf32, #tpu.memory_space<hbm>> -> memref<2048xf32, #tpu.memory_space<hbm>>
        %dma_start3A_92 = tpu.memref_slice %arg4[%mul3A_2] : memref<65535xf32, #tpu.memory_space<hbm>> -> memref<2048xf32, #tpu.memory_space<hbm>>
        tpu.enqueue_dma source(%arg9 : memref<2048xf32, #tpu.memory_space<vmem>>) target(%dma_start3A_92 : memref<2048xf32, #tpu.memory_space<hbm>>) target_semaphore(%run_scoped3A : memref<!tpu.dma_semaphore, #tpu.memory_space<semaphore_mem>>)
        %dma_wait3A_93 = tpu.memref_slice %arg4[%mul3A_2] : memref<65535xf32, #tpu.memory_space<hbm>> -> memref<2048xf32, #tpu.memory_space<hbm>>
        %dma_wait3A_94 = tpu.memref_slice %arg4[%mul3A_2] : memref<65535xf32, #tpu.memory_space<hbm>> -> memref<2048xf32, #tpu.memory_space<hbm>>
        tpu.wait_dma2 semaphore(%run_scoped3A : memref<!tpu.dma_semaphore, #tpu.memory_space<semaphore_mem>>) src(%arg9 : memref<2048xf32, #tpu.memory_space<vmem>>) dst(%dma_wait3A_94 : memref<2048xf32, #tpu.memory_space<hbm>>)
        tpu.yield
      }) : () -> ()
    } else {
    }
    %eq3A_86 = arith.constant 31 : i32
    %eq3A_87 = arith.cmpi eq, %add3A, %eq3A_86 : i32
    %convert_element_type3A_88 = arith.extui %eq3A_87 : i1 to i32
    %cond3A_89 = arith.constant 0 : i32
    %cond3A_90 = arith.cmpi ne, %convert_element_type3A_88, %cond3A_89 : i32
    scf.if %cond3A_90 {
      "tpu.region"() ({
        %run_scoped3A = tpu.sem_alloc : memref<!tpu.dma_semaphore, #tpu.memory_space<semaphore_mem>>
        %dma_start3A_91 = arith.constant 0 : i32
        %dma_start3A_92 = tpu.memref_slice %arg9[%dma_start3A_91] : memref<2048xf32, #tpu.memory_space<vmem>> -> memref<1920xf32, #tpu.memory_space<vmem>>
        %dma_start3A_93 = tpu.memref_slice %arg4[%mul3A_2] : memref<65535xf32, #tpu.memory_space<hbm>> -> memref<1920xf32, #tpu.memory_space<hbm>>
        %dma_start3A_94 = tpu.memref_slice %arg4[%mul3A_2] : memref<65535xf32, #tpu.memory_space<hbm>> -> memref<1920xf32, #tpu.memory_space<hbm>>
        %dma_start3A_95 = arith.constant 0 : i32
        %dma_start3A_96 = tpu.memref_slice %arg9[%dma_start3A_95] : memref<2048xf32, #tpu.memory_space<vmem>> -> memref<1920xf32, #tpu.memory_space<vmem>>
        tpu.enqueue_dma source(%dma_start3A_96 : memref<1920xf32, #tpu.memory_space<vmem>>) target(%dma_start3A_94 : memref<1920xf32, #tpu.memory_space<hbm>>) target_semaphore(%run_scoped3A : memref<!tpu.dma_semaphore, #tpu.memory_space<semaphore_mem>>)
        %dma_wait3A_97 = arith.constant 0 : i32
        %dma_wait3A_98 = tpu.memref_slice %arg9[%dma_wait3A_97] : memref<2048xf32, #tpu.memory_space<vmem>> -> memref<1920xf32, #tpu.memory_space<vmem>>
        %dma_wait3A_99 = tpu.memref_slice %arg4[%mul3A_2] : memref<65535xf32, #tpu.memory_space<hbm>> -> memref<1920xf32, #tpu.memory_space<hbm>>
        %dma_wait3A_100 = tpu.memref_slice %arg4[%mul3A_2] : memref<65535xf32, #tpu.memory_space<hbm>> -> memref<1920xf32, #tpu.memory_space<hbm>>
        %dma_wait3A_101 = arith.constant 0 : i32
        %dma_wait3A_102 = tpu.memref_slice %arg9[%dma_wait3A_101] : memref<2048xf32, #tpu.memory_space<vmem>> -> memref<1920xf32, #tpu.memory_space<vmem>>
        tpu.wait_dma2 semaphore(%run_scoped3A : memref<!tpu.dma_semaphore, #tpu.memory_space<semaphore_mem>>) src(%dma_wait3A_102 : memref<1920xf32, #tpu.memory_space<vmem>>) dst(%dma_wait3A_100 : memref<1920xf32, #tpu.memory_space<hbm>>)
        tpu.yield
      }) : () -> ()
    } else {
    }
    return
  }
}

module attributes {stable_mosaic.version = 14 : i64} {
  func.func @_patch_kernel(%arg0: memref<1x65408xf32, #tpu.memory_space<vmem>>, %arg1: memref<1025x127xf32, #tpu.memory_space<vmem>>, %arg2: memref<1025x65535xf32, #tpu.memory_space<any>>, %arg3: memref<1025x65535xf32, #tpu.memory_space<any>>, %arg4: memref<!tpu.dma_semaphore, #tpu.memory_space<semaphore_mem>>) attributes {dimension_semantics = [], scalar_prefetch = 0 : i64, scratch_operands = 1 : i64, tpu.core_type = #tpu.core_type<tc>} {
    %dma_start3A = arith.constant 1024 : i32
    %dma_start3A_0 = arith.constant 0 : i32
    %dma_start3A_1 = tpu.memref_slice %arg3[%dma_start3A, %dma_start3A_0] : memref<1025x65535xf32, #tpu.memory_space<any>> -> memref<1x65408xf32, #tpu.memory_space<any>>
    tpu.enqueue_dma source(%arg0 : memref<1x65408xf32, #tpu.memory_space<vmem>>) target(%dma_start3A_1 : memref<1x65408xf32, #tpu.memory_space<any>>) target_semaphore(%arg4 : memref<!tpu.dma_semaphore, #tpu.memory_space<semaphore_mem>>)
    %dma_wait3A = arith.constant 1024 : i32
    %dma_wait3A_2 = arith.constant 0 : i32
    %dma_wait3A_3 = tpu.memref_slice %arg3[%dma_wait3A, %dma_wait3A_2] : memref<1025x65535xf32, #tpu.memory_space<any>> -> memref<1x65408xf32, #tpu.memory_space<any>>
    tpu.wait_dma2 semaphore(%arg4 : memref<!tpu.dma_semaphore, #tpu.memory_space<semaphore_mem>>) src(%arg0 : memref<1x65408xf32, #tpu.memory_space<vmem>>) dst(%dma_wait3A_3 : memref<1x65408xf32, #tpu.memory_space<any>>)
    %dma_start3A_4 = arith.constant 0 : i32
    %dma_start3A_5 = arith.constant 65408 : i32
    %dma_start3A_6 = tpu.memref_slice %arg3[%dma_start3A_4, %dma_start3A_5] : memref<1025x65535xf32, #tpu.memory_space<any>> -> memref<1025x127xf32, #tpu.memory_space<any>>
    tpu.enqueue_dma source(%arg1 : memref<1025x127xf32, #tpu.memory_space<vmem>>) target(%dma_start3A_6 : memref<1025x127xf32, #tpu.memory_space<any>>) target_semaphore(%arg4 : memref<!tpu.dma_semaphore, #tpu.memory_space<semaphore_mem>>)
    %dma_wait3A_7 = arith.constant 0 : i32
    %dma_wait3A_8 = arith.constant 65408 : i32
    %dma_wait3A_9 = tpu.memref_slice %arg3[%dma_wait3A_7, %dma_wait3A_8] : memref<1025x65535xf32, #tpu.memory_space<any>> -> memref<1025x127xf32, #tpu.memory_space<any>>
    tpu.wait_dma2 semaphore(%arg4 : memref<!tpu.dma_semaphore, #tpu.memory_space<semaphore_mem>>) src(%arg1 : memref<1025x127xf32, #tpu.memory_space<vmem>>) dst(%dma_wait3A_9 : memref<1025x127xf32, #tpu.memory_space<any>>)
    return
  }
}

</mosaic_0001>

<sc_bundles>
// kernel: kernel.4.cloned.1.call-start
scs
__scs_entry_jumppad:
0x0: {  	(pc) =	sbr.rel $0x88, $3  }
0x1: {  	(tag) =	ssettag $0x0;
	lr =	simm.s32 $0x1  }
0x2: {  	[smem:$0x3FA0] =	sst lr;
	_ =	strace $0xD0000000  }
0x3: {  	_ = 	snop  }
0x4: {  	_ = 	snop  }
0x5: {  	_ = 	snop  }
0x6: {  	_ = 	snop  }
0x7: {  	_ = 	snop  }
__scs_overlays_trampoline_lowered:
0x8: {  	[smem:$0x3FAF] =	sst s0  }
0x9: {  	[smem:$0x3FB0] =	sst s1  }
0xa: {  	[smem:$0x3FB1] =	sst s2  }
0xb: {  	[smem:$0x3FB2] =	sst s3  }
0xc: {  	[smem:$0x3FB3] =	sst s4  }
0xd: {  	[smem:$0x3FB4] =	sst s5  }
0xe: {  	[smem:$0x3FB5] =	sst s6  }
0xf: {  	[smem:$0x3FB6] =	sst s7  }
0x10: {  	[smem:$0x3FB7] =	sst s8  }
0x11: {  	[smem:$0x3FB8] =	sst s9;
	s0 =	simm.s32 @!p0 $0x0  }
0x12: {  	s1 =	sld [smem:$0x3F9E];
	s0 =	simm.s32 @p0 $0x1  }
0x13: {  	[smem:$0x3FB9] =	sst s0;
	s0 =	simm.s32 @!p1 $0x0  }
0x14: {  	s2 =	sld [smem:$0x3F9D];
	s0 =	simm.s32 @p1 $0x1  }
0x15: {  	[smem:$0x3FBA] =	sst s0;
	s0 =	simm.s32 @!p2 $0x0  }
0x16: {  	s3 =	sld [smem:$0x3FDB];
	s0 =	simm.s32 @p2 $0x1  }
0x17: {  	s4 =	simm.s32 $0x1BF5;
	[smem:$0x3FBC] =	sst s0  }
0x18: {  	s0 =	sld [smem:$0x3F9F];
	_ =	swait.ge [sflag:s4], $0x0  }
0x19: {  	s7 =	sld [smem:$0x3FA0]  }
0x1a: {  	s8 =	sadd.s32 $0xFFFFE003, lr  }
0x1b: {  	s9 =	sadd.s32 $0xFFFFFEF7, lr;
	s5 =	simm.s32 $0xFFFFFFFF;
	p2 =	slt.u32 s8, $0xFFFFF086  }
0x1c: {  	p1 =	slt.u32 s9, $0xF7A;
	s5 =	simm.s32 @!p2 $0x0  }
0x1d: {  	s5 =	simm.s32 @p1 $0x1;
	p0 =	seq.s32 s7, s2  }
0x1e: {  	s7 =	smul.u32 @!p0 $0xF7A, s2;
	p2 =	seq.s32 @!p0 s5, $0x0  }
0x1f: {  	s9 =	smul.u32 $0xF7A, s1;
	s8 =	simm.s32 @!p0 $0x1BF5;
	p2 =	por !p2, p0  }
0x20: {  	[sflag:s8] =	ssyncset.s32 @!p0 $0xFFFFF086;
	s6 =	sadd.s32 @!p0 s3, s7;
	s7 =	simm.s32 @!p0 $0x108  }
0x21: {  	s3 =	sadd.s32 s3, s9;
	s6 =	sadd.s32 @!p0 $0x88, s6;
	s7 =	simm.s32 @p2 $0x1082  }
0x22: {  	[simem:s7], [sflag:s8] =	dma.local @!p0 [hbm:s6], $0xF7A  }
0x23: {  	s9 =	sor.u32 $0xD0000000, s2;
	s6 =	simm.s32 $0x108;
	_ =	swait.ge @!p0 [sflag:s8], $0x0  }
0x24: {  	s3 =	sadd.s32 $0x88, s3;
	s6 =	simm.s32 @!p1 $0x1082;
	[sflag:s4] =	ssyncset.s32 $0xFFFFF086  }
0x25: {  	[simem:s6], [sflag:s4] =	dma.local [hbm:s3], $0xF7A  }
0x26: {  	[smem:$0x3FA0] =	sst s1;
	(tag) =	ssettag s2;
	_ =	strace s9  }
0x27: {  	s1 =	sld [smem:$0x3FB0]  }
0x28: {  	s2 =	sld [smem:$0x3FB1]  }
0x29: {  	s4 =	sld [smem:$0x3FB3]  }
0x2a: {  	p0 =	seq.s32 s5, $0x0;
	s5 =	sld [smem:$0x3FB4]  }
0x2b: {  	s6 =	sld [smem:$0x3FB5]  }
0x2c: {  	s7 =	sld [smem:$0x3FB6]  }
0x2d: {  	s3 =	simm.s32 $0x108;
	s8 =	sld [smem:$0x3FB7]  }
0x2e: {  	s3 =	simm.s32 @!p0 $0x1082;
	s9 =	sld [smem:$0x3FB8]  }
0x2f: {  	lr =	sadd.s32 s0, s3;
	s0 =	sld [smem:$0x3FAF]  }
0x30: {  	s3 =	sld [smem:$0x3FB2]  }
0x31: {  	[smem:$0x3FBB] =	sst s10  }
0x32: {  	s10 =	sld [smem:$0x3FB9];
	_ =	sdelay $0x3  }
0x33: {  	p0 =	seq.s32 s10, $0x1;
	s10 =	sld [smem:$0x3FBB];
	_ =	sdelay $0x3  }
0x34: {  	[smem:$0x3FBB] =	sst s10  }
0x35: {  	s10 =	sld [smem:$0x3FBA];
	_ =	sdelay $0x3  }
0x36: {  	p1 =	seq.s32 s10, $0x1;
	s10 =	sld [smem:$0x3FBB];
	_ =	sdelay $0x3  }
0x37: {  	[smem:$0x3FBB] =	sst s10  }
0x38: {  	s10 =	sld [smem:$0x3FBC]  }
0x39: {  	_ = 	snop;
	(pc) =	sbr.ind lr, $3  }
0x3a: {  	_ = 	snop  }
0x3b: {  	_ = 	snop  }
0x3c: {  	p2 =	seq.s32 s10, $0x1;
	s10 =	sld [smem:$0x3FBB]  }
0x3d: {  	_ =	shalt  }
0x3e: {  	_ =	shalt  }
0x3f: {  	_ =	shalt  }
0x40: {  	_ =	shalt  }
0x41: {  	_ =	shalt  }
0x42: {  	_ =	shalt  }
0x43: {  	_ =	shalt  }
0x44: {  	_ =	shalt  }
0x45: {  	_ =	shalt  }
0x46: {  	_ =	shalt  }
0x47: {  	_ =	shalt  }
0x48: {  	_ =	shalt  }
0x49: {  	_ =	shalt  }
0x4a: {  	_ =	shalt  }
0x4b: {  	_ =	shalt  }
0x4c: {  	_ =	shalt  }
0x4d: {  	_ =	shalt  }
0x4e: {  	_ =	shalt  }
0x4f: {  	_ =	shalt  }
0x50: {  	_ =	shalt  }
0x51: {  	_ =	shalt  }
0x52: {  	_ =	shalt  }
0x53: {  	_ =	shalt  }
0x54: {  	_ =	shalt  }
0x55: {  	_ =	shalt  }
0x56: {  	_ =	shalt  }
0x57: {  	_ =	shalt  }
0x58: {  	_ =	shalt  }
0x59: {  	_ =	shalt  }
0x5a: {  	_ =	shalt  }
0x5b: {  	_ =	shalt  }
0x5c: {  	_ =	shalt  }
0x5d: {  	_ =	shalt  }
0x5e: {  	_ =	shalt  }
0x5f: {  	_ =	shalt  }
0x60: {  	_ =	shalt  }
0x61: {  	_ =	shalt  }
0x62: {  	_ =	shalt  }
0x63: {  	_ =	shalt  }
0x64: {  	_ =	shalt  }
0x65: {  	_ =	shalt  }
0x66: {  	_ =	shalt  }
0x67: {  	_ =	shalt  }
0x68: {  	_ =	shalt  }
0x69: {  	_ =	shalt  }
0x6a: {  	_ =	shalt  }
0x6b: {  	_ =	shalt  }
0x6c: {  	_ =	shalt  }
0x6d: {  	_ =	shalt  }
0x6e: {  	_ =	shalt  }
0x6f: {  	_ =	shalt  }
0x70: {  	_ =	shalt  }
0x71: {  	_ =	shalt  }
0x72: {  	_ =	shalt  }
0x73: {  	_ =	shalt  }
0x74: {  	_ =	shalt  }
0x75: {  	_ =	shalt  }
0x76: {  	_ =	shalt  }
0x77: {  	_ =	shalt  }
0x78: {  	_ =	shalt  }
0x79: {  	_ =	shalt  }
0x7a: {  	_ =	shalt  }
0x7b: {  	_ =	shalt  }
0x7c: {  	_ =	shalt  }
0x7d: {  	_ =	shalt  }
0x7e: {  	_ =	shalt  }
0x7f: {  	_ =	shalt  }
0x80: {  	_ =	shalt  }
0x81: {  	_ =	shalt  }
0x82: {  	_ =	shalt  }
0x83: {  	_ =	shalt  }
0x84: {  	_ =	shalt  }
0x85: {  	_ =	shalt  }
0x86: {  	_ =	shalt  }
0x87: {  	_ =	shalt  }
.Lfunc_end0:
.L_simem_size_0:
called_computation_lowered:
.L_overlay_start_0:
0x88: {  	s2 =	sld [smem:$0x3FD9]  }
0x89: {  	s3 =	sld [smem:$0x3FFE];
	_ =	sdelay $0x1  }
0x8a: {  	s1 =	srdreg.scid  }
0x8b: {  	s0 =	sand.u32 $0x1, s1  }
0x8c: {  	s17 =	sshll.u32 s0, $0xA;
	s2 =	sadd.s32 s3, s2  }
0x8d: {  	s2 =	sadd.s32 s2, s17  }
0x8e: {  	[smem:$0x3FC7] =	sst s2  }
0x8f: {  	_ = 	snop  }
0x90: {  	s2 =	sld [smem:$0x3FC9]  }
0x91: {  	s18 =	sld [smem:$0x3FD0];
	(tm) =	ssettm $0x1  }
0x92: {  	s4 =	sld [smem:$0x3FFB];
	_ =	sdelay $0x3  }
0x93: {  	_ =	strace s4  }
0x94: {  	s4 =	sld [smem:$0x3FFC];
	_ =	sdelay $0x3  }
0x95: {  	_ =	strace s4  }
0x96: {  	s4 =	sld [smem:$0x3FFD];
	_ =	sdelay $0x3  }
0x97: {  	_ =	strace s4  }
0x98: {  	_ =	strace $0x8FFFFFFF  }
0x99: {  	s19 =	sld [smem:$0x3FDB];
	_ =	sdelay $0x1  }
0x9a: {  	s5 =	simm.s32 $_scs_section_size  }
0x9b: {  	s6 =	simm.s32 $_size__tile_overlayer_lowered;
	s7 =	simm.s32 $_tile_overlayer_lowered  }
0x9c: {  	s22 =	simm.s32 $0x1BFF;
	s21 =	sshll.u32 s7, $0x1;
	s4 =	sadd.s32 s5, s19  }
0x9d: {  	s8 =	simm.s32 $0x0;
	s20 =	sshll.u32 s6, $0x1;
	s6 =	sadd.s32 s21, s4  }
0x9e: {  	[timem:s8], [sflag:s22] =	dma.local [hbm:s6], s20  }
0x9f: {  	_ =	swait.ge [sflag:s22], s20  }
0xa0: {  	s5 =	ssub.s32 $0x0, s20;
	[sflag:s22] =	ssyncset.done $0x0  }
0xa1: {  	[sflag:s22] =	ssyncadd.s32 s5;
	_ =	sdelay $0x1  }
0xa2: {  	s23 =	simm.s32 $0x1B8B  }
0xa3: {  	_ =	swait.ge [sflag:s23], $0x1  }
0xa4: {  	[sflag:s23] =	ssyncset.done $0x0  }
0xa5: {  	s25 =	simm.s32 $0x1B8E;
	s24 =	sld [smem:$0x3FFE];
	[sflag:s23] =	ssyncadd.s32 $0xFFFFFFFF  }
0xa6: {  	s26 =	simm.s32 $execute0_lowered;
	[smem:$0x3FD2] =	sst s25  }
0xa7: {  	s6 =	sshll.u32 s26, $0x1;
	_ =	strace $0x80000046;
	[dreg:$0x1] =	wrdreg $0xFFFFFFFF  }
0xa8: {  	s28 =	simm.s32 $_size_execute0_lowered;
	s4 =	sadd.s32 s4, s6;
	[dreg:$0x0] =	wrdreg $0x0  }
0xa9: {  	s6 =	sshll.u32 s28, $0x1;
	[dreg:$0x2] =	wrdreg s4  }
0xaa: {  	[dreg:$0x3] =	wrdreg s6  }
0xab: {  	[dreg:$0x4] =	wrdreg $0xC0  }
0xac: {  	_ =	task [dreg:s8], $0x5FFFF  }
0xad: {  	[dreg:$0x1] =	wrdreg $0xFFFFFFFF  }
0xae: {  	[dreg:$0x0] =	wrdreg $0x60  }
0xaf: {  	[dreg:$0x2] =	wrdreg s2  }
0xb0: {  	[dreg:$0x3] =	wrdreg s18  }
0xb1: {  	[dreg:$0x4] =	wrdreg s24  }
0xb2: {  	[dreg:$0x5] =	wrdreg $0x9  }
0xb3: {  	_ =	task.clear_ibuf [dreg:s8], $0x6FFFF;
	_ =	strace $0x90000046  }
0xb4: {  	s29 =	simm.s32 $0x9;
	_ =	strace $0x80000048  }
0xb5: {  	_ =	swait.ge [sflag:s29], $0x1  }
0xb6: {  	[sflag:s29] =	ssyncadd.s32 $0xFFFFFFFF  }
0xb7: {  	_ =	strace $0x90000048  }
0xb8: {  	_ =	sfence  }
0xb9: {  	s30 =	sld [smem:$0x0];
	_ =	sdelay $0x2  }
0xba: {  	s31 =	sshll.u32 s1, $0xD;
	s1 =	sshrl.u32 s1, $0x2  }
0xbb: {  	s3 =	sand.u32 $0x4000, s31;
	s1 =	sadd.s32 s1, s30  }
0xbc: {  	s0 =	sor.u32 s3, s0;
	s1 =	sshll.u32 s1, $0x11  }
0xbd: {  	s0 =	sor.u32 s1, s0  }
0xbe: {  	s0 =	sadd.s32 $0x8F2B, s0  }
0xbf: {  	[sflag:s0] =	ssyncadd.remote.s32 $0x1  }
0xc0: {  	_ =	sfence.sel $0xFFFF  }
0xc1: {  	[dreg:$0x0] =	wrdreg $0xFFFFFFFF;
	(pc) =	sbr.abs _section_cstart, $3  }
0xc2: {  	[dreg:$0x1] =	wrdreg $0xFFFFFFFF  }
0xc3: {  	_ =	task.clear_ibuf [dreg:s8], $0x2FFFF;
	_ =	strace $0x9FFFFFFF  }
0xc4: {  	(tm) =	ssettm $0x7FFFFFFF  }
0xc5: {  	_ =	shalt  }
tec
execute0_lowered:
.L_overlay_start_1:
0x0: {  	(tag) =	ssettag $0x1  }
0x1: {  	s1 =	rddreg [dreg:$0x0]  }
0x2: {  	s3 =	rddreg [dreg:$0x1]  }
0x3: {  	s11 =	rddreg [dreg:$0x2];
	s5 =	srdreg.scid  }
0x4: {  	s2 =	stileid.u32;
	s4 =	simm.s32 $0x0;
	v4 =	vlaneseq.u32;
	s13 =	simm.s32 $0x400  }
0x5: {  	s14 =	simm.s32 $0x2000;
	s15 =	simm.s32 $0x1;
	s16 =	simm.s32 $0x8000;
	v0 =	vmul.u32 $0x7F, v4;
	v1 =	vmul.u32 $0xFFFFFFFF, v4  }
0x6: {  	s17 =	simm.s32 $0x80000;
	s18 =	simm.s32 $0x2;
	[smem:$0x7FF] =	sst s4  }
0x7: {  	s19 =	simm.s32 $0xC000;
	s20 =	simm.s32 $0x4000;
	_ =	strace $0x80000047;
	[tilespmem:$0x1FF80] =	vst v1;
	v1 =	vor.u32 $0x2800, v0  }
0x8: {  	s21 =	simm.s32 $0x3;
	s5 =	sand.u32 $0x1, s5;
	s6 =	sshll.u32 s2, $0x1;
	v4 =	vmul.u32 $0xFFFFFF81, v4;
	[tilespmem:$0x1FF90] =	vst v1;
	v1 =	vor.u32 $0x3000, v0  }
0x9: {  	s22 =	simm.s32 $0x4;
	s23 =	simm.s32 $0x0;
	s9 =	sor.u32 s5, s6;
	[tilespmem:$0x1FFA0] =	vst v1;
	v1 =	vor.u32 $0x3800, v0  }
0xa: {  	s30 =	ssub.s32 $0x2, s5;
	s5 =	simm.s32 $0x78;
	p0 =	seq.s32 s9, $0x1F;
	[tilespmem:$0x1FFB0] =	vst v1;
	v1 =	vadd.s32 $0x40, v4  }
0xb: {  	s7 =	sshrl.u32 s30, $0x1;
	s31 =	sshll.u32 s9, $0x12;
	s8 =	sshll.u32 s9, $0x15;
	[tilespmem:$0x1FFC0] =	vst v1;
	v1 =	vadd.s32 $0x50, v4  }
0xc: {  	s10 =	sshll.u32 s9, $0x8;
	s9 =	sshll.u32 s9, $0xE;
	v2 =	vor.u32 $0x800, v0;
	v3 =	vor.u32 $0x1000, v0;
	s5 =	simm.s32 @!p0 $0x80;
	[tilespmem:$0x1FFD0] =	vst v1;
	v1 =	vadd.s32 $0x60, v4  }
0xd: {  	v5 =	vor.u32 $0x1800, v0;
	v6 =	vor.u32 $0x2000, v0;
	s12 =	ssub.s32 s30, s7;
	s7 =	sadd.s32 s1, s31;
	s10 =	sadd.s32 s11, s10;
	[tilespmem:$0x1FFE0] =	vst v1;
	v1 =	vadd.s32 $0x70, v4  }
0xe: {  	v10 =	vadd.s32 $0x10, v4;
	v11 =	vadd.s32 $0x20, v4;
	v12 =	vadd.s32 $0x30, v4;
	s11 =	sadd.s32 $0x1F00, s11;
	s6 =	sshrl.u32 s5, $0x1;
	s12 =	smax.u32 s12, $0x1;
	[tilespmem:$0x1FFF0] =	vst v1  }
.LBB2_1:
0xf: {  	[tilespmem:s4], [sflag:$0x1] =	stream.strided.gather [hbm4b:s7+s13], $0x4000, s14, s13, $0x38;
	[tilespmem:$0x10800] =	vst v63  }
0x10: {  	s24 =	simm.s32 $0x0  }
.LBB2_2:
0x11: {  	s25 =	sshllo.u32 s24, $0x1  }
0x12: {  	s28 =	sshll.u32 s24, $0x1;
	p1 =	sge.u32 s25, s5  }
0x13: {  	s26 =	sshrl.u32 s24, $0x2;
	s29 =	sshra.s32 @!p1 s28, $0x1F;
	s30 =	sshll.u32 @!p1 s25, $0xA  }
0x14: {  	s29 =	sadd.s32 @!p1 s29, s26;
	s30 =	sand.u32 @!p1 $0x1C00, s30  }
0x15: {  	s29 =	sshll.u32 @!p1 s29, $0x11;
	s30 =	sor.u32 @!p1 s8, s30  }
0x16: {  	s29 =	sadd.s32 @!p1 s29, s30  }
0x17: {  	s31 =	simm.s32 @!p1 $0x2000;
	s29 =	sshrl.u32 @!p1 s29, $0x3  }
0x18: {  	s0 =	simm.s32 @!p1 $0x4000;
	s30 =	simm.s32 @!p1 $0x400;
	s29 =	sadd.s32 @!p1 s1, s29  }
0x19: {  	[tilespmem:s0], [sflag:$0x2] =	stream.strided.gather @!p1 [hbm4b:s29+s30], $0x4000, s31, s30, $0x38;
	[tilespmem:$0x10800] =	vst v63  }
0x1a: {  	_ =	swait.ge [sflag:s15], $0x4000  }
0x1b: {  	p1 =	seq.s32 s24, $0x0;
	[sflag:s15] =	ssyncset.done $0x0  }
0x1c: {  	s0 =	simm.s32 @!p1 $0x3;
	[sflag:s15] =	ssyncadd.s32 $0xFFFFC000  }
0x1d: {  	_ =	swait.ge @!p1 [sflag:s0], $0x4000  }
0x1e: {  	v1 =	vld [tilespmem:$0x1FF80];
	_ =	sdelay $0x1  }
0x1f: {  	s29 =	sshll.u32 s26, $0x9;
	[sflag:s0] =	ssyncset.done @!p1 $0x0  }
0x20: {  	s29 =	sshra.s32 s29, $0x2;
	[sflag:s0] =	ssyncadd.s32 @!p1 $0xFFFFC000  }
0x21: {  	v17 =	vld [tilespmem:s29+$0x10000]  }
0x22: {  	v18 =	vld [tilespmem:s29+$0x10010];
	vm2 =	vlt.u32 v1, $0x80  }
0x23: {  	s30 =	sand.u32 $0x6, s28;
	v19 =	vld [tilespmem:s29+$0x10020]  }
0x24: {  	p2 =	seq.s32 s30, $0x0;
	s0 =	simm.f32 $0.0e+00;
	v20 =	vld [tilespmem:s29+$0x10030]  }
0x25: {  	v21 =	vld [tilespmem:s29+$0x10040];
	s0 =	simm.s32 @!p2 $0x3F800000  }
0x26: {  	v22 =	vld [tilespmem:s29+$0x10050];
	v23 =	vmul.f32 s0, v17  }
0x27: {  	v24 =	vld [tilespmem:s29+$0x10070];
	v25 =	vmul.f32 s0, v18  }
0x28: {  	v17 =	vld [tilespmem:s29+$0x10060];
	v19 =	vmul.f32 s0, v19;
	[tilespmem:v4+s16+$0x0] =	vst.idx.msk vm2, v23  }
0x29: {  	v26 =	vld.idx.msk [tilespmem:v0+s4+$0x0], vm2;
	[tilespmem:v10+s16+$0x0] =	vst.idx.msk vm2, v25  }
0x2a: {  	v20 =	vmul.f32 s0, v20;
	v27 =	vld.idx.msk [tilespmem:v2+s4+$0x0], vm2;
	[tilespmem:v11+s16+$0x0] =	vst.idx.msk vm2, v19  }
0x2b: {  	v29 =	vld.idx.msk [tilespmem:v3+s4+$0x0], vm2  }
0x2c: {  	v9 =	vld [tilespmem:$0x1FFB0];
	[tilespmem:v12+s16+$0x0] =	vst.idx.msk vm2, v20  }
0x2d: {  	v13 =	vld [tilespmem:$0x1FFC0];
	_ =	sdelay $0x5  }
0x2e: {  	v21 =	vmul.f32 s0, v21;
	v7 =	vld [tilespmem:$0x1FF90]  }
0x2f: {  	v31 =	vld.idx.msk [tilespmem:v5+s4+$0x0], vm2  }
0x30: {  	v8 =	vld [tilespmem:$0x1FFA0];
	[tilespmem:v13+s16+$0x0] =	vst.idx.msk vm2, v21  }
0x31: {  	v14 =	vld [tilespmem:$0x1FFD0];
	_ =	sdelay $0x2  }
0x32: {  	v18 =	vadd.s32 $0x1, v1  }
0x33: {  	vm0 =	vlt.u32 v18, $0x80  }
0x34: {  	v15 =	vadd.s32 $0x80, v4  }
0x35: {  	v22 =	vmul.f32 s0, v22  }
0x36: {  	v26 =	vnsel vm2, $0x0, v26  }
0x37: {  	v23 =	vadd.f32 v26, v23;
	v34 =	vld.idx.msk [tilespmem:v6+s4+$0x0], vm2;
	[tilespmem:v14+s16+$0x0] =	vst.idx.msk vm2, v22  }
0x38: {  	v35 =	vld.idx.msk [tilespmem:v7+s4+$0x0], vm2;
	[tilespmem:$0x1FD30] =	vst v15  }
0x39: {  	[tilespmem:v15+s16+$0x0] =	vst.idx.msk vm0, v23  }
0x3a: {  	v15 =	vld [tilespmem:$0x1FFE0];
	_ =	sdelay $0x4  }
0x3b: {  	v16 =	vadd.s32 $0x1, v0  }
0x3c: {  	v28 =	vmul.f32 s0, v17  }
0x3d: {  	v39 =	vadd.s32 $0x80, v10  }
0x3e: {  	[tilespmem:v15+s16+$0x0] =	vst.idx.msk vm2, v28  }
0x3f: {  	v27 =	vnsel vm2, $0x0, v27;
	[tilespmem:$0x1FD40] =	vst v16  }
0x40: {  	v25 =	vadd.f32 v27, v25;
	v36 =	vld.idx.msk [tilespmem:v16+s4+$0x0], vm0  }
0x41: {  	v38 =	vld.idx.msk [tilespmem:v8+s4+$0x0], vm2;
	[tilespmem:$0x1FD50] =	vst v39  }
0x42: {  	[tilespmem:v39+s16+$0x0] =	vst.idx.msk vm0, v25  }
0x43: {  	v16 =	vld [tilespmem:$0x1FFF0];
	_ =	sdelay $0x4  }
0x44: {  	v40 =	vadd.s32 $0x1, v2  }
0x45: {  	v24 =	vmul.f32 s0, v24  }
0x46: {  	v42 =	vadd.s32 $0x80, v11  }
0x47: {  	[tilespmem:v16+s16+$0x0] =	vst.idx.msk vm2, v24  }
0x48: {  	v43 =	vadd.s32 $0x1, v3;
	v29 =	vnsel vm2, $0x0, v29;
	[tilespmem:$0x1FD60] =	vst v40  }
0x49: {  	v48 =	vadd.s32 $0x80, v12;
	v19 =	vadd.f32 v29, v19;
	v39 =	vld.idx.msk [tilespmem:v40+s4+$0x0], vm0  }
0x4a: {  	v53 =	vld.idx.msk [tilespmem:v9+s4+$0x0], vm2;
	[tilespmem:$0x1FD70] =	vst v42  }
0x4b: {  	v47 =	vadd.s32 $0x1, v5;
	v29 =	vadd.s32 $0x80, v13;
	v31 =	vnsel vm2, $0x0, v31;
	[tilespmem:v42+s16+$0x0] =	vst.idx.msk vm0, v19  }
0x4c: {  	v46 =	vadd.s32 $0x1, v6;
	v20 =	vadd.f32 v31, v20;
	[tilespmem:$0x1FD80] =	vst v43  }
0x4d: {  	v31 =	vadd.s32 $0x2, v1;
	v41 =	vadd.s32 $0x80, v14;
	v34 =	vnsel vm2, $0x0, v34;
	v43 =	vld.idx.msk [tilespmem:v43+s4+$0x0], vm0;
	[tilespmem:$0x1FD90] =	vst v48  }
0x4e: {  	v27 =	vadd.s32 $0x1, v7;
	vm1 =	vlt.u32 v31, $0x80;
	v21 =	vadd.f32 v34, v21;
	[tilespmem:v48+s16+$0x0] =	vst.idx.msk vm0, v20  }
0x4f: {  	v49 =	vadd.s32 $0x100, v4;
	v31 =	vnsel vm2, $0x0, v35;
	[tilespmem:$0x1FDA0] =	vst v47  }
0x50: {  	v22 =	vadd.f32 v31, v22;
	v55 =	vld.idx.msk [tilespmem:v47+s4+$0x0], vm0;
	[tilespmem:v29+s16+$0x0] =	vst.idx.msk vm0, v21  }
0x51: {  	v56 =	vadd.s32 $0x2, v0;
	v29 =	vnsel vm0, $0x0, v36;
	[tilespmem:$0x1FDB0] =	vst v46  }
0x52: {  	v57 =	vadd.s32 $0x100, v10;
	v23 =	vadd.f32 v29, v23;
	v58 =	vld.idx.msk [tilespmem:v46+s4+$0x0], vm0;
	[tilespmem:v41+s16+$0x0] =	vst.idx.msk vm0, v22  }
0x53: {  	v54 =	vadd.s32 $0x80, v15;
	v27 =	vld.idx.msk [tilespmem:v27+s4+$0x0], vm0;
	[tilespmem:$0x1FDC0] =	vst v49  }
0x54: {  	v29 =	vnsel vm0, $0x0, v39;
	[tilespmem:v49+s16+$0x0] =	vst.idx.msk vm1, v23  }
0x55: {  	v59 =	vadd.s32 $0x2, v2;
	v31 =	vnsel vm2, $0x0, v38;
	v25 =	vadd.f32 v29, v25;
	[tilespmem:$0x1FDD0] =	vst v56  }
0x56: {  	v37 =	vadd.s32 $0x1, v8;
	v28 =	vadd.f32 v31, v28;
	v51 =	vld.idx.msk [tilespmem:v56+s4+$0x0], vm1;
	[tilespmem:$0x1FDE0] =	vst v57  }
0x57: {  	v60 =	vadd.s32 $0x100, v11;
	v31 =	vnsel vm2, $0x0, v53;
	[tilespmem:v57+s16+$0x0] =	vst.idx.msk vm1, v25  }
0x58: {  	v24 =	vadd.f32 v31, v24;
	v31 =	vadd.s32 $0x80, v16;
	[tilespmem:v54+s16+$0x0] =	vst.idx.msk vm0, v28  }
0x59: {  	v29 =	vnsel vm0, $0x0, v43;
	[tilespmem:$0x1FDF0] =	vst v59  }
0x5a: {  	v61 =	vadd.s32 $0x2, v3;
	v19 =	vadd.f32 v29, v19;
	v29 =	vadd.s32 $0x3, v1;
	v40 =	vld.idx.msk [tilespmem:v59+s4+$0x0], vm1  }
0x5b: {  	v26 =	vadd.s32 $0x1, v9;
	vm3 =	vlt.u32 v29, $0x80;
	v29 =	vld.idx.msk [tilespmem:v37+s4+$0x0], vm0;
	[tilespmem:$0x1FE00] =	vst v60  }
0x5c: {  	v63 =	vadd.s32 $0x100, v12;
	[tilespmem:v60+s16+$0x0] =	vst.idx.msk vm1, v19  }
0x5d: {  	[tilespmem:v31+s16+$0x0] =	vst.idx.msk vm0, v24  }
0x5e: {  	v62 =	vadd.s32 $0x2, v5;
	v52 =	vadd.s32 $0x100, v13;
	v34 =	vnsel vm0, $0x0, v55;
	[tilespmem:$0x1FE10] =	vst v61  }
0x5f: {  	v20 =	vadd.f32 v34, v20;
	v56 =	vld.idx.msk [tilespmem:v61+s4+$0x0], vm1  }
0x60: {  	v45 =	vadd.s32 $0x2, v6;
	v54 =	vnsel vm0, $0x0, v58;
	v26 =	vld.idx.msk [tilespmem:v26+s4+$0x0], vm0;
	[tilespmem:$0x1FE20] =	vst v63  }
0x61: {  	v55 =	vadd.s32 $0x180, v4;
	v21 =	vadd.f32 v54, v21;
	[tilespmem:v63+s16+$0x0] =	vst.idx.msk vm1, v20  }
0x62: {  	v53 =	vadd.s32 $0x100, v14;
	[tilespmem:$0x1FE30] =	vst v62  }
0x63: {  	v59 =	vnsel vm1, $0x0, v51;
	v61 =	vld.idx.msk [tilespmem:v62+s4+$0x0], vm1;
	[tilespmem:v52+s16+$0x0] =	vst.idx.msk vm1, v21  }
0x64: {  	v57 =	vadd.s32 $0x3, v0;
	v27 =	vnsel vm0, $0x0, v27;
	v23 =	vadd.f32 v59, v23;
	[tilespmem:$0x1FE40] =	vst v45  }
0x65: {  	v30 =	vadd.s32 $0x2, v7;
	v22 =	vadd.f32 v27, v22;
	v48 =	vld.idx.msk [tilespmem:v45+s4+$0x0], vm1;
	[tilespmem:$0x1FE50] =	vst v55  }
0x66: {  	v58 =	vadd.s32 $0x180, v10;
	[tilespmem:v55+s16+$0x0] =	vst.idx.msk vm3, v23  }
0x67: {  	v31 =	vadd.s32 $0x100, v15;
	[tilespmem:v53+s16+$0x0] =	vst.idx.msk vm1, v22  }
0x68: {  	v27 =	vnsel vm1, $0x0, v40;
	v29 =	vnsel vm0, $0x0, v29;
	[tilespmem:$0x1FE60] =	vst v57  }
0x69: {  	v62 =	vadd.s32 $0x3, v2;
	v25 =	vadd.f32 v27, v25;
	v27 =	vadd.f32 v29, v28;
	v29 =	vld.idx.msk [tilespmem:v57+s4+$0x0], vm3  }
0x6a: {  	v32 =	vadd.s32 $0x2, v8;
	v30 =	vld.idx.msk [tilespmem:v30+s4+$0x0], vm1;
	[tilespmem:$0x1FE70] =	vst v58  }
0x6b: {  	v63 =	vadd.s32 $0x180, v11;
	[tilespmem:v58+s16+$0x0] =	vst.idx.msk vm3, v25  }
0x6c: {  	v60 =	vadd.s32 $0x100, v16;
	[tilespmem:v31+s16+$0x0] =	vst.idx.msk vm1, v27  }
0x6d: {  	v28 =	vnsel vm1, $0x0, v56;
	[tilespmem:$0x1FE80] =	vst v62  }
0x6e: {  	v49 =	vadd.s32 $0x3, v3;
	v26 =	vnsel vm0, $0x0, v26;
	v19 =	vadd.f32 v28, v19;
	v31 =	vld.idx.msk [tilespmem:v62+s4+$0x0], vm3  }
0x6f: {  	v33 =	vadd.s32 $0x2, v9;
	v24 =	vadd.f32 v26, v24;
	v32 =	vld.idx.msk [tilespmem:v32+s4+$0x0], vm1;
	[tilespmem:$0x1FE90] =	vst v63  }
0x70: {  	v50 =	vadd.s32 $0x180, v12;
	[tilespmem:v63+s16+$0x0] =	vst.idx.msk vm3, v19  }
0x71: {  	v51 =	vadd.s32 $0x3, v5;
	[tilespmem:v60+s16+$0x0] =	vst.idx.msk vm1, v24  }
0x72: {  	v26 =	vadd.s32 $0x180, v13;
	v53 =	vadd.s32 $0x4, v1;
	v28 =	vnsel vm1, $0x0, v61;
	[tilespmem:$0x1FEA0] =	vst v49  }
0x73: {  	v20 =	vadd.f32 v28, v20;
	v54 =	vld.idx.msk [tilespmem:v49+s4+$0x0], vm3;
	[tilespmem:$0x1FEB0] =	vst v53  }
0x74: {  	v44 =	vadd.s32 $0x3, v6;
	v28 =	vadd.s32 $0x180, v14;
	v35 =	vnsel vm1, $0x0, v48;
	v33 =	vld.idx.msk [tilespmem:v33+s4+$0x0], vm1;
	[tilespmem:$0x1FEC0] =	vst v50  }
0x75: {  	v18 =	vadd.s32 $0x3, v7;
	vm4 =	vlt.u32 v53, $0x80;
	v21 =	vadd.f32 v35, v21;
	[tilespmem:v50+s16+$0x0] =	vst.idx.msk vm3, v20  }
0x76: {  	v56 =	vadd.s32 $0x200, v4;
	v30 =	vnsel vm1, $0x0, v30;
	[tilespmem:$0x1FED0] =	vst v51  }
0x77: {  	v55 =	vadd.s32 $0x180, v15;
	v22 =	vadd.f32 v30, v22;
	v58 =	vld.idx.msk [tilespmem:v51+s4+$0x0], vm3;
	[tilespmem:v26+s16+$0x0] =	vst.idx.msk vm3, v21  }
0x78: {  	v26 =	vnsel vm3, $0x0, v29;
	[tilespmem:$0x1FEE0] =	vst v44  }
0x79: {  	v59 =	vadd.s32 $0x4, v0;
	v29 =	vnsel vm1, $0x0, v32;
	v23 =	vadd.f32 v26, v23;
	v60 =	vld.idx.msk [tilespmem:v44+s4+$0x0], vm3;
	[tilespmem:v28+s16+$0x0] =	vst.idx.msk vm3, v22  }
0x7a: {  	v52 =	vadd.s32 $0x3, v8;
	v26 =	vadd.f32 v29, v27;
	v18 =	vld.idx.msk [tilespmem:v18+s4+$0x0], vm3;
	[tilespmem:$0x1FEF0] =	vst v56  }
0x7b: {  	v30 =	vadd.s32 $0x200, v10;
	[tilespmem:v56+s16+$0x0] =	vst.idx.msk vm4, v23  }
0x7c: {  	v57 =	vadd.s32 $0x180, v16;
	[tilespmem:v55+s16+$0x0] =	vst.idx.msk vm3, v26  }
0x7d: {  	v27 =	vnsel vm3, $0x0, v31;
	v28 =	vnsel vm1, $0x0, v33;
	[tilespmem:$0x1FF00] =	vst v59  }
0x7e: {  	v61 =	vadd.s32 $0x4, v2;
	v33 =	vadd.f32 v27, v25;
	v24 =	vadd.f32 v28, v24;
	v28 =	vld.idx.msk [tilespmem:v59+s4+$0x0], vm4  }
0x7f: {  	v17 =	vadd.s32 $0x3, v9;
	v27 =	vld.idx.msk [tilespmem:v52+s4+$0x0], vm3;
	[tilespmem:$0x1FF10] =	vst v30  }
0x80: {  	v62 =	vadd.s32 $0x200, v11;
	[tilespmem:v30+s16+$0x0] =	vst.idx.msk vm4, v33  }
0x81: {  	[tilespmem:v57+s16+$0x0] =	vst.idx.msk vm3, v24  }
0x82: {  	v31 =	vadd.s32 $0x4, v3;
	v25 =	vnsel vm3, $0x0, v54;
	[tilespmem:$0x1FF20] =	vst v61  }
0x83: {  	v63 =	vadd.s32 $0x200, v12;
	v19 =	vadd.f32 v25, v19;
	v46 =	vld.idx.msk [tilespmem:v61+s4+$0x0], vm4  }
0x84: {  	v47 =	vadd.s32 $0x4, v6;
	v45 =	vadd.s32 $0x4, v5;
	v49 =	vadd.s32 $0x4, v7;
	v17 =	vld.idx.msk [tilespmem:v17+s4+$0x0], vm3;
	[tilespmem:$0x1FF30] =	vst v62  }
0x85: {  	v50 =	vadd.s32 $0x200, v15;
	v25 =	vadd.s32 $0x200, v13;
	v29 =	vnsel vm3, $0x0, v58;
	[tilespmem:v62+s16+$0x0] =	vst.idx.msk vm4, v19  }
0x86: {  	v51 =	vadd.s32 $0x200, v16;
	v54 =	vadd.s32 $0x5, v3;
	v30 =	vadd.f32 v29, v20;
	[tilespmem:$0x1FF40] =	vst v31  }
0x87: {  	v55 =	vadd.s32 $0x5, v6;
	v20 =	vadd.s32 $0x200, v14;
	v29 =	vnsel vm3, $0x0, v60;
	v48 =	vld.idx.msk [tilespmem:v31+s4+$0x0], vm4;
	[tilespmem:$0x1FF50] =	vst v63  }
0x88: {  	v56 =	vadd.s32 $0x5, v1;
	v18 =	vnsel vm3, $0x0, v18;
	v31 =	vadd.f32 v29, v21;
	[tilespmem:v63+s16+$0x0] =	vst.idx.msk vm4, v30  }
0x89: {  	v58 =	vadd.s32 $0x5, v0;
	v32 =	vadd.f32 v18, v22;
	v21 =	vadd.s32 $0x4, v8;
	[tilespmem:$0x1FF60] =	vst v45  }
0x8a: {  	v22 =	vadd.s32 $0x4, v9;
	v18 =	vnsel vm3, $0x0, v27;
	v17 =	vnsel vm3, $0x0, v17;
	v39 =	vld.idx.msk [tilespmem:v45+s4+$0x0], vm4;
	[tilespmem:v25+s16+$0x0] =	vst.idx.msk vm4, v31  }
0x8b: {  	v27 =	vadd.f32 v18, v26;
	v29 =	vadd.f32 v17, v24;
	v17 =	vnsel vm4, $0x0, v28;
	[tilespmem:$0x1FF70] =	vst v47  }
0x8c: {  	v59 =	vadd.s32 $0x5, v2;
	v36 =	vadd.f32 v17, v23;
	v17 =	vnsel vm4, $0x0, v46;
	v26 =	vld.idx.msk [tilespmem:v47+s4+$0x0], vm4;
	[tilespmem:v20+s16+$0x0] =	vst.idx.msk vm4, v32  }
0x8d: {  	v60 =	vadd.s32 $0x280, v10;
	v35 =	vadd.f32 v17, v33;
	v17 =	vnsel vm4, $0x0, v48;
	v37 =	vld.idx.msk [tilespmem:v49+s4+$0x0], vm4;
	[tilespmem:v50+s16+$0x0] =	vst.idx.msk vm4, v27  }
0x8e: {  	v57 =	vadd.s32 $0x5, v5;
	v61 =	vadd.s32 $0x280, v4;
	v62 =	vadd.s32 $0x280, v11;
	v25 =	vld.idx.msk [tilespmem:v21+s4+$0x0], vm4;
	[tilespmem:v51+s16+$0x0] =	vst.idx.msk vm4, v29  }
0x8f: {  	v63 =	vadd.s32 $0x280, v12;
	v18 =	vmovc v8;
	v23 =	vmovc v13;
	v20 =	vmov v7;
	v33 =	vadd.f32 v17, v19;
	v34 =	vld.idx.msk [tilespmem:v22+s4+$0x0], vm4  }
0x90: {  	s31 =	simm.s32 $0x0;
	v19 =	vmovc v16;
	v21 =	vmovc v15;
	v24 =	vnsel vm4, $0x0, v39;
	v22 =	vmov v14;
	v17 =	vmov v9  }
.LBB2_3:
0x91: {  	vm5 =	vlt.u32 v56, $0x80;
	s31 =	sadd.s32 $0x5, s31;
	v38 =	vadd.f32 v24, v30;
	v24 =	vnsel vm4, $0x0, v26  }
0x92: {  	v23 =	vadd.s32 $0x280, v23;
	p2 =	slt.u32 s31, $0xA;
	v39 =	vadd.f32 v24, v31;
	v24 =	vnsel vm4, $0x0, v37  }
0x93: {  	v20 =	vadd.s32 $0x5, v20;
	v37 =	vadd.f32 v24, v32;
	v24 =	vnsel vm4, $0x0, v25  }
0x94: {  	v22 =	vadd.s32 $0x280, v22;
	v40 =	vadd.f32 v24, v27;
	v24 =	vnsel vm4, $0x0, v34  }
0x95: {  	v18 =	vadd.s32 $0x5, v18;
	v21 =	vadd.s32 $0x280, v21;
	v41 =	vadd.f32 v24, v29  }
0x96: {  	v17 =	vadd.s32 $0x5, v17;
	v19 =	vadd.s32 $0x280, v19;
	v24 =	vadd.s32 $0x4, v18  }
0x97: {  	v26 =	vadd.s32 $0x4, v55;
	v25 =	vadd.s32 $0x4, v20;
	v27 =	vadd.s32 $0x3, v17;
	[tilespmem:v61+s16+$0x0] =	vst.idx.msk vm5, v36  }
0x98: {  	v30 =	vadd.s32 $0x3, v55;
	v28 =	vadd.s32 $0x3, v18;
	v29 =	vadd.s32 $0x3, v20;
	v42 =	vld.idx.msk [tilespmem:v58+s4+$0x0], vm5;
	[tilespmem:v60+s16+$0x0] =	vst.idx.msk vm5, v35  }
0x99: {  	v31 =	vadd.s32 $0x2, v17;
	v32 =	vadd.s32 $0x2, v18;
	v34 =	vadd.s32 $0x2, v20;
	v43 =	vld.idx.msk [tilespmem:v59+s4+$0x0], vm5;
	[tilespmem:v62+s16+$0x0] =	vst.idx.msk vm5, v33  }
0x9a: {  	v46 =	vadd.s32 $0x1, v56;
	v47 =	vadd.s32 $0x2, v55;
	v45 =	vadd.s32 $0x1, v17;
	v44 =	vld.idx.msk [tilespmem:v54+s4+$0x0], vm5;
	[tilespmem:v63+s16+$0x0] =	vst.idx.msk vm5, v38  }
0x9b: {  	v49 =	vadd.s32 $0x1, v20;
	v50 =	vadd.s32 $0x1, v18;
	vm4 =	vlt.u32 v46, $0x80;
	v48 =	vld.idx.msk [tilespmem:v57+s4+$0x0], vm5;
	[tilespmem:v23+s16+$0x0] =	vst.idx.msk vm5, v39  }
0x9c: {  	v51 =	vadd.s32 $0x1, v57;
	v7 =	vadd.s32 $0x1, v55;
	v46 =	vadd.s32 $0x80, v61;
	v52 =	vld.idx.msk [tilespmem:v55+s4+$0x0], vm5;
	[tilespmem:v22+s16+$0x0] =	vst.idx.msk vm5, v37  }
0x9d: {  	v8 =	vadd.s32 $0x1, v58;
	v9 =	vadd.s32 $0x80, v60;
	v13 =	vadd.s32 $0x1, v54;
	v14 =	vld.idx.msk [tilespmem:v20+s4+$0x0], vm5;
	[tilespmem:v21+s16+$0x0] =	vst.idx.msk vm5, v40  }
0x9e: {  	v15 =	vadd.s32 $0x1, v59;
	v16 =	vadd.s32 $0x80, v62;
	v42 =	vnsel vm5, $0x0, v42;
	v53 =	vld.idx.msk [tilespmem:v18+s4+$0x0], vm5;
	[tilespmem:v19+s16+$0x0] =	vst.idx.msk vm5, v41  }
0x9f: {  	v36 =	vadd.f32 v42, v36;
	v42 =	vnsel vm5, $0x0, v43;
	v43 =	vadd.s32 $0x80, v63;
	v1 =	vld.idx.msk [tilespmem:v17+s4+$0x0], vm5  }
0xa0: {  	v35 =	vadd.f32 v42, v35;
	v42 =	vnsel vm5, $0x0, v44;
	v44 =	vadd.s32 $0x80, v23  }
0xa1: {  	v33 =	vadd.f32 v42, v33;
	v42 =	vnsel vm5, $0x0, v48;
	v48 =	vadd.s32 $0x80, v22;
	[tilespmem:v46+s16+$0x0] =	vst.idx.msk vm4, v36  }
0xa2: {  	v38 =	vadd.f32 v42, v38;
	v42 =	vnsel vm5, $0x0, v52;
	v46 =	vadd.s32 $0x80, v21;
	v8 =	vld.idx.msk [tilespmem:v8+s4+$0x0], vm4;
	[tilespmem:v9+s16+$0x0] =	vst.idx.msk vm4, v35  }
0xa3: {  	v9 =	vadd.f32 v42, v39;
	v14 =	vnsel vm5, $0x0, v14;
	v39 =	vadd.s32 $0x80, v19;
	v15 =	vld.idx.msk [tilespmem:v15+s4+$0x0], vm4;
	[tilespmem:v16+s16+$0x0] =	vst.idx.msk vm4, v33  }
0xa4: {  	v14 =	vadd.f32 v14, v37;
	v16 =	vnsel vm5, $0x0, v53;
	v37 =	vadd.s32 $0x2, v56;
	v13 =	vld.idx.msk [tilespmem:v13+s4+$0x0], vm4;
	[tilespmem:v43+s16+$0x0] =	vst.idx.msk vm4, v38  }
0xa5: {  	v16 =	vadd.f32 v16, v40;
	v1 =	vnsel vm5, $0x0, v1;
	vm5 =	vlt.u32 v37, $0x80;
	v40 =	vld.idx.msk [tilespmem:v51+s4+$0x0], vm4;
	[tilespmem:v44+s16+$0x0] =	vst.idx.msk vm4, v9  }
0xa6: {  	v37 =	vadd.s32 $0x100, v61;
	v1 =	vadd.f32 v1, v41;
	v41 =	vadd.s32 $0x2, v57;
	v7 =	vld.idx.msk [tilespmem:v7+s4+$0x0], vm4;
	[tilespmem:v48+s16+$0x0] =	vst.idx.msk vm4, v14  }
0xa7: {  	v42 =	vadd.s32 $0x2, v58;
	v43 =	vadd.s32 $0x100, v60;
	v44 =	vadd.s32 $0x2, v54;
	v48 =	vld.idx.msk [tilespmem:v49+s4+$0x0], vm4;
	[tilespmem:v46+s16+$0x0] =	vst.idx.msk vm4, v16  }
0xa8: {  	v8 =	vnsel vm4, $0x0, v8;
	v46 =	vadd.s32 $0x2, v59;
	v49 =	vadd.s32 $0x100, v62;
	v50 =	vld.idx.msk [tilespmem:v50+s4+$0x0], vm4;
	[tilespmem:v39+s16+$0x0] =	vst.idx.msk vm4, v1  }
0xa9: {  	v8 =	vadd.f32 v8, v36;
	v15 =	vnsel vm4, $0x0, v15;
	v36 =	vadd.s32 $0x100, v63;
	v39 =	vld.idx.msk [tilespmem:v45+s4+$0x0], vm4  }
0xaa: {  	v15 =	vadd.f32 v15, v35;
	v13 =	vnsel vm4, $0x0, v13;
	v35 =	vadd.s32 $0x100, v23  }
0xab: {  	v13 =	vadd.f32 v13, v33;
	v33 =	vnsel vm4, $0x0, v40;
	v40 =	vadd.s32 $0x100, v22;
	[tilespmem:v37+s16+$0x0] =	vst.idx.msk vm5, v8  }
0xac: {  	v33 =	vadd.f32 v33, v38;
	v7 =	vnsel vm4, $0x0, v7;
	v37 =	vadd.s32 $0x100, v21;
	v38 =	vld.idx.msk [tilespmem:v42+s4+$0x0], vm5;
	[tilespmem:v43+s16+$0x0] =	vst.idx.msk vm5, v15  }
0xad: {  	v7 =	vadd.f32 v7, v9;
	v9 =	vnsel vm4, $0x0, v48;
	v42 =	vadd.s32 $0x100, v19;
	v43 =	vld.idx.msk [tilespmem:v46+s4+$0x0], vm5;
	[tilespmem:v49+s16+$0x0] =	vst.idx.msk vm5, v13  }
0xae: {  	v9 =	vadd.f32 v9, v14;
	v14 =	vnsel vm4, $0x0, v50;
	v44 =	vld.idx.msk [tilespmem:v44+s4+$0x0], vm5;
	[tilespmem:v36+s16+$0x0] =	vst.idx.msk vm5, v33;
	v36 =	vadd.s32 $0x3, v56  }
0xaf: {  	v14 =	vadd.f32 v14, v16;
	v16 =	vnsel vm4, $0x0, v39;
	v39 =	vld.idx.msk [tilespmem:v41+s4+$0x0], vm5;
	[tilespmem:v35+s16+$0x0] =	vst.idx.msk vm5, v7;
	vm6 =	vlt.u32 v36, $0x80  }
0xb0: {  	v1 =	vadd.f32 v16, v1;
	v16 =	vadd.s32 $0x180, v61;
	v35 =	vadd.s32 $0x3, v57;
	v36 =	vld.idx.msk [tilespmem:v47+s4+$0x0], vm5;
	[tilespmem:v40+s16+$0x0] =	vst.idx.msk vm5, v9  }
0xb1: {  	v45 =	vadd.s32 $0x3, v54;
	v41 =	vadd.s32 $0x180, v60;
	v40 =	vadd.s32 $0x3, v58;
	v34 =	vld.idx.msk [tilespmem:v34+s4+$0x0], vm5;
	[tilespmem:v37+s16+$0x0] =	vst.idx.msk vm5, v14  }
0xb2: {  	v46 =	vadd.s32 $0x180, v62;
	v37 =	vnsel vm5, $0x0, v38;
	v38 =	vadd.s32 $0x3, v59;
	v32 =	vld.idx.msk [tilespmem:v32+s4+$0x0], vm5;
	[tilespmem:v42+s16+$0x0] =	vst.idx.msk vm5, v1  }
0xb3: {  	v8 =	vadd.f32 v37, v8;
	v37 =	vnsel vm5, $0x0, v43;
	v42 =	vadd.s32 $0x180, v63;
	v31 =	vld.idx.msk [tilespmem:v31+s4+$0x0], vm5  }
0xb4: {  	v43 =	vadd.s32 $0x180, v23;
	v15 =	vadd.f32 v37, v15;
	v37 =	vnsel vm5, $0x0, v44  }
0xb5: {  	v13 =	vadd.f32 v37, v13;
	v37 =	vnsel vm5, $0x0, v39;
	v39 =	vadd.s32 $0x180, v22;
	[tilespmem:v16+s16+$0x0] =	vst.idx.msk vm6, v8  }
0xb6: {  	v16 =	vadd.f32 v37, v33;
	v33 =	vnsel vm5, $0x0, v36;
	v36 =	vadd.s32 $0x180, v21;
	v37 =	vld.idx.msk [tilespmem:v40+s4+$0x0], vm6;
	[tilespmem:v41+s16+$0x0] =	vst.idx.msk vm6, v15  }
0xb7: {  	v7 =	vadd.f32 v33, v7;
	v33 =	vnsel vm5, $0x0, v34;
	v34 =	vadd.s32 $0x180, v19;
	v38 =	vld.idx.msk [tilespmem:v38+s4+$0x0], vm6;
	[tilespmem:v46+s16+$0x0] =	vst.idx.msk vm6, v13  }
0xb8: {  	v40 =	vadd.s32 $0x4, v56;
	v9 =	vadd.f32 v33, v9;
	v32 =	vnsel vm5, $0x0, v32;
	v33 =	vld.idx.msk [tilespmem:v45+s4+$0x0], vm6;
	[tilespmem:v42+s16+$0x0] =	vst.idx.msk vm6, v16  }
0xb9: {  	vm4 =	vlt.u32 v40, $0x80;
	v14 =	vadd.f32 v32, v14;
	v31 =	vnsel vm5, $0x0, v31;
	v32 =	vld.idx.msk [tilespmem:v35+s4+$0x0], vm6;
	[tilespmem:v43+s16+$0x0] =	vst.idx.msk vm6, v7  }
0xba: {  	v1 =	vadd.f32 v31, v1;
	v31 =	vadd.s32 $0x200, v61;
	v35 =	vadd.s32 $0x4, v57;
	v40 =	vld.idx.msk [tilespmem:v30+s4+$0x0], vm6;
	[tilespmem:v39+s16+$0x0] =	vst.idx.msk vm6, v9  }
0xbb: {  	v41 =	vadd.s32 $0x200, v60;
	v42 =	vadd.s32 $0x4, v54;
	v39 =	vadd.s32 $0x4, v58;
	v29 =	vld.idx.msk [tilespmem:v29+s4+$0x0], vm6;
	[tilespmem:v36+s16+$0x0] =	vst.idx.msk vm6, v14  }
0xbc: {  	v30 =	vnsel vm6, $0x0, v37;
	v36 =	vadd.s32 $0x4, v59;
	v37 =	vadd.s32 $0x200, v62;
	v28 =	vld.idx.msk [tilespmem:v28+s4+$0x0], vm6;
	[tilespmem:v34+s16+$0x0] =	vst.idx.msk vm6, v1  }
0xbd: {  	v8 =	vadd.f32 v30, v8;
	v30 =	vnsel vm6, $0x0, v38;
	v34 =	vadd.s32 $0x200, v63;
	v38 =	vld.idx.msk [tilespmem:v27+s4+$0x0], vm6  }
0xbe: {  	v15 =	vadd.f32 v30, v15;
	v27 =	vnsel vm6, $0x0, v33;
	v33 =	vadd.s32 $0x200, v23  }
0xbf: {  	v43 =	vadd.s32 $0x200, v22;
	v13 =	vadd.f32 v27, v13;
	v27 =	vnsel vm6, $0x0, v32;
	[tilespmem:v31+s16+$0x0] =	vst.idx.msk vm4, v8  }
0xc0: {  	v30 =	vadd.f32 v27, v16;
	v16 =	vnsel vm6, $0x0, v40;
	v40 =	vadd.s32 $0x200, v21;
	v39 =	vld.idx.msk [tilespmem:v39+s4+$0x0], vm4;
	[tilespmem:v41+s16+$0x0] =	vst.idx.msk vm4, v15  }
0xc1: {  	v31 =	vadd.f32 v16, v7;
	v7 =	vnsel vm6, $0x0, v29;
	v16 =	vadd.s32 $0x200, v19;
	v41 =	vld.idx.msk [tilespmem:v36+s4+$0x0], vm4;
	[tilespmem:v37+s16+$0x0] =	vst.idx.msk vm4, v13  }
0xc2: {  	v32 =	vadd.f32 v7, v9;
	v7 =	vnsel vm6, $0x0, v28;
	v9 =	vadd.s32 $0x4, v17;
	v28 =	vld.idx.msk [tilespmem:v42+s4+$0x0], vm4;
	[tilespmem:v34+s16+$0x0] =	vst.idx.msk vm4, v30  }
0xc3: {  	v27 =	vadd.f32 v7, v14;
	v7 =	vnsel vm6, $0x0, v38;
	v14 =	vld.idx.msk [tilespmem:v35+s4+$0x0], vm4;
	[tilespmem:v33+s16+$0x0] =	vst.idx.msk vm4, v31  }
0xc4: {  	v61 =	vadd.s32 $0x280, v61;
	v58 =	vadd.s32 $0x5, v58;
	v29 =	vadd.f32 v7, v1;
	v26 =	vld.idx.msk [tilespmem:v26+s4+$0x0], vm4;
	[tilespmem:v43+s16+$0x0] =	vst.idx.msk vm4, v32  }
.Ltmp0:
0xc5: {  	v60 =	vadd.s32 $0x280, v60;
	v54 =	vadd.s32 $0x5, v54;
	v59 =	vadd.s32 $0x5, v59;
	v37 =	vld.idx.msk [tilespmem:v25+s4+$0x0], vm4;
	[tilespmem:v40+s16+$0x0] =	vst.idx.msk vm4, v27;
	(pc) =	sbr.rel @p2 .LBB2_3-.Ltmp0, $4  }
0xc6: {  	v57 =	vadd.s32 $0x5, v57;
	v62 =	vadd.s32 $0x280, v62;
	v1 =	vnsel vm4, $0x0, v39;
	v25 =	vld.idx.msk [tilespmem:v24+s4+$0x0], vm4;
	[tilespmem:v16+s16+$0x0] =	vst.idx.msk vm4, v29  }
0xc7: {  	v63 =	vadd.s32 $0x280, v63;
	v36 =	vadd.f32 v1, v8;
	v1 =	vnsel vm4, $0x0, v41;
	v34 =	vld.idx.msk [tilespmem:v9+s4+$0x0], vm4  }
0xc8: {  	v55 =	vadd.s32 $0x5, v55;
	v35 =	vadd.f32 v1, v15;
	v1 =	vnsel vm4, $0x0, v28  }
0xc9: {  	v56 =	vadd.s32 $0x5, v56;
	v33 =	vadd.f32 v1, v13;
	v24 =	vnsel vm4, $0x0, v14  }
0xca: {  	_ =	sdelay $0x3  }
0xcb: {  	[tilespmem:v61+s16+$0x0] =	vst.idx.msk $0xffff, v36  }
0xcc: {  	v7 =	vnsel vm4, $0x0, v26;
	v28 =	vadd.s32 $0x280, v23;
	v1 =	vld.idx.msk [tilespmem:v58+s4+$0x0], $0xffff;
	[tilespmem:v60+s16+$0x0] =	vst.idx.msk $0xffff, v35  }
0xcd: {  	v9 =	vadd.f32 v24, v30;
	v13 =	vadd.s32 $0x80, v61;
	v22 =	vadd.s32 $0x280, v22;
	v8 =	vld.idx.msk [tilespmem:v59+s4+$0x0], $0xffff  }
0xce: {  	v14 =	vnsel vm4, $0x0, v37;
	v16 =	vadd.s32 $0x1, v58;
	v23 =	vadd.s32 $0x5, v20;
	[tilespmem:v62+s16+$0x0] =	vst.idx.msk $0xffff, v33  }
0xcf: {  	v20 =	vadd.s32 $0x80, v60;
	v24 =	vadd.s32 $0x280, v21;
	v7 =	vadd.f32 v7, v31;
	v15 =	vld.idx.msk [tilespmem:v54+s4+$0x0], $0xffff  }
0xd0: {  	v30 =	vadd.s32 $0x1, v59;
	v14 =	vadd.f32 v14, v32;
	v31 =	vnsel vm4, $0x0, v25;
	[tilespmem:v63+s16+$0x0] =	vst.idx.msk $0xffff, v9  }
0xd1: {  	v25 =	vadd.s32 $0x5, v18;
	v18 =	vadd.s32 $0x80, v62;
	v21 =	vld.idx.msk [tilespmem:v57+s4+$0x0], $0xffff;
	[tilespmem:v28+s16+$0x0] =	vst.idx.msk $0xffff, v7;
	v1 =	vadd.f32 v1, v36  }
0xd2: {  	v26 =	vadd.s32 $0x280, v19;
	v49 =	vadd.s32 $0x1, v54;
	v19 =	vld.idx.msk [tilespmem:v55+s4+$0x0], $0xffff;
	[tilespmem:v22+s16+$0x0] =	vst.idx.msk $0xffff, v14;
	v8 =	vadd.f32 v8, v35  }
0xd3: {  	v50 =	vld.idx.msk [tilespmem:v23+s4+$0x0], $0xffff;
	[tilespmem:v13+s16+$0x0] =	vst.idx.msk $0xffff, v1;
	v13 =	vadd.f32 v31, v27;
	v27 =	vadd.s32 $0x5, v17;
	v17 =	vadd.s32 $0x80, v63  }
0xd4: {  	v31 =	vnsel vm4, $0x0, v34;
	v15 =	vadd.f32 v15, v33;
	v16 =	vld.idx.msk [tilespmem:v16+s4+$0x0], $0xffff;
	[tilespmem:v20+s16+$0x0] =	vst.idx.msk $0xffff, v8  }
0xd5: {  	v51 =	vadd.s32 $0x1, v57;
	v20 =	vadd.f32 v31, v29;
	v29 =	vadd.s32 $0x80, v28;
	[tilespmem:v24+s16+$0x0] =	vst.idx.msk $0xffff, v13  }
0xd6: {  	v52 =	vadd.s32 $0x1, v55;
	v9 =	vadd.f32 v21, v9;
	v21 =	vadd.s32 $0x80, v22;
	v30 =	vld.idx.msk [tilespmem:v30+s4+$0x0], $0xffff;
	[tilespmem:v18+s16+$0x0] =	vst.idx.msk $0xffff, v15  }
0xd7: {  	v38 =	vadd.s32 $0x1, v23;
	v18 =	vadd.s32 $0x100, v61;
	v31 =	vld.idx.msk [tilespmem:v25+s4+$0x0], $0xffff;
	[tilespmem:v26+s16+$0x0] =	vst.idx.msk $0xffff, v20  }
0xd8: {  	v53 =	vadd.s32 $0x2, v58;
	v32 =	vld.idx.msk [tilespmem:v49+s4+$0x0], $0xffff;
	v7 =	vadd.f32 v19, v7;
	[tilespmem:v17+s16+$0x0] =	vst.idx.msk $0xffff, v9;
	v17 =	vadd.s32 $0x100, v60  }
0xd9: {  	v39 =	vadd.s32 $0x2, v59;
	v19 =	vadd.s32 $0x80, v24;
	v14 =	vadd.f32 v50, v14;
	v42 =	vld.idx.msk [tilespmem:v27+s4+$0x0], $0xffff  }
0xda: {  	v35 =	vld.idx.msk [tilespmem:v51+s4+$0x0], $0xffff;
	v1 =	vadd.f32 v16, v1;
	v16 =	vadd.s32 $0x1, v25;
	[tilespmem:v29+s16+$0x0] =	vst.idx.msk $0xffff, v7;
	v29 =	vadd.s32 $0x100, v62  }
0xdb: {  	v43 =	vadd.s32 $0x80, v26;
	v33 =	vld.idx.msk [tilespmem:v52+s4+$0x0], $0xffff;
	v8 =	vadd.f32 v30, v8;
	v30 =	vadd.s32 $0x2, v54;
	[tilespmem:v21+s16+$0x0] =	vst.idx.msk $0xffff, v14  }
0xdc: {  	v21 =	vadd.s32 $0x100, v63;
	[tilespmem:v18+s16+$0x0] =	vst.idx.msk $0xffff, v1;
	v18 =	vadd.s32 $0x1, v27;
	v13 =	vadd.f32 v31, v13;
	v44 =	vld.idx.msk [tilespmem:v38+s4+$0x0], $0xffff  }
0xdd: {  	v15 =	vadd.f32 v32, v15;
	v31 =	vld.idx.msk [tilespmem:v53+s4+$0x0], $0xffff;
	[tilespmem:v17+s16+$0x0] =	vst.idx.msk $0xffff, v8  }
0xde: {  	v45 =	vadd.s32 $0x2, v57;
	v17 =	vadd.f32 v42, v20;
	[tilespmem:v19+s16+$0x0] =	vst.idx.msk $0xffff, v13;
	v19 =	vadd.s32 $0x100, v28;
	v20 =	vld.idx.msk [tilespmem:v39+s4+$0x0], $0xffff  }
0xdf: {  	v46 =	vadd.s32 $0x2, v55;
	v16 =	vld.idx.msk [tilespmem:v16+s4+$0x0], $0xffff;
	v9 =	vadd.f32 v35, v9;
	[tilespmem:v29+s16+$0x0] =	vst.idx.msk $0xffff, v15;
	v29 =	vadd.s32 $0x180, v61  }
0xe0: {  	v48 =	vadd.s32 $0x3, v58;
	v47 =	vadd.s32 $0x100, v22;
	[tilespmem:v43+s16+$0x0] =	vst.idx.msk $0xffff, v17;
	v30 =	vld.idx.msk [tilespmem:v30+s4+$0x0], $0xffff  }
0xe1: {  	v49 =	vadd.s32 $0x2, v23;
	v7 =	vadd.f32 v33, v7;
	v18 =	vld.idx.msk [tilespmem:v18+s4+$0x0], $0xffff;
	[tilespmem:v21+s16+$0x0] =	vst.idx.msk $0xffff, v9;
	v21 =	vadd.s32 $0x180, v60  }
0xe2: {  	v50 =	vadd.s32 $0x100, v24;
	v51 =	vadd.s32 $0x3, v59;
	v1 =	vadd.f32 v31, v1  }
0xe3: {  	v52 =	vadd.s32 $0x100, v26;
	v14 =	vadd.f32 v44, v14;
	v38 =	vld.idx.msk [tilespmem:v45+s4+$0x0], $0xffff;
	v31 =	vadd.s32 $0x2, v25;
	[tilespmem:v19+s16+$0x0] =	vst.idx.msk $0xffff, v7  }
0xe4: {  	v41 =	vadd.s32 $0x2, v27;
	v19 =	vadd.s32 $0x180, v62;
	v40 =	vld.idx.msk [tilespmem:v46+s4+$0x0], $0xffff;
	v8 =	vadd.f32 v20, v8;
	[tilespmem:v29+s16+$0x0] =	vst.idx.msk $0xffff, v1  }
0xe5: {  	v20 =	vadd.s32 $0x3, v54;
	v13 =	vadd.f32 v16, v13;
	[tilespmem:v47+s16+$0x0] =	vst.idx.msk $0xffff, v14;
	v16 =	vadd.s32 $0x180, v63;
	v42 =	vld.idx.msk [tilespmem:v48+s4+$0x0], $0xffff  }
0xe6: {  	v34 =	vld.idx.msk [tilespmem:v49+s4+$0x0], $0xffff;
	v29 =	vadd.f32 v30, v15;
	[tilespmem:v21+s16+$0x0] =	vst.idx.msk $0xffff, v8;
	v15 =	vadd.f32 v18, v17  }
0xe7: {  	[tilespmem:v50+s16+$0x0] =	vst.idx.msk $0xffff, v13;
	v30 =	vld.idx.msk [tilespmem:v51+s4+$0x0], $0xffff  }
0xe8: {  	v53 =	vadd.s32 $0x3, v57;
	v17 =	vadd.s32 $0x180, v28;
	v18 =	vld.idx.msk [tilespmem:v31+s4+$0x0], $0xffff;
	[tilespmem:v52+s16+$0x0] =	vst.idx.msk $0xffff, v15  }
0xe9: {  	v21 =	vadd.s32 $0x3, v55;
	v32 =	vadd.f32 v38, v9;
	v9 =	vadd.s32 $0x180, v22;
	[tilespmem:v19+s16+$0x0] =	vst.idx.msk $0xffff, v29;
	v19 =	vld.idx.msk [tilespmem:v41+s4+$0x0], $0xffff  }
0xea: {  	v37 =	vld.idx.msk [tilespmem:v20+s4+$0x0], $0xffff;
	v20 =	vadd.s32 $0x3, v23;
	v33 =	vadd.f32 v40, v7;
	v7 =	vadd.s32 $0x180, v24  }
0xeb: {  	[tilespmem:v16+s16+$0x0] =	vst.idx.msk $0xffff, v32;
	v16 =	vadd.s32 $0x3, v25;
	v34 =	vadd.f32 v34, v14;
	v14 =	vadd.s32 $0x180, v26  }
0xec: {  	v43 =	vadd.s32 $0x3, v27  }
0xed: {  	v38 =	vld.idx.msk [tilespmem:v53+s4+$0x0], $0xffff;
	[tilespmem:v17+s16+$0x0] =	vst.idx.msk $0xffff, v33;
	v17 =	vadd.s32 $0x200, v61;
	v35 =	vadd.f32 v18, v13  }
0xee: {  	v40 =	vld.idx.msk [tilespmem:v21+s4+$0x0], $0xffff;
	[tilespmem:v9+s16+$0x0] =	vst.idx.msk $0xffff, v34;
	v18 =	vadd.s32 $0x200, v60;
	v36 =	vadd.f32 v19, v15;
	v19 =	vadd.s32 $0x4, v58  }
0xef: {  	v62 =	vadd.s32 $0x200, v62;
	v39 =	vld.idx.msk [tilespmem:v20+s4+$0x0], $0xffff;
	[tilespmem:v7+s16+$0x0] =	vst.idx.msk $0xffff, v35;
	v20 =	vadd.s32 $0x4, v59  }
0xf0: {  	v31 =	vadd.f32 v42, v1;
	v61 =	vadd.s32 $0x200, v63;
	v21 =	vadd.s32 $0x4, v54;
	v41 =	vld.idx.msk [tilespmem:v16+s4+$0x0], $0xffff;
	[tilespmem:v14+s16+$0x0] =	vst.idx.msk $0xffff, v36  }
0xf1: {  	s31 =	simm.s32 $0xF;
	v63 =	vadd.s32 $0x4, v57;
	v30 =	vadd.f32 v30, v8;
	v54 =	vadd.s32 $0x200, v28;
	v42 =	vld.idx.msk [tilespmem:v43+s4+$0x0], $0xffff  }
.LBB2_5:
0xf2: {  	[tilespmem:v17+s16+$0x0] =	vst.idx.msk $0xffff, v31;
	s31 =	sadd.s32 $0x4, s31;
	v1 =	vadd.f32 v37, v29;
	v55 =	vadd.s32 $0x4, v55;
	v22 =	vadd.s32 $0x200, v22  }
0xf3: {  	v8 =	vadd.f32 v38, v32;
	v23 =	vadd.s32 $0x4, v23;
	v24 =	vadd.s32 $0x200, v24;
	v7 =	vld.idx.msk [tilespmem:v19+s4+$0x0], $0xffff;
	[tilespmem:v18+s16+$0x0] =	vst.idx.msk $0xffff, v30;
	p2 =	slt.u32 s31, $0x7B  }
0xf4: {  	v25 =	vadd.s32 $0x4, v25;
	v26 =	vadd.s32 $0x200, v26;
	v13 =	vadd.f32 v40, v33;
	v9 =	vld.idx.msk [tilespmem:v20+s4+$0x0], $0xffff;
	[tilespmem:v62+s16+$0x0] =	vst.idx.msk $0xffff, v1  }
0xf5: {  	v27 =	vadd.s32 $0x4, v27;
	v15 =	vadd.f32 v39, v34;
	v14 =	vld.idx.msk [tilespmem:v21+s4+$0x0], $0xffff;
	[tilespmem:v61+s16+$0x0] =	vst.idx.msk $0xffff, v8  }
0xf6: {  	v16 =	vadd.s32 $0x80, v17;
	v56 =	vadd.s32 $0x4, v56;
	v29 =	vadd.f32 v41, v35;
	v28 =	vld.idx.msk [tilespmem:v63+s4+$0x0], $0xffff;
	[tilespmem:v54+s16+$0x0] =	vst.idx.msk $0xffff, v13  }
0xf7: {  	v32 =	vadd.s32 $0x1, v19;
	v33 =	vadd.s32 $0x80, v18;
	v35 =	vadd.f32 v42, v36;
	v34 =	vld.idx.msk [tilespmem:v55+s4+$0x0], $0xffff;
	[tilespmem:v22+s16+$0x0] =	vst.idx.msk $0xffff, v15  }
0xf8: {  	v37 =	vadd.s32 $0x80, v62;
	v36 =	vadd.s32 $0x1, v20;
	v38 =	vld.idx.msk [tilespmem:v23+s4+$0x0], $0xffff;
	[tilespmem:v24+s16+$0x0] =	vst.idx.msk $0xffff, v29  }
0xf9: {  	v39 =	vadd.s32 $0x80, v61;
	v7 =	vadd.f32 v7, v31;
	v31 =	vadd.s32 $0x1, v21;
	v40 =	vld.idx.msk [tilespmem:v25+s4+$0x0], $0xffff;
	[tilespmem:v26+s16+$0x0] =	vst.idx.msk $0xffff, v35  }
0xfa: {  	v41 =	vadd.s32 $0x80, v54;
	v9 =	vadd.f32 v9, v30;
	v30 =	vadd.s32 $0x1, v63;
	v42 =	vld.idx.msk [tilespmem:v27+s4+$0x0], $0xffff  }
0xfb: {  	v43 =	vadd.s32 $0x80, v22;
	v1 =	vadd.f32 v14, v1;
	v14 =	vadd.s32 $0x1, v55;
	[tilespmem:v16+s16+$0x0] =	vst.idx.msk $0xffff, v7  }
0xfc: {  	v8 =	vadd.f32 v28, v8;
	v16 =	vadd.s32 $0x1, v23;
	v28 =	vadd.s32 $0x80, v24;
	v32 =	vld.idx.msk [tilespmem:v32+s4+$0x0], $0xffff;
	[tilespmem:v33+s16+$0x0] =	vst.idx.msk $0xffff, v9  }
0xfd: {  	v13 =	vadd.f32 v34, v13;
	v33 =	vadd.s32 $0x1, v25;
	v34 =	vadd.s32 $0x80, v26;
	v36 =	vld.idx.msk [tilespmem:v36+s4+$0x0], $0xffff;
	[tilespmem:v37+s16+$0x0] =	vst.idx.msk $0xffff, v1  }
0xfe: {  	v15 =	vadd.f32 v38, v15;
	v37 =	vadd.s32 $0x1, v27;
	v31 =	vld.idx.msk [tilespmem:v31+s4+$0x0], $0xffff;
	[tilespmem:v39+s16+$0x0] =	vst.idx.msk $0xffff, v8  }
0xff: {  	v38 =	vadd.s32 $0x100, v17;
	v29 =	vadd.f32 v40, v29;
	v30 =	vld.idx.msk [tilespmem:v30+s4+$0x0], $0xffff;
	[tilespmem:v41+s16+$0x0] =	vst.idx.msk $0xffff, v13  }
0x100: {  	v39 =	vadd.s32 $0x2, v19;
	v40 =	vadd.s32 $0x100, v18;
	v35 =	vadd.f32 v42, v35;
	v14 =	vld.idx.msk [tilespmem:v14+s4+$0x0], $0xffff;
	[tilespmem:v43+s16+$0x0] =	vst.idx.msk $0xffff, v15  }
0x101: {  	v41 =	vadd.s32 $0x2, v20;
	v42 =	vadd.s32 $0x100, v62;
	v16 =	vld.idx.msk [tilespmem:v16+s4+$0x0], $0xffff;
	[tilespmem:v28+s16+$0x0] =	vst.idx.msk $0xffff, v29  }
0x102: {  	v7 =	vadd.f32 v32, v7;
	v28 =	vadd.s32 $0x2, v21;
	v32 =	vadd.s32 $0x100, v61;
	v33 =	vld.idx.msk [tilespmem:v33+s4+$0x0], $0xffff;
	[tilespmem:v34+s16+$0x0] =	vst.idx.msk $0xffff, v35  }
0x103: {  	v9 =	vadd.f32 v36, v9;
	v34 =	vadd.s32 $0x2, v63;
	v36 =	vadd.s32 $0x100, v54;
	v37 =	vld.idx.msk [tilespmem:v37+s4+$0x0], $0xffff  }
0x104: {  	v43 =	vadd.s32 $0x100, v22;
	v1 =	vadd.f32 v31, v1;
	v31 =	vadd.s32 $0x2, v55;
	[tilespmem:v38+s16+$0x0] =	vst.idx.msk $0xffff, v7  }
0x105: {  	v8 =	vadd.f32 v30, v8;
	v30 =	vadd.s32 $0x2, v23;
	v38 =	vadd.s32 $0x100, v24;
	v39 =	vld.idx.msk [tilespmem:v39+s4+$0x0], $0xffff;
	[tilespmem:v40+s16+$0x0] =	vst.idx.msk $0xffff, v9  }
0x106: {  	v13 =	vadd.f32 v14, v13;
	v14 =	vadd.s32 $0x2, v25;
	v40 =	vadd.s32 $0x100, v26;
	v41 =	vld.idx.msk [tilespmem:v41+s4+$0x0], $0xffff;
	[tilespmem:v42+s16+$0x0] =	vst.idx.msk $0xffff, v1  }
0x107: {  	v15 =	vadd.f32 v16, v15;
	v16 =	vadd.s32 $0x2, v27;
	v28 =	vld.idx.msk [tilespmem:v28+s4+$0x0], $0xffff;
	[tilespmem:v32+s16+$0x0] =	vst.idx.msk $0xffff, v8  }
0x108: {  	v42 =	vadd.f32 v33, v29;
	v32 =	vadd.s32 $0x180, v17;
	v33 =	vld.idx.msk [tilespmem:v34+s4+$0x0], $0xffff;
	[tilespmem:v36+s16+$0x0] =	vst.idx.msk $0xffff, v13  }
0x109: {  	v36 =	vadd.f32 v37, v35;
	v34 =	vadd.s32 $0x3, v19;
	v35 =	vadd.s32 $0x180, v18;
	v31 =	vld.idx.msk [tilespmem:v31+s4+$0x0], $0xffff;
	[tilespmem:v43+s16+$0x0] =	vst.idx.msk $0xffff, v15  }
0x10a: {  	v37 =	vadd.s32 $0x3, v20;
	v43 =	vadd.s32 $0x180, v62;
	v30 =	vld.idx.msk [tilespmem:v30+s4+$0x0], $0xffff;
	[tilespmem:v38+s16+$0x0] =	vst.idx.msk $0xffff, v42  }
0x10b: {  	v7 =	vadd.f32 v39, v7;
	v38 =	vadd.s32 $0x3, v21;
	v39 =	vadd.s32 $0x180, v61;
	v14 =	vld.idx.msk [tilespmem:v14+s4+$0x0], $0xffff;
	[tilespmem:v40+s16+$0x0] =	vst.idx.msk $0xffff, v36  }
0x10c: {  	v9 =	vadd.f32 v41, v9;
	v40 =	vadd.s32 $0x3, v63;
	v41 =	vadd.s32 $0x180, v54;
	v16 =	vld.idx.msk [tilespmem:v16+s4+$0x0], $0xffff  }
0x10d: {  	v29 =	vadd.f32 v28, v1;
	v1 =	vadd.s32 $0x3, v55;
	v28 =	vadd.s32 $0x180, v22;
	[tilespmem:v32+s16+$0x0] =	vst.idx.msk $0xffff, v7  }
0x10e: {  	v44 =	vadd.s32 $0x180, v24;
	v32 =	vadd.f32 v33, v8;
	v8 =	vadd.s32 $0x3, v23;
	v45 =	vld.idx.msk [tilespmem:v34+s4+$0x0], $0xffff;
	[tilespmem:v35+s16+$0x0] =	vst.idx.msk $0xffff, v9  }
0x10f: {  	v46 =	vadd.s32 $0x180, v26;
	v33 =	vadd.f32 v31, v13;
	v13 =	vadd.s32 $0x3, v25;
	v47 =	vld.idx.msk [tilespmem:v37+s4+$0x0], $0xffff;
	[tilespmem:v43+s16+$0x0] =	vst.idx.msk $0xffff, v29  }
0x110: {  	v34 =	vadd.f32 v30, v15;
	v15 =	vadd.s32 $0x3, v27;
	v37 =	vld.idx.msk [tilespmem:v38+s4+$0x0], $0xffff;
	[tilespmem:v39+s16+$0x0] =	vst.idx.msk $0xffff, v32  }
.Ltmp1:
0x111: {  	v17 =	vadd.s32 $0x200, v17;
	v35 =	vadd.f32 v14, v42;
	v38 =	vld.idx.msk [tilespmem:v40+s4+$0x0], $0xffff;
	[tilespmem:v41+s16+$0x0] =	vst.idx.msk $0xffff, v33;
	(pc) =	sbr.rel @p2 .LBB2_5-.Ltmp1, $4  }
0x112: {  	v19 =	vadd.s32 $0x4, v19;
	v18 =	vadd.s32 $0x200, v18;
	v36 =	vadd.f32 v16, v36;
	v40 =	vld.idx.msk [tilespmem:v1+s4+$0x0], $0xffff;
	[tilespmem:v28+s16+$0x0] =	vst.idx.msk $0xffff, v34  }
0x113: {  	v20 =	vadd.s32 $0x4, v20;
	v62 =	vadd.s32 $0x200, v62;
	v39 =	vld.idx.msk [tilespmem:v8+s4+$0x0], $0xffff;
	[tilespmem:v44+s16+$0x0] =	vst.idx.msk $0xffff, v35  }
0x114: {  	v21 =	vadd.s32 $0x4, v21;
	v61 =	vadd.s32 $0x200, v61;
	v31 =	vadd.f32 v45, v7;
	v41 =	vld.idx.msk [tilespmem:v13+s4+$0x0], $0xffff;
	[tilespmem:v46+s16+$0x0] =	vst.idx.msk $0xffff, v36  }
0x115: {  	v63 =	vadd.s32 $0x4, v63;
	v54 =	vadd.s32 $0x200, v54;
	v30 =	vadd.f32 v47, v9;
	v42 =	vld.idx.msk [tilespmem:v15+s4+$0x0], $0xffff  }
0x116: {  	v28 =	vadd.s32 $0x4, v56  }
0x117: {  	vm6 =	vlt.u32 v28, $0x80;
	_ =	sdelay $0x1  }
0x118: {  	v1 =	vadd.f32 v37, v29;
	v29 =	vadd.s32 $0x4, v55  }
0x119: {  	v60 =	vadd.s32 $0x200, v22;
	v8 =	vadd.f32 v38, v32;
	v59 =	vadd.s32 $0x4, v23  }
0x11a: {  	v58 =	vadd.s32 $0x200, v24;
	v57 =	vadd.s32 $0x4, v25;
	v56 =	vadd.s32 $0x200, v26  }
0x11b: {  	v55 =	vadd.s32 $0x4, v27;
	v49 =	vadd.s32 $0x1, v19;
	v50 =	vadd.s32 $0x80, v18  }
0x11c: {  	v51 =	vadd.s32 $0x1, v20;
	v52 =	vadd.s32 $0x80, v62;
	v53 =	vadd.s32 $0x1, v21;
	[tilespmem:v17+s16+$0x0] =	vst.idx.msk vm6, v31  }
0x11d: {  	v44 =	vadd.s32 $0x1, v63;
	v9 =	vadd.f32 v40, v33;
	v15 =	vadd.s32 $0x1, v28;
	v7 =	vld.idx.msk [tilespmem:v19+s4+$0x0], vm6;
	[tilespmem:v18+s16+$0x0] =	vst.idx.msk vm6, v30  }
0x11e: {  	v22 =	vadd.s32 $0x3, v55;
	v24 =	vadd.s32 $0x3, v29;
	v27 =	vadd.s32 $0x2, v59;
	v13 =	vld.idx.msk [tilespmem:v20+s4+$0x0], vm6;
	[tilespmem:v62+s16+$0x0] =	vst.idx.msk vm6, v1  }
0x11f: {  	v40 =	vadd.s32 $0x2, v29;
	v43 =	vadd.s32 $0x1, v57;
	vm4 =	vlt.u32 v15, $0x80;
	v26 =	vld.idx.msk [tilespmem:v21+s4+$0x0], vm6  }
0x120: {  	v47 =	vadd.s32 $0x80, v60;
	v14 =	vadd.f32 v39, v34;
	v15 =	vadd.s32 $0x80, v17;
	[tilespmem:v61+s16+$0x0] =	vst.idx.msk vm6, v8  }
0x121: {  	v34 =	vadd.s32 $0x2, v57;
	v39 =	vadd.s32 $0x80, v58;
	v16 =	vadd.f32 v41, v35;
	v32 =	vld.idx.msk [tilespmem:v63+s4+$0x0], vm6;
	[tilespmem:v54+s16+$0x0] =	vst.idx.msk vm6, v9  }
0x122: {  	v25 =	vadd.f32 v42, v36;
	v36 =	vadd.s32 $0x2, v55;
	v37 =	vld.idx.msk [tilespmem:v29+s4+$0x0], vm6;
	v7 =	vnsel vm6, $0x0, v7  }
0x123: {  	v42 =	vadd.s32 $0x2, v19;
	[tilespmem:v60+s16+$0x0] =	vst.idx.msk vm6, v14;
	v7 =	vadd.f32 v7, v31;
	v13 =	vnsel vm6, $0x0, v13  }
0x124: {  	v48 =	vld.idx.msk [tilespmem:v59+s4+$0x0], vm6;
	[tilespmem:v58+s16+$0x0] =	vst.idx.msk vm6, v16;
	v13 =	vadd.f32 v13, v30;
	v30 =	vadd.s32 $0x80, v61;
	v26 =	vnsel vm6, $0x0, v26  }
0x125: {  	v31 =	vadd.s32 $0x1, v55;
	v45 =	vld.idx.msk [tilespmem:v57+s4+$0x0], vm6;
	[tilespmem:v15+s16+$0x0] =	vst.idx.msk vm4, v7;
	v15 =	vadd.s32 $0x1, v59;
	v1 =	vadd.f32 v26, v1  }
0x126: {  	[tilespmem:v56+s16+$0x0] =	vst.idx.msk vm6, v25;
	v26 =	vadd.s32 $0x1, v29;
	v32 =	vnsel vm6, $0x0, v32;
	v33 =	vld.idx.msk [tilespmem:v49+s4+$0x0], vm4;
	v49 =	vadd.s32 $0x80, v54  }
0x127: {  	v46 =	vld.idx.msk [tilespmem:v55+s4+$0x0], vm6;
	[tilespmem:v50+s16+$0x0] =	vst.idx.msk vm4, v13;
	v8 =	vadd.f32 v32, v8;
	v50 =	vadd.s32 $0x2, v28;
	v37 =	vnsel vm6, $0x0, v37  }
0x128: {  	v32 =	vadd.s32 $0x100, v18;
	v38 =	vld.idx.msk [tilespmem:v51+s4+$0x0], vm4;
	[tilespmem:v52+s16+$0x0] =	vst.idx.msk vm4, v1;
	vm5 =	vlt.u32 v50, $0x80;
	v9 =	vadd.f32 v37, v9  }
0x129: {  	v51 =	vnsel vm6, $0x0, v48;
	v48 =	vadd.s32 $0x2, v20;
	v41 =	vld.idx.msk [tilespmem:v53+s4+$0x0], vm4;
	[tilespmem:v30+s16+$0x0] =	vst.idx.msk vm4, v8;
	v30 =	vadd.s32 $0x100, v17  }
0x12a: {  	v14 =	vadd.f32 v51, v14;
	v52 =	vnsel vm6, $0x0, v45;
	v51 =	vadd.s32 $0x80, v56  }
0x12b: {  	v45 =	vadd.s32 $0x3, v21;
	v16 =	vadd.f32 v52, v16;
	v37 =	vld.idx.msk [tilespmem:v44+s4+$0x0], vm4;
	v33 =	vnsel vm4, $0x0, v33  }
0x12c: {  	v53 =	vnsel vm6, $0x0, v46;
	v52 =	vadd.s32 $0x2, v21;
	[tilespmem:v49+s16+$0x0] =	vst.idx.msk vm4, v9;
	v7 =	vadd.f32 v33, v7  }
0x12d: {  	v25 =	vadd.f32 v53, v25;
	v49 =	vadd.s32 $0x100, v62;
	v26 =	vld.idx.msk [tilespmem:v26+s4+$0x0], vm4;
	[tilespmem:v47+s16+$0x0] =	vst.idx.msk vm4, v14;
	v50 =	vnsel vm4, $0x0, v38  }
0x12e: {  	v46 =	vadd.s32 $0x100, v54;
	v53 =	vadd.s32 $0x100, v61;
	v15 =	vld.idx.msk [tilespmem:v15+s4+$0x0], vm4;
	v13 =	vadd.f32 v50, v13;
	[tilespmem:v30+s16+$0x0] =	vst.idx.msk vm5, v7  }
0x12f: {  	v47 =	vadd.s32 $0x3, v28;
	v41 =	vnsel vm4, $0x0, v41;
	[tilespmem:v39+s16+$0x0] =	vst.idx.msk vm4, v16;
	v30 =	vadd.s32 $0x2, v63;
	v42 =	vld.idx.msk [tilespmem:v42+s4+$0x0], vm5  }
0x130: {  	v39 =	vadd.s32 $0x100, v60;
	v1 =	vadd.f32 v41, v1;
	[tilespmem:v32+s16+$0x0] =	vst.idx.msk vm5, v13;
	v37 =	vnsel vm4, $0x0, v37;
	v32 =	vld.idx.msk [tilespmem:v43+s4+$0x0], vm4  }
0x131: {  	vm6 =	vlt.u32 v47, $0x80;
	v50 =	vadd.s32 $0x3, v19;
	[tilespmem:v51+s16+$0x0] =	vst.idx.msk vm4, v25;
	v41 =	vld.idx.msk [tilespmem:v48+s4+$0x0], vm5;
	v8 =	vadd.f32 v37, v8  }
0x132: {  	v51 =	vadd.s32 $0x180, v18;
	[tilespmem:v49+s16+$0x0] =	vst.idx.msk vm5, v1;
	v48 =	vadd.s32 $0x180, v17;
	v31 =	vld.idx.msk [tilespmem:v31+s4+$0x0], vm4;
	v26 =	vnsel vm4, $0x0, v26  }
0x133: {  	v49 =	vadd.s32 $0x100, v58;
	v9 =	vadd.f32 v26, v9;
	v26 =	vld.idx.msk [tilespmem:v52+s4+$0x0], vm5;
	v15 =	vnsel vm4, $0x0, v15;
	[tilespmem:v53+s16+$0x0] =	vst.idx.msk vm5, v8  }
0x134: {  	v52 =	vadd.s32 $0x100, v56;
	v30 =	vld.idx.msk [tilespmem:v30+s4+$0x0], vm5;
	v14 =	vadd.f32 v15, v14;
	v42 =	vnsel vm5, $0x0, v42  }
0x135: {  	v53 =	vadd.s32 $0x3, v20;
	[tilespmem:v46+s16+$0x0] =	vst.idx.msk vm5, v9;
	v32 =	vnsel vm4, $0x0, v32;
	v7 =	vadd.f32 v42, v7  }
0x136: {  	v15 =	vadd.s32 $0x180, v62;
	v41 =	vnsel vm5, $0x0, v41;
	v40 =	vld.idx.msk [tilespmem:v40+s4+$0x0], vm5;
	v16 =	vadd.f32 v32, v16;
	[tilespmem:v39+s16+$0x0] =	vst.idx.msk vm5, v14  }
0x137: {  	v47 =	vadd.s32 $0x3, v63;
	v31 =	vnsel vm4, $0x0, v31;
	v13 =	vadd.f32 v41, v13;
	v27 =	vld.idx.msk [tilespmem:v27+s4+$0x0], vm5;
	[tilespmem:v48+s16+$0x0] =	vst.idx.msk vm6, v7  }
0x138: {  	v46 =	vadd.s32 $0x180, v61;
	v25 =	vadd.f32 v31, v25;
	v26 =	vnsel vm5, $0x0, v26;
	[tilespmem:v49+s16+$0x0] =	vst.idx.msk vm5, v16;
	v33 =	vld.idx.msk [tilespmem:v50+s4+$0x0], vm6  }
0x139: {  	v1 =	vadd.f32 v26, v1;
	[tilespmem:v51+s16+$0x0] =	vst.idx.msk vm6, v13;
	v26 =	vadd.s32 $0x180, v54;
	v30 =	vnsel vm5, $0x0, v30;
	v34 =	vld.idx.msk [tilespmem:v34+s4+$0x0], vm5  }
0x13a: {  	v23 =	vadd.s32 $0x3, v59;
	v35 =	vadd.s32 $0x3, v57;
	[tilespmem:v52+s16+$0x0] =	vst.idx.msk vm5, v25;
	v8 =	vadd.f32 v30, v8  }
0x13b: {  	v31 =	vld.idx.msk [tilespmem:v53+s4+$0x0], vm6;
	v30 =	vadd.s32 $0x180, v60;
	[tilespmem:v15+s16+$0x0] =	vst.idx.msk vm6, v1;
	v15 =	vadd.s32 $0x4, v28;
	v48 =	vnsel vm5, $0x0, v40  }
0x13c: {  	v50 =	vadd.s32 $0x180, v58;
	vm4 =	vlt.u32 v15, $0x80;
	v15 =	vld.idx.msk [tilespmem:v36+s4+$0x0], vm5;
	v9 =	vadd.f32 v48, v9  }
0x13d: {  	v51 =	vadd.s32 $0x200, v17;
	v53 =	vadd.s32 $0x4, v19;
	v49 =	vld.idx.msk [tilespmem:v45+s4+$0x0], vm6;
	[tilespmem:v46+s16+$0x0] =	vst.idx.msk vm6, v8;
	v27 =	vnsel vm5, $0x0, v27  }
0x13e: {  	v38 =	vld.idx.msk [tilespmem:v47+s4+$0x0], vm6;
	v14 =	vadd.f32 v27, v14;
	[tilespmem:v26+s16+$0x0] =	vst.idx.msk vm6, v9;
	v26 =	vadd.s32 $0x200, v18;
	v44 =	vnsel vm5, $0x0, v34  }
0x13f: {  	v52 =	vadd.s32 $0x180, v56;
	v27 =	vnsel vm6, $0x0, v33;
	v16 =	vadd.f32 v44, v16  }
0x140: {  	v45 =	vadd.s32 $0x4, v20;
	v24 =	vld.idx.msk [tilespmem:v24+s4+$0x0], vm6;
	v7 =	vadd.f32 v27, v7;
	[tilespmem:v30+s16+$0x0] =	vst.idx.msk vm6, v14;
	v30 =	vnsel vm6, $0x0, v31  }
0x141: {  	v27 =	vadd.s32 $0x200, v62;
	v23 =	vld.idx.msk [tilespmem:v23+s4+$0x0], vm6;
	v13 =	vadd.f32 v30, v13;
	v15 =	vnsel vm5, $0x0, v15;
	[tilespmem:v50+s16+$0x0] =	vst.idx.msk vm6, v16  }
0x142: {  	v31 =	vadd.s32 $0x4, v21;
	[tilespmem:v51+s16+$0x0] =	vst.idx.msk vm4, v7;
	v15 =	vadd.f32 v15, v25;
	v25 =	vadd.s32 $0x200, v61  }
0x143: {  	v47 =	vadd.s32 $0x4, v63;
	v30 =	vnsel vm6, $0x0, v49;
	v46 =	vld.idx.msk [tilespmem:v53+s4+$0x0], vm4;
	[tilespmem:v26+s16+$0x0] =	vst.idx.msk vm4, v13  }
0x144: {  	v48 =	vld.idx.msk [tilespmem:v35+s4+$0x0], vm6;
	v1 =	vadd.f32 v30, v1;
	v30 =	vnsel vm6, $0x0, v38;
	v26 =	vadd.s32 $0x200, v54;
	[tilespmem:v52+s16+$0x0] =	vst.idx.msk vm6, v15  }
0x145: {  	v20 =	vadd.s32 $0x5, v20;
	v50 =	vadd.s32 $0x4, v29;
	v30 =	vadd.f32 v30, v8;
	v22 =	vld.idx.msk [tilespmem:v22+s4+$0x0], vm6  }
0x146: {  	v8 =	vadd.s32 $0x200, v60;
	v53 =	vadd.s32 $0x200, v56;
	v49 =	vld.idx.msk [tilespmem:v45+s4+$0x0], vm4;
	[tilespmem:v27+s16+$0x0] =	vst.idx.msk vm4, v1;
	v24 =	vnsel vm6, $0x0, v24  }
0x147: {  	v27 =	vadd.s32 $0x4, v59;
	v51 =	vld.idx.msk [tilespmem:v31+s4+$0x0], vm4;
	v31 =	vadd.f32 v24, v9;
	[tilespmem:v25+s16+$0x0] =	vst.idx.msk vm4, v30;
	v25 =	vadd.s32 $0x200, v58  }
0x148: {  	v9 =	vadd.s32 $0x4, v57;
	v23 =	vnsel vm6, $0x0, v23;
	v24 =	vadd.s32 $0x280, v18  }
0x149: {  	v37 =	vadd.f32 v23, v14;
	v14 =	vnsel vm6, $0x0, v48;
	v52 =	vld.idx.msk [tilespmem:v47+s4+$0x0], vm4;
	[tilespmem:v26+s16+$0x0] =	vst.idx.msk vm4, v31;
	v26 =	vadd.s32 $0x4, v55  }
0x14a: {  	v18 =	vadd.s32 $0x5, v21;
	v33 =	vadd.f32 v14, v16;
	v14 =	vnsel vm6, $0x0, v22  }
0x14b: {  	v21 =	vadd.s32 $0x280, v62;
	v23 =	vadd.s32 $0x280, v17;
	v38 =	vld.idx.msk [tilespmem:v50+s4+$0x0], vm4;
	[tilespmem:v8+s16+$0x0] =	vst.idx.msk vm4, v37;
	v32 =	vadd.f32 v14, v15  }
0x14c: {  	v17 =	vadd.s32 $0x5, v63;
	v8 =	vnsel vm4, $0x0, v46;
	v22 =	vadd.s32 $0x5, v19;
	v39 =	vld.idx.msk [tilespmem:v27+s4+$0x0], vm4;
	[tilespmem:v25+s16+$0x0] =	vst.idx.msk vm4, v33  }
0x14d: {  	v34 =	vadd.f32 v8, v7;
	v7 =	vnsel vm4, $0x0, v49;
	v19 =	vadd.s32 $0x5, v29;
	v27 =	vld.idx.msk [tilespmem:v9+s4+$0x0], vm4;
	[tilespmem:v53+s16+$0x0] =	vst.idx.msk vm4, v32  }
0x14e: {  	v35 =	vadd.f32 v7, v13;
	v7 =	vnsel vm4, $0x0, v51;
	v25 =	vadd.s32 $0x280, v61;
	v29 =	vld.idx.msk [tilespmem:v26+s4+$0x0], vm4  }
0x14f: {  	s31 =	simm.s32 $0x7F;
	v36 =	vadd.f32 v7, v1;
	v40 =	vnsel vm4, $0x0, v52;
	v26 =	vadd.s32 $0x5, v28  }
.LBB2_7:
0x150: {  	vm5 =	vlt.u32 v26, $0x80;
	s31 =	sadd.s32 $0x5, s31;
	v1 =	vadd.f32 v40, v30;
	v7 =	vnsel vm4, $0x0, v38  }
0x151: {  	v54 =	vadd.s32 $0x280, v54;
	v8 =	vnsel vm4, $0x0, v39;
	p2 =	slt.u32 s31, $0x89;
	v7 =	vadd.f32 v7, v31  }
0x152: {  	v59 =	vadd.s32 $0x5, v59;
	v8 =	vadd.f32 v8, v37;
	v9 =	vnsel vm4, $0x0, v27  }
0x153: {  	v60 =	vadd.s32 $0x280, v60;
	v9 =	vadd.f32 v9, v33;
	v13 =	vnsel vm4, $0x0, v29  }
0x154: {  	v57 =	vadd.s32 $0x5, v57;
	v58 =	vadd.s32 $0x280, v58;
	v13 =	vadd.f32 v13, v32  }
0x155: {  	v55 =	vadd.s32 $0x5, v55;
	v56 =	vadd.s32 $0x280, v56;
	v27 =	vadd.s32 $0x4, v57  }
0x156: {  	v62 =	vadd.s32 $0x4, v19;
	v28 =	vadd.s32 $0x3, v55;
	v61 =	vadd.s32 $0x4, v59;
	[tilespmem:v23+s16+$0x0] =	vst.idx.msk vm5, v34  }
0x157: {  	v30 =	vadd.s32 $0x3, v19;
	v63 =	vadd.s32 $0x3, v59;
	v29 =	vadd.s32 $0x3, v57;
	v14 =	vld.idx.msk [tilespmem:v22+s4+$0x0], vm5;
	[tilespmem:v24+s16+$0x0] =	vst.idx.msk vm5, v35  }
0x158: {  	v31 =	vadd.s32 $0x2, v55;
	v33 =	vadd.s32 $0x2, v59;
	v32 =	vadd.s32 $0x2, v57;
	v15 =	vld.idx.msk [tilespmem:v20+s4+$0x0], vm5;
	[tilespmem:v21+s16+$0x0] =	vst.idx.msk vm5, v36  }
0x159: {  	v38 =	vadd.s32 $0x1, v26;
	v39 =	vadd.s32 $0x2, v19;
	v37 =	vadd.s32 $0x1, v55;
	v16 =	vld.idx.msk [tilespmem:v18+s4+$0x0], vm5;
	[tilespmem:v25+s16+$0x0] =	vst.idx.msk vm5, v1  }
0x15a: {  	v41 =	vadd.s32 $0x1, v59;
	v42 =	vadd.s32 $0x1, v57;
	vm4 =	vlt.u32 v38, $0x80;
	v40 =	vld.idx.msk [tilespmem:v17+s4+$0x0], vm5;
	[tilespmem:v54+s16+$0x0] =	vst.idx.msk vm5, v7  }
0x15b: {  	v43 =	vadd.s32 $0x1, v17;
	v45 =	vadd.s32 $0x1, v19;
	v38 =	vadd.s32 $0x80, v23;
	v44 =	vld.idx.msk [tilespmem:v19+s4+$0x0], vm5;
	[tilespmem:v60+s16+$0x0] =	vst.idx.msk vm5, v8  }
0x15c: {  	v46 =	vadd.s32 $0x1, v22;
	v47 =	vadd.s32 $0x80, v24;
	v48 =	vadd.s32 $0x1, v18;
	v49 =	vld.idx.msk [tilespmem:v59+s4+$0x0], vm5;
	[tilespmem:v58+s16+$0x0] =	vst.idx.msk vm5, v9  }
0x15d: {  	v50 =	vadd.s32 $0x1, v20;
	v51 =	vadd.s32 $0x80, v21;
	v14 =	vnsel vm5, $0x0, v14;
	v52 =	vld.idx.msk [tilespmem:v57+s4+$0x0], vm5;
	[tilespmem:v56+s16+$0x0] =	vst.idx.msk vm5, v13  }
0x15e: {  	v14 =	vadd.f32 v14, v34;
	v15 =	vnsel vm5, $0x0, v15;
	v34 =	vadd.s32 $0x80, v25;
	v53 =	vld.idx.msk [tilespmem:v55+s4+$0x0], vm5  }
0x15f: {  	v15 =	vadd.f32 v15, v35;
	v16 =	vnsel vm5, $0x0, v16;
	v35 =	vadd.s32 $0x80, v54  }
0x160: {  	v16 =	vadd.f32 v16, v36;
	v36 =	vnsel vm5, $0x0, v40;
	v40 =	vadd.s32 $0x80, v60;
	[tilespmem:v38+s16+$0x0] =	vst.idx.msk vm4, v14  }
0x161: {  	v1 =	vadd.f32 v36, v1;
	v36 =	vnsel vm5, $0x0, v44;
	v38 =	vadd.s32 $0x80, v58;
	v44 =	vld.idx.msk [tilespmem:v46+s4+$0x0], vm4;
	[tilespmem:v47+s16+$0x0] =	vst.idx.msk vm4, v15  }
0x162: {  	v7 =	vadd.f32 v36, v7;
	v36 =	vnsel vm5, $0x0, v49;
	v46 =	vadd.s32 $0x80, v56;
	v47 =	vld.idx.msk [tilespmem:v50+s4+$0x0], vm4;
	[tilespmem:v51+s16+$0x0] =	vst.idx.msk vm4, v16  }
0x163: {  	v8 =	vadd.f32 v36, v8;
	v36 =	vnsel vm5, $0x0, v52;
	v48 =	vld.idx.msk [tilespmem:v48+s4+$0x0], vm4;
	[tilespmem:v34+s16+$0x0] =	vst.idx.msk vm4, v1;
	v34 =	vadd.s32 $0x2, v26  }
0x164: {  	v9 =	vadd.f32 v36, v9;
	v36 =	vnsel vm5, $0x0, v53;
	v43 =	vld.idx.msk [tilespmem:v43+s4+$0x0], vm4;
	[tilespmem:v35+s16+$0x0] =	vst.idx.msk vm4, v7;
	vm5 =	vlt.u32 v34, $0x80  }
0x165: {  	v13 =	vadd.f32 v36, v13;
	v34 =	vadd.s32 $0x100, v23;
	v35 =	vadd.s32 $0x2, v17;
	v36 =	vld.idx.msk [tilespmem:v45+s4+$0x0], vm4;
	[tilespmem:v40+s16+$0x0] =	vst.idx.msk vm4, v8  }
0x166: {  	v49 =	vadd.s32 $0x2, v18;
	v40 =	vadd.s32 $0x2, v22;
	v45 =	vadd.s32 $0x100, v24;
	v41 =	vld.idx.msk [tilespmem:v41+s4+$0x0], vm4;
	[tilespmem:v38+s16+$0x0] =	vst.idx.msk vm4, v9  }
0x167: {  	v50 =	vadd.s32 $0x100, v21;
	v38 =	vnsel vm4, $0x0, v44;
	v44 =	vadd.s32 $0x2, v20;
	v42 =	vld.idx.msk [tilespmem:v42+s4+$0x0], vm4;
	[tilespmem:v46+s16+$0x0] =	vst.idx.msk vm4, v13  }
0x168: {  	v14 =	vadd.f32 v38, v14;
	v38 =	vnsel vm4, $0x0, v47;
	v46 =	vadd.s32 $0x100, v25;
	v37 =	vld.idx.msk [tilespmem:v37+s4+$0x0], vm4  }
0x169: {  	v47 =	vadd.s32 $0x100, v54;
	v15 =	vadd.f32 v38, v15;
	v38 =	vnsel vm4, $0x0, v48  }
0x16a: {  	v16 =	vadd.f32 v38, v16;
	v38 =	vnsel vm4, $0x0, v43;
	v43 =	vadd.s32 $0x100, v60;
	[tilespmem:v34+s16+$0x0] =	vst.idx.msk vm5, v14  }
0x16b: {  	v1 =	vadd.f32 v38, v1;
	v34 =	vnsel vm4, $0x0, v36;
	v36 =	vadd.s32 $0x100, v58;
	v38 =	vld.idx.msk [tilespmem:v40+s4+$0x0], vm5;
	[tilespmem:v45+s16+$0x0] =	vst.idx.msk vm5, v15  }
0x16c: {  	v7 =	vadd.f32 v34, v7;
	v34 =	vnsel vm4, $0x0, v41;
	v40 =	vadd.s32 $0x100, v56;
	v41 =	vld.idx.msk [tilespmem:v44+s4+$0x0], vm5;
	[tilespmem:v50+s16+$0x0] =	vst.idx.msk vm5, v16  }
0x16d: {  	v8 =	vadd.f32 v34, v8;
	v34 =	vnsel vm4, $0x0, v42;
	v44 =	vadd.s32 $0x3, v26;
	v42 =	vld.idx.msk [tilespmem:v49+s4+$0x0], vm5;
	[tilespmem:v46+s16+$0x0] =	vst.idx.msk vm5, v1  }
0x16e: {  	v9 =	vadd.f32 v34, v9;
	v34 =	vnsel vm4, $0x0, v37;
	vm6 =	vlt.u32 v44, $0x80;
	v35 =	vld.idx.msk [tilespmem:v35+s4+$0x0], vm5;
	[tilespmem:v47+s16+$0x0] =	vst.idx.msk vm5, v7  }
0x16f: {  	v37 =	vadd.s32 $0x3, v17;
	v13 =	vadd.f32 v34, v13;
	v34 =	vadd.s32 $0x180, v23;
	v39 =	vld.idx.msk [tilespmem:v39+s4+$0x0], vm5;
	[tilespmem:v43+s16+$0x0] =	vst.idx.msk vm5, v8  }
0x170: {  	v45 =	vadd.s32 $0x3, v18;
	v44 =	vadd.s32 $0x180, v24;
	v43 =	vadd.s32 $0x3, v22;
	v33 =	vld.idx.msk [tilespmem:v33+s4+$0x0], vm5;
	[tilespmem:v36+s16+$0x0] =	vst.idx.msk vm5, v9  }
0x171: {  	v46 =	vadd.s32 $0x180, v21;
	v36 =	vnsel vm5, $0x0, v38;
	v38 =	vadd.s32 $0x3, v20;
	v32 =	vld.idx.msk [tilespmem:v32+s4+$0x0], vm5;
	[tilespmem:v40+s16+$0x0] =	vst.idx.msk vm5, v13  }
0x172: {  	v14 =	vadd.f32 v36, v14;
	v36 =	vnsel vm5, $0x0, v41;
	v40 =	vadd.s32 $0x180, v25;
	v31 =	vld.idx.msk [tilespmem:v31+s4+$0x0], vm5  }
0x173: {  	v41 =	vadd.s32 $0x180, v54;
	v15 =	vadd.f32 v36, v15;
	v36 =	vnsel vm5, $0x0, v42  }
0x174: {  	v16 =	vadd.f32 v36, v16;
	v35 =	vnsel vm5, $0x0, v35;
	v36 =	vadd.s32 $0x180, v60;
	[tilespmem:v34+s16+$0x0] =	vst.idx.msk vm6, v14  }
0x175: {  	v1 =	vadd.f32 v35, v1;
	v34 =	vnsel vm5, $0x0, v39;
	v35 =	vadd.s32 $0x180, v58;
	v39 =	vld.idx.msk [tilespmem:v43+s4+$0x0], vm6;
	[tilespmem:v44+s16+$0x0] =	vst.idx.msk vm6, v15  }
0x176: {  	v7 =	vadd.f32 v34, v7;
	v33 =	vnsel vm5, $0x0, v33;
	v34 =	vadd.s32 $0x180, v56;
	v38 =	vld.idx.msk [tilespmem:v38+s4+$0x0], vm6;
	[tilespmem:v46+s16+$0x0] =	vst.idx.msk vm6, v16  }
0x177: {  	v8 =	vadd.f32 v33, v8;
	v32 =	vnsel vm5, $0x0, v32;
	v33 =	vld.idx.msk [tilespmem:v45+s4+$0x0], vm6;
	[tilespmem:v40+s16+$0x0] =	vst.idx.msk vm6, v1;
	v40 =	vadd.s32 $0x4, v26  }
0x178: {  	v9 =	vadd.f32 v32, v9;
	v31 =	vnsel vm5, $0x0, v31;
	v32 =	vld.idx.msk [tilespmem:v37+s4+$0x0], vm6;
	[tilespmem:v41+s16+$0x0] =	vst.idx.msk vm6, v7;
	vm4 =	vlt.u32 v40, $0x80  }
0x179: {  	v13 =	vadd.f32 v31, v13;
	v31 =	vadd.s32 $0x200, v23;
	v40 =	vadd.s32 $0x4, v17;
	v37 =	vld.idx.msk [tilespmem:v30+s4+$0x0], vm6;
	[tilespmem:v36+s16+$0x0] =	vst.idx.msk vm6, v8  }
0x17a: {  	v42 =	vadd.s32 $0x4, v18;
	v41 =	vadd.s32 $0x200, v24;
	v36 =	vadd.s32 $0x4, v22;
	v43 =	vld.idx.msk [tilespmem:v63+s4+$0x0], vm6;
	[tilespmem:v35+s16+$0x0] =	vst.idx.msk vm6, v9  }
0x17b: {  	v30 =	vnsel vm6, $0x0, v39;
	v35 =	vadd.s32 $0x4, v20;
	v39 =	vadd.s32 $0x200, v21;
	v29 =	vld.idx.msk [tilespmem:v29+s4+$0x0], vm6;
	[tilespmem:v34+s16+$0x0] =	vst.idx.msk vm6, v13  }
0x17c: {  	v14 =	vadd.f32 v30, v14;
	v30 =	vnsel vm6, $0x0, v38;
	v34 =	vadd.s32 $0x200, v25;
	v28 =	vld.idx.msk [tilespmem:v28+s4+$0x0], vm6  }
0x17d: {  	v38 =	vadd.s32 $0x200, v54;
	v15 =	vadd.f32 v30, v15;
	v30 =	vnsel vm6, $0x0, v33  }
0x17e: {  	v44 =	vadd.s32 $0x200, v60;
	v16 =	vadd.f32 v30, v16;
	v30 =	vnsel vm6, $0x0, v32;
	[tilespmem:v31+s16+$0x0] =	vst.idx.msk vm4, v14  }
0x17f: {  	v45 =	vadd.s32 $0x200, v58;
	v30 =	vadd.f32 v30, v1;
	v1 =	vnsel vm6, $0x0, v37;
	v36 =	vld.idx.msk [tilespmem:v36+s4+$0x0], vm4;
	[tilespmem:v41+s16+$0x0] =	vst.idx.msk vm4, v15  }
0x180: {  	v31 =	vadd.f32 v1, v7;
	v1 =	vnsel vm6, $0x0, v43;
	v7 =	vadd.s32 $0x200, v56;
	v35 =	vld.idx.msk [tilespmem:v35+s4+$0x0], vm4;
	[tilespmem:v39+s16+$0x0] =	vst.idx.msk vm4, v16  }
0x181: {  	v37 =	vadd.f32 v1, v8;
	v1 =	vnsel vm6, $0x0, v29;
	v8 =	vadd.s32 $0x4, v55;
	v41 =	vld.idx.msk [tilespmem:v42+s4+$0x0], vm4;
	[tilespmem:v34+s16+$0x0] =	vst.idx.msk vm4, v30  }
0x182: {  	v33 =	vadd.f32 v1, v9;
	v1 =	vnsel vm6, $0x0, v28;
	v9 =	vld.idx.msk [tilespmem:v40+s4+$0x0], vm4;
	[tilespmem:v38+s16+$0x0] =	vst.idx.msk vm4, v31  }
0x183: {  	v23 =	vadd.s32 $0x280, v23;
	v22 =	vadd.s32 $0x5, v22;
	v32 =	vadd.f32 v1, v13;
	v38 =	vld.idx.msk [tilespmem:v62+s4+$0x0], vm4;
	[tilespmem:v44+s16+$0x0] =	vst.idx.msk vm4, v37  }
.Ltmp2:
0x184: {  	v18 =	vadd.s32 $0x5, v18;
	v24 =	vadd.s32 $0x280, v24;
	v20 =	vadd.s32 $0x5, v20;
	v39 =	vld.idx.msk [tilespmem:v61+s4+$0x0], vm4;
	[tilespmem:v45+s16+$0x0] =	vst.idx.msk vm4, v33;
	(pc) =	sbr.rel @p2 .LBB2_7-.Ltmp2, $4  }
0x185: {  	v17 =	vadd.s32 $0x5, v17;
	v21 =	vadd.s32 $0x280, v21;
	v1 =	vnsel vm4, $0x0, v36;
	v27 =	vld.idx.msk [tilespmem:v27+s4+$0x0], vm4;
	[tilespmem:v7+s16+$0x0] =	vst.idx.msk vm4, v32  }
0x186: {  	v25 =	vadd.s32 $0x280, v25;
	v34 =	vadd.f32 v1, v14;
	v1 =	vnsel vm4, $0x0, v35;
	v29 =	vld.idx.msk [tilespmem:v8+s4+$0x0], vm4  }
0x187: {  	v19 =	vadd.s32 $0x5, v19;
	v35 =	vadd.f32 v1, v15;
	v1 =	vnsel vm4, $0x0, v41  }
0x188: {  	v26 =	vadd.s32 $0x5, v26;
	v36 =	vadd.f32 v1, v16;
	v40 =	vnsel vm4, $0x0, v9  }
0x189: {  	vm5 =	vlt.u32 v26, $0x80;
	_ =	sdelay $0x5  }
0x18a: {  	v7 =	vadd.s32 $0x280, v54;
	[tilespmem:v23+s16+$0x0] =	vst.idx.msk vm5, v34  }
0x18b: {  	v14 =	vadd.s32 $0x280, v60;
	v1 =	vld.idx.msk [tilespmem:v22+s4+$0x0], vm5;
	[tilespmem:v24+s16+$0x0] =	vst.idx.msk vm5, v35  }
0x18c: {  	v9 =	vadd.f32 v40, v30;
	v13 =	vnsel vm4, $0x0, v38;
	v8 =	vld.idx.msk [tilespmem:v20+s4+$0x0], vm5;
	[tilespmem:v21+s16+$0x0] =	vst.idx.msk vm5, v36  }
0x18d: {  	v13 =	vadd.f32 v13, v31;
	v15 =	vld.idx.msk [tilespmem:v18+s4+$0x0], vm5;
	v18 =	vnsel vm4, $0x0, v39  }
0x18e: {  	v16 =	vadd.s32 $0x5, v59;
	v20 =	vadd.s32 $0x280, v58;
	[tilespmem:v25+s16+$0x0] =	vst.idx.msk vm5, v9;
	v18 =	vadd.f32 v18, v37  }
0x18f: {  	v22 =	vadd.s32 $0x280, v56;
	v17 =	vld.idx.msk [tilespmem:v17+s4+$0x0], vm5;
	[tilespmem:v7+s16+$0x0] =	vst.idx.msk vm5, v13;
	v7 =	vadd.s32 $0x5, v57  }
0x190: {  	v21 =	vnsel vm4, $0x0, v27;
	v19 =	vld.idx.msk [tilespmem:v19+s4+$0x0], vm5;
	[tilespmem:v14+s16+$0x0] =	vst.idx.msk vm5, v18;
	v14 =	vadd.s32 $0x5, v55  }
0x191: {  	v23 =	vnsel vm4, $0x0, v29;
	v21 =	vadd.f32 v21, v33  }
0x192: {  	v23 =	vadd.f32 v23, v32  }
0x193: {  	v1 =	vnsel vm5, $0x0, v1;
	v16 =	vld.idx.msk [tilespmem:v16+s4+$0x0], vm5;
	[tilespmem:v20+s16+$0x0] =	vst.idx.msk vm5, v21  }
0x194: {  	v1 =	vadd.f32 v1, v34;
	v8 =	vnsel vm5, $0x0, v8;
	v7 =	vld.idx.msk [tilespmem:v7+s4+$0x0], vm5;
	[tilespmem:v22+s16+$0x0] =	vst.idx.msk vm5, v23  }
0x195: {  	v8 =	vadd.f32 v8, v35;
	v15 =	vnsel vm5, $0x0, v15;
	v14 =	vld.idx.msk [tilespmem:v14+s4+$0x0], vm5  }
0x196: {  	v15 =	vadd.f32 v15, v36;
	v17 =	vnsel vm5, $0x0, v17;
	[tilespmem:s29+$0x10000] =	vst v1  }
0x197: {  	v1 =	vadd.f32 v17, v9;
	v9 =	vnsel vm5, $0x0, v19;
	[tilespmem:s29+$0x10010] =	vst v8  }
0x198: {  	[tilespmem:s29+$0x10020] =	vst v15;
	v8 =	vadd.f32 v9, v13;
	v9 =	vnsel vm5, $0x0, v16  }
0x199: {  	s0 =	sshll.u32 s30, $0x17;
	v9 =	vadd.f32 v9, v18;
	[tilespmem:s29+$0x10030] =	vst v1;
	v7 =	vnsel vm5, $0x0, v7  }
0x19a: {  	s31 =	sshll.u32 s26, $0xA;
	s0 =	sor.u32 s9, s0;
	[tilespmem:s29+$0x10040] =	vst v8;
	v1 =	vadd.f32 v7, v21;
	v7 =	vnsel vm5, $0x0, v14  }
0x19b: {  	s0 =	sadd.s32 s31, s0;
	[tilespmem:s29+$0x10050] =	vst v9;
	v7 =	vadd.f32 v7, v23  }
0x19c: {  	s0 =	sshrl.u32 s0, $0x3;
	[tilespmem:s29+$0x10060] =	vst v1  }
0x19d: {  	s0 =	sadd.s32 s3, s0;
	[tilespmem:s29+$0x10070] =	vst v7  }
0x19e: {  	[hbm4b:s0+s13] =	stream.strided.scatter [tilespmem:s16], [sflag:$0x3], $0x4000, s17, s13, $0x38;
	[tilespmem:$0x10800] =	vst v63  }
0x19f: {  	s0 =	sadd.s32 $0x2, s28  }
0x1a0: {  	p2 =	sge.u32 s0, s5  }
0x1a1: {  	s29 =	sshll.u32 @!p2 s0, $0xA  }
0x1a2: {  	s0 =	sshll.u32 @!p2 s0, $0xE;
	s29 =	sand.u32 @!p2 $0x1800, s29  }
0x1a3: {  	s0 =	sand.u32 @!p2 $0x7FFE0000, s0;
	s29 =	sor.u32 @!p2 s8, s29  }
0x1a4: {  	s0 =	sadd.s32 @!p2 s0, s29  }
0x1a5: {  	s30 =	simm.s32 @!p2 $0x2000;
	s0 =	sshrl.u32 @!p2 s0, $0x3  }
0x1a6: {  	s31 =	simm.s32 @!p2 $0x0;
	s29 =	simm.s32 @!p2 $0x400;
	s0 =	sadd.s32 @!p2 s1, s0  }
0x1a7: {  	[tilespmem:s31], [sflag:$0x1] =	stream.strided.gather @!p2 [hbm4b:s0+s29], $0x4000, s30, s29, $0x38;
	[tilespmem:$0x10800] =	vst v63  }
0x1a8: {  	_ =	swait.ge [sflag:s18], $0x4000  }
0x1a9: {  	[sflag:s18] =	ssyncset.done $0x0  }
0x1aa: {  	s31 =	sshra.s32 s28, $0x1F;
	s29 =	simm.s32 @!p1 $0x4;
	[sflag:s18] =	ssyncadd.s32 $0xFFFFC000  }
0x1ab: {  	s28 =	sadd.s32 s31, s26;
	_ =	swait.ge @!p1 [sflag:s29], $0x4000  }
0x1ac: {  	s0 =	sshll.u32 s28, $0x9;
	[sflag:s29] =	ssyncset.done @!p1 $0x0  }
0x1ad: {  	s26 =	sshra.s32 s0, $0x2;
	[sflag:s29] =	ssyncadd.s32 @!p1 $0xFFFFC000  }
0x1ae: {  	v1 =	vld [tilespmem:s26+$0x10000]  }
0x1af: {  	v7 =	vld [tilespmem:s26+$0x10010]  }
0x1b0: {  	v8 =	vld [tilespmem:s26+$0x10020]  }
0x1b1: {  	v9 =	vld [tilespmem:s26+$0x10030]  }
0x1b2: {  	v13 =	vld [tilespmem:s26+$0x10040]  }
0x1b3: {  	v14 =	vld [tilespmem:s26+$0x10050]  }
0x1b4: {  	v15 =	vld [tilespmem:s26+$0x10060]  }
0x1b5: {  	v16 =	vld [tilespmem:s26+$0x10070];
	[tilespmem:v4+s19+$0x0] =	vst.idx.msk vm2, v1  }
0x1b6: {  	v59 =	vadd.s32 $0x40, v4;
	v17 =	vld.idx.msk [tilespmem:v0+s20+$0x0], vm2;
	[tilespmem:v10+s19+$0x0] =	vst.idx.msk vm2, v7  }
0x1b7: {  	v18 =	vld.idx.msk [tilespmem:v2+s20+$0x0], vm2;
	_ =	sdelay $0x1  }
0x1b8: {  	[tilespmem:v11+s19+$0x0] =	vst.idx.msk vm2, v8  }
0x1b9: {  	v19 =	vld.idx.msk [tilespmem:v3+s20+$0x0], vm2;
	[tilespmem:v12+s19+$0x0] =	vst.idx.msk vm2, v9  }
0x1ba: {  	v21 =	vld.idx.msk [tilespmem:v5+s20+$0x0], vm2;
	[tilespmem:v59+s19+$0x0] =	vst.idx.msk vm2, v13;
	v17 =	vnsel vm2, $0x0, v17  }
0x1bb: {  	v1 =	vadd.f32 v17, v1;
	v17 =	vnsel vm2, $0x0, v18;
	v18 =	vld [tilespmem:$0x1FD30];
	_ =	sdelay $0x1  }
0x1bc: {  	v58 =	vadd.s32 $0x50, v4;
	_ =	sdelay $0x4  }
0x1bd: {  	v7 =	vadd.f32 v17, v7;
	v17 =	vld.idx.msk [tilespmem:v6+s20+$0x0], vm2;
	[tilespmem:v58+s19+$0x0] =	vst.idx.msk vm2, v14  }
0x1be: {  	[tilespmem:v18+s19+$0x0] =	vst.idx.msk vm0, v1  }
0x1bf: {  	v18 =	vnsel vm2, $0x0, v19;
	v19 =	vld [tilespmem:$0x1FD40]  }
0x1c0: {  	v22 =	vld [tilespmem:$0x1FD50];
	_ =	sdelay $0x1  }
0x1c1: {  	v56 =	vor.u32 $0x2800, v0;
	v57 =	vadd.s32 $0x60, v4;
	_ =	sdelay $0x4  }
0x1c2: {  	v8 =	vadd.f32 v18, v8;
	v18 =	vld.idx.msk [tilespmem:v56+s20+$0x0], vm2;
	[tilespmem:v57+s19+$0x0] =	vst.idx.msk vm2, v15  }
0x1c3: {  	v19 =	vld.idx.msk [tilespmem:v19+s20+$0x0], vm0;
	[tilespmem:v22+s19+$0x0] =	vst.idx.msk vm0, v7  }
0x1c4: {  	v23 =	vld [tilespmem:$0x1FD60]  }
0x1c5: {  	v24 =	vld [tilespmem:$0x1FD70];
	_ =	sdelay $0x1  }
0x1c6: {  	v54 =	vor.u32 $0x3000, v0;
	v55 =	vadd.s32 $0x70, v4;
	_ =	sdelay $0x3  }
0x1c7: {  	v21 =	vnsel vm2, $0x0, v21  }
0x1c8: {  	v9 =	vadd.f32 v21, v9;
	v21 =	vld.idx.msk [tilespmem:v54+s20+$0x0], vm2;
	[tilespmem:v55+s19+$0x0] =	vst.idx.msk vm2, v16  }
0x1c9: {  	v23 =	vld.idx.msk [tilespmem:v23+s20+$0x0], vm0;
	[tilespmem:v24+s19+$0x0] =	vst.idx.msk vm0, v8  }
0x1ca: {  	v25 =	vld [tilespmem:$0x1FD80]  }
0x1cb: {  	v26 =	vld [tilespmem:$0x1FD90];
	_ =	sdelay $0x7  }
0x1cc: {  	v25 =	vld.idx.msk [tilespmem:v25+s20+$0x0], vm0;
	[tilespmem:v26+s19+$0x0] =	vst.idx.msk vm0, v9  }
0x1cd: {  	v27 =	vld [tilespmem:$0x1FDA0];
	_ =	sdelay $0x2  }
0x1ce: {  	v22 =	vadd.s32 $0x80, v59;
	_ =	sdelay $0x1  }
0x1cf: {  	v17 =	vnsel vm2, $0x0, v17  }
0x1d0: {  	v13 =	vadd.f32 v17, v13;
	_ =	sdelay $0x1  }
0x1d1: {  	v27 =	vld.idx.msk [tilespmem:v27+s20+$0x0], vm0;
	[tilespmem:v22+s19+$0x0] =	vst.idx.msk vm0, v13;
	v22 =	vnsel vm0, $0x0, v23  }
0x1d2: {  	v7 =	vadd.f32 v22, v7;
	v22 =	vld [tilespmem:$0x1FDC0];
	_ =	sdelay $0x4  }
0x1d3: {  	v19 =	vnsel vm0, $0x0, v19  }
0x1d4: {  	v1 =	vadd.f32 v19, v1;
	_ =	sdelay $0x1  }
0x1d5: {  	[tilespmem:v22+s19+$0x0] =	vst.idx.msk vm1, v1  }
0x1d6: {  	v23 =	vld [tilespmem:$0x1FDB0];
	_ =	sdelay $0x2  }
0x1d7: {  	v24 =	vadd.s32 $0x80, v58;
	_ =	sdelay $0x1  }
0x1d8: {  	v18 =	vnsel vm2, $0x0, v18  }
0x1d9: {  	v14 =	vadd.f32 v18, v14;
	_ =	sdelay $0x1  }
0x1da: {  	v20 =	vor.u32 $0x3800, v0;
	v23 =	vld.idx.msk [tilespmem:v23+s20+$0x0], vm0;
	[tilespmem:v24+s19+$0x0] =	vst.idx.msk vm0, v14  }
0x1db: {  	v24 =	vnsel vm0, $0x0, v25;
	v25 =	vld [tilespmem:$0x1FDD0]  }
0x1dc: {  	v8 =	vadd.f32 v24, v8;
	v24 =	vld [tilespmem:$0x1FDE0];
	_ =	sdelay $0x1  }
0x1dd: {  	v17 =	vadd.s32 $0x1, v56;
	v19 =	vadd.s32 $0x80, v57  }
0x1de: {  	v26 =	vld.idx.msk [tilespmem:v20+s20+$0x0], vm2  }
0x1df: {  	v21 =	vnsel vm2, $0x0, v21  }
0x1e0: {  	v15 =	vadd.f32 v21, v15;
	_ =	sdelay $0x1  }
0x1e1: {  	v17 =	vld.idx.msk [tilespmem:v17+s20+$0x0], vm0;
	[tilespmem:v19+s19+$0x0] =	vst.idx.msk vm0, v15  }
0x1e2: {  	v25 =	vld.idx.msk [tilespmem:v25+s20+$0x0], vm1;
	[tilespmem:v24+s19+$0x0] =	vst.idx.msk vm1, v7;
	v24 =	vnsel vm2, $0x0, v26  }
0x1e3: {  	v16 =	vadd.f32 v24, v16;
	v24 =	vnsel vm0, $0x0, v27;
	v26 =	vld [tilespmem:$0x1FDF0]  }
0x1e4: {  	v9 =	vadd.f32 v24, v9;
	v24 =	vld [tilespmem:$0x1FE00];
	_ =	sdelay $0x1  }
0x1e5: {  	v18 =	vadd.s32 $0x1, v54;
	v22 =	vadd.s32 $0x80, v55;
	_ =	sdelay $0x4  }
0x1e6: {  	v18 =	vld.idx.msk [tilespmem:v18+s20+$0x0], vm0;
	[tilespmem:v22+s19+$0x0] =	vst.idx.msk vm0, v16  }
0x1e7: {  	v26 =	vld.idx.msk [tilespmem:v26+s20+$0x0], vm1;
	[tilespmem:v24+s19+$0x0] =	vst.idx.msk vm1, v8  }
0x1e8: {  	v23 =	vnsel vm0, $0x0, v23;
	v24 =	vld [tilespmem:$0x1FE10]  }
0x1e9: {  	v13 =	vadd.f32 v23, v13;
	v23 =	vld [tilespmem:$0x1FE20];
	_ =	sdelay $0x7  }
0x1ea: {  	v24 =	vld.idx.msk [tilespmem:v24+s20+$0x0], vm1;
	[tilespmem:v23+s19+$0x0] =	vst.idx.msk vm1, v9  }
0x1eb: {  	v27 =	vld [tilespmem:$0x1FE30];
	_ =	sdelay $0x2  }
0x1ec: {  	v19 =	vadd.s32 $0x100, v59;
	_ =	sdelay $0x4  }
0x1ed: {  	v27 =	vld.idx.msk [tilespmem:v27+s20+$0x0], vm1;
	[tilespmem:v19+s19+$0x0] =	vst.idx.msk vm1, v13;
	v19 =	vnsel vm1, $0x0, v26  }
0x1ee: {  	v7 =	vadd.f32 v19, v7;
	v19 =	vld [tilespmem:$0x1FE50];
	_ =	sdelay $0x4  }
0x1ef: {  	v25 =	vnsel vm1, $0x0, v25  }
0x1f0: {  	v1 =	vadd.f32 v25, v1;
	_ =	sdelay $0x1  }
0x1f1: {  	[tilespmem:v19+s19+$0x0] =	vst.idx.msk vm3, v1  }
0x1f2: {  	v26 =	vld [tilespmem:$0x1FE40];
	_ =	sdelay $0x2  }
0x1f3: {  	v22 =	vadd.s32 $0x100, v58;
	_ =	sdelay $0x1  }
0x1f4: {  	v17 =	vnsel vm0, $0x0, v17  }
0x1f5: {  	v14 =	vadd.f32 v17, v14;
	_ =	sdelay $0x1  }
0x1f6: {  	v26 =	vld.idx.msk [tilespmem:v26+s20+$0x0], vm1;
	[tilespmem:v22+s19+$0x0] =	vst.idx.msk vm1, v14  }
0x1f7: {  	v22 =	vnsel vm1, $0x0, v24;
	v24 =	vld [tilespmem:$0x1FE60]  }
0x1f8: {  	v8 =	vadd.f32 v22, v8;
	v22 =	vld [tilespmem:$0x1FE70];
	_ =	sdelay $0x1  }
0x1f9: {  	v21 =	vadd.s32 $0x1, v20;
	_ =	sdelay $0x1  }
0x1fa: {  	v25 =	vadd.s32 $0x100, v57;
	v23 =	vadd.s32 $0x2, v56;
	_ =	sdelay $0x1  }
0x1fb: {  	v18 =	vnsel vm0, $0x0, v18  }
0x1fc: {  	v15 =	vadd.f32 v18, v15;
	v21 =	vld.idx.msk [tilespmem:v21+s20+$0x0], vm0  }
0x1fd: {  	v24 =	vld.idx.msk [tilespmem:v24+s20+$0x0], vm3;
	[tilespmem:v22+s19+$0x0] =	vst.idx.msk vm3, v7  }
0x1fe: {  	v22 =	vld.idx.msk [tilespmem:v23+s20+$0x0], vm1;
	[tilespmem:v25+s19+$0x0] =	vst.idx.msk vm1, v15  }
0x1ff: {  	v23 =	vnsel vm1, $0x0, v27;
	v25 =	vld [tilespmem:$0x1FE80]  }
0x200: {  	v9 =	vadd.f32 v23, v9;
	v23 =	vld [tilespmem:$0x1FE90];
	_ =	sdelay $0x1  }
0x201: {  	v17 =	vadd.s32 $0x2, v54;
	v19 =	vadd.s32 $0x100, v55;
	_ =	sdelay $0x1  }
0x202: {  	v21 =	vnsel vm0, $0x0, v21  }
0x203: {  	v16 =	vadd.f32 v21, v16;
	_ =	sdelay $0x1  }
0x204: {  	v17 =	vld.idx.msk [tilespmem:v17+s20+$0x0], vm1;
	[tilespmem:v19+s19+$0x0] =	vst.idx.msk vm1, v16  }
0x205: {  	v25 =	vld.idx.msk [tilespmem:v25+s20+$0x0], vm3;
	[tilespmem:v23+s19+$0x0] =	vst.idx.msk vm3, v8  }
0x206: {  	v23 =	vnsel vm1, $0x0, v26;
	v26 =	vld [tilespmem:$0x1FEA0]  }
0x207: {  	v27 =	vld [tilespmem:$0x1FEC0];
	_ =	sdelay $0x6  }
0x208: {  	v19 =	vld [tilespmem:$0x1FEB0]  }
0x209: {  	v26 =	vld.idx.msk [tilespmem:v26+s20+$0x0], vm3;
	[tilespmem:v27+s19+$0x0] =	vst.idx.msk vm3, v9  }
0x20a: {  	v28 =	vld [tilespmem:$0x1FED0];
	_ =	sdelay $0x2  }
0x20b: {  	v21 =	vadd.s32 $0x180, v59;
	_ =	sdelay $0x2  }
0x20c: {  	v13 =	vadd.f32 v23, v13;
	_ =	sdelay $0x1  }
0x20d: {  	v22 =	vnsel vm1, $0x0, v22;
	v28 =	vld.idx.msk [tilespmem:v28+s20+$0x0], vm3;
	[tilespmem:v21+s19+$0x0] =	vst.idx.msk vm3, v13  }
0x20e: {  	v14 =	vadd.f32 v22, v14;
	v22 =	vnsel vm3, $0x0, v24;
	v24 =	vld [tilespmem:$0x1FEE0];
	_ =	sdelay $0x2  }
0x20f: {  	vm0 =	vlt.u32 v19, $0x80;
	v19 =	vadd.s32 $0x180, v58;
	_ =	sdelay $0x4  }
0x210: {  	v18 =	vadd.s32 $0x2, v20;
	v24 =	vld.idx.msk [tilespmem:v24+s20+$0x0], vm3;
	[tilespmem:v19+s19+$0x0] =	vst.idx.msk vm3, v14;
	v19 =	vnsel vm3, $0x0, v25  }
0x211: {  	v7 =	vadd.f32 v19, v7;
	v19 =	vld [tilespmem:$0x1FEF0];
	_ =	sdelay $0x3  }
0x212: {  	v18 =	vld.idx.msk [tilespmem:v18+s20+$0x0], vm1;
	v23 =	vadd.s32 $0x3, v56;
	v27 =	vadd.s32 $0x180, v57;
	_ =	sdelay $0x1  }
0x213: {  	v17 =	vnsel vm1, $0x0, v17;
	v1 =	vadd.f32 v22, v1  }
0x214: {  	v15 =	vadd.f32 v17, v15  }
0x215: {  	[tilespmem:v19+s19+$0x0] =	vst.idx.msk vm0, v1  }
0x216: {  	v18 =	vnsel vm1, $0x0, v18;
	v19 =	vld.idx.msk [tilespmem:v23+s20+$0x0], vm3;
	[tilespmem:v27+s19+$0x0] =	vst.idx.msk vm3, v15  }
0x217: {  	v16 =	vadd.f32 v18, v16;
	v18 =	vnsel vm3, $0x0, v26;
	v23 =	vld [tilespmem:$0x1FF00]  }
0x218: {  	v8 =	vadd.f32 v18, v8;
	v18 =	vld [tilespmem:$0x1FF10];
	_ =	sdelay $0x1  }
0x219: {  	v22 =	vadd.s32 $0x180, v55;
	v21 =	vadd.s32 $0x3, v54;
	_ =	sdelay $0x4  }
0x21a: {  	v21 =	vld.idx.msk [tilespmem:v21+s20+$0x0], vm3;
	[tilespmem:v22+s19+$0x0] =	vst.idx.msk vm3, v16  }
0x21b: {  	v26 =	vld.idx.msk [tilespmem:v23+s20+$0x0], vm0;
	[tilespmem:v18+s19+$0x0] =	vst.idx.msk vm0, v7  }
0x21c: {  	v22 =	vnsel vm3, $0x0, v28;
	v23 =	vld [tilespmem:$0x1FF20]  }
0x21d: {  	v32 =	vadd.f32 v22, v9;
	v9 =	vld [tilespmem:$0x1FF30];
	_ =	sdelay $0x7  }
0x21e: {  	v27 =	vld.idx.msk [tilespmem:v23+s20+$0x0], vm0;
	[tilespmem:v9+s19+$0x0] =	vst.idx.msk vm0, v8  }
0x21f: {  	v22 =	vnsel vm3, $0x0, v24;
	v23 =	vld [tilespmem:$0x1FF40]  }
0x220: {  	v33 =	vadd.f32 v22, v13;
	v13 =	vld [tilespmem:$0x1FF50];
	_ =	sdelay $0x7  }
0x221: {  	v28 =	vld.idx.msk [tilespmem:v23+s20+$0x0], vm0;
	[tilespmem:v13+s19+$0x0] =	vst.idx.msk vm0, v32  }
0x222: {  	v22 =	vld [tilespmem:$0x1FF60];
	_ =	sdelay $0x2  }
0x223: {  	v18 =	vadd.s32 $0x200, v59;
	_ =	sdelay $0x2  }
0x224: {  	v17 =	vadd.s32 $0x3, v20  }
0x225: {  	v19 =	vnsel vm3, $0x0, v19  }
0x226: {  	v34 =	vadd.f32 v19, v14;
	v14 =	vnsel vm3, $0x0, v21;
	v62 =	vld.idx.msk [tilespmem:v22+s20+$0x0], vm0;
	[tilespmem:v18+s19+$0x0] =	vst.idx.msk vm0, v33  }
0x227: {  	v37 =	vadd.f32 v14, v15;
	v15 =	vld [tilespmem:$0x1FF70];
	_ =	sdelay $0x1  }
0x228: {  	v17 =	vld.idx.msk [tilespmem:v17+s20+$0x0], vm3  }
0x229: {  	v9 =	vadd.s32 $0x200, v58  }
0x22a: {  	v29 =	vadd.s32 $0x4, v56;
	v61 =	vadd.s32 $0x200, v57  }
0x22b: {  	v63 =	vadd.s32 $0x200, v55;
	v13 =	vadd.s32 $0x4, v54;
	_ =	sdelay $0x1  }
0x22c: {  	v14 =	vnsel vm3, $0x0, v17  }
0x22d: {  	v31 =	vadd.f32 v14, v16;
	v30 =	vld.idx.msk [tilespmem:v15+s20+$0x0], vm0;
	[tilespmem:v9+s19+$0x0] =	vst.idx.msk vm0, v34;
	v9 =	vnsel vm0, $0x0, v26  }
0x22e: {  	v35 =	vld.idx.msk [tilespmem:v29+s20+$0x0], vm0;
	[tilespmem:v61+s19+$0x0] =	vst.idx.msk vm0, v37;
	v41 =	vadd.f32 v9, v1;
	v1 =	vnsel vm0, $0x0, v27  }
0x22f: {  	v19 =	vadd.s32 $0x4, v20;
	v29 =	vld.idx.msk [tilespmem:v13+s20+$0x0], vm0;
	[tilespmem:v63+s19+$0x0] =	vst.idx.msk vm0, v31;
	v40 =	vadd.f32 v1, v7;
	v1 =	vnsel vm0, $0x0, v28  }
0x230: {  	v39 =	vadd.f32 v1, v8;
	v1 =	vld [tilespmem:$0x1FF80];
	_ =	sdelay $0x1  }
0x231: {  	v25 =	vadd.s32 $0x280, v4;
	v24 =	vadd.s32 $0x280, v10  }
0x232: {  	v21 =	vadd.s32 $0x5, v5;
	v17 =	vadd.s32 $0x5, v3;
	v23 =	vadd.s32 $0x5, v2  }
0x233: {  	v22 =	vadd.s32 $0x5, v0;
	v18 =	vadd.s32 $0x5, v6;
	v36 =	vnsel vm0, $0x0, v62;
	v28 =	vld.idx.msk [tilespmem:v19+s20+$0x0], vm0  }
0x234: {  	s29 =	simm.s32 $0x0;
	v26 =	vadd.s32 $0x280, v11;
	v27 =	vadd.s32 $0x280, v12;
	v19 =	vadd.s32 $0x5, v1  }
.LBB2_9:
0x235: {  	vm1 =	vlt.u32 v19, $0x80;
	s29 =	sadd.s32 $0x5, s29;
	v1 =	vadd.f32 v36, v32;
	v7 =	vnsel vm0, $0x0, v30  }
0x236: {  	v59 =	vadd.s32 $0x280, v59;
	v8 =	vnsel vm0, $0x0, v35;
	p1 =	slt.u32 s29, $0xA;
	v7 =	vadd.f32 v7, v33  }
0x237: {  	v56 =	vadd.s32 $0x5, v56;
	v8 =	vadd.f32 v8, v34;
	v9 =	vnsel vm0, $0x0, v29  }
0x238: {  	v58 =	vadd.s32 $0x280, v58;
	v9 =	vadd.f32 v9, v37;
	v13 =	vnsel vm0, $0x0, v28  }
0x239: {  	v54 =	vadd.s32 $0x5, v54;
	v57 =	vadd.s32 $0x280, v57;
	v13 =	vadd.f32 v13, v31  }
0x23a: {  	v20 =	vadd.s32 $0x5, v20;
	v55 =	vadd.s32 $0x280, v55;
	v28 =	vadd.s32 $0x4, v54  }
0x23b: {  	v30 =	vadd.s32 $0x4, v18;
	v29 =	vadd.s32 $0x4, v56;
	v31 =	vadd.s32 $0x3, v20;
	[tilespmem:v25+s19+$0x0] =	vst.idx.msk vm1, v41  }
0x23c: {  	v34 =	vadd.s32 $0x3, v18;
	v33 =	vadd.s32 $0x3, v56;
	v32 =	vadd.s32 $0x3, v54;
	v14 =	vld.idx.msk [tilespmem:v22+s20+$0x0], vm1;
	[tilespmem:v24+s19+$0x0] =	vst.idx.msk vm1, v40  }
0x23d: {  	v36 =	vadd.s32 $0x2, v54;
	v35 =	vadd.s32 $0x2, v20;
	v37 =	vadd.s32 $0x2, v56;
	v15 =	vld.idx.msk [tilespmem:v23+s20+$0x0], vm1;
	[tilespmem:v26+s19+$0x0] =	vst.idx.msk vm1, v39  }
0x23e: {  	v42 =	vadd.s32 $0x1, v19;
	v43 =	vadd.s32 $0x2, v18;
	v38 =	vadd.s32 $0x1, v20;
	v16 =	vld.idx.msk [tilespmem:v17+s20+$0x0], vm1;
	[tilespmem:v27+s19+$0x0] =	vst.idx.msk vm1, v1  }
0x23f: {  	v45 =	vadd.s32 $0x1, v56;
	v46 =	vadd.s32 $0x1, v54;
	vm0 =	vlt.u32 v42, $0x80;
	v44 =	vld.idx.msk [tilespmem:v21+s20+$0x0], vm1;
	[tilespmem:v59+s19+$0x0] =	vst.idx.msk vm1, v7  }
0x240: {  	v47 =	vadd.s32 $0x1, v21;
	v49 =	vadd.s32 $0x1, v18;
	v42 =	vadd.s32 $0x80, v25;
	v48 =	vld.idx.msk [tilespmem:v18+s20+$0x0], vm1;
	[tilespmem:v58+s19+$0x0] =	vst.idx.msk vm1, v8  }
0x241: {  	v50 =	vadd.s32 $0x1, v22;
	v51 =	vadd.s32 $0x80, v24;
	v52 =	vadd.s32 $0x1, v17;
	v53 =	vld.idx.msk [tilespmem:v56+s20+$0x0], vm1;
	[tilespmem:v57+s19+$0x0] =	vst.idx.msk vm1, v9  }
0x242: {  	v60 =	vadd.s32 $0x1, v23;
	v61 =	vadd.s32 $0x80, v26;
	v14 =	vnsel vm1, $0x0, v14;
	v62 =	vld.idx.msk [tilespmem:v54+s20+$0x0], vm1;
	[tilespmem:v55+s19+$0x0] =	vst.idx.msk vm1, v13  }
0x243: {  	v14 =	vadd.f32 v14, v41;
	v15 =	vnsel vm1, $0x0, v15;
	v41 =	vadd.s32 $0x80, v27;
	v63 =	vld.idx.msk [tilespmem:v20+s20+$0x0], vm1  }
0x244: {  	v15 =	vadd.f32 v15, v40;
	v16 =	vnsel vm1, $0x0, v16;
	v40 =	vadd.s32 $0x80, v59  }
0x245: {  	v16 =	vadd.f32 v16, v39;
	v39 =	vnsel vm1, $0x0, v44;
	v44 =	vadd.s32 $0x80, v58;
	[tilespmem:v42+s19+$0x0] =	vst.idx.msk vm0, v14  }
0x246: {  	v1 =	vadd.f32 v39, v1;
	v39 =	vnsel vm1, $0x0, v48;
	v42 =	vadd.s32 $0x80, v57;
	v48 =	vld.idx.msk [tilespmem:v50+s20+$0x0], vm0;
	[tilespmem:v51+s19+$0x0] =	vst.idx.msk vm0, v15  }
0x247: {  	v7 =	vadd.f32 v39, v7;
	v39 =	vnsel vm1, $0x0, v53;
	v50 =	vadd.s32 $0x80, v55;
	v51 =	vld.idx.msk [tilespmem:v60+s20+$0x0], vm0;
	[tilespmem:v61+s19+$0x0] =	vst.idx.msk vm0, v16  }
0x248: {  	v8 =	vadd.f32 v39, v8;
	v39 =	vnsel vm1, $0x0, v62;
	v52 =	vld.idx.msk [tilespmem:v52+s20+$0x0], vm0;
	[tilespmem:v41+s19+$0x0] =	vst.idx.msk vm0, v1;
	v41 =	vadd.s32 $0x2, v19  }
0x249: {  	v9 =	vadd.f32 v39, v9;
	v39 =	vnsel vm1, $0x0, v63;
	v47 =	vld.idx.msk [tilespmem:v47+s20+$0x0], vm0;
	[tilespmem:v40+s19+$0x0] =	vst.idx.msk vm0, v7;
	vm1 =	vlt.u32 v41, $0x80  }
0x24a: {  	v13 =	vadd.f32 v39, v13;
	v39 =	vadd.s32 $0x100, v25;
	v40 =	vadd.s32 $0x2, v21;
	v41 =	vld.idx.msk [tilespmem:v49+s20+$0x0], vm0;
	[tilespmem:v44+s19+$0x0] =	vst.idx.msk vm0, v8  }
0x24b: {  	v53 =	vadd.s32 $0x2, v17;
	v44 =	vadd.s32 $0x2, v22;
	v49 =	vadd.s32 $0x100, v24;
	v45 =	vld.idx.msk [tilespmem:v45+s20+$0x0], vm0;
	[tilespmem:v42+s19+$0x0] =	vst.idx.msk vm0, v9  }
0x24c: {  	v60 =	vadd.s32 $0x100, v26;
	v42 =	vnsel vm0, $0x0, v48;
	v48 =	vadd.s32 $0x2, v23;
	v46 =	vld.idx.msk [tilespmem:v46+s20+$0x0], vm0;
	[tilespmem:v50+s19+$0x0] =	vst.idx.msk vm0, v13  }
0x24d: {  	v14 =	vadd.f32 v42, v14;
	v42 =	vnsel vm0, $0x0, v51;
	v50 =	vadd.s32 $0x100, v27;
	v38 =	vld.idx.msk [tilespmem:v38+s20+$0x0], vm0  }
0x24e: {  	v51 =	vadd.s32 $0x100, v59;
	v15 =	vadd.f32 v42, v15;
	v42 =	vnsel vm0, $0x0, v52  }
0x24f: {  	v16 =	vadd.f32 v42, v16;
	v42 =	vnsel vm0, $0x0, v47;
	v47 =	vadd.s32 $0x100, v58;
	[tilespmem:v39+s19+$0x0] =	vst.idx.msk vm1, v14  }
0x250: {  	v1 =	vadd.f32 v42, v1;
	v39 =	vnsel vm0, $0x0, v41;
	v41 =	vadd.s32 $0x100, v57;
	v42 =	vld.idx.msk [tilespmem:v44+s20+$0x0], vm1;
	[tilespmem:v49+s19+$0x0] =	vst.idx.msk vm1, v15  }
0x251: {  	v7 =	vadd.f32 v39, v7;
	v39 =	vnsel vm0, $0x0, v45;
	v44 =	vadd.s32 $0x100, v55;
	v45 =	vld.idx.msk [tilespmem:v48+s20+$0x0], vm1;
	[tilespmem:v60+s19+$0x0] =	vst.idx.msk vm1, v16  }
0x252: {  	v8 =	vadd.f32 v39, v8;
	v39 =	vnsel vm0, $0x0, v46;
	v48 =	vadd.s32 $0x3, v19;
	v46 =	vld.idx.msk [tilespmem:v53+s20+$0x0], vm1;
	[tilespmem:v50+s19+$0x0] =	vst.idx.msk vm1, v1  }
0x253: {  	v9 =	vadd.f32 v39, v9;
	v38 =	vnsel vm0, $0x0, v38;
	vm2 =	vlt.u32 v48, $0x80;
	v39 =	vld.idx.msk [tilespmem:v40+s20+$0x0], vm1;
	[tilespmem:v51+s19+$0x0] =	vst.idx.msk vm1, v7  }
0x254: {  	v13 =	vadd.f32 v38, v13;
	v38 =	vadd.s32 $0x180, v25;
	v40 =	vadd.s32 $0x3, v21;
	v43 =	vld.idx.msk [tilespmem:v43+s20+$0x0], vm1;
	[tilespmem:v47+s19+$0x0] =	vst.idx.msk vm1, v8  }
0x255: {  	v49 =	vadd.s32 $0x3, v17;
	v48 =	vadd.s32 $0x180, v24;
	v47 =	vadd.s32 $0x3, v22;
	v37 =	vld.idx.msk [tilespmem:v37+s20+$0x0], vm1;
	[tilespmem:v41+s19+$0x0] =	vst.idx.msk vm1, v9  }
0x256: {  	v50 =	vadd.s32 $0x180, v26;
	v41 =	vnsel vm1, $0x0, v42;
	v42 =	vadd.s32 $0x3, v23;
	v36 =	vld.idx.msk [tilespmem:v36+s20+$0x0], vm1;
	[tilespmem:v44+s19+$0x0] =	vst.idx.msk vm1, v13  }
0x257: {  	v14 =	vadd.f32 v41, v14;
	v41 =	vnsel vm1, $0x0, v45;
	v44 =	vadd.s32 $0x180, v27;
	v35 =	vld.idx.msk [tilespmem:v35+s20+$0x0], vm1  }
0x258: {  	v45 =	vadd.s32 $0x180, v59;
	v15 =	vadd.f32 v41, v15;
	v41 =	vnsel vm1, $0x0, v46  }
0x259: {  	v16 =	vadd.f32 v41, v16;
	v39 =	vnsel vm1, $0x0, v39;
	v41 =	vadd.s32 $0x180, v58;
	[tilespmem:v38+s19+$0x0] =	vst.idx.msk vm2, v14  }
0x25a: {  	v1 =	vadd.f32 v39, v1;
	v38 =	vnsel vm1, $0x0, v43;
	v39 =	vadd.s32 $0x180, v57;
	v43 =	vld.idx.msk [tilespmem:v47+s20+$0x0], vm2;
	[tilespmem:v48+s19+$0x0] =	vst.idx.msk vm2, v15  }
0x25b: {  	v7 =	vadd.f32 v38, v7;
	v37 =	vnsel vm1, $0x0, v37;
	v38 =	vadd.s32 $0x180, v55;
	v42 =	vld.idx.msk [tilespmem:v42+s20+$0x0], vm2;
	[tilespmem:v50+s19+$0x0] =	vst.idx.msk vm2, v16  }
0x25c: {  	v8 =	vadd.f32 v37, v8;
	v36 =	vnsel vm1, $0x0, v36;
	v37 =	vld.idx.msk [tilespmem:v49+s20+$0x0], vm2;
	[tilespmem:v44+s19+$0x0] =	vst.idx.msk vm2, v1;
	v44 =	vadd.s32 $0x4, v19  }
0x25d: {  	v9 =	vadd.f32 v36, v9;
	v35 =	vnsel vm1, $0x0, v35;
	v36 =	vld.idx.msk [tilespmem:v40+s20+$0x0], vm2;
	[tilespmem:v45+s19+$0x0] =	vst.idx.msk vm2, v7;
	vm0 =	vlt.u32 v44, $0x80  }
0x25e: {  	v13 =	vadd.f32 v35, v13;
	v35 =	vadd.s32 $0x200, v25;
	v40 =	vadd.s32 $0x4, v21;
	v34 =	vld.idx.msk [tilespmem:v34+s20+$0x0], vm2;
	[tilespmem:v41+s19+$0x0] =	vst.idx.msk vm2, v8  }
0x25f: {  	v44 =	vadd.s32 $0x200, v24;
	v45 =	vadd.s32 $0x4, v17;
	v41 =	vadd.s32 $0x4, v22;
	v46 =	vld.idx.msk [tilespmem:v33+s20+$0x0], vm2;
	[tilespmem:v39+s19+$0x0] =	vst.idx.msk vm2, v9  }
0x260: {  	v33 =	vnsel vm2, $0x0, v43;
	v39 =	vadd.s32 $0x4, v23;
	v43 =	vadd.s32 $0x200, v26;
	v47 =	vld.idx.msk [tilespmem:v32+s20+$0x0], vm2;
	[tilespmem:v38+s19+$0x0] =	vst.idx.msk vm2, v13  }
0x261: {  	v14 =	vadd.f32 v33, v14;
	v32 =	vnsel vm2, $0x0, v42;
	v38 =	vadd.s32 $0x200, v27;
	v31 =	vld.idx.msk [tilespmem:v31+s20+$0x0], vm2  }
0x262: {  	v42 =	vadd.s32 $0x200, v59;
	v15 =	vadd.f32 v32, v15;
	v32 =	vnsel vm2, $0x0, v37  }
0x263: {  	v16 =	vadd.f32 v32, v16;
	v32 =	vnsel vm2, $0x0, v36;
	v36 =	vadd.s32 $0x200, v58;
	[tilespmem:v35+s19+$0x0] =	vst.idx.msk vm0, v14  }
0x264: {  	v48 =	vadd.s32 $0x200, v57;
	v32 =	vadd.f32 v32, v1;
	v1 =	vnsel vm2, $0x0, v34;
	v41 =	vld.idx.msk [tilespmem:v41+s20+$0x0], vm0;
	[tilespmem:v44+s19+$0x0] =	vst.idx.msk vm0, v15  }
0x265: {  	v33 =	vadd.f32 v1, v7;
	v1 =	vnsel vm2, $0x0, v46;
	v7 =	vadd.s32 $0x200, v55;
	v39 =	vld.idx.msk [tilespmem:v39+s20+$0x0], vm0;
	[tilespmem:v43+s19+$0x0] =	vst.idx.msk vm0, v16  }
0x266: {  	v34 =	vadd.f32 v1, v8;
	v1 =	vnsel vm2, $0x0, v47;
	v8 =	vadd.s32 $0x4, v20;
	v43 =	vld.idx.msk [tilespmem:v45+s20+$0x0], vm0;
	[tilespmem:v38+s19+$0x0] =	vst.idx.msk vm0, v32  }
0x267: {  	v37 =	vadd.f32 v1, v9;
	v1 =	vnsel vm2, $0x0, v31;
	v9 =	vld.idx.msk [tilespmem:v40+s20+$0x0], vm0;
	[tilespmem:v42+s19+$0x0] =	vst.idx.msk vm0, v33  }
0x268: {  	v25 =	vadd.s32 $0x280, v25;
	v22 =	vadd.s32 $0x5, v22;
	v31 =	vadd.f32 v1, v13;
	v30 =	vld.idx.msk [tilespmem:v30+s20+$0x0], vm0;
	[tilespmem:v36+s19+$0x0] =	vst.idx.msk vm0, v34  }
.Ltmp3:
0x269: {  	v24 =	vadd.s32 $0x280, v24;
	v17 =	vadd.s32 $0x5, v17;
	v23 =	vadd.s32 $0x5, v23;
	v35 =	vld.idx.msk [tilespmem:v29+s20+$0x0], vm0;
	[tilespmem:v48+s19+$0x0] =	vst.idx.msk vm0, v37;
	(pc) =	sbr.rel @p1 .LBB2_9-.Ltmp3, $4  }
0x26a: {  	v21 =	vadd.s32 $0x5, v21;
	v26 =	vadd.s32 $0x280, v26;
	v1 =	vnsel vm0, $0x0, v41;
	v29 =	vld.idx.msk [tilespmem:v28+s20+$0x0], vm0;
	[tilespmem:v7+s19+$0x0] =	vst.idx.msk vm0, v31  }
0x26b: {  	v27 =	vadd.s32 $0x280, v27;
	v41 =	vadd.f32 v1, v14;
	v1 =	vnsel vm0, $0x0, v39;
	v28 =	vld.idx.msk [tilespmem:v8+s20+$0x0], vm0  }
0x26c: {  	v18 =	vadd.s32 $0x5, v18;
	v40 =	vadd.f32 v1, v15;
	v1 =	vnsel vm0, $0x0, v43  }
0x26d: {  	v19 =	vadd.s32 $0x5, v19;
	v39 =	vadd.f32 v1, v16;
	v36 =	vnsel vm0, $0x0, v9  }
0x26e: {  	_ =	sdelay $0x3  }
0x26f: {  	[tilespmem:v25+s19+$0x0] =	vst.idx.msk $0xffff, v41  }
0x270: {  	v7 =	vnsel vm0, $0x0, v30;
	v38 =	vadd.s32 $0x280, v59;
	v1 =	vld.idx.msk [tilespmem:v22+s20+$0x0], $0xffff;
	[tilespmem:v24+s19+$0x0] =	vst.idx.msk $0xffff, v40  }
0x271: {  	v9 =	vadd.f32 v36, v32;
	v13 =	vadd.s32 $0x80, v25;
	v32 =	vadd.s32 $0x280, v58;
	v8 =	vld.idx.msk [tilespmem:v23+s20+$0x0], $0xffff  }
0x272: {  	v14 =	vnsel vm0, $0x0, v35;
	v7 =	vadd.f32 v7, v33;
	v33 =	vadd.s32 $0x5, v56;
	[tilespmem:v26+s19+$0x0] =	vst.idx.msk $0xffff, v39  }
0x273: {  	v16 =	vadd.s32 $0x1, v22;
	v30 =	vadd.s32 $0x80, v24;
	v43 =	vadd.s32 $0x1, v23;
	v15 =	vld.idx.msk [tilespmem:v17+s20+$0x0], $0xffff  }
0x274: {  	v35 =	vadd.s32 $0x5, v54;
	v14 =	vadd.f32 v14, v34;
	v34 =	vadd.s32 $0x280, v57;
	[tilespmem:v27+s19+$0x0] =	vst.idx.msk $0xffff, v9  }
0x275: {  	v51 =	vadd.s32 $0x80, v26;
	v36 =	vadd.s32 $0x280, v55;
	v42 =	vld.idx.msk [tilespmem:v21+s20+$0x0], $0xffff;
	[tilespmem:v38+s19+$0x0] =	vst.idx.msk $0xffff, v7;
	v1 =	vadd.f32 v1, v41  }
0x276: {  	v45 =	vadd.s32 $0x1, v17;
	v29 =	vnsel vm0, $0x0, v29;
	v44 =	vld.idx.msk [tilespmem:v18+s20+$0x0], $0xffff;
	[tilespmem:v32+s19+$0x0] =	vst.idx.msk $0xffff, v14;
	v8 =	vadd.f32 v8, v40  }
0x277: {  	[tilespmem:v13+s19+$0x0] =	vst.idx.msk $0xffff, v1;
	v13 =	vadd.f32 v29, v37;
	v37 =	vadd.s32 $0x5, v20;
	v20 =	vadd.s32 $0x80, v27;
	v29 =	vld.idx.msk [tilespmem:v33+s20+$0x0], $0xffff  }
0x278: {  	v28 =	vnsel vm0, $0x0, v28;
	v15 =	vadd.f32 v15, v39;
	v16 =	vld.idx.msk [tilespmem:v16+s20+$0x0], $0xffff;
	[tilespmem:v30+s19+$0x0] =	vst.idx.msk $0xffff, v8  }
0x279: {  	v52 =	vadd.s32 $0x1, v21;
	v28 =	vadd.f32 v28, v31;
	v30 =	vadd.s32 $0x80, v38;
	[tilespmem:v34+s19+$0x0] =	vst.idx.msk $0xffff, v13  }
0x27a: {  	v54 =	vadd.s32 $0x1, v18;
	v56 =	vadd.s32 $0x80, v32;
	v9 =	vadd.f32 v42, v9;
	v31 =	vld.idx.msk [tilespmem:v43+s20+$0x0], $0xffff;
	[tilespmem:v51+s19+$0x0] =	vst.idx.msk $0xffff, v15  }
0x27b: {  	v55 =	vadd.s32 $0x100, v25;
	v48 =	vadd.s32 $0x1, v33;
	v53 =	vld.idx.msk [tilespmem:v35+s20+$0x0], $0xffff;
	[tilespmem:v36+s19+$0x0] =	vst.idx.msk $0xffff, v28  }
0x27c: {  	v46 =	vadd.s32 $0x2, v22;
	v45 =	vld.idx.msk [tilespmem:v45+s20+$0x0], $0xffff;
	v7 =	vadd.f32 v44, v7;
	[tilespmem:v20+s19+$0x0] =	vst.idx.msk $0xffff, v9;
	v20 =	vadd.s32 $0x100, v24  }
0x27d: {  	v49 =	vadd.s32 $0x2, v23;
	v57 =	vadd.s32 $0x80, v34;
	v47 =	vld.idx.msk [tilespmem:v37+s20+$0x0], $0xffff;
	v14 =	vadd.f32 v29, v14  }
0x27e: {  	v29 =	vadd.s32 $0x100, v26;
	v40 =	vld.idx.msk [tilespmem:v52+s20+$0x0], $0xffff;
	v1 =	vadd.f32 v16, v1;
	v16 =	vadd.s32 $0x1, v35;
	[tilespmem:v30+s19+$0x0] =	vst.idx.msk $0xffff, v7  }
0x27f: {  	v30 =	vadd.s32 $0x80, v36;
	v43 =	vld.idx.msk [tilespmem:v54+s20+$0x0], $0xffff;
	v8 =	vadd.f32 v31, v8;
	v31 =	vadd.s32 $0x2, v17;
	[tilespmem:v56+s19+$0x0] =	vst.idx.msk $0xffff, v14  }
0x280: {  	v58 =	vadd.s32 $0x1, v37;
	[tilespmem:v55+s19+$0x0] =	vst.idx.msk $0xffff, v1;
	v13 =	vadd.f32 v53, v13;
	v61 =	vld.idx.msk [tilespmem:v48+s20+$0x0], $0xffff  }
0x281: {  	v59 =	vadd.s32 $0x100, v27;
	v15 =	vadd.f32 v45, v15;
	v60 =	vld.idx.msk [tilespmem:v46+s20+$0x0], $0xffff;
	[tilespmem:v20+s19+$0x0] =	vst.idx.msk $0xffff, v8  }
0x282: {  	v62 =	vadd.s32 $0x2, v21;
	v28 =	vadd.f32 v47, v28;
	[tilespmem:v57+s19+$0x0] =	vst.idx.msk $0xffff, v13;
	v20 =	vadd.s32 $0x100, v38;
	v63 =	vld.idx.msk [tilespmem:v49+s20+$0x0], $0xffff  }
0x283: {  	v16 =	vld.idx.msk [tilespmem:v16+s20+$0x0], $0xffff;
	[tilespmem:v29+s19+$0x0] =	vst.idx.msk $0xffff, v15;
	v29 =	vadd.s32 $0x180, v25  }
0x284: {  	v52 =	vadd.s32 $0x2, v18;
	v9 =	vadd.f32 v40, v9;
	[tilespmem:v30+s19+$0x0] =	vst.idx.msk $0xffff, v28;
	v30 =	vadd.s32 $0x100, v32;
	v31 =	vld.idx.msk [tilespmem:v31+s20+$0x0], $0xffff  }
0x285: {  	v54 =	vadd.s32 $0x2, v33;
	v7 =	vadd.f32 v43, v7;
	v41 =	vld.idx.msk [tilespmem:v58+s20+$0x0], $0xffff  }
0x286: {  	v56 =	vadd.s32 $0x100, v34;
	v53 =	vadd.s32 $0x3, v22;
	[tilespmem:v59+s19+$0x0] =	vst.idx.msk $0xffff, v9;
	v1 =	vadd.f32 v60, v1  }
0x287: {  	v50 =	vadd.s32 $0x100, v36;
	v58 =	vadd.s32 $0x2, v35;
	v14 =	vadd.f32 v61, v14;
	v48 =	vld.idx.msk [tilespmem:v62+s20+$0x0], $0xffff;
	[tilespmem:v20+s19+$0x0] =	vst.idx.msk $0xffff, v7  }
0x288: {  	v55 =	vadd.s32 $0x180, v24;
	v57 =	vadd.s32 $0x3, v23;
	[tilespmem:v29+s19+$0x0] =	vst.idx.msk $0xffff, v1;
	v29 =	vadd.s32 $0x2, v37  }
0x289: {  	v59 =	vadd.s32 $0x180, v26;
	v60 =	vadd.s32 $0x3, v17;
	v45 =	vld.idx.msk [tilespmem:v52+s20+$0x0], $0xffff;
	v13 =	vadd.f32 v16, v13;
	[tilespmem:v30+s19+$0x0] =	vst.idx.msk $0xffff, v14  }
0x28a: {  	v16 =	vadd.s32 $0x180, v27;
	v20 =	vadd.f32 v31, v15;
	v30 =	vld.idx.msk [tilespmem:v54+s20+$0x0], $0xffff;
	v15 =	vadd.f32 v41, v28  }
0x28b: {  	v8 =	vadd.f32 v63, v8;
	v40 =	vld.idx.msk [tilespmem:v53+s20+$0x0], $0xffff;
	[tilespmem:v56+s19+$0x0] =	vst.idx.msk $0xffff, v13  }
0x28c: {  	v61 =	vadd.s32 $0x3, v21;
	v28 =	vadd.s32 $0x180, v38;
	v31 =	vld.idx.msk [tilespmem:v58+s20+$0x0], $0xffff;
	[tilespmem:v50+s19+$0x0] =	vst.idx.msk $0xffff, v15  }
0x28d: {  	v62 =	vadd.s32 $0x3, v18;
	[tilespmem:v55+s19+$0x0] =	vst.idx.msk $0xffff, v8;
	v42 =	vadd.f32 v48, v9;
	v9 =	vadd.s32 $0x180, v32;
	v29 =	vld.idx.msk [tilespmem:v29+s20+$0x0], $0xffff  }
0x28e: {  	v63 =	vadd.s32 $0x3, v33;
	v51 =	vld.idx.msk [tilespmem:v57+s20+$0x0], $0xffff;
	[tilespmem:v59+s19+$0x0] =	vst.idx.msk $0xffff, v20;
	v43 =	vadd.f32 v45, v7;
	v7 =	vadd.s32 $0x180, v34  }
0x28f: {  	v39 =	vld.idx.msk [tilespmem:v60+s20+$0x0], $0xffff;
	[tilespmem:v16+s19+$0x0] =	vst.idx.msk $0xffff, v42;
	v16 =	vadd.s32 $0x3, v35;
	v44 =	vadd.f32 v30, v14;
	v14 =	vadd.s32 $0x180, v36  }
0x290: {  	v52 =	vadd.s32 $0x3, v37  }
0x291: {  	v47 =	vld.idx.msk [tilespmem:v61+s20+$0x0], $0xffff;
	[tilespmem:v28+s19+$0x0] =	vst.idx.msk $0xffff, v43;
	v28 =	vadd.s32 $0x200, v25;
	v45 =	vadd.f32 v31, v13  }
0x292: {  	v30 =	vadd.s32 $0x4, v22;
	v49 =	vld.idx.msk [tilespmem:v62+s20+$0x0], $0xffff;
	[tilespmem:v9+s19+$0x0] =	vst.idx.msk $0xffff, v44;
	v46 =	vadd.f32 v29, v15;
	v29 =	vadd.s32 $0x200, v24  }
0x293: {  	v25 =	vadd.s32 $0x200, v26;
	v31 =	vadd.s32 $0x4, v23;
	v48 =	vld.idx.msk [tilespmem:v63+s20+$0x0], $0xffff;
	[tilespmem:v7+s19+$0x0] =	vst.idx.msk $0xffff, v45  }
0x294: {  	v41 =	vadd.f32 v40, v1;
	v26 =	vadd.s32 $0x4, v17;
	v24 =	vadd.s32 $0x200, v27;
	v50 =	vld.idx.msk [tilespmem:v16+s20+$0x0], $0xffff;
	[tilespmem:v14+s19+$0x0] =	vst.idx.msk $0xffff, v46  }
0x295: {  	s29 =	simm.s32 $0xF;
	v17 =	vadd.s32 $0x200, v38;
	v40 =	vadd.f32 v51, v8;
	v27 =	vadd.s32 $0x4, v21;
	v51 =	vld.idx.msk [tilespmem:v52+s20+$0x0], $0xffff  }
.LBB2_11:
0x296: {  	[tilespmem:v28+s19+$0x0] =	vst.idx.msk $0xffff, v41;
	s29 =	sadd.s32 $0x4, s29;
	v1 =	vadd.f32 v39, v20;
	v18 =	vadd.s32 $0x4, v18;
	v32 =	vadd.s32 $0x200, v32  }
0x297: {  	v8 =	vadd.f32 v47, v42;
	v33 =	vadd.s32 $0x4, v33;
	v34 =	vadd.s32 $0x200, v34;
	v7 =	vld.idx.msk [tilespmem:v30+s20+$0x0], $0xffff;
	[tilespmem:v29+s19+$0x0] =	vst.idx.msk $0xffff, v40;
	p1 =	slt.u32 s29, $0x7B  }
0x298: {  	v35 =	vadd.s32 $0x4, v35;
	v36 =	vadd.s32 $0x200, v36;
	v13 =	vadd.f32 v49, v43;
	v9 =	vld.idx.msk [tilespmem:v31+s20+$0x0], $0xffff;
	[tilespmem:v25+s19+$0x0] =	vst.idx.msk $0xffff, v1  }
0x299: {  	v37 =	vadd.s32 $0x4, v37;
	v15 =	vadd.f32 v48, v44;
	v14 =	vld.idx.msk [tilespmem:v26+s20+$0x0], $0xffff;
	[tilespmem:v24+s19+$0x0] =	vst.idx.msk $0xffff, v8  }
0x29a: {  	v16 =	vadd.s32 $0x80, v28;
	v19 =	vadd.s32 $0x4, v19;
	v21 =	vadd.f32 v50, v45;
	v20 =	vld.idx.msk [tilespmem:v27+s20+$0x0], $0xffff;
	[tilespmem:v17+s19+$0x0] =	vst.idx.msk $0xffff, v13  }
0x29b: {  	v22 =	vadd.s32 $0x1, v30;
	v23 =	vadd.s32 $0x80, v29;
	v39 =	vadd.f32 v51, v46;
	v38 =	vld.idx.msk [tilespmem:v18+s20+$0x0], $0xffff;
	[tilespmem:v32+s19+$0x0] =	vst.idx.msk $0xffff, v15  }
0x29c: {  	v42 =	vadd.s32 $0x1, v31;
	v43 =	vadd.s32 $0x80, v25;
	v44 =	vld.idx.msk [tilespmem:v33+s20+$0x0], $0xffff;
	[tilespmem:v34+s19+$0x0] =	vst.idx.msk $0xffff, v21  }
0x29d: {  	v45 =	vadd.s32 $0x80, v24;
	v7 =	vadd.f32 v7, v41;
	v41 =	vadd.s32 $0x1, v26;
	v46 =	vld.idx.msk [tilespmem:v35+s20+$0x0], $0xffff;
	[tilespmem:v36+s19+$0x0] =	vst.idx.msk $0xffff, v39  }
0x29e: {  	v47 =	vadd.s32 $0x80, v17;
	v9 =	vadd.f32 v9, v40;
	v40 =	vadd.s32 $0x1, v27;
	v48 =	vld.idx.msk [tilespmem:v37+s20+$0x0], $0xffff  }
0x29f: {  	v49 =	vadd.s32 $0x80, v32;
	v1 =	vadd.f32 v14, v1;
	v14 =	vadd.s32 $0x1, v18;
	[tilespmem:v16+s19+$0x0] =	vst.idx.msk $0xffff, v7  }
0x2a0: {  	v8 =	vadd.f32 v20, v8;
	v16 =	vadd.s32 $0x1, v33;
	v20 =	vadd.s32 $0x80, v34;
	v22 =	vld.idx.msk [tilespmem:v22+s20+$0x0], $0xffff;
	[tilespmem:v23+s19+$0x0] =	vst.idx.msk $0xffff, v9  }
0x2a1: {  	v13 =	vadd.f32 v38, v13;
	v23 =	vadd.s32 $0x1, v35;
	v38 =	vadd.s32 $0x80, v36;
	v42 =	vld.idx.msk [tilespmem:v42+s20+$0x0], $0xffff;
	[tilespmem:v43+s19+$0x0] =	vst.idx.msk $0xffff, v1  }
0x2a2: {  	v15 =	vadd.f32 v44, v15;
	v43 =	vadd.s32 $0x1, v37;
	v41 =	vld.idx.msk [tilespmem:v41+s20+$0x0], $0xffff;
	[tilespmem:v45+s19+$0x0] =	vst.idx.msk $0xffff, v8  }
0x2a3: {  	v44 =	vadd.s32 $0x100, v28;
	v21 =	vadd.f32 v46, v21;
	v40 =	vld.idx.msk [tilespmem:v40+s20+$0x0], $0xffff;
	[tilespmem:v47+s19+$0x0] =	vst.idx.msk $0xffff, v13  }
0x2a4: {  	v45 =	vadd.s32 $0x2, v30;
	v46 =	vadd.s32 $0x100, v29;
	v39 =	vadd.f32 v48, v39;
	v14 =	vld.idx.msk [tilespmem:v14+s20+$0x0], $0xffff;
	[tilespmem:v49+s19+$0x0] =	vst.idx.msk $0xffff, v15  }
0x2a5: {  	v47 =	vadd.s32 $0x2, v31;
	v48 =	vadd.s32 $0x100, v25;
	v16 =	vld.idx.msk [tilespmem:v16+s20+$0x0], $0xffff;
	[tilespmem:v20+s19+$0x0] =	vst.idx.msk $0xffff, v21  }
0x2a6: {  	v7 =	vadd.f32 v22, v7;
	v20 =	vadd.s32 $0x2, v26;
	v22 =	vadd.s32 $0x100, v24;
	v23 =	vld.idx.msk [tilespmem:v23+s20+$0x0], $0xffff;
	[tilespmem:v38+s19+$0x0] =	vst.idx.msk $0xffff, v39  }
0x2a7: {  	v9 =	vadd.f32 v42, v9;
	v38 =	vadd.s32 $0x2, v27;
	v42 =	vadd.s32 $0x100, v17;
	v43 =	vld.idx.msk [tilespmem:v43+s20+$0x0], $0xffff  }
0x2a8: {  	v49 =	vadd.s32 $0x100, v32;
	v1 =	vadd.f32 v41, v1;
	v41 =	vadd.s32 $0x2, v18;
	[tilespmem:v44+s19+$0x0] =	vst.idx.msk $0xffff, v7  }
0x2a9: {  	v8 =	vadd.f32 v40, v8;
	v40 =	vadd.s32 $0x2, v33;
	v44 =	vadd.s32 $0x100, v34;
	v45 =	vld.idx.msk [tilespmem:v45+s20+$0x0], $0xffff;
	[tilespmem:v46+s19+$0x0] =	vst.idx.msk $0xffff, v9  }
0x2aa: {  	v13 =	vadd.f32 v14, v13;
	v14 =	vadd.s32 $0x2, v35;
	v46 =	vadd.s32 $0x100, v36;
	v47 =	vld.idx.msk [tilespmem:v47+s20+$0x0], $0xffff;
	[tilespmem:v48+s19+$0x0] =	vst.idx.msk $0xffff, v1  }
0x2ab: {  	v15 =	vadd.f32 v16, v15;
	v16 =	vadd.s32 $0x2, v37;
	v20 =	vld.idx.msk [tilespmem:v20+s20+$0x0], $0xffff;
	[tilespmem:v22+s19+$0x0] =	vst.idx.msk $0xffff, v8  }
0x2ac: {  	v21 =	vadd.f32 v23, v21;
	v22 =	vadd.s32 $0x180, v28;
	v23 =	vld.idx.msk [tilespmem:v38+s20+$0x0], $0xffff;
	[tilespmem:v42+s19+$0x0] =	vst.idx.msk $0xffff, v13  }
0x2ad: {  	v38 =	vadd.f32 v43, v39;
	v39 =	vadd.s32 $0x3, v30;
	v43 =	vadd.s32 $0x180, v29;
	v41 =	vld.idx.msk [tilespmem:v41+s20+$0x0], $0xffff;
	[tilespmem:v49+s19+$0x0] =	vst.idx.msk $0xffff, v15  }
0x2ae: {  	v48 =	vadd.s32 $0x3, v31;
	v49 =	vadd.s32 $0x180, v25;
	v40 =	vld.idx.msk [tilespmem:v40+s20+$0x0], $0xffff;
	[tilespmem:v44+s19+$0x0] =	vst.idx.msk $0xffff, v21  }
0x2af: {  	v50 =	vadd.s32 $0x180, v24;
	v7 =	vadd.f32 v45, v7;
	v45 =	vadd.s32 $0x3, v26;
	v14 =	vld.idx.msk [tilespmem:v14+s20+$0x0], $0xffff;
	[tilespmem:v46+s19+$0x0] =	vst.idx.msk $0xffff, v38  }
0x2b0: {  	v51 =	vadd.s32 $0x180, v17;
	v9 =	vadd.f32 v47, v9;
	v46 =	vadd.s32 $0x3, v27;
	v16 =	vld.idx.msk [tilespmem:v16+s20+$0x0], $0xffff  }
0x2b1: {  	v52 =	vadd.s32 $0x180, v32;
	v20 =	vadd.f32 v20, v1;
	v1 =	vadd.s32 $0x3, v18;
	[tilespmem:v22+s19+$0x0] =	vst.idx.msk $0xffff, v7  }
0x2b2: {  	v42 =	vadd.f32 v23, v8;
	v8 =	vadd.s32 $0x3, v33;
	v22 =	vadd.s32 $0x180, v34;
	v23 =	vld.idx.msk [tilespmem:v39+s20+$0x0], $0xffff;
	[tilespmem:v43+s19+$0x0] =	vst.idx.msk $0xffff, v9  }
0x2b3: {  	v53 =	vadd.s32 $0x180, v36;
	v43 =	vadd.f32 v41, v13;
	v13 =	vadd.s32 $0x3, v35;
	v54 =	vld.idx.msk [tilespmem:v48+s20+$0x0], $0xffff;
	[tilespmem:v49+s19+$0x0] =	vst.idx.msk $0xffff, v20  }
0x2b4: {  	v44 =	vadd.f32 v40, v15;
	v15 =	vadd.s32 $0x3, v37;
	v39 =	vld.idx.msk [tilespmem:v45+s20+$0x0], $0xffff;
	[tilespmem:v50+s19+$0x0] =	vst.idx.msk $0xffff, v42  }
.Ltmp4:
0x2b5: {  	v28 =	vadd.s32 $0x200, v28;
	v45 =	vadd.f32 v14, v21;
	v47 =	vld.idx.msk [tilespmem:v46+s20+$0x0], $0xffff;
	[tilespmem:v51+s19+$0x0] =	vst.idx.msk $0xffff, v43;
	(pc) =	sbr.rel @p1 .LBB2_11-.Ltmp4, $4  }
0x2b6: {  	v30 =	vadd.s32 $0x4, v30;
	v29 =	vadd.s32 $0x200, v29;
	v46 =	vadd.f32 v16, v38;
	v49 =	vld.idx.msk [tilespmem:v1+s20+$0x0], $0xffff;
	[tilespmem:v52+s19+$0x0] =	vst.idx.msk $0xffff, v44  }
0x2b7: {  	v31 =	vadd.s32 $0x4, v31;
	v25 =	vadd.s32 $0x200, v25;
	v48 =	vld.idx.msk [tilespmem:v8+s20+$0x0], $0xffff;
	[tilespmem:v22+s19+$0x0] =	vst.idx.msk $0xffff, v45  }
0x2b8: {  	v24 =	vadd.s32 $0x200, v24;
	v26 =	vadd.s32 $0x4, v26;
	v41 =	vadd.f32 v23, v7;
	v50 =	vld.idx.msk [tilespmem:v13+s20+$0x0], $0xffff;
	[tilespmem:v53+s19+$0x0] =	vst.idx.msk $0xffff, v46  }
0x2b9: {  	v17 =	vadd.s32 $0x200, v17;
	v27 =	vadd.s32 $0x4, v27;
	v40 =	vadd.f32 v54, v9;
	v51 =	vld.idx.msk [tilespmem:v15+s20+$0x0], $0xffff  }
0x2ba: {  	v38 =	vadd.s32 $0x4, v19  }
0x2bb: {  	vm2 =	vlt.u32 v38, $0x80;
	_ =	sdelay $0x1  }
0x2bc: {  	v1 =	vadd.f32 v39, v20  }
0x2bd: {  	v39 =	vadd.s32 $0x4, v18;
	v23 =	vadd.s32 $0x200, v32;
	v8 =	vadd.f32 v47, v42  }
0x2be: {  	v22 =	vadd.s32 $0x4, v33;
	v21 =	vadd.s32 $0x200, v34;
	v20 =	vadd.s32 $0x4, v35  }
0x2bf: {  	v19 =	vadd.s32 $0x200, v36;
	v18 =	vadd.s32 $0x4, v37;
	v57 =	vadd.s32 $0x1, v30  }
0x2c0: {  	v58 =	vadd.s32 $0x80, v29;
	v59 =	vadd.s32 $0x1, v31;
	v60 =	vadd.s32 $0x80, v25;
	[tilespmem:v28+s19+$0x0] =	vst.idx.msk vm2, v41  }
0x2c1: {  	v61 =	vadd.s32 $0x1, v26;
	v62 =	vadd.s32 $0x80, v24;
	v54 =	vadd.s32 $0x1, v27;
	v7 =	vld.idx.msk [tilespmem:v30+s20+$0x0], vm2;
	[tilespmem:v29+s19+$0x0] =	vst.idx.msk vm2, v40  }
0x2c2: {  	v63 =	vadd.s32 $0x80, v17;
	v9 =	vadd.f32 v49, v43;
	v15 =	vadd.s32 $0x1, v38;
	v13 =	vld.idx.msk [tilespmem:v31+s20+$0x0], vm2;
	[tilespmem:v25+s19+$0x0] =	vst.idx.msk vm2, v1  }
0x2c3: {  	v32 =	vadd.s32 $0x3, v18;
	v34 =	vadd.s32 $0x3, v39;
	vm0 =	vlt.u32 v15, $0x80;
	v56 =	vld.idx.msk [tilespmem:v26+s20+$0x0], vm2  }
0x2c4: {  	v33 =	vadd.s32 $0x3, v22;
	v14 =	vadd.f32 v48, v44;
	v15 =	vadd.s32 $0x80, v28;
	[tilespmem:v24+s19+$0x0] =	vst.idx.msk vm2, v8  }
0x2c5: {  	v37 =	vadd.s32 $0x2, v22;
	v53 =	vadd.s32 $0x1, v20;
	v16 =	vadd.f32 v50, v45;
	v42 =	vld.idx.msk [tilespmem:v27+s20+$0x0], vm2;
	[tilespmem:v17+s19+$0x0] =	vst.idx.msk vm2, v9  }
0x2c6: {  	v49 =	vadd.s32 $0x80, v21;
	v35 =	vadd.f32 v51, v46;
	v47 =	vld.idx.msk [tilespmem:v39+s20+$0x0], vm2;
	[tilespmem:v23+s19+$0x0] =	vst.idx.msk vm2, v14;
	v7 =	vnsel vm2, $0x0, v7  }
0x2c7: {  	v44 =	vadd.s32 $0x2, v20;
	v52 =	vld.idx.msk [tilespmem:v22+s20+$0x0], vm2;
	[tilespmem:v21+s19+$0x0] =	vst.idx.msk vm2, v16;
	v7 =	vadd.f32 v7, v41;
	v13 =	vnsel vm2, $0x0, v13  }
0x2c8: {  	v50 =	vadd.s32 $0x2, v39;
	v55 =	vld.idx.msk [tilespmem:v20+s20+$0x0], vm2;
	[tilespmem:v19+s19+$0x0] =	vst.idx.msk vm2, v35;
	v13 =	vadd.f32 v13, v40;
	v36 =	vnsel vm2, $0x0, v56  }
0x2c9: {  	v41 =	vadd.s32 $0x1, v18;
	v56 =	vld.idx.msk [tilespmem:v18+s20+$0x0], vm2;
	v40 =	vadd.s32 $0x100, v28;
	[tilespmem:v15+s19+$0x0] =	vst.idx.msk vm0, v7;
	v1 =	vadd.f32 v36, v1  }
0x2ca: {  	v15 =	vadd.s32 $0x1, v22;
	v36 =	vadd.s32 $0x1, v39;
	v42 =	vnsel vm2, $0x0, v42;
	v43 =	vld.idx.msk [tilespmem:v57+s20+$0x0], vm0;
	[tilespmem:v58+s19+$0x0] =	vst.idx.msk vm0, v13  }
0x2cb: {  	v8 =	vadd.f32 v42, v8;
	v47 =	vnsel vm2, $0x0, v47;
	v48 =	vld.idx.msk [tilespmem:v59+s20+$0x0], vm0;
	[tilespmem:v60+s19+$0x0] =	vst.idx.msk vm0, v1;
	v60 =	vadd.s32 $0x2, v38  }
0x2cc: {  	v57 =	vadd.s32 $0x80, v23;
	v9 =	vadd.f32 v47, v9;
	vm1 =	vlt.u32 v60, $0x80  }
0x2cd: {  	v51 =	vld.idx.msk [tilespmem:v61+s20+$0x0], vm0;
	v61 =	vnsel vm2, $0x0, v52;
	[tilespmem:v62+s19+$0x0] =	vst.idx.msk vm0, v8;
	v62 =	vnsel vm2, $0x0, v55;
	v52 =	vadd.s32 $0x2, v30  }
0x2ce: {  	v60 =	vadd.s32 $0x80, v19;
	v14 =	vadd.f32 v61, v14;
	v16 =	vadd.f32 v62, v16  }
0x2cf: {  	v47 =	vld.idx.msk [tilespmem:v54+s20+$0x0], vm0;
	[tilespmem:v63+s19+$0x0] =	vst.idx.msk vm0, v9;
	v63 =	vadd.s32 $0x100, v29;
	v58 =	vnsel vm2, $0x0, v56;
	v54 =	vadd.s32 $0x2, v31  }
0x2d0: {  	v61 =	vadd.s32 $0x2, v26;
	v62 =	vadd.s32 $0x100, v24;
	v43 =	vnsel vm0, $0x0, v43  }
0x2d1: {  	v56 =	vadd.s32 $0x100, v17;
	v36 =	vld.idx.msk [tilespmem:v36+s20+$0x0], vm0;
	[tilespmem:v57+s19+$0x0] =	vst.idx.msk vm0, v14;
	v7 =	vadd.f32 v43, v7;
	v43 =	vadd.s32 $0x100, v25  }
0x2d2: {  	v35 =	vadd.f32 v58, v35;
	v58 =	vadd.s32 $0x180, v28;
	v59 =	vnsel vm0, $0x0, v48;
	v15 =	vld.idx.msk [tilespmem:v15+s20+$0x0], vm0;
	[tilespmem:v49+s19+$0x0] =	vst.idx.msk vm0, v16  }
0x2d3: {  	v49 =	vadd.s32 $0x100, v23;
	v13 =	vadd.f32 v59, v13;
	v51 =	vnsel vm0, $0x0, v51;
	v57 =	vld.idx.msk [tilespmem:v53+s20+$0x0], vm0;
	[tilespmem:v40+s19+$0x0] =	vst.idx.msk vm1, v7  }
0x2d4: {  	[tilespmem:v60+s19+$0x0] =	vst.idx.msk vm0, v35;
	v40 =	vadd.s32 $0x2, v27;
	v1 =	vadd.f32 v51, v1;
	v47 =	vnsel vm0, $0x0, v47;
	v52 =	vld.idx.msk [tilespmem:v52+s20+$0x0], vm1  }
0x2d5: {  	v60 =	vadd.s32 $0x3, v30;
	v41 =	vld.idx.msk [tilespmem:v41+s20+$0x0], vm0;
	[tilespmem:v63+s19+$0x0] =	vst.idx.msk vm1, v13;
	v63 =	vadd.s32 $0x3, v38;
	v8 =	vadd.f32 v47, v8  }
0x2d6: {  	v36 =	vnsel vm0, $0x0, v36;
	v47 =	vadd.s32 $0x100, v21;
	v51 =	vld.idx.msk [tilespmem:v54+s20+$0x0], vm1;
	vm2 =	vlt.u32 v63, $0x80;
	[tilespmem:v43+s19+$0x0] =	vst.idx.msk vm1, v1  }
0x2d7: {  	v9 =	vadd.f32 v36, v9;
	v63 =	vadd.s32 $0x3, v31;
	v15 =	vnsel vm0, $0x0, v15;
	v59 =	vld.idx.msk [tilespmem:v61+s20+$0x0], vm1  }
0x2d8: {  	[tilespmem:v62+s19+$0x0] =	vst.idx.msk vm1, v8;
	v62 =	vadd.s32 $0x100, v19;
	v14 =	vadd.f32 v15, v14;
	v42 =	vnsel vm0, $0x0, v57  }
0x2d9: {  	v61 =	vadd.s32 $0x180, v29;
	v40 =	vld.idx.msk [tilespmem:v40+s20+$0x0], vm1;
	[tilespmem:v56+s19+$0x0] =	vst.idx.msk vm1, v9;
	v16 =	vadd.f32 v42, v16;
	v52 =	vnsel vm1, $0x0, v52  }
0x2da: {  	v15 =	vadd.s32 $0x180, v25;
	v41 =	vnsel vm0, $0x0, v41;
	v50 =	vld.idx.msk [tilespmem:v50+s20+$0x0], vm1;
	[tilespmem:v49+s19+$0x0] =	vst.idx.msk vm1, v14;
	v7 =	vadd.f32 v52, v7  }
0x2db: {  	v46 =	vadd.s32 $0x2, v18;
	v35 =	vadd.f32 v41, v35;
	v51 =	vnsel vm1, $0x0, v51;
	v37 =	vld.idx.msk [tilespmem:v37+s20+$0x0], vm1;
	[tilespmem:v47+s19+$0x0] =	vst.idx.msk vm1, v16  }
0x2dc: {  	v45 =	vadd.s32 $0x3, v20;
	v13 =	vadd.f32 v51, v13;
	[tilespmem:v58+s19+$0x0] =	vst.idx.msk vm2, v7;
	v36 =	vnsel vm1, $0x0, v59  }
0x2dd: {  	v55 =	vadd.s32 $0x4, v30;
	v53 =	vadd.s32 $0x200, v28;
	v44 =	vld.idx.msk [tilespmem:v44+s20+$0x0], vm1;
	[tilespmem:v62+s19+$0x0] =	vst.idx.msk vm1, v35;
	v1 =	vadd.f32 v36, v1  }
0x2de: {  	v30 =	vadd.s32 $0x5, v30;
	v57 =	vadd.s32 $0x3, v26;
	v58 =	vadd.s32 $0x180, v24;
	v43 =	vld.idx.msk [tilespmem:v60+s20+$0x0], vm2;
	[tilespmem:v61+s19+$0x0] =	vst.idx.msk vm2, v13  }
0x2df: {  	v59 =	vadd.s32 $0x3, v27;
	v60 =	vadd.s32 $0x180, v17;
	v61 =	vld.idx.msk [tilespmem:v63+s20+$0x0], vm2;
	[tilespmem:v15+s19+$0x0] =	vst.idx.msk vm2, v1;
	v15 =	vadd.s32 $0x4, v38  }
0x2e0: {  	v62 =	vadd.s32 $0x180, v23;
	v40 =	vnsel vm1, $0x0, v40;
	vm0 =	vlt.u32 v15, $0x80;
	v15 =	vld.idx.msk [tilespmem:v46+s20+$0x0], vm1  }
0x2e1: {  	v52 =	vadd.s32 $0x180, v21;
	v8 =	vadd.f32 v40, v8;
	v63 =	vnsel vm1, $0x0, v50  }
0x2e2: {  	v54 =	vadd.s32 $0x180, v19;
	v9 =	vadd.f32 v63, v9;
	v37 =	vnsel vm1, $0x0, v37  }
0x2e3: {  	v56 =	vadd.s32 $0x200, v29;
	v49 =	vld.idx.msk [tilespmem:v57+s20+$0x0], vm2;
	v14 =	vadd.f32 v37, v14;
	[tilespmem:v58+s19+$0x0] =	vst.idx.msk vm2, v8;
	v58 =	vnsel vm1, $0x0, v44  }
0x2e4: {  	v29 =	vadd.s32 $0x280, v29;
	v48 =	vld.idx.msk [tilespmem:v59+s20+$0x0], vm2;
	[tilespmem:v60+s19+$0x0] =	vst.idx.msk vm2, v9;
	v57 =	vnsel vm2, $0x0, v43;
	v16 =	vadd.f32 v58, v16  }
0x2e5: {  	v63 =	vadd.s32 $0x200, v24;
	v34 =	vld.idx.msk [tilespmem:v34+s20+$0x0], vm2;
	v7 =	vadd.f32 v57, v7;
	[tilespmem:v62+s19+$0x0] =	vst.idx.msk vm2, v14;
	v15 =	vnsel vm1, $0x0, v15  }
0x2e6: {  	v59 =	vadd.s32 $0x4, v31;
	v60 =	vadd.s32 $0x200, v25;
	v33 =	vld.idx.msk [tilespmem:v33+s20+$0x0], vm2;
	[tilespmem:v52+s19+$0x0] =	vst.idx.msk vm2, v16;
	v15 =	vadd.f32 v15, v35  }
0x2e7: {  	v61 =	vnsel vm2, $0x0, v61;
	v62 =	vadd.s32 $0x4, v26;
	v57 =	vadd.s32 $0x4, v39;
	v45 =	vld.idx.msk [tilespmem:v45+s20+$0x0], vm2;
	[tilespmem:v53+s19+$0x0] =	vst.idx.msk vm0, v7  }
0x2e8: {  	v13 =	vadd.f32 v61, v13;
	v52 =	vnsel vm2, $0x0, v49;
	v53 =	vadd.s32 $0x4, v27;
	v46 =	vld.idx.msk [tilespmem:v55+s20+$0x0], vm0;
	[tilespmem:v54+s19+$0x0] =	vst.idx.msk vm2, v15  }
0x2e9: {  	v1 =	vadd.f32 v52, v1;
	v55 =	vnsel vm2, $0x0, v48;
	v54 =	vadd.s32 $0x200, v17;
	v32 =	vld.idx.msk [tilespmem:v32+s20+$0x0], vm2  }
0x2ea: {  	[tilespmem:v56+s19+$0x0] =	vst.idx.msk vm0, v13;
	v37 =	vadd.f32 v55, v8;
	v8 =	vadd.s32 $0x200, v23;
	v34 =	vnsel vm2, $0x0, v34  }
0x2eb: {  	v56 =	vld.idx.msk [tilespmem:v59+s20+$0x0], vm0;
	[tilespmem:v60+s19+$0x0] =	vst.idx.msk vm0, v1;
	v59 =	vadd.s32 $0x4, v22;
	v60 =	vadd.s32 $0x200, v21;
	v40 =	vadd.f32 v34, v9  }
0x2ec: {  	v58 =	vld.idx.msk [tilespmem:v62+s20+$0x0], vm0;
	v9 =	vadd.s32 $0x4, v20;
	v33 =	vnsel vm2, $0x0, v33;
	v62 =	vadd.s32 $0x200, v19  }
0x2ed: {  	[tilespmem:v63+s19+$0x0] =	vst.idx.msk vm0, v37;
	v43 =	vadd.f32 v33, v14;
	v14 =	vnsel vm2, $0x0, v45;
	v63 =	vadd.s32 $0x4, v18  }
0x2ee: {  	v26 =	vadd.s32 $0x5, v26;
	v61 =	vld.idx.msk [tilespmem:v53+s20+$0x0], vm0;
	v42 =	vadd.f32 v14, v16;
	[tilespmem:v54+s19+$0x0] =	vst.idx.msk vm0, v40;
	v14 =	vnsel vm2, $0x0, v32  }
0x2ef: {  	v36 =	vld.idx.msk [tilespmem:v57+s20+$0x0], vm0;
	v32 =	vadd.s32 $0x280, v28;
	[tilespmem:v8+s19+$0x0] =	vst.idx.msk vm0, v43;
	v28 =	vadd.s32 $0x5, v31;
	v41 =	vadd.f32 v14, v15  }
0x2f0: {  	v8 =	vnsel vm0, $0x0, v46;
	v31 =	vadd.s32 $0x280, v25;
	v25 =	vadd.s32 $0x5, v27;
	v35 =	vld.idx.msk [tilespmem:v59+s20+$0x0], vm0;
	[tilespmem:v60+s19+$0x0] =	vst.idx.msk vm0, v42  }
0x2f1: {  	v27 =	vadd.s32 $0x280, v24;
	v44 =	vadd.f32 v8, v7;
	v7 =	vnsel vm0, $0x0, v56;
	v34 =	vld.idx.msk [tilespmem:v9+s20+$0x0], vm0;
	[tilespmem:v62+s19+$0x0] =	vst.idx.msk vm0, v41  }
0x2f2: {  	v24 =	vadd.s32 $0x5, v39;
	v45 =	vadd.f32 v7, v13;
	v7 =	vnsel vm0, $0x0, v58;
	v39 =	vld.idx.msk [tilespmem:v63+s20+$0x0], vm0  }
0x2f3: {  	s29 =	simm.s32 $0x7F;
	v33 =	vadd.s32 $0x5, v38;
	v47 =	vnsel vm0, $0x0, v61;
	v46 =	vadd.f32 v7, v1  }
.LBB2_13:
0x2f4: {  	vm1 =	vlt.u32 v33, $0x80;
	s29 =	sadd.s32 $0x5, s29;
	v1 =	vadd.f32 v47, v37;
	v7 =	vnsel vm0, $0x0, v36  }
0x2f5: {  	v17 =	vadd.s32 $0x280, v17;
	v8 =	vnsel vm0, $0x0, v35;
	p1 =	slt.u32 s29, $0x89;
	v7 =	vadd.f32 v7, v40  }
0x2f6: {  	v22 =	vadd.s32 $0x5, v22;
	v8 =	vadd.f32 v8, v43;
	v9 =	vnsel vm0, $0x0, v34  }
0x2f7: {  	v23 =	vadd.s32 $0x280, v23;
	v9 =	vadd.f32 v9, v42;
	v13 =	vnsel vm0, $0x0, v39  }
0x2f8: {  	v20 =	vadd.s32 $0x5, v20;
	v21 =	vadd.s32 $0x280, v21;
	v13 =	vadd.f32 v13, v41  }
0x2f9: {  	v18 =	vadd.s32 $0x5, v18;
	v19 =	vadd.s32 $0x280, v19;
	v34 =	vadd.s32 $0x4, v20  }
0x2fa: {  	v36 =	vadd.s32 $0x4, v24;
	v37 =	vadd.s32 $0x3, v18;
	v35 =	vadd.s32 $0x4, v22;
	[tilespmem:v32+s19+$0x0] =	vst.idx.msk vm1, v44  }
0x2fb: {  	v40 =	vadd.s32 $0x3, v24;
	v38 =	vadd.s32 $0x3, v20;
	v39 =	vadd.s32 $0x3, v22;
	v14 =	vld.idx.msk [tilespmem:v30+s20+$0x0], vm1;
	[tilespmem:v29+s19+$0x0] =	vst.idx.msk vm1, v45  }
0x2fc: {  	v43 =	vadd.s32 $0x2, v22;
	v42 =	vadd.s32 $0x2, v20;
	v41 =	vadd.s32 $0x2, v18;
	v15 =	vld.idx.msk [tilespmem:v28+s20+$0x0], vm1;
	[tilespmem:v31+s19+$0x0] =	vst.idx.msk vm1, v46  }
0x2fd: {  	v48 =	vadd.s32 $0x1, v33;
	v49 =	vadd.s32 $0x2, v24;
	v47 =	vadd.s32 $0x1, v18;
	v16 =	vld.idx.msk [tilespmem:v26+s20+$0x0], vm1;
	[tilespmem:v27+s19+$0x0] =	vst.idx.msk vm1, v1  }
0x2fe: {  	v51 =	vadd.s32 $0x1, v22;
	v52 =	vadd.s32 $0x1, v20;
	vm0 =	vlt.u32 v48, $0x80;
	v50 =	vld.idx.msk [tilespmem:v25+s20+$0x0], vm1;
	[tilespmem:v17+s19+$0x0] =	vst.idx.msk vm1, v7  }
0x2ff: {  	v53 =	vadd.s32 $0x1, v25;
	v55 =	vadd.s32 $0x1, v24;
	v48 =	vadd.s32 $0x80, v32;
	v54 =	vld.idx.msk [tilespmem:v24+s20+$0x0], vm1;
	[tilespmem:v23+s19+$0x0] =	vst.idx.msk vm1, v8  }
0x300: {  	v56 =	vadd.s32 $0x1, v30;
	v57 =	vadd.s32 $0x80, v29;
	v58 =	vadd.s32 $0x1, v26;
	v59 =	vld.idx.msk [tilespmem:v22+s20+$0x0], vm1;
	[tilespmem:v21+s19+$0x0] =	vst.idx.msk vm1, v9  }
0x301: {  	v60 =	vadd.s32 $0x1, v28;
	v61 =	vadd.s32 $0x80, v31;
	v14 =	vnsel vm1, $0x0, v14;
	v62 =	vld.idx.msk [tilespmem:v20+s20+$0x0], vm1;
	[tilespmem:v19+s19+$0x0] =	vst.idx.msk vm1, v13  }
0x302: {  	v14 =	vadd.f32 v14, v44;
	v15 =	vnsel vm1, $0x0, v15;
	v44 =	vadd.s32 $0x80, v27;
	v63 =	vld.idx.msk [tilespmem:v18+s20+$0x0], vm1  }
0x303: {  	v15 =	vadd.f32 v15, v45;
	v16 =	vnsel vm1, $0x0, v16;
	v45 =	vadd.s32 $0x80, v17  }
0x304: {  	v16 =	vadd.f32 v16, v46;
	v46 =	vnsel vm1, $0x0, v50;
	v50 =	vadd.s32 $0x80, v23;
	[tilespmem:v48+s19+$0x0] =	vst.idx.msk vm0, v14  }
0x305: {  	v1 =	vadd.f32 v46, v1;
	v46 =	vnsel vm1, $0x0, v54;
	v48 =	vadd.s32 $0x80, v21;
	v54 =	vld.idx.msk [tilespmem:v56+s20+$0x0], vm0;
	[tilespmem:v57+s19+$0x0] =	vst.idx.msk vm0, v15  }
0x306: {  	v7 =	vadd.f32 v46, v7;
	v46 =	vnsel vm1, $0x0, v59;
	v56 =	vadd.s32 $0x80, v19;
	v57 =	vld.idx.msk [tilespmem:v60+s20+$0x0], vm0;
	[tilespmem:v61+s19+$0x0] =	vst.idx.msk vm0, v16  }
0x307: {  	v8 =	vadd.f32 v46, v8;
	v46 =	vnsel vm1, $0x0, v62;
	v58 =	vld.idx.msk [tilespmem:v58+s20+$0x0], vm0;
	[tilespmem:v44+s19+$0x0] =	vst.idx.msk vm0, v1;
	v44 =	vadd.s32 $0x2, v33  }
0x308: {  	v9 =	vadd.f32 v46, v9;
	v46 =	vnsel vm1, $0x0, v63;
	v53 =	vld.idx.msk [tilespmem:v53+s20+$0x0], vm0;
	[tilespmem:v45+s19+$0x0] =	vst.idx.msk vm0, v7;
	vm1 =	vlt.u32 v44, $0x80  }
0x309: {  	v13 =	vadd.f32 v46, v13;
	v44 =	vadd.s32 $0x100, v32;
	v45 =	vadd.s32 $0x2, v25;
	v46 =	vld.idx.msk [tilespmem:v55+s20+$0x0], vm0;
	[tilespmem:v50+s19+$0x0] =	vst.idx.msk vm0, v8  }
0x30a: {  	v59 =	vadd.s32 $0x2, v26;
	v50 =	vadd.s32 $0x2, v30;
	v55 =	vadd.s32 $0x100, v29;
	v51 =	vld.idx.msk [tilespmem:v51+s20+$0x0], vm0;
	[tilespmem:v48+s19+$0x0] =	vst.idx.msk vm0, v9  }
0x30b: {  	v60 =	vadd.s32 $0x100, v31;
	v48 =	vnsel vm0, $0x0, v54;
	v54 =	vadd.s32 $0x2, v28;
	v52 =	vld.idx.msk [tilespmem:v52+s20+$0x0], vm0;
	[tilespmem:v56+s19+$0x0] =	vst.idx.msk vm0, v13  }
0x30c: {  	v14 =	vadd.f32 v48, v14;
	v48 =	vnsel vm0, $0x0, v57;
	v56 =	vadd.s32 $0x100, v27;
	v47 =	vld.idx.msk [tilespmem:v47+s20+$0x0], vm0  }
0x30d: {  	v57 =	vadd.s32 $0x100, v17;
	v15 =	vadd.f32 v48, v15;
	v48 =	vnsel vm0, $0x0, v58  }
0x30e: {  	v16 =	vadd.f32 v48, v16;
	v48 =	vnsel vm0, $0x0, v53;
	v53 =	vadd.s32 $0x100, v23;
	[tilespmem:v44+s19+$0x0] =	vst.idx.msk vm1, v14  }
0x30f: {  	v1 =	vadd.f32 v48, v1;
	v44 =	vnsel vm0, $0x0, v46;
	v46 =	vadd.s32 $0x100, v21;
	v48 =	vld.idx.msk [tilespmem:v50+s20+$0x0], vm1;
	[tilespmem:v55+s19+$0x0] =	vst.idx.msk vm1, v15  }
0x310: {  	v7 =	vadd.f32 v44, v7;
	v44 =	vnsel vm0, $0x0, v51;
	v50 =	vadd.s32 $0x100, v19;
	v51 =	vld.idx.msk [tilespmem:v54+s20+$0x0], vm1;
	[tilespmem:v60+s19+$0x0] =	vst.idx.msk vm1, v16  }
0x311: {  	v8 =	vadd.f32 v44, v8;
	v44 =	vnsel vm0, $0x0, v52;
	v54 =	vadd.s32 $0x3, v33;
	v52 =	vld.idx.msk [tilespmem:v59+s20+$0x0], vm1;
	[tilespmem:v56+s19+$0x0] =	vst.idx.msk vm1, v1  }
0x312: {  	v9 =	vadd.f32 v44, v9;
	v44 =	vnsel vm0, $0x0, v47;
	vm2 =	vlt.u32 v54, $0x80;
	v45 =	vld.idx.msk [tilespmem:v45+s20+$0x0], vm1;
	[tilespmem:v57+s19+$0x0] =	vst.idx.msk vm1, v7  }
0x313: {  	v47 =	vadd.s32 $0x3, v25;
	v13 =	vadd.f32 v44, v13;
	v44 =	vadd.s32 $0x180, v32;
	v49 =	vld.idx.msk [tilespmem:v49+s20+$0x0], vm1;
	[tilespmem:v53+s19+$0x0] =	vst.idx.msk vm1, v8  }
0x314: {  	v55 =	vadd.s32 $0x3, v26;
	v54 =	vadd.s32 $0x180, v29;
	v53 =	vadd.s32 $0x3, v30;
	v43 =	vld.idx.msk [tilespmem:v43+s20+$0x0], vm1;
	[tilespmem:v46+s19+$0x0] =	vst.idx.msk vm1, v9  }
0x315: {  	v56 =	vadd.s32 $0x180, v31;
	v46 =	vnsel vm1, $0x0, v48;
	v48 =	vadd.s32 $0x3, v28;
	v42 =	vld.idx.msk [tilespmem:v42+s20+$0x0], vm1;
	[tilespmem:v50+s19+$0x0] =	vst.idx.msk vm1, v13  }
0x316: {  	v14 =	vadd.f32 v46, v14;
	v46 =	vnsel vm1, $0x0, v51;
	v50 =	vadd.s32 $0x180, v27;
	v41 =	vld.idx.msk [tilespmem:v41+s20+$0x0], vm1  }
0x317: {  	v51 =	vadd.s32 $0x180, v17;
	v15 =	vadd.f32 v46, v15;
	v46 =	vnsel vm1, $0x0, v52  }
0x318: {  	v16 =	vadd.f32 v46, v16;
	v45 =	vnsel vm1, $0x0, v45;
	v46 =	vadd.s32 $0x180, v23;
	[tilespmem:v44+s19+$0x0] =	vst.idx.msk vm2, v14  }
0x319: {  	v1 =	vadd.f32 v45, v1;
	v44 =	vnsel vm1, $0x0, v49;
	v45 =	vadd.s32 $0x180, v21;
	v49 =	vld.idx.msk [tilespmem:v53+s20+$0x0], vm2;
	[tilespmem:v54+s19+$0x0] =	vst.idx.msk vm2, v15  }
0x31a: {  	v7 =	vadd.f32 v44, v7;
	v43 =	vnsel vm1, $0x0, v43;
	v44 =	vadd.s32 $0x180, v19;
	v48 =	vld.idx.msk [tilespmem:v48+s20+$0x0], vm2;
	[tilespmem:v56+s19+$0x0] =	vst.idx.msk vm2, v16  }
0x31b: {  	v8 =	vadd.f32 v43, v8;
	v42 =	vnsel vm1, $0x0, v42;
	v43 =	vld.idx.msk [tilespmem:v55+s20+$0x0], vm2;
	[tilespmem:v50+s19+$0x0] =	vst.idx.msk vm2, v1;
	v50 =	vadd.s32 $0x4, v33  }
0x31c: {  	v9 =	vadd.f32 v42, v9;
	v41 =	vnsel vm1, $0x0, v41;
	v42 =	vld.idx.msk [tilespmem:v47+s20+$0x0], vm2;
	[tilespmem:v51+s19+$0x0] =	vst.idx.msk vm2, v7;
	vm0 =	vlt.u32 v50, $0x80  }
0x31d: {  	v13 =	vadd.f32 v41, v13;
	v41 =	vadd.s32 $0x200, v32;
	v47 =	vadd.s32 $0x4, v25;
	v40 =	vld.idx.msk [tilespmem:v40+s20+$0x0], vm2;
	[tilespmem:v46+s19+$0x0] =	vst.idx.msk vm2, v8  }
0x31e: {  	v50 =	vadd.s32 $0x200, v29;
	v51 =	vadd.s32 $0x4, v26;
	v46 =	vadd.s32 $0x4, v30;
	v39 =	vld.idx.msk [tilespmem:v39+s20+$0x0], vm2;
	[tilespmem:v45+s19+$0x0] =	vst.idx.msk vm2, v9  }
0x31f: {  	v52 =	vadd.s32 $0x200, v31;
	v45 =	vnsel vm2, $0x0, v49;
	v49 =	vadd.s32 $0x4, v28;
	v38 =	vld.idx.msk [tilespmem:v38+s20+$0x0], vm2;
	[tilespmem:v44+s19+$0x0] =	vst.idx.msk vm2, v13  }
0x320: {  	v14 =	vadd.f32 v45, v14;
	v44 =	vnsel vm2, $0x0, v48;
	v45 =	vadd.s32 $0x200, v27;
	v48 =	vld.idx.msk [tilespmem:v37+s20+$0x0], vm2  }
0x321: {  	v15 =	vadd.f32 v44, v15;
	v37 =	vnsel vm2, $0x0, v43;
	v44 =	vadd.s32 $0x200, v17  }
0x322: {  	v53 =	vadd.s32 $0x200, v23;
	v16 =	vadd.f32 v37, v16;
	v37 =	vnsel vm2, $0x0, v42;
	[tilespmem:v41+s19+$0x0] =	vst.idx.msk vm0, v14  }
0x323: {  	v54 =	vadd.s32 $0x200, v21;
	v37 =	vadd.f32 v37, v1;
	v1 =	vnsel vm2, $0x0, v40;
	v46 =	vld.idx.msk [tilespmem:v46+s20+$0x0], vm0;
	[tilespmem:v50+s19+$0x0] =	vst.idx.msk vm0, v15  }
0x324: {  	v40 =	vadd.f32 v1, v7;
	v1 =	vnsel vm2, $0x0, v39;
	v7 =	vadd.s32 $0x200, v19;
	v39 =	vld.idx.msk [tilespmem:v49+s20+$0x0], vm0;
	[tilespmem:v52+s19+$0x0] =	vst.idx.msk vm0, v16  }
0x325: {  	v43 =	vadd.f32 v1, v8;
	v1 =	vnsel vm2, $0x0, v38;
	v8 =	vadd.s32 $0x4, v18;
	v38 =	vld.idx.msk [tilespmem:v51+s20+$0x0], vm0;
	[tilespmem:v45+s19+$0x0] =	vst.idx.msk vm0, v37  }
0x326: {  	v42 =	vadd.f32 v1, v9;
	v1 =	vnsel vm2, $0x0, v48;
	v9 =	vld.idx.msk [tilespmem:v47+s20+$0x0], vm0;
	[tilespmem:v44+s19+$0x0] =	vst.idx.msk vm0, v40  }
0x327: {  	v32 =	vadd.s32 $0x280, v32;
	v30 =	vadd.s32 $0x5, v30;
	v41 =	vadd.f32 v1, v13;
	v36 =	vld.idx.msk [tilespmem:v36+s20+$0x0], vm0;
	[tilespmem:v53+s19+$0x0] =	vst.idx.msk vm0, v43  }
.Ltmp5:
0x328: {  	v29 =	vadd.s32 $0x280, v29;
	v26 =	vadd.s32 $0x5, v26;
	v28 =	vadd.s32 $0x5, v28;
	v35 =	vld.idx.msk [tilespmem:v35+s20+$0x0], vm0;
	[tilespmem:v54+s19+$0x0] =	vst.idx.msk vm0, v42;
	(pc) =	sbr.rel @p1 .LBB2_13-.Ltmp5, $4  }
0x329: {  	v31 =	vadd.s32 $0x280, v31;
	v25 =	vadd.s32 $0x5, v25;
	v1 =	vnsel vm0, $0x0, v46;
	v34 =	vld.idx.msk [tilespmem:v34+s20+$0x0], vm0;
	[tilespmem:v7+s19+$0x0] =	vst.idx.msk vm0, v41  }
0x32a: {  	v27 =	vadd.s32 $0x280, v27;
	v44 =	vadd.f32 v1, v14;
	v1 =	vnsel vm0, $0x0, v39;
	v39 =	vld.idx.msk [tilespmem:v8+s20+$0x0], vm0  }
0x32b: {  	v24 =	vadd.s32 $0x5, v24;
	v45 =	vadd.f32 v1, v15;
	v1 =	vnsel vm0, $0x0, v38  }
0x32c: {  	v33 =	vadd.s32 $0x5, v33;
	v46 =	vadd.f32 v1, v16;
	v47 =	vnsel vm0, $0x0, v9  }
0x32d: {  	vm1 =	vlt.u32 v33, $0x80;
	_ =	sdelay $0x4  }
0x32e: {  	v7 =	vadd.s32 $0x280, v17  }
0x32f: {  	v14 =	vadd.s32 $0x280, v23;
	[tilespmem:v32+s19+$0x0] =	vst.idx.msk vm1, v44  }
0x330: {  	v9 =	vadd.f32 v47, v37;
	v13 =	vnsel vm0, $0x0, v36;
	v16 =	vadd.s32 $0x5, v22;
	v1 =	vld.idx.msk [tilespmem:v30+s20+$0x0], vm1;
	[tilespmem:v29+s19+$0x0] =	vst.idx.msk vm1, v45  }
0x331: {  	v60 =	vnsel vm0, $0x0, v35;
	v21 =	vadd.s32 $0x280, v21;
	v13 =	vadd.f32 v13, v40;
	v8 =	vld.idx.msk [tilespmem:v28+s20+$0x0], vm1;
	[tilespmem:v31+s19+$0x0] =	vst.idx.msk vm1, v46  }
0x332: {  	v20 =	vadd.s32 $0x5, v20;
	v19 =	vadd.s32 $0x280, v19;
	v17 =	vadd.f32 v60, v43;
	v15 =	vld.idx.msk [tilespmem:v26+s20+$0x0], vm1;
	[tilespmem:v27+s19+$0x0] =	vst.idx.msk vm1, v9  }
0x333: {  	v18 =	vadd.s32 $0x5, v18;
	v61 =	vld.idx.msk [tilespmem:v25+s20+$0x0], vm1;
	[tilespmem:v7+s19+$0x0] =	vst.idx.msk vm1, v13;
	v7 =	vnsel vm0, $0x0, v34  }
0x334: {  	v62 =	vld.idx.msk [tilespmem:v24+s20+$0x0], vm1;
	v7 =	vadd.f32 v7, v42;
	[tilespmem:v14+s19+$0x0] =	vst.idx.msk vm1, v17;
	v14 =	vnsel vm0, $0x0, v39  }
0x335: {  	v14 =	vadd.f32 v14, v41  }
0x336: {  	v16 =	vld.idx.msk [tilespmem:v16+s20+$0x0], vm1;
	v1 =	vnsel vm1, $0x0, v1;
	[tilespmem:v21+s19+$0x0] =	vst.idx.msk vm1, v7  }
0x337: {  	v1 =	vadd.f32 v1, v44;
	v8 =	vnsel vm1, $0x0, v8;
	v20 =	vld.idx.msk [tilespmem:v20+s20+$0x0], vm1;
	[tilespmem:v19+s19+$0x0] =	vst.idx.msk vm1, v14  }
0x338: {  	v8 =	vadd.f32 v8, v45;
	v15 =	vnsel vm1, $0x0, v15;
	v18 =	vld.idx.msk [tilespmem:v18+s20+$0x0], vm1  }
0x339: {  	v15 =	vadd.f32 v15, v46;
	v63 =	vnsel vm1, $0x0, v61;
	[tilespmem:s26+$0x10000] =	vst v1  }
0x33a: {  	v1 =	vadd.f32 v63, v9;
	v9 =	vnsel vm1, $0x0, v62;
	[tilespmem:s26+$0x10010] =	vst v8  }
0x33b: {  	s0 =	sshll.u32 s25, $0x17;
	s24 =	sadd.s32 $0x1, s24;
	v8 =	vadd.f32 v9, v13;
	v9 =	vnsel vm1, $0x0, v16;
	[tilespmem:s26+$0x10020] =	vst v15  }
0x33c: {  	s0 =	sand.u32 $0x3800000, s0;
	p1 =	sne.s32 s24, s6;
	v9 =	vadd.f32 v9, v17;
	[tilespmem:s26+$0x10030] =	vst v1;
	v13 =	vnsel vm1, $0x0, v20  }
.Ltmp6:
0x33d: {  	s31 =	sshll.u32 s28, $0xA;
	s0 =	sor.u32 s9, s0;
	[tilespmem:s26+$0x10040] =	vst v8;
	v1 =	vadd.f32 v13, v7;
	v7 =	vnsel vm1, $0x0, v18;
	(pc) =	sbr.rel @p1 .LBB2_2-.Ltmp6, $4  }
0x33e: {  	s0 =	sadd.s32 s31, s0;
	[tilespmem:s26+$0x10050] =	vst v9;
	v7 =	vadd.f32 v7, v14  }
0x33f: {  	s0 =	sshrl.u32 s0, $0x3;
	[tilespmem:s26+$0x10060] =	vst v1  }
0x340: {  	s0 =	sadd.s32 s3, s0;
	[tilespmem:s26+$0x10070] =	vst v7  }
0x341: {  	[hbm4b:s0+s13] =	stream.strided.scatter [tilespmem:s19], [sflag:$0x4], $0x4000, s17, s13, $0x38;
	[tilespmem:$0x10800] =	vst v63  }
0x342: {  	_ =	swait.ge [sflag:s21], $0x4000  }
0x343: {  	[sflag:s21] =	ssyncset.done $0x0  }
0x344: {  	[sflag:s21] =	ssyncadd.s32 $0xFFFFC000  }
0x345: {  	_ =	swait.ge [sflag:s22], $0x4000  }
0x346: {  	[sflag:s22] =	ssyncset.done $0x0  }
0x347: {  	s0 =	simm.s32 @p0 $0x0;
	s24 =	simm.s32 @p0 $0x10000;
	[sflag:s22] =	ssyncadd.s32 $0xFFFFC000  }
0x348: {  	[hbm4b:s11+s0] =	stream.linear.scatter @p0 [tilespmem:s24], [sflag:$0x5], $0x780, $0x38;
	[tilespmem:$0x10800] =	vst v63  }
0x349: {  	s0 =	simm.s32 @p0 $0x5  }
0x34a: {  	s23 =	sadd.s32 $0x1, s23;
	_ =	swait.ge @p0 [sflag:s0], $0x780  }
0x34b: {  	p1 =	sne.s32 s23, s12;
	[sflag:s0] =	ssyncset.done @p0 $0x0  }
0x34c: {  	s24 =	simm.s32 @!p0 $0x10000;
	[sflag:s0] =	ssyncadd.s32 @p0 $0xFFFFF880;
	s0 =	simm.s32 @!p0 $0x0  }
0x34d: {  	[hbm4b:s10+s0] =	stream.linear.scatter @!p0 [tilespmem:s24], [sflag:$0x5], $0x800, $0x38;
	[tilespmem:$0x10800] =	vst v63  }
.Ltmp7:
0x34e: {  	_ = 	snop;
	(pc) =	sbr.rel @p1 .LBB2_1-.Ltmp7, $4  }
0x34f: {  	s0 =	simm.s32 @!p0 $0x5  }
0x350: {  	_ =	swait.ge @!p0 [sflag:s0], $0x800  }
0x351: {  	[sflag:s0] =	ssyncset.done @!p0 $0x0  }
0x352: {  	[sflag:s0] =	ssyncadd.s32 @!p0 $0xFFFFF800  }
0x353: {  	_ =	sfence.sel $0x180000  }
0x354: {  	[bflag:$0x0] =	sbarrier.arrive $0xFFFF  }
0x355: {  	_ =	strace $0x90000047  }
0x356: {  	[bflag:$0x2] =	sbarrier.arrive $0xFFFF  }
0x357: {  	p0 =	sne.s32 s2, $0x0;
	s0 =	rddreg [dreg:$0x3]  }
0x358: {  	s0 =	sadd.s32 @!p0 $0x100000, s0  }
0x359: {  	[sflag:s0] =	ssyncadd.tile.s32 @!p0 $0x1;
	_ =	shalt  }
.Lfunc_end2:
_tile_overlayer_lowered:
.L_overlay_start_2:
0x35a: {  	(tag) =	ssettag $0x2  }
0x35b: {  	s0 =	rddreg [dreg:$0x0];
	s2 =	stileid.u32  }
0x35c: {  	s1 =	rddreg [dreg:$0x1];
	p0 =	sne.s32 s2, $0x0  }
0x35d: {  	s3 =	rddreg [dreg:$0x2];
	[bflag:$0x3] =	sbarrier.arrive $0xFFFF;
	s2 =	simm.s32 @!p0 $0x1C05  }
0x35e: {  	[timem:s3], [sflag:s2] =	dma.local @!p0 [hbm:s0], s1  }
0x35f: {  	s0 =	simm.s32 @!p0 $0x5  }
0x360: {  	_ =	swait.ge @!p0 [sflag:s0], s1  }
0x361: {  	s1 =	ssub.s32 @!p0 $0x0, s1;
	[sflag:s0] =	ssyncset.done @!p0 $0x0  }
0x362: {  	[sflag:s0] =	ssyncadd.s32 @!p0 s1  }
0x363: {  	[bflag:$0x3] =	sbarrier.arrive $0xFFFF  }
0x364: {  	_ =	shalt  }

</sc_bundles>
